<compile_context>
chip_gen: v7x
topology: tpu7x:2x2x1
jax: 0.10.2.dev20260603
libtpu: 0.0.44.dev20260713+nightly
codegen_flags: <defaults>
</compile_context>

<pallas_src>
import functools

import jax
import jax.numpy as jnp
from jax import lax
from jax.experimental import pallas as pl
from jax.experimental.pallas import tpu as pltpu
from jax.experimental.pallas import tpu_sc as plsc

_NC = 2
_NS = 16
_NW = _NC * _NS
_B = 80
_H = 16

_CHUNK = 624


def _zero_acc(zero_hbm, acc, s, N):
    pltpu.sync_copy(zero_hbm.at[pl.ds(s * _CHUNK, _CHUNK)],
                    acc.at[pl.ds(s * _CHUNK, _CHUNK)])
    tail = N - _CHUNK * _NS
    if tail:
        @pl.when(s == _NS - 1)
        def _():
            pltpu.sync_copy(zero_hbm.at[pl.ds(_CHUNK * _NS, tail)],
                            acc.at[pl.ds(_CHUNK * _NS, tail)])


def _writeback_acc(acc, out_hbm, c, s, N):
    base = s * _CHUNK
    tail = N - _CHUNK * _NS
    pltpu.sync_copy(acc.at[pl.ds(base, _CHUNK)],
                    out_hbm.at[pl.ds(c * N + base, _CHUNK)])
    if tail:
        @pl.when(s == _NS - 1)
        def _():
            pltpu.sync_copy(acc.at[pl.ds(_CHUNK * _NS, tail)],
                            out_hbm.at[pl.ds(c * N + _CHUNK * _NS, tail)])


def _make_deg_kernel(N, E):
    ew = E // _NW
    nb = ew // _B
    mesh = plsc.VectorSubcoreMesh(core_axis_name="c", subcore_axis_name="s")

    @functools.partial(
        pl.kernel,
        out_type=jax.ShapeDtypeStruct((_NC * N, _H), jnp.float32),
        mesh=mesh,
        compiler_params=pltpu.CompilerParams(use_tc_tiling_on_sc=False),
        scratch_types=[
            pltpu.VMEM((ew,), jnp.int32),
            pltpu.VMEM((_B, _H), jnp.float32),
            pltpu.VMEM_SHARED((N, _H), jnp.float32),
            pltpu.SemaphoreType.DMA,
        ],
    )
    def k(edge_hbm, zero_hbm, out_hbm, dstv, ones_v, acc, sem):
        c = lax.axis_index("c")
        s = lax.axis_index("s")
        w = c * _NS + s
        _zero_acc(zero_hbm, acc, s, N)
        pltpu.sync_copy(edge_hbm.at[1, pl.ds(w * ew, ew)], dstv)

        def mkones(i, carry):
            ones_v[i, :] = jnp.full((_H,), 1.0, jnp.float32)
            return carry
        lax.fori_loop(0, _B, mkones, 0)
        plsc.subcore_barrier()

        def fire(j, carry):
            pltpu.async_copy(ones_v, acc.at[dstv.at[pl.ds(j * _B, _B)]],
                             sem, add=True)
            return carry
        lax.fori_loop(0, nb, fire, 0)

        def drain(j, carry):
            pltpu.make_async_copy(ones_v, acc.at[dstv.at[pl.ds(0, _B)]],
                                  sem).wait()
            return carry
        lax.fori_loop(0, nb, drain, 0)
        plsc.subcore_barrier()
        _writeback_acc(acc, out_hbm, c, s, N)

    return k


_NP = 5


def _make_msg_kernel(N, E):
    ew = E // _NW
    nb = ew // _B
    pb = nb // _NP
    mesh = plsc.VectorSubcoreMesh(core_axis_name="c", subcore_axis_name="s")

    @functools.partial(
        pl.kernel,
        out_type=jax.ShapeDtypeStruct((_NC * N, _H), jnp.float32),
        mesh=mesh,
        compiler_params=pltpu.CompilerParams(use_tc_tiling_on_sc=False),
        scratch_types=[
            pltpu.VMEM((ew,), jnp.int32),
            pltpu.VMEM((ew,), jnp.int32),
            pltpu.VMEM((2, pb * _B, _H), jnp.float32),
            pltpu.VMEM_SHARED((N, _H), jnp.float32),
            pltpu.SemaphoreType.DMA,
            pltpu.SemaphoreType.DMA,
        ],
    )
    def k(g_hbm, edge_hbm, zero_hbm, out_hbm,
          srcv, dstv, rows, acc, gsem, ssem):
        c = lax.axis_index("c")
        s = lax.axis_index("s")
        w = c * _NS + s
        _zero_acc(zero_hbm, acc, s, N)
        pltpu.sync_copy(edge_hbm.at[0, pl.ds(w * ew, ew)], srcv)
        pltpu.sync_copy(edge_hbm.at[1, pl.ds(w * ew, ew)], dstv)
        plsc.subcore_barrier()

        def fire_gathers(p, half):
            def f(j, carry):
                base = p * pb * _B + j * _B
                pltpu.async_copy(g_hbm.at[srcv.at[pl.ds(base, _B)]],
                                 rows.at[half, pl.ds(j * _B, _B)], gsem)
                return carry
            lax.fori_loop(0, pb, f, 0)

        def fire_scatters(p, half):
            def f(j, carry):
                base = p * pb * _B + j * _B
                pltpu.async_copy(rows.at[half, pl.ds(j * _B, _B)],
                                 acc.at[dstv.at[pl.ds(base, _B)]],
                                 ssem, add=True)
                return carry
            lax.fori_loop(0, pb, f, 0)

        def drain_g(_):
            def f(j, carry):
                pltpu.make_async_copy(g_hbm.at[srcv.at[pl.ds(0, _B)]],
                                      rows.at[0, pl.ds(0, _B)], gsem).wait()
                return carry
            lax.fori_loop(0, pb, f, 0)

        def drain_s(_):
            def f(j, carry):
                pltpu.make_async_copy(rows.at[0, pl.ds(0, _B)],
                                      acc.at[dstv.at[pl.ds(0, _B)]],
                                      ssem).wait()
                return carry
            lax.fori_loop(0, pb, f, 0)

        fire_gathers(0, 0)
        for p in range(_NP):
            h = p % 2
            drain_g(None)
            if p >= 1:
                drain_s(None)
            if p + 1 < _NP:
                fire_gathers(p + 1, 1 - h)
            fire_scatters(p, h)
        drain_s(None)

        plsc.subcore_barrier()
        _writeback_acc(acc, out_hbm, c, s, N)

    return k




def _tc1(x1024, W1B, degpc):
    NR = x1024.shape[0]

    def body(x_ref, w_ref, dp_ref, g_ref, dinv_ref):
        deg = dp_ref[0] + dp_ref[1] + 1.0
        dinv = lax.rsqrt(deg)
        a = jnp.dot(x_ref[...], w_ref[...], preferred_element_type=jnp.float32)
        g_ref[...] = a * dinv
        dinv_ref[...] = dinv

    return pl.pallas_call(
        body,
        out_shape=[jax.ShapeDtypeStruct((NR, 128), jnp.float32)] * 2,
    )(x1024, W1B, degpc)


def _tc2(mpc, gc, dinvc, b128, W2B):
    NR = gc.shape[0]

    def body(m_ref, g_ref, dinv_ref, b_ref, w_ref, out_ref):
        dinv = dinv_ref[...]
        pre = dinv * (m_ref[0] + m_ref[1] + g_ref[...])
        h = jnp.maximum(pre + b_ref[...], 0.0)
        a = jnp.dot(h, w_ref[...], preferred_element_type=jnp.float32)
        out_ref[...] = a * dinv

    return pl.pallas_call(
        body,
        out_shape=jax.ShapeDtypeStruct((NR, 128), jnp.float32),
    )(mpc, gc, dinvc, b128, W2B)


def _tc3(mpc, gc, dinvc, b128, WfcB, bfcB):
    NR = gc.shape[0]
    OUTB = WfcB.shape[1]

    def body(m_ref, g_ref, dinv_ref, b_ref, w_ref, bfc_ref, out_ref):
        pre = dinv_ref[...] * (m_ref[0] + m_ref[1] + g_ref[...])
        h = jnp.maximum(pre + b_ref[...], 0.0)
        out_ref[...] = (jnp.dot(h, w_ref[...], preferred_element_type=jnp.float32)
                        + bfc_ref[...])

    return pl.pallas_call(
        body,
        out_shape=jax.ShapeDtypeStruct((NR, OUTB), jnp.float32),
    )(mpc, gc, dinvc, b128, WfcB, bfcB)


def kernel(x, edge_index, output_size, W1, b1, W2, b2, Wfc, bfc):
    N, D = x.shape
    E = edge_index.shape[1]
    H = W1.shape[1]
    OUT = Wfc.shape[1]
    assert H == _H and E % (_NW * _B) == 0 and N % 8 == 0
    NR = N // 8

    edge32 = edge_index.astype(jnp.int32)
    zeros = jnp.zeros((N, H), jnp.float32)
    eye8 = jnp.eye(8, dtype=jnp.float32)
    x1024 = x.reshape(NR, 8 * D)
    W1B = jnp.kron(eye8, W1)
    W2B = jnp.kron(eye8, W2)
    WfcB = jnp.kron(eye8, Wfc)
    b128 = jnp.tile(b1, 8).reshape(1, 128)
    b228 = jnp.tile(b2, 8).reshape(1, 128)
    bfcB = jnp.tile(bfc, 8).reshape(1, 8 * OUT)

    deg_k = _make_deg_kernel(N, E)
    msg_k = _make_msg_kernel(N, E)

    degp = deg_k(edge32, zeros)
    g1, dinvc = _tc1(x1024, W1B, degp.reshape(_NC, NR, 128))
    m1 = msg_k(g1.reshape(N, H), edge32, zeros)
    g2 = _tc2(m1.reshape(_NC, NR, 128), g1, dinvc, b128, W2B)
    m2 = msg_k(g2.reshape(N, H), edge32, zeros)
    out8 = _tc3(m2.reshape(_NC, NR, 128), g2, dinvc, b228, WfcB, bfcB)
    return out8.reshape(N, OUT)

# --- scband reference (transcript-rebuilt; emitter-appended) ---
"""Pipeline reference for scband-dynamic-gcn-38800734552216 (READ-ONLY COPY).

The authoritative reference and input builder live on the scoring server;
editing this copy changes nothing except your own understanding.
"""

import jax, jax.numpy as jnp
import numpy as np

N = 10000
E = 320000
D = 128
H = 16
OUT = 3


def _glorot(key, fan_in, fan_out):
    limit = np.sqrt(6.0 / (fan_in + fan_out))
    return jax.random.uniform(key, (fan_in, fan_out), dtype=jnp.float32, minval=-limit, maxval=limit)


def setup_inputs(seed: int = 0) -> dict:
    key = jax.random.key(seed)
    ks = jax.random.split(key, 8)
    x = jax.random.normal(ks[0], (N, D), dtype=jnp.float32)
    edge_index = jax.random.randint(ks[1], (2, E), 0, N)
    W1 = _glorot(ks[2], D, H)
    b1 = jnp.zeros((H,), dtype=jnp.float32)
    W2 = _glorot(ks[3], H, H)
    b2 = jnp.zeros((H,), dtype=jnp.float32)
    Wfc = _glorot(ks[4], H, OUT)
    bfc = jnp.zeros((OUT,), dtype=jnp.float32)
    return {"x": x, "edge_index": edge_index, "output_size": OUT,
            "W1": W1, "b1": b1, "W2": W2, "b2": b2, "Wfc": Wfc, "bfc": bfc}


def _gcn_conv(x, edge_index, W, b):
    # PyG GCNConv: add self loops, symmetric D^{-1/2} (A+I) D^{-1/2} normalization
    n = x.shape[0]
    loops = jnp.arange(n, dtype=edge_index.dtype)
    src = jnp.concatenate([edge_index[0], loops])
    dst = jnp.concatenate([edge_index[1], loops])
    deg = jnp.zeros((n,), dtype=x.dtype).at[dst].add(1.0)
    dinv = jnp.where(deg > 0, jax.lax.rsqrt(jnp.maximum(deg, 1e-12)), 0.0)
    norm = dinv[src] * dinv[dst]
    h = x @ W
    msg = h[src] * norm[:, None]
    out = jnp.zeros((n, h.shape[1]), dtype=x.dtype).at[dst].add(msg)
    return out + b


def reference(x, edge_index, output_size, W1, b1, W2, b2, Wfc, bfc):
    h = jax.nn.relu(_gcn_conv(x, edge_index, W1, b1))
    h = jax.nn.relu(_gcn_conv(h, edge_index, W2, b2))
    return h @ Wfc + bfc

if __name__ == "__main__":
    import jax
    _d = setup_inputs()
    print(jax.jit(kernel)(*tuple(_d.values())))

</pallas_src>

<mosaic_0001>
#map = affine_map<(d0, d1) -> (0, 0)>
module attributes {stable_mosaic.version = 14 : i64} {
  func.func @k(%arg0: i32, %arg1: i32, %arg2: memref<2x320000xi32, #tpu.memory_space<hbm>>, %arg3: memref<10000x16xf32, #tpu.memory_space<hbm>>, %arg4: memref<20000x16xf32, #tpu.memory_space<hbm>>, %arg5: memref<10000xi32, #tpu.memory_space<vmem>>, %arg6: memref<80x16xf32, #tpu.memory_space<vmem>>, %arg7: memref<10000x16xf32, #tpu.memory_space<vmem_shared>>, %arg8: memref<!tpu.dma_semaphore, #tpu.memory_space<semaphore_mem>>) attributes {dimension_semantics = [#tpu.dimension_semantics<core_parallel>, #tpu.dimension_semantics<subcore_parallel>], iteration_bounds = array<i64: 2, 16>, scalar_prefetch = 0 : i64, scratch_operands = 4 : i64, tpu.core_type = #tpu.core_type<sc_vector_subcore>, window_params = [{transform_indices = #map}, {transform_indices = #map}, {transform_indices = #map}]} {
    %mul3A = arith.constant 16 : i32
    %mul3A_0 = arith.muli %arg0, %mul3A : i32
    %add3A = arith.addi %mul3A_0, %arg1 : i32
    %mul3A_1 = arith.constant 624 : i32
    %mul3A_2 = arith.muli %arg1, %mul3A_1 : i32
    %mul3A_3 = arith.constant 624 : i32
    %mul3A_4 = arith.muli %arg1, %mul3A_3 : i32
    "tpu.region"() ({
      %run_scoped3A_37 = tpu.sem_alloc : memref<!tpu.dma_semaphore, #tpu.memory_space<semaphore_mem>>
      %dma_start3A = arith.constant 0 : i32
      %dma_start3A_38 = tpu.memref_slice %arg7[%mul3A_4, %dma_start3A] : memref<10000x16xf32, #tpu.memory_space<vmem_shared>> -> memref<624x16xf32, #tpu.memory_space<vmem_shared>>
      %dma_start3A_39 = arith.constant 0 : i32
      %dma_start3A_40 = tpu.memref_slice %arg3[%mul3A_2, %dma_start3A_39] : memref<10000x16xf32, #tpu.memory_space<hbm>> -> memref<624x16xf32, #tpu.memory_space<hbm>>
      tpu.enqueue_dma source(%dma_start3A_40 : memref<624x16xf32, #tpu.memory_space<hbm>>) target(%dma_start3A_38 : memref<624x16xf32, #tpu.memory_space<vmem_shared>>) target_semaphore(%run_scoped3A_37 : memref<!tpu.dma_semaphore, #tpu.memory_space<semaphore_mem>>)
      %dma_wait3A = arith.constant 0 : i32
      %dma_wait3A_41 = tpu.memref_slice %arg7[%mul3A_4, %dma_wait3A] : memref<10000x16xf32, #tpu.memory_space<vmem_shared>> -> memref<624x16xf32, #tpu.memory_space<vmem_shared>>
      %dma_wait3A_42 = arith.constant 0 : i32
      %dma_wait3A_43 = tpu.memref_slice %arg3[%mul3A_2, %dma_wait3A_42] : memref<10000x16xf32, #tpu.memory_space<hbm>> -> memref<624x16xf32, #tpu.memory_space<hbm>>
      tpu.wait_dma2 semaphore(%run_scoped3A_37 : memref<!tpu.dma_semaphore, #tpu.memory_space<semaphore_mem>>) src(%dma_wait3A_43 : memref<624x16xf32, #tpu.memory_space<hbm>>) dst(%dma_wait3A_41 : memref<624x16xf32, #tpu.memory_space<vmem_shared>>)
      tpu.yield
    }) : () -> ()
    %eq3A = arith.constant 15 : i32
    %eq3A_5 = arith.cmpi eq, %arg1, %eq3A : i32
    %convert_element_type3A = arith.extui %eq3A_5 : i1 to i32
    %cond3A = arith.constant 0 : i32
    %cond3A_6 = arith.cmpi ne, %convert_element_type3A, %cond3A : i32
    scf.if %cond3A_6 {
      "tpu.region"() ({
        %run_scoped3A_37 = tpu.sem_alloc : memref<!tpu.dma_semaphore, #tpu.memory_space<semaphore_mem>>
        %dma_start3A = arith.constant 9984 : i32
        %dma_start3A_38 = arith.constant 0 : i32
        %dma_start3A_39 = tpu.memref_slice %arg7[%dma_start3A, %dma_start3A_38] : memref<10000x16xf32, #tpu.memory_space<vmem_shared>> -> memref<16x16xf32, #tpu.memory_space<vmem_shared>>
        %dma_start3A_40 = arith.constant 9984 : i32
        %dma_start3A_41 = arith.constant 0 : i32
        %dma_start3A_42 = tpu.memref_slice %arg3[%dma_start3A_40, %dma_start3A_41] : memref<10000x16xf32, #tpu.memory_space<hbm>> -> memref<16x16xf32, #tpu.memory_space<hbm>>
        tpu.enqueue_dma source(%dma_start3A_42 : memref<16x16xf32, #tpu.memory_space<hbm>>) target(%dma_start3A_39 : memref<16x16xf32, #tpu.memory_space<vmem_shared>>) target_semaphore(%run_scoped3A_37 : memref<!tpu.dma_semaphore, #tpu.memory_space<semaphore_mem>>)
        %dma_wait3A = arith.constant 9984 : i32
        %dma_wait3A_43 = arith.constant 0 : i32
        %dma_wait3A_44 = tpu.memref_slice %arg7[%dma_wait3A, %dma_wait3A_43] : memref<10000x16xf32, #tpu.memory_space<vmem_shared>> -> memref<16x16xf32, #tpu.memory_space<vmem_shared>>
        %dma_wait3A_45 = arith.constant 9984 : i32
        %dma_wait3A_46 = arith.constant 0 : i32
        %dma_wait3A_47 = tpu.memref_slice %arg3[%dma_wait3A_45, %dma_wait3A_46] : memref<10000x16xf32, #tpu.memory_space<hbm>> -> memref<16x16xf32, #tpu.memory_space<hbm>>
        tpu.wait_dma2 semaphore(%run_scoped3A_37 : memref<!tpu.dma_semaphore, #tpu.memory_space<semaphore_mem>>) src(%dma_wait3A_47 : memref<16x16xf32, #tpu.memory_space<hbm>>) dst(%dma_wait3A_44 : memref<16x16xf32, #tpu.memory_space<vmem_shared>>)
        tpu.yield
      }) : () -> ()
    } else {
    }
    %mul3A_7 = arith.constant 10000 : i32
    %mul3A_8 = arith.muli %add3A, %mul3A_7 : i32
    %run_scoped3A = arith.constant 1 : i32
    "tpu.region"() ({
      %run_scoped3A_37 = tpu.sem_alloc : memref<!tpu.dma_semaphore, #tpu.memory_space<semaphore_mem>>
      %dma_start3A = tpu.memref_slice %arg2[%run_scoped3A, %mul3A_8] : memref<2x320000xi32, #tpu.memory_space<hbm>> -> memref<1x10000xi32, #tpu.memory_space<hbm>>
      %dma_start3A_38 = tpu.memref_squeeze %dma_start3A : memref<1x10000xi32, #tpu.memory_space<hbm>> -> memref<10000xi32, #tpu.memory_space<hbm>>
      %dma_start3A_39 = tpu.memref_slice %arg2[%run_scoped3A, %mul3A_8] : memref<2x320000xi32, #tpu.memory_space<hbm>> -> memref<1x10000xi32, #tpu.memory_space<hbm>>
      %dma_start3A_40 = tpu.memref_squeeze %dma_start3A_39 : memref<1x10000xi32, #tpu.memory_space<hbm>> -> memref<10000xi32, #tpu.memory_space<hbm>>
      tpu.enqueue_dma source(%dma_start3A_40 : memref<10000xi32, #tpu.memory_space<hbm>>) target(%arg5 : memref<10000xi32, #tpu.memory_space<vmem>>) target_semaphore(%run_scoped3A_37 : memref<!tpu.dma_semaphore, #tpu.memory_space<semaphore_mem>>)
      %dma_wait3A = tpu.memref_slice %arg2[%run_scoped3A, %mul3A_8] : memref<2x320000xi32, #tpu.memory_space<hbm>> -> memref<1x10000xi32, #tpu.memory_space<hbm>>
      %dma_wait3A_41 = tpu.memref_squeeze %dma_wait3A : memref<1x10000xi32, #tpu.memory_space<hbm>> -> memref<10000xi32, #tpu.memory_space<hbm>>
      %dma_wait3A_42 = tpu.memref_slice %arg2[%run_scoped3A, %mul3A_8] : memref<2x320000xi32, #tpu.memory_space<hbm>> -> memref<1x10000xi32, #tpu.memory_space<hbm>>
      %dma_wait3A_43 = tpu.memref_squeeze %dma_wait3A_42 : memref<1x10000xi32, #tpu.memory_space<hbm>> -> memref<10000xi32, #tpu.memory_space<hbm>>
      tpu.wait_dma2 semaphore(%run_scoped3A_37 : memref<!tpu.dma_semaphore, #tpu.memory_space<semaphore_mem>>) src(%dma_wait3A_43 : memref<10000xi32, #tpu.memory_space<hbm>>) dst(%arg5 : memref<10000xi32, #tpu.memory_space<vmem>>)
      tpu.yield
    }) : () -> ()
    %scan3A = arith.constant 0 : i32
    %scan3A_9 = arith.constant 0 : i32
    %scan3A_10 = arith.constant 80 : i32
    %scan3A_11 = arith.addi %scan3A_9, %scan3A_10 : i32
    %scan3A_12 = arith.constant 1 : i32
    scf.for %scan3A_37 = %scan3A_9 to %scan3A_11 step %scan3A_12  : i32 {
      %broadcast_in_dim3A = arith.constant 1.000000e+00 : f32
      %broadcast_in_dim3A_38 = vector.broadcast %broadcast_in_dim3A : f32 to vector<16xf32>
      %swap3A = arith.index_cast %scan3A_37 : i32 to index
      %swap3A_39 = arith.constant 0 : index
      %swap3A_40 = tpu.vector_load %arg6[%swap3A, %swap3A_39] {strides = array<i32>} : memref<80x16xf32, #tpu.memory_space<vmem>>, vector<1x16xf32>,
      %swap3A_41 = vector.shape_cast %swap3A_40 : vector<1x16xf32> to vector<16xf32>
      %swap3A_42 = vector.shape_cast %broadcast_in_dim3A_38 : vector<16xf32> to vector<1x16xf32>
      tpu.vector_store %arg6[%swap3A, %swap3A_39], %swap3A_42 {strides = array<i32>} : memref<80x16xf32, #tpu.memory_space<vmem>>, vector<1x16xf32>,
    }
    %scan3A_13 = arith.constant 80 : i32
    %barrier3A = arith.constant 0 : index
    tpu.barrier barrier_id(%barrier3A)
    %scan3A_14 = arith.constant 0 : i32
    %scan3A_15 = arith.constant 0 : i32
    %scan3A_16 = arith.constant 125 : i32
    %scan3A_17 = arith.addi %scan3A_15, %scan3A_16 : i32
    %scan3A_18 = arith.constant 1 : i32
    scf.for %scan3A_37 = %scan3A_15 to %scan3A_17 step %scan3A_18  : i32 {
      %mul3A_38 = arith.constant 80 : i32
      %mul3A_39 = arith.muli %scan3A_37, %mul3A_38 : i32
      %dma_start3A = tpu.memref_slice %arg5[%mul3A_39] : memref<10000xi32, #tpu.memory_space<vmem>> -> memref<80xi32, #tpu.memory_space<vmem>>
      %dma_start3A_40 = arith.constant 0 : i32
      %dma_start3A_41 = arith.constant 0 : i32
      %dma_start3A_42 = tpu.memref_slice %arg7[%dma_start3A_40, %dma_start3A_41] : memref<10000x16xf32, #tpu.memory_space<vmem_shared>> -> memref<10000x16xf32, #tpu.memory_space<vmem_shared>>
      tpu.enqueue_indirect_dma source(%arg6 : memref<80x16xf32, #tpu.memory_space<vmem>>) target(%dma_start3A_42 : memref<10000x16xf32, #tpu.memory_space<vmem_shared>>) offsets(%dma_start3A : memref<80xi32, #tpu.memory_space<vmem>>) semaphore(%arg8 : memref<!tpu.dma_semaphore, #tpu.memory_space<semaphore_mem>>) {add = true}
    }
    %scan3A_19 = arith.constant 125 : i32
    %scan3A_20 = arith.constant 0 : i32
    %scan3A_21 = arith.constant 0 : i32
    %scan3A_22 = arith.constant 125 : i32
    %scan3A_23 = arith.addi %scan3A_21, %scan3A_22 : i32
    %scan3A_24 = arith.constant 1 : i32
    scf.for %scan3A_37 = %scan3A_21 to %scan3A_23 step %scan3A_24  : i32 {
      %dma_wait3A = arith.constant 0 : i32
      %dma_wait3A_38 = tpu.memref_slice %arg5[%dma_wait3A] : memref<10000xi32, #tpu.memory_space<vmem>> -> memref<80xi32, #tpu.memory_space<vmem>>
      %dma_wait3A_39 = arith.constant 0 : i32
      %dma_wait3A_40 = arith.constant 0 : i32
      %dma_wait3A_41 = tpu.memref_slice %arg7[%dma_wait3A_39, %dma_wait3A_40] : memref<10000x16xf32, #tpu.memory_space<vmem_shared>> -> memref<10000x16xf32, #tpu.memory_space<vmem_shared>>
      tpu.wait_indirect_dma semaphore(%arg8 : memref<!tpu.dma_semaphore, #tpu.memory_space<semaphore_mem>>) src(%arg6 : memref<80x16xf32, #tpu.memory_space<vmem>>) dst(%dma_wait3A_41 : memref<10000x16xf32, #tpu.memory_space<vmem_shared>>)
    }
    %scan3A_25 = arith.constant 125 : i32
    %barrier3A_26 = arith.constant 0 : index
    tpu.barrier barrier_id(%barrier3A_26)
    %mul3A_27 = arith.constant 624 : i32
    %mul3A_28 = arith.muli %arg1, %mul3A_27 : i32
    %mul3A_29 = arith.constant 10000 : i32
    %mul3A_30 = arith.muli %arg0, %mul3A_29 : i32
    %add3A_31 = arith.addi %mul3A_30, %mul3A_28 : i32
    "tpu.region"() ({
      %run_scoped3A_37 = tpu.sem_alloc : memref<!tpu.dma_semaphore, #tpu.memory_space<semaphore_mem>>
      %dma_start3A = arith.constant 0 : i32
      %dma_start3A_38 = tpu.memref_slice %arg4[%add3A_31, %dma_start3A] : memref<20000x16xf32, #tpu.memory_space<hbm>> -> memref<624x16xf32, #tpu.memory_space<hbm>>
      %dma_start3A_39 = arith.constant 0 : i32
      %dma_start3A_40 = tpu.memref_slice %arg7[%mul3A_28, %dma_start3A_39] : memref<10000x16xf32, #tpu.memory_space<vmem_shared>> -> memref<624x16xf32, #tpu.memory_space<vmem_shared>>
      tpu.enqueue_dma source(%dma_start3A_40 : memref<624x16xf32, #tpu.memory_space<vmem_shared>>) target(%dma_start3A_38 : memref<624x16xf32, #tpu.memory_space<hbm>>) target_semaphore(%run_scoped3A_37 : memref<!tpu.dma_semaphore, #tpu.memory_space<semaphore_mem>>)
      %dma_wait3A = arith.constant 0 : i32
      %dma_wait3A_41 = tpu.memref_slice %arg4[%add3A_31, %dma_wait3A] : memref<20000x16xf32, #tpu.memory_space<hbm>> -> memref<624x16xf32, #tpu.memory_space<hbm>>
      %dma_wait3A_42 = arith.constant 0 : i32
      %dma_wait3A_43 = tpu.memref_slice %arg7[%mul3A_28, %dma_wait3A_42] : memref<10000x16xf32, #tpu.memory_space<vmem_shared>> -> memref<624x16xf32, #tpu.memory_space<vmem_shared>>
      tpu.wait_dma2 semaphore(%run_scoped3A_37 : memref<!tpu.dma_semaphore, #tpu.memory_space<semaphore_mem>>) src(%dma_wait3A_43 : memref<624x16xf32, #tpu.memory_space<vmem_shared>>) dst(%dma_wait3A_41 : memref<624x16xf32, #tpu.memory_space<hbm>>)
      tpu.yield
    }) : () -> ()
    %eq3A_32 = arith.constant 15 : i32
    %eq3A_33 = arith.cmpi eq, %arg1, %eq3A_32 : i32
    %convert_element_type3A_34 = arith.extui %eq3A_33 : i1 to i32
    %cond3A_35 = arith.constant 0 : i32
    %cond3A_36 = arith.cmpi ne, %convert_element_type3A_34, %cond3A_35 : i32
    scf.if %cond3A_36 {
      %mul3A_37 = arith.constant 10000 : i32
      %mul3A_38 = arith.muli %arg0, %mul3A_37 : i32
      %add3A_39 = arith.constant 9984 : i32
      %add3A_40 = arith.addi %mul3A_38, %add3A_39 : i32
      "tpu.region"() ({
        %run_scoped3A_41 = tpu.sem_alloc : memref<!tpu.dma_semaphore, #tpu.memory_space<semaphore_mem>>
        %dma_start3A = arith.constant 0 : i32
        %dma_start3A_42 = tpu.memref_slice %arg4[%add3A_40, %dma_start3A] : memref<20000x16xf32, #tpu.memory_space<hbm>> -> memref<16x16xf32, #tpu.memory_space<hbm>>
        %dma_start3A_43 = arith.constant 9984 : i32
        %dma_start3A_44 = arith.constant 0 : i32
        %dma_start3A_45 = tpu.memref_slice %arg7[%dma_start3A_43, %dma_start3A_44] : memref<10000x16xf32, #tpu.memory_space<vmem_shared>> -> memref<16x16xf32, #tpu.memory_space<vmem_shared>>
        tpu.enqueue_dma source(%dma_start3A_45 : memref<16x16xf32, #tpu.memory_space<vmem_shared>>) target(%dma_start3A_42 : memref<16x16xf32, #tpu.memory_space<hbm>>) target_semaphore(%run_scoped3A_41 : memref<!tpu.dma_semaphore, #tpu.memory_space<semaphore_mem>>)
        %dma_wait3A = arith.constant 0 : i32
        %dma_wait3A_46 = tpu.memref_slice %arg4[%add3A_40, %dma_wait3A] : memref<20000x16xf32, #tpu.memory_space<hbm>> -> memref<16x16xf32, #tpu.memory_space<hbm>>
        %dma_wait3A_47 = arith.constant 9984 : i32
        %dma_wait3A_48 = arith.constant 0 : i32
        %dma_wait3A_49 = tpu.memref_slice %arg7[%dma_wait3A_47, %dma_wait3A_48] : memref<10000x16xf32, #tpu.memory_space<vmem_shared>> -> memref<16x16xf32, #tpu.memory_space<vmem_shared>>
        tpu.wait_dma2 semaphore(%run_scoped3A_41 : memref<!tpu.dma_semaphore, #tpu.memory_space<semaphore_mem>>) src(%dma_wait3A_49 : memref<16x16xf32, #tpu.memory_space<vmem_shared>>) dst(%dma_wait3A_46 : memref<16x16xf32, #tpu.memory_space<hbm>>)
        tpu.yield
      }) : () -> ()
    } else {
    }
    return
  }
}

#map = affine_map<(d0, d1) -> (0, 0)>
module attributes {stable_mosaic.version = 14 : i64} {
  func.func @k(%arg0: i32, %arg1: i32, %arg2: memref<10000x16xf32, #tpu.memory_space<hbm>>, %arg3: memref<2x320000xi32, #tpu.memory_space<hbm>>, %arg4: memref<10000x16xf32, #tpu.memory_space<hbm>>, %arg5: memref<20000x16xf32, #tpu.memory_space<hbm>>, %arg6: memref<10000xi32, #tpu.memory_space<vmem>>, %arg7: memref<10000xi32, #tpu.memory_space<vmem>>, %arg8: memref<2x2000x16xf32, #tpu.memory_space<vmem>>, %arg9: memref<10000x16xf32, #tpu.memory_space<vmem_shared>>, %arg10: memref<!tpu.dma_semaphore, #tpu.memory_space<semaphore_mem>>, %arg11: memref<!tpu.dma_semaphore, #tpu.memory_space<semaphore_mem>>) attributes {dimension_semantics = [#tpu.dimension_semantics<core_parallel>, #tpu.dimension_semantics<subcore_parallel>], iteration_bounds = array<i64: 2, 16>, scalar_prefetch = 0 : i64, scratch_operands = 6 : i64, tpu.core_type = #tpu.core_type<sc_vector_subcore>, window_params = [{transform_indices = #map}, {transform_indices = #map}, {transform_indices = #map}, {transform_indices = #map}]} {
    %mul3A = arith.constant 16 : i32
    %mul3A_0 = arith.muli %arg0, %mul3A : i32
    %add3A = arith.addi %mul3A_0, %arg1 : i32
    %mul3A_1 = arith.constant 624 : i32
    %mul3A_2 = arith.muli %arg1, %mul3A_1 : i32
    %mul3A_3 = arith.constant 624 : i32
    %mul3A_4 = arith.muli %arg1, %mul3A_3 : i32
    "tpu.region"() ({
      %run_scoped3A_142 = tpu.sem_alloc : memref<!tpu.dma_semaphore, #tpu.memory_space<semaphore_mem>>
      %dma_start3A = arith.constant 0 : i32
      %dma_start3A_143 = tpu.memref_slice %arg9[%mul3A_4, %dma_start3A] : memref<10000x16xf32, #tpu.memory_space<vmem_shared>> -> memref<624x16xf32, #tpu.memory_space<vmem_shared>>
      %dma_start3A_144 = arith.constant 0 : i32
      %dma_start3A_145 = tpu.memref_slice %arg4[%mul3A_2, %dma_start3A_144] : memref<10000x16xf32, #tpu.memory_space<hbm>> -> memref<624x16xf32, #tpu.memory_space<hbm>>
      tpu.enqueue_dma source(%dma_start3A_145 : memref<624x16xf32, #tpu.memory_space<hbm>>) target(%dma_start3A_143 : memref<624x16xf32, #tpu.memory_space<vmem_shared>>) target_semaphore(%run_scoped3A_142 : memref<!tpu.dma_semaphore, #tpu.memory_space<semaphore_mem>>)
      %dma_wait3A = arith.constant 0 : i32
      %dma_wait3A_146 = tpu.memref_slice %arg9[%mul3A_4, %dma_wait3A] : memref<10000x16xf32, #tpu.memory_space<vmem_shared>> -> memref<624x16xf32, #tpu.memory_space<vmem_shared>>
      %dma_wait3A_147 = arith.constant 0 : i32
      %dma_wait3A_148 = tpu.memref_slice %arg4[%mul3A_2, %dma_wait3A_147] : memref<10000x16xf32, #tpu.memory_space<hbm>> -> memref<624x16xf32, #tpu.memory_space<hbm>>
      tpu.wait_dma2 semaphore(%run_scoped3A_142 : memref<!tpu.dma_semaphore, #tpu.memory_space<semaphore_mem>>) src(%dma_wait3A_148 : memref<624x16xf32, #tpu.memory_space<hbm>>) dst(%dma_wait3A_146 : memref<624x16xf32, #tpu.memory_space<vmem_shared>>)
      tpu.yield
    }) : () -> ()
    %eq3A = arith.constant 15 : i32
    %eq3A_5 = arith.cmpi eq, %arg1, %eq3A : i32
    %convert_element_type3A = arith.extui %eq3A_5 : i1 to i32
    %cond3A = arith.constant 0 : i32
    %cond3A_6 = arith.cmpi ne, %convert_element_type3A, %cond3A : i32
    scf.if %cond3A_6 {
      "tpu.region"() ({
        %run_scoped3A_142 = tpu.sem_alloc : memref<!tpu.dma_semaphore, #tpu.memory_space<semaphore_mem>>
        %dma_start3A = arith.constant 9984 : i32
        %dma_start3A_143 = arith.constant 0 : i32
        %dma_start3A_144 = tpu.memref_slice %arg9[%dma_start3A, %dma_start3A_143] : memref<10000x16xf32, #tpu.memory_space<vmem_shared>> -> memref<16x16xf32, #tpu.memory_space<vmem_shared>>
        %dma_start3A_145 = arith.constant 9984 : i32
        %dma_start3A_146 = arith.constant 0 : i32
        %dma_start3A_147 = tpu.memref_slice %arg4[%dma_start3A_145, %dma_start3A_146] : memref<10000x16xf32, #tpu.memory_space<hbm>> -> memref<16x16xf32, #tpu.memory_space<hbm>>
        tpu.enqueue_dma source(%dma_start3A_147 : memref<16x16xf32, #tpu.memory_space<hbm>>) target(%dma_start3A_144 : memref<16x16xf32, #tpu.memory_space<vmem_shared>>) target_semaphore(%run_scoped3A_142 : memref<!tpu.dma_semaphore, #tpu.memory_space<semaphore_mem>>)
        %dma_wait3A = arith.constant 9984 : i32
        %dma_wait3A_148 = arith.constant 0 : i32
        %dma_wait3A_149 = tpu.memref_slice %arg9[%dma_wait3A, %dma_wait3A_148] : memref<10000x16xf32, #tpu.memory_space<vmem_shared>> -> memref<16x16xf32, #tpu.memory_space<vmem_shared>>
        %dma_wait3A_150 = arith.constant 9984 : i32
        %dma_wait3A_151 = arith.constant 0 : i32
        %dma_wait3A_152 = tpu.memref_slice %arg4[%dma_wait3A_150, %dma_wait3A_151] : memref<10000x16xf32, #tpu.memory_space<hbm>> -> memref<16x16xf32, #tpu.memory_space<hbm>>
        tpu.wait_dma2 semaphore(%run_scoped3A_142 : memref<!tpu.dma_semaphore, #tpu.memory_space<semaphore_mem>>) src(%dma_wait3A_152 : memref<16x16xf32, #tpu.memory_space<hbm>>) dst(%dma_wait3A_149 : memref<16x16xf32, #tpu.memory_space<vmem_shared>>)
        tpu.yield
      }) : () -> ()
    } else {
    }
    %mul3A_7 = arith.constant 10000 : i32
    %mul3A_8 = arith.muli %add3A, %mul3A_7 : i32
    %run_scoped3A = arith.constant 0 : i32
    "tpu.region"() ({
      %run_scoped3A_142 = tpu.sem_alloc : memref<!tpu.dma_semaphore, #tpu.memory_space<semaphore_mem>>
      %dma_start3A = tpu.memref_slice %arg3[%run_scoped3A, %mul3A_8] : memref<2x320000xi32, #tpu.memory_space<hbm>> -> memref<1x10000xi32, #tpu.memory_space<hbm>>
      %dma_start3A_143 = tpu.memref_squeeze %dma_start3A : memref<1x10000xi32, #tpu.memory_space<hbm>> -> memref<10000xi32, #tpu.memory_space<hbm>>
      %dma_start3A_144 = tpu.memref_slice %arg3[%run_scoped3A, %mul3A_8] : memref<2x320000xi32, #tpu.memory_space<hbm>> -> memref<1x10000xi32, #tpu.memory_space<hbm>>
      %dma_start3A_145 = tpu.memref_squeeze %dma_start3A_144 : memref<1x10000xi32, #tpu.memory_space<hbm>> -> memref<10000xi32, #tpu.memory_space<hbm>>
      tpu.enqueue_dma source(%dma_start3A_145 : memref<10000xi32, #tpu.memory_space<hbm>>) target(%arg6 : memref<10000xi32, #tpu.memory_space<vmem>>) target_semaphore(%run_scoped3A_142 : memref<!tpu.dma_semaphore, #tpu.memory_space<semaphore_mem>>)
      %dma_wait3A = tpu.memref_slice %arg3[%run_scoped3A, %mul3A_8] : memref<2x320000xi32, #tpu.memory_space<hbm>> -> memref<1x10000xi32, #tpu.memory_space<hbm>>
      %dma_wait3A_146 = tpu.memref_squeeze %dma_wait3A : memref<1x10000xi32, #tpu.memory_space<hbm>> -> memref<10000xi32, #tpu.memory_space<hbm>>
      %dma_wait3A_147 = tpu.memref_slice %arg3[%run_scoped3A, %mul3A_8] : memref<2x320000xi32, #tpu.memory_space<hbm>> -> memref<1x10000xi32, #tpu.memory_space<hbm>>
      %dma_wait3A_148 = tpu.memref_squeeze %dma_wait3A_147 : memref<1x10000xi32, #tpu.memory_space<hbm>> -> memref<10000xi32, #tpu.memory_space<hbm>>
      tpu.wait_dma2 semaphore(%run_scoped3A_142 : memref<!tpu.dma_semaphore, #tpu.memory_space<semaphore_mem>>) src(%dma_wait3A_148 : memref<10000xi32, #tpu.memory_space<hbm>>) dst(%arg6 : memref<10000xi32, #tpu.memory_space<vmem>>)
      tpu.yield
    }) : () -> ()
    %mul3A_9 = arith.constant 10000 : i32
    %mul3A_10 = arith.muli %add3A, %mul3A_9 : i32
    %run_scoped3A_11 = arith.constant 1 : i32
    "tpu.region"() ({
      %run_scoped3A_142 = tpu.sem_alloc : memref<!tpu.dma_semaphore, #tpu.memory_space<semaphore_mem>>
      %dma_start3A = tpu.memref_slice %arg3[%run_scoped3A_11, %mul3A_10] : memref<2x320000xi32, #tpu.memory_space<hbm>> -> memref<1x10000xi32, #tpu.memory_space<hbm>>
      %dma_start3A_143 = tpu.memref_squeeze %dma_start3A : memref<1x10000xi32, #tpu.memory_space<hbm>> -> memref<10000xi32, #tpu.memory_space<hbm>>
      %dma_start3A_144 = tpu.memref_slice %arg3[%run_scoped3A_11, %mul3A_10] : memref<2x320000xi32, #tpu.memory_space<hbm>> -> memref<1x10000xi32, #tpu.memory_space<hbm>>
      %dma_start3A_145 = tpu.memref_squeeze %dma_start3A_144 : memref<1x10000xi32, #tpu.memory_space<hbm>> -> memref<10000xi32, #tpu.memory_space<hbm>>
      tpu.enqueue_dma source(%dma_start3A_145 : memref<10000xi32, #tpu.memory_space<hbm>>) target(%arg7 : memref<10000xi32, #tpu.memory_space<vmem>>) target_semaphore(%run_scoped3A_142 : memref<!tpu.dma_semaphore, #tpu.memory_space<semaphore_mem>>)
      %dma_wait3A = tpu.memref_slice %arg3[%run_scoped3A_11, %mul3A_10] : memref<2x320000xi32, #tpu.memory_space<hbm>> -> memref<1x10000xi32, #tpu.memory_space<hbm>>
      %dma_wait3A_146 = tpu.memref_squeeze %dma_wait3A : memref<1x10000xi32, #tpu.memory_space<hbm>> -> memref<10000xi32, #tpu.memory_space<hbm>>
      %dma_wait3A_147 = tpu.memref_slice %arg3[%run_scoped3A_11, %mul3A_10] : memref<2x320000xi32, #tpu.memory_space<hbm>> -> memref<1x10000xi32, #tpu.memory_space<hbm>>
      %dma_wait3A_148 = tpu.memref_squeeze %dma_wait3A_147 : memref<1x10000xi32, #tpu.memory_space<hbm>> -> memref<10000xi32, #tpu.memory_space<hbm>>
      tpu.wait_dma2 semaphore(%run_scoped3A_142 : memref<!tpu.dma_semaphore, #tpu.memory_space<semaphore_mem>>) src(%dma_wait3A_148 : memref<10000xi32, #tpu.memory_space<hbm>>) dst(%arg7 : memref<10000xi32, #tpu.memory_space<vmem>>)
      tpu.yield
    }) : () -> ()
    %barrier3A = arith.constant 0 : index
    tpu.barrier barrier_id(%barrier3A)
    %scan3A = arith.constant 0 : i32
    %scan3A_12 = arith.constant 0 : i32
    %scan3A_13 = arith.constant 25 : i32
    %scan3A_14 = arith.addi %scan3A_12, %scan3A_13 : i32
    %scan3A_15 = arith.constant 1 : i32
    scf.for %scan3A_142 = %scan3A_12 to %scan3A_14 step %scan3A_15  : i32 {
      %mul3A_143 = arith.constant 80 : i32
      %mul3A_144 = arith.muli %scan3A_142, %mul3A_143 : i32
      %add3A_145 = arith.constant 0 : i32
      %add3A_146 = arith.addi %add3A_145, %mul3A_144 : i32
      %mul3A_147 = arith.constant 80 : i32
      %mul3A_148 = arith.muli %scan3A_142, %mul3A_147 : i32
      %dma_start3A = arith.constant 0 : i32
      %dma_start3A_149 = arith.constant 0 : i32
      %dma_start3A_150 = tpu.memref_slice %arg8[%dma_start3A, %mul3A_148, %dma_start3A_149] : memref<2x2000x16xf32, #tpu.memory_space<vmem>> -> memref<1x80x16xf32, #tpu.memory_space<vmem>>
      %dma_start3A_151 = tpu.memref_squeeze %dma_start3A_150 : memref<1x80x16xf32, #tpu.memory_space<vmem>> -> memref<80x16xf32, #tpu.memory_space<vmem>>
      %dma_start3A_152 = tpu.memref_slice %arg6[%add3A_146] : memref<10000xi32, #tpu.memory_space<vmem>> -> memref<80xi32, #tpu.memory_space<vmem>>
      %dma_start3A_153 = arith.constant 0 : i32
      %dma_start3A_154 = arith.constant 0 : i32
      %dma_start3A_155 = tpu.memref_slice %arg2[%dma_start3A_153, %dma_start3A_154] : memref<10000x16xf32, #tpu.memory_space<hbm>> -> memref<10000x16xf32, #tpu.memory_space<hbm>>
      tpu.enqueue_indirect_dma source(%dma_start3A_155 : memref<10000x16xf32, #tpu.memory_space<hbm>>) target(%dma_start3A_151 : memref<80x16xf32, #tpu.memory_space<vmem>>) offsets(%dma_start3A_152 : memref<80xi32, #tpu.memory_space<vmem>>) semaphore(%arg10 : memref<!tpu.dma_semaphore, #tpu.memory_space<semaphore_mem>>)
    }
    %scan3A_16 = arith.constant 25 : i32
    %scan3A_17 = arith.constant 0 : i32
    %scan3A_18 = arith.constant 0 : i32
    %scan3A_19 = arith.constant 25 : i32
    %scan3A_20 = arith.addi %scan3A_18, %scan3A_19 : i32
    %scan3A_21 = arith.constant 1 : i32
    scf.for %scan3A_142 = %scan3A_18 to %scan3A_20 step %scan3A_21  : i32 {
      %dma_wait3A = arith.constant 0 : i32
      %dma_wait3A_143 = arith.constant 0 : i32
      %dma_wait3A_144 = arith.constant 0 : i32
      %dma_wait3A_145 = tpu.memref_slice %arg8[%dma_wait3A, %dma_wait3A_143, %dma_wait3A_144] : memref<2x2000x16xf32, #tpu.memory_space<vmem>> -> memref<1x80x16xf32, #tpu.memory_space<vmem>>
      %dma_wait3A_146 = tpu.memref_squeeze %dma_wait3A_145 : memref<1x80x16xf32, #tpu.memory_space<vmem>> -> memref<80x16xf32, #tpu.memory_space<vmem>>
      %dma_wait3A_147 = arith.constant 0 : i32
      %dma_wait3A_148 = tpu.memref_slice %arg6[%dma_wait3A_147] : memref<10000xi32, #tpu.memory_space<vmem>> -> memref<80xi32, #tpu.memory_space<vmem>>
      %dma_wait3A_149 = arith.constant 0 : i32
      %dma_wait3A_150 = arith.constant 0 : i32
      %dma_wait3A_151 = tpu.memref_slice %arg2[%dma_wait3A_149, %dma_wait3A_150] : memref<10000x16xf32, #tpu.memory_space<hbm>> -> memref<10000x16xf32, #tpu.memory_space<hbm>>
      tpu.wait_indirect_dma semaphore(%arg10 : memref<!tpu.dma_semaphore, #tpu.memory_space<semaphore_mem>>) src(%dma_wait3A_151 : memref<10000x16xf32, #tpu.memory_space<hbm>>) dst(%dma_wait3A_146 : memref<80x16xf32, #tpu.memory_space<vmem>>)
    }
    %scan3A_22 = arith.constant 25 : i32
    %scan3A_23 = arith.constant 0 : i32
    %scan3A_24 = arith.constant 0 : i32
    %scan3A_25 = arith.constant 25 : i32
    %scan3A_26 = arith.addi %scan3A_24, %scan3A_25 : i32
    %scan3A_27 = arith.constant 1 : i32
    scf.for %scan3A_142 = %scan3A_24 to %scan3A_26 step %scan3A_27  : i32 {
      %mul3A_143 = arith.constant 80 : i32
      %mul3A_144 = arith.muli %scan3A_142, %mul3A_143 : i32
      %add3A_145 = arith.constant 2000 : i32
      %add3A_146 = arith.addi %add3A_145, %mul3A_144 : i32
      %mul3A_147 = arith.constant 80 : i32
      %mul3A_148 = arith.muli %scan3A_142, %mul3A_147 : i32
      %dma_start3A = arith.constant 1 : i32
      %dma_start3A_149 = arith.constant 0 : i32
      %dma_start3A_150 = tpu.memref_slice %arg8[%dma_start3A, %mul3A_148, %dma_start3A_149] : memref<2x2000x16xf32, #tpu.memory_space<vmem>> -> memref<1x80x16xf32, #tpu.memory_space<vmem>>
      %dma_start3A_151 = tpu.memref_squeeze %dma_start3A_150 : memref<1x80x16xf32, #tpu.memory_space<vmem>> -> memref<80x16xf32, #tpu.memory_space<vmem>>
      %dma_start3A_152 = tpu.memref_slice %arg6[%add3A_146] : memref<10000xi32, #tpu.memory_space<vmem>> -> memref<80xi32, #tpu.memory_space<vmem>>
      %dma_start3A_153 = arith.constant 0 : i32
      %dma_start3A_154 = arith.constant 0 : i32
      %dma_start3A_155 = tpu.memref_slice %arg2[%dma_start3A_153, %dma_start3A_154] : memref<10000x16xf32, #tpu.memory_space<hbm>> -> memref<10000x16xf32, #tpu.memory_space<hbm>>
      tpu.enqueue_indirect_dma source(%dma_start3A_155 : memref<10000x16xf32, #tpu.memory_space<hbm>>) target(%dma_start3A_151 : memref<80x16xf32, #tpu.memory_space<vmem>>) offsets(%dma_start3A_152 : memref<80xi32, #tpu.memory_space<vmem>>) semaphore(%arg10 : memref<!tpu.dma_semaphore, #tpu.memory_space<semaphore_mem>>)
    }
    %scan3A_28 = arith.constant 25 : i32
    %scan3A_29 = arith.constant 0 : i32
    %scan3A_30 = arith.constant 0 : i32
    %scan3A_31 = arith.constant 25 : i32
    %scan3A_32 = arith.addi %scan3A_30, %scan3A_31 : i32
    %scan3A_33 = arith.constant 1 : i32
    scf.for %scan3A_142 = %scan3A_30 to %scan3A_32 step %scan3A_33  : i32 {
      %mul3A_143 = arith.constant 80 : i32
      %mul3A_144 = arith.muli %scan3A_142, %mul3A_143 : i32
      %add3A_145 = arith.constant 0 : i32
      %add3A_146 = arith.addi %add3A_145, %mul3A_144 : i32
      %mul3A_147 = arith.constant 80 : i32
      %mul3A_148 = arith.muli %scan3A_142, %mul3A_147 : i32
      %dma_start3A = arith.constant 0 : i32
      %dma_start3A_149 = arith.constant 0 : i32
      %dma_start3A_150 = tpu.memref_slice %arg8[%dma_start3A, %mul3A_148, %dma_start3A_149] : memref<2x2000x16xf32, #tpu.memory_space<vmem>> -> memref<1x80x16xf32, #tpu.memory_space<vmem>>
      %dma_start3A_151 = tpu.memref_squeeze %dma_start3A_150 : memref<1x80x16xf32, #tpu.memory_space<vmem>> -> memref<80x16xf32, #tpu.memory_space<vmem>>
      %dma_start3A_152 = tpu.memref_slice %arg7[%add3A_146] : memref<10000xi32, #tpu.memory_space<vmem>> -> memref<80xi32, #tpu.memory_space<vmem>>
      %dma_start3A_153 = arith.constant 0 : i32
      %dma_start3A_154 = arith.constant 0 : i32
      %dma_start3A_155 = tpu.memref_slice %arg9[%dma_start3A_153, %dma_start3A_154] : memref<10000x16xf32, #tpu.memory_space<vmem_shared>> -> memref<10000x16xf32, #tpu.memory_space<vmem_shared>>
      tpu.enqueue_indirect_dma source(%dma_start3A_151 : memref<80x16xf32, #tpu.memory_space<vmem>>) target(%dma_start3A_155 : memref<10000x16xf32, #tpu.memory_space<vmem_shared>>) offsets(%dma_start3A_152 : memref<80xi32, #tpu.memory_space<vmem>>) semaphore(%arg11 : memref<!tpu.dma_semaphore, #tpu.memory_space<semaphore_mem>>) {add = true}
    }
    %scan3A_34 = arith.constant 25 : i32
    %scan3A_35 = arith.constant 0 : i32
    %scan3A_36 = arith.constant 0 : i32
    %scan3A_37 = arith.constant 25 : i32
    %scan3A_38 = arith.addi %scan3A_36, %scan3A_37 : i32
    %scan3A_39 = arith.constant 1 : i32
    scf.for %scan3A_142 = %scan3A_36 to %scan3A_38 step %scan3A_39  : i32 {
      %dma_wait3A = arith.constant 0 : i32
      %dma_wait3A_143 = arith.constant 0 : i32
      %dma_wait3A_144 = arith.constant 0 : i32
      %dma_wait3A_145 = tpu.memref_slice %arg8[%dma_wait3A, %dma_wait3A_143, %dma_wait3A_144] : memref<2x2000x16xf32, #tpu.memory_space<vmem>> -> memref<1x80x16xf32, #tpu.memory_space<vmem>>
      %dma_wait3A_146 = tpu.memref_squeeze %dma_wait3A_145 : memref<1x80x16xf32, #tpu.memory_space<vmem>> -> memref<80x16xf32, #tpu.memory_space<vmem>>
      %dma_wait3A_147 = arith.constant 0 : i32
      %dma_wait3A_148 = tpu.memref_slice %arg6[%dma_wait3A_147] : memref<10000xi32, #tpu.memory_space<vmem>> -> memref<80xi32, #tpu.memory_space<vmem>>
      %dma_wait3A_149 = arith.constant 0 : i32
      %dma_wait3A_150 = arith.constant 0 : i32
      %dma_wait3A_151 = tpu.memref_slice %arg2[%dma_wait3A_149, %dma_wait3A_150] : memref<10000x16xf32, #tpu.memory_space<hbm>> -> memref<10000x16xf32, #tpu.memory_space<hbm>>
      tpu.wait_indirect_dma semaphore(%arg10 : memref<!tpu.dma_semaphore, #tpu.memory_space<semaphore_mem>>) src(%dma_wait3A_151 : memref<10000x16xf32, #tpu.memory_space<hbm>>) dst(%dma_wait3A_146 : memref<80x16xf32, #tpu.memory_space<vmem>>)
    }
    %scan3A_40 = arith.constant 25 : i32
    %scan3A_41 = arith.constant 0 : i32
    %scan3A_42 = arith.constant 0 : i32
    %scan3A_43 = arith.constant 25 : i32
    %scan3A_44 = arith.addi %scan3A_42, %scan3A_43 : i32
    %scan3A_45 = arith.constant 1 : i32
    scf.for %scan3A_142 = %scan3A_42 to %scan3A_44 step %scan3A_45  : i32 {
      %dma_wait3A = arith.constant 0 : i32
      %dma_wait3A_143 = arith.constant 0 : i32
      %dma_wait3A_144 = arith.constant 0 : i32
      %dma_wait3A_145 = tpu.memref_slice %arg8[%dma_wait3A, %dma_wait3A_143, %dma_wait3A_144] : memref<2x2000x16xf32, #tpu.memory_space<vmem>> -> memref<1x80x16xf32, #tpu.memory_space<vmem>>
      %dma_wait3A_146 = tpu.memref_squeeze %dma_wait3A_145 : memref<1x80x16xf32, #tpu.memory_space<vmem>> -> memref<80x16xf32, #tpu.memory_space<vmem>>
      %dma_wait3A_147 = arith.constant 0 : i32
      %dma_wait3A_148 = tpu.memref_slice %arg7[%dma_wait3A_147] : memref<10000xi32, #tpu.memory_space<vmem>> -> memref<80xi32, #tpu.memory_space<vmem>>
      %dma_wait3A_149 = arith.constant 0 : i32
      %dma_wait3A_150 = arith.constant 0 : i32
      %dma_wait3A_151 = tpu.memref_slice %arg9[%dma_wait3A_149, %dma_wait3A_150] : memref<10000x16xf32, #tpu.memory_space<vmem_shared>> -> memref<10000x16xf32, #tpu.memory_space<vmem_shared>>
      tpu.wait_indirect_dma semaphore(%arg11 : memref<!tpu.dma_semaphore, #tpu.memory_space<semaphore_mem>>) src(%dma_wait3A_146 : memref<80x16xf32, #tpu.memory_space<vmem>>) dst(%dma_wait3A_151 : memref<10000x16xf32, #tpu.memory_space<vmem_shared>>)
    }
    %scan3A_46 = arith.constant 25 : i32
    %scan3A_47 = arith.constant 0 : i32
    %scan3A_48 = arith.constant 0 : i32
    %scan3A_49 = arith.constant 25 : i32
    %scan3A_50 = arith.addi %scan3A_48, %scan3A_49 : i32
    %scan3A_51 = arith.constant 1 : i32
    scf.for %scan3A_142 = %scan3A_48 to %scan3A_50 step %scan3A_51  : i32 {
      %mul3A_143 = arith.constant 80 : i32
      %mul3A_144 = arith.muli %scan3A_142, %mul3A_143 : i32
      %add3A_145 = arith.constant 4000 : i32
      %add3A_146 = arith.addi %add3A_145, %mul3A_144 : i32
      %mul3A_147 = arith.constant 80 : i32
      %mul3A_148 = arith.muli %scan3A_142, %mul3A_147 : i32
      %dma_start3A = arith.constant 0 : i32
      %dma_start3A_149 = arith.constant 0 : i32
      %dma_start3A_150 = tpu.memref_slice %arg8[%dma_start3A, %mul3A_148, %dma_start3A_149] : memref<2x2000x16xf32, #tpu.memory_space<vmem>> -> memref<1x80x16xf32, #tpu.memory_space<vmem>>
      %dma_start3A_151 = tpu.memref_squeeze %dma_start3A_150 : memref<1x80x16xf32, #tpu.memory_space<vmem>> -> memref<80x16xf32, #tpu.memory_space<vmem>>
      %dma_start3A_152 = tpu.memref_slice %arg6[%add3A_146] : memref<10000xi32, #tpu.memory_space<vmem>> -> memref<80xi32, #tpu.memory_space<vmem>>
      %dma_start3A_153 = arith.constant 0 : i32
      %dma_start3A_154 = arith.constant 0 : i32
      %dma_start3A_155 = tpu.memref_slice %arg2[%dma_start3A_153, %dma_start3A_154] : memref<10000x16xf32, #tpu.memory_space<hbm>> -> memref<10000x16xf32, #tpu.memory_space<hbm>>
      tpu.enqueue_indirect_dma source(%dma_start3A_155 : memref<10000x16xf32, #tpu.memory_space<hbm>>) target(%dma_start3A_151 : memref<80x16xf32, #tpu.memory_space<vmem>>) offsets(%dma_start3A_152 : memref<80xi32, #tpu.memory_space<vmem>>) semaphore(%arg10 : memref<!tpu.dma_semaphore, #tpu.memory_space<semaphore_mem>>)
    }
    %scan3A_52 = arith.constant 25 : i32
    %scan3A_53 = arith.constant 0 : i32
    %scan3A_54 = arith.constant 0 : i32
    %scan3A_55 = arith.constant 25 : i32
    %scan3A_56 = arith.addi %scan3A_54, %scan3A_55 : i32
    %scan3A_57 = arith.constant 1 : i32
    scf.for %scan3A_142 = %scan3A_54 to %scan3A_56 step %scan3A_57  : i32 {
      %mul3A_143 = arith.constant 80 : i32
      %mul3A_144 = arith.muli %scan3A_142, %mul3A_143 : i32
      %add3A_145 = arith.constant 2000 : i32
      %add3A_146 = arith.addi %add3A_145, %mul3A_144 : i32
      %mul3A_147 = arith.constant 80 : i32
      %mul3A_148 = arith.muli %scan3A_142, %mul3A_147 : i32
      %dma_start3A = arith.constant 1 : i32
      %dma_start3A_149 = arith.constant 0 : i32
      %dma_start3A_150 = tpu.memref_slice %arg8[%dma_start3A, %mul3A_148, %dma_start3A_149] : memref<2x2000x16xf32, #tpu.memory_space<vmem>> -> memref<1x80x16xf32, #tpu.memory_space<vmem>>
      %dma_start3A_151 = tpu.memref_squeeze %dma_start3A_150 : memref<1x80x16xf32, #tpu.memory_space<vmem>> -> memref<80x16xf32, #tpu.memory_space<vmem>>
      %dma_start3A_152 = tpu.memref_slice %arg7[%add3A_146] : memref<10000xi32, #tpu.memory_space<vmem>> -> memref<80xi32, #tpu.memory_space<vmem>>
      %dma_start3A_153 = arith.constant 0 : i32
      %dma_start3A_154 = arith.constant 0 : i32
      %dma_start3A_155 = tpu.memref_slice %arg9[%dma_start3A_153, %dma_start3A_154] : memref<10000x16xf32, #tpu.memory_space<vmem_shared>> -> memref<10000x16xf32, #tpu.memory_space<vmem_shared>>
      tpu.enqueue_indirect_dma source(%dma_start3A_151 : memref<80x16xf32, #tpu.memory_space<vmem>>) target(%dma_start3A_155 : memref<10000x16xf32, #tpu.memory_space<vmem_shared>>) offsets(%dma_start3A_152 : memref<80xi32, #tpu.memory_space<vmem>>) semaphore(%arg11 : memref<!tpu.dma_semaphore, #tpu.memory_space<semaphore_mem>>) {add = true}
    }
    %scan3A_58 = arith.constant 25 : i32
    %scan3A_59 = arith.constant 0 : i32
    %scan3A_60 = arith.constant 0 : i32
    %scan3A_61 = arith.constant 25 : i32
    %scan3A_62 = arith.addi %scan3A_60, %scan3A_61 : i32
    %scan3A_63 = arith.constant 1 : i32
    scf.for %scan3A_142 = %scan3A_60 to %scan3A_62 step %scan3A_63  : i32 {
      %dma_wait3A = arith.constant 0 : i32
      %dma_wait3A_143 = arith.constant 0 : i32
      %dma_wait3A_144 = arith.constant 0 : i32
      %dma_wait3A_145 = tpu.memref_slice %arg8[%dma_wait3A, %dma_wait3A_143, %dma_wait3A_144] : memref<2x2000x16xf32, #tpu.memory_space<vmem>> -> memref<1x80x16xf32, #tpu.memory_space<vmem>>
      %dma_wait3A_146 = tpu.memref_squeeze %dma_wait3A_145 : memref<1x80x16xf32, #tpu.memory_space<vmem>> -> memref<80x16xf32, #tpu.memory_space<vmem>>
      %dma_wait3A_147 = arith.constant 0 : i32
      %dma_wait3A_148 = tpu.memref_slice %arg6[%dma_wait3A_147] : memref<10000xi32, #tpu.memory_space<vmem>> -> memref<80xi32, #tpu.memory_space<vmem>>
      %dma_wait3A_149 = arith.constant 0 : i32
      %dma_wait3A_150 = arith.constant 0 : i32
      %dma_wait3A_151 = tpu.memref_slice %arg2[%dma_wait3A_149, %dma_wait3A_150] : memref<10000x16xf32, #tpu.memory_space<hbm>> -> memref<10000x16xf32, #tpu.memory_space<hbm>>
      tpu.wait_indirect_dma semaphore(%arg10 : memref<!tpu.dma_semaphore, #tpu.memory_space<semaphore_mem>>) src(%dma_wait3A_151 : memref<10000x16xf32, #tpu.memory_space<hbm>>) dst(%dma_wait3A_146 : memref<80x16xf32, #tpu.memory_space<vmem>>)
    }
    %scan3A_64 = arith.constant 25 : i32
    %scan3A_65 = arith.constant 0 : i32
    %scan3A_66 = arith.constant 0 : i32
    %scan3A_67 = arith.constant 25 : i32
    %scan3A_68 = arith.addi %scan3A_66, %scan3A_67 : i32
    %scan3A_69 = arith.constant 1 : i32
    scf.for %scan3A_142 = %scan3A_66 to %scan3A_68 step %scan3A_69  : i32 {
      %dma_wait3A = arith.constant 0 : i32
      %dma_wait3A_143 = arith.constant 0 : i32
      %dma_wait3A_144 = arith.constant 0 : i32
      %dma_wait3A_145 = tpu.memref_slice %arg8[%dma_wait3A, %dma_wait3A_143, %dma_wait3A_144] : memref<2x2000x16xf32, #tpu.memory_space<vmem>> -> memref<1x80x16xf32, #tpu.memory_space<vmem>>
      %dma_wait3A_146 = tpu.memref_squeeze %dma_wait3A_145 : memref<1x80x16xf32, #tpu.memory_space<vmem>> -> memref<80x16xf32, #tpu.memory_space<vmem>>
      %dma_wait3A_147 = arith.constant 0 : i32
      %dma_wait3A_148 = tpu.memref_slice %arg7[%dma_wait3A_147] : memref<10000xi32, #tpu.memory_space<vmem>> -> memref<80xi32, #tpu.memory_space<vmem>>
      %dma_wait3A_149 = arith.constant 0 : i32
      %dma_wait3A_150 = arith.constant 0 : i32
      %dma_wait3A_151 = tpu.memref_slice %arg9[%dma_wait3A_149, %dma_wait3A_150] : memref<10000x16xf32, #tpu.memory_space<vmem_shared>> -> memref<10000x16xf32, #tpu.memory_space<vmem_shared>>
      tpu.wait_indirect_dma semaphore(%arg11 : memref<!tpu.dma_semaphore, #tpu.memory_space<semaphore_mem>>) src(%dma_wait3A_146 : memref<80x16xf32, #tpu.memory_space<vmem>>) dst(%dma_wait3A_151 : memref<10000x16xf32, #tpu.memory_space<vmem_shared>>)
    }
    %scan3A_70 = arith.constant 25 : i32
    %scan3A_71 = arith.constant 0 : i32
    %scan3A_72 = arith.constant 0 : i32
    %scan3A_73 = arith.constant 25 : i32
    %scan3A_74 = arith.addi %scan3A_72, %scan3A_73 : i32
    %scan3A_75 = arith.constant 1 : i32
    scf.for %scan3A_142 = %scan3A_72 to %scan3A_74 step %scan3A_75  : i32 {
      %mul3A_143 = arith.constant 80 : i32
      %mul3A_144 = arith.muli %scan3A_142, %mul3A_143 : i32
      %add3A_145 = arith.constant 6000 : i32
      %add3A_146 = arith.addi %add3A_145, %mul3A_144 : i32
      %mul3A_147 = arith.constant 80 : i32
      %mul3A_148 = arith.muli %scan3A_142, %mul3A_147 : i32
      %dma_start3A = arith.constant 1 : i32
      %dma_start3A_149 = arith.constant 0 : i32
      %dma_start3A_150 = tpu.memref_slice %arg8[%dma_start3A, %mul3A_148, %dma_start3A_149] : memref<2x2000x16xf32, #tpu.memory_space<vmem>> -> memref<1x80x16xf32, #tpu.memory_space<vmem>>
      %dma_start3A_151 = tpu.memref_squeeze %dma_start3A_150 : memref<1x80x16xf32, #tpu.memory_space<vmem>> -> memref<80x16xf32, #tpu.memory_space<vmem>>
      %dma_start3A_152 = tpu.memref_slice %arg6[%add3A_146] : memref<10000xi32, #tpu.memory_space<vmem>> -> memref<80xi32, #tpu.memory_space<vmem>>
      %dma_start3A_153 = arith.constant 0 : i32
      %dma_start3A_154 = arith.constant 0 : i32
      %dma_start3A_155 = tpu.memref_slice %arg2[%dma_start3A_153, %dma_start3A_154] : memref<10000x16xf32, #tpu.memory_space<hbm>> -> memref<10000x16xf32, #tpu.memory_space<hbm>>
      tpu.enqueue_indirect_dma source(%dma_start3A_155 : memref<10000x16xf32, #tpu.memory_space<hbm>>) target(%dma_start3A_151 : memref<80x16xf32, #tpu.memory_space<vmem>>) offsets(%dma_start3A_152 : memref<80xi32, #tpu.memory_space<vmem>>) semaphore(%arg10 : memref<!tpu.dma_semaphore, #tpu.memory_space<semaphore_mem>>)
    }
    %scan3A_76 = arith.constant 25 : i32
    %scan3A_77 = arith.constant 0 : i32
    %scan3A_78 = arith.constant 0 : i32
    %scan3A_79 = arith.constant 25 : i32
    %scan3A_80 = arith.addi %scan3A_78, %scan3A_79 : i32
    %scan3A_81 = arith.constant 1 : i32
    scf.for %scan3A_142 = %scan3A_78 to %scan3A_80 step %scan3A_81  : i32 {
      %mul3A_143 = arith.constant 80 : i32
      %mul3A_144 = arith.muli %scan3A_142, %mul3A_143 : i32
      %add3A_145 = arith.constant 4000 : i32
      %add3A_146 = arith.addi %add3A_145, %mul3A_144 : i32
      %mul3A_147 = arith.constant 80 : i32
      %mul3A_148 = arith.muli %scan3A_142, %mul3A_147 : i32
      %dma_start3A = arith.constant 0 : i32
      %dma_start3A_149 = arith.constant 0 : i32
      %dma_start3A_150 = tpu.memref_slice %arg8[%dma_start3A, %mul3A_148, %dma_start3A_149] : memref<2x2000x16xf32, #tpu.memory_space<vmem>> -> memref<1x80x16xf32, #tpu.memory_space<vmem>>
      %dma_start3A_151 = tpu.memref_squeeze %dma_start3A_150 : memref<1x80x16xf32, #tpu.memory_space<vmem>> -> memref<80x16xf32, #tpu.memory_space<vmem>>
      %dma_start3A_152 = tpu.memref_slice %arg7[%add3A_146] : memref<10000xi32, #tpu.memory_space<vmem>> -> memref<80xi32, #tpu.memory_space<vmem>>
      %dma_start3A_153 = arith.constant 0 : i32
      %dma_start3A_154 = arith.constant 0 : i32
      %dma_start3A_155 = tpu.memref_slice %arg9[%dma_start3A_153, %dma_start3A_154] : memref<10000x16xf32, #tpu.memory_space<vmem_shared>> -> memref<10000x16xf32, #tpu.memory_space<vmem_shared>>
      tpu.enqueue_indirect_dma source(%dma_start3A_151 : memref<80x16xf32, #tpu.memory_space<vmem>>) target(%dma_start3A_155 : memref<10000x16xf32, #tpu.memory_space<vmem_shared>>) offsets(%dma_start3A_152 : memref<80xi32, #tpu.memory_space<vmem>>) semaphore(%arg11 : memref<!tpu.dma_semaphore, #tpu.memory_space<semaphore_mem>>) {add = true}
    }
    %scan3A_82 = arith.constant 25 : i32
    %scan3A_83 = arith.constant 0 : i32
    %scan3A_84 = arith.constant 0 : i32
    %scan3A_85 = arith.constant 25 : i32
    %scan3A_86 = arith.addi %scan3A_84, %scan3A_85 : i32
    %scan3A_87 = arith.constant 1 : i32
    scf.for %scan3A_142 = %scan3A_84 to %scan3A_86 step %scan3A_87  : i32 {
      %dma_wait3A = arith.constant 0 : i32
      %dma_wait3A_143 = arith.constant 0 : i32
      %dma_wait3A_144 = arith.constant 0 : i32
      %dma_wait3A_145 = tpu.memref_slice %arg8[%dma_wait3A, %dma_wait3A_143, %dma_wait3A_144] : memref<2x2000x16xf32, #tpu.memory_space<vmem>> -> memref<1x80x16xf32, #tpu.memory_space<vmem>>
      %dma_wait3A_146 = tpu.memref_squeeze %dma_wait3A_145 : memref<1x80x16xf32, #tpu.memory_space<vmem>> -> memref<80x16xf32, #tpu.memory_space<vmem>>
      %dma_wait3A_147 = arith.constant 0 : i32
      %dma_wait3A_148 = tpu.memref_slice %arg6[%dma_wait3A_147] : memref<10000xi32, #tpu.memory_space<vmem>> -> memref<80xi32, #tpu.memory_space<vmem>>
      %dma_wait3A_149 = arith.constant 0 : i32
      %dma_wait3A_150 = arith.constant 0 : i32
      %dma_wait3A_151 = tpu.memref_slice %arg2[%dma_wait3A_149, %dma_wait3A_150] : memref<10000x16xf32, #tpu.memory_space<hbm>> -> memref<10000x16xf32, #tpu.memory_space<hbm>>
      tpu.wait_indirect_dma semaphore(%arg10 : memref<!tpu.dma_semaphore, #tpu.memory_space<semaphore_mem>>) src(%dma_wait3A_151 : memref<10000x16xf32, #tpu.memory_space<hbm>>) dst(%dma_wait3A_146 : memref<80x16xf32, #tpu.memory_space<vmem>>)
    }
    %scan3A_88 = arith.constant 25 : i32
    %scan3A_89 = arith.constant 0 : i32
    %scan3A_90 = arith.constant 0 : i32
    %scan3A_91 = arith.constant 25 : i32
    %scan3A_92 = arith.addi %scan3A_90, %scan3A_91 : i32
    %scan3A_93 = arith.constant 1 : i32
    scf.for %scan3A_142 = %scan3A_90 to %scan3A_92 step %scan3A_93  : i32 {
      %dma_wait3A = arith.constant 0 : i32
      %dma_wait3A_143 = arith.constant 0 : i32
      %dma_wait3A_144 = arith.constant 0 : i32
      %dma_wait3A_145 = tpu.memref_slice %arg8[%dma_wait3A, %dma_wait3A_143, %dma_wait3A_144] : memref<2x2000x16xf32, #tpu.memory_space<vmem>> -> memref<1x80x16xf32, #tpu.memory_space<vmem>>
      %dma_wait3A_146 = tpu.memref_squeeze %dma_wait3A_145 : memref<1x80x16xf32, #tpu.memory_space<vmem>> -> memref<80x16xf32, #tpu.memory_space<vmem>>
      %dma_wait3A_147 = arith.constant 0 : i32
      %dma_wait3A_148 = tpu.memref_slice %arg7[%dma_wait3A_147] : memref<10000xi32, #tpu.memory_space<vmem>> -> memref<80xi32, #tpu.memory_space<vmem>>
      %dma_wait3A_149 = arith.constant 0 : i32
      %dma_wait3A_150 = arith.constant 0 : i32
      %dma_wait3A_151 = tpu.memref_slice %arg9[%dma_wait3A_149, %dma_wait3A_150] : memref<10000x16xf32, #tpu.memory_space<vmem_shared>> -> memref<10000x16xf32, #tpu.memory_space<vmem_shared>>
      tpu.wait_indirect_dma semaphore(%arg11 : memref<!tpu.dma_semaphore, #tpu.memory_space<semaphore_mem>>) src(%dma_wait3A_146 : memref<80x16xf32, #tpu.memory_space<vmem>>) dst(%dma_wait3A_151 : memref<10000x16xf32, #tpu.memory_space<vmem_shared>>)
    }
    %scan3A_94 = arith.constant 25 : i32
    %scan3A_95 = arith.constant 0 : i32
    %scan3A_96 = arith.constant 0 : i32
    %scan3A_97 = arith.constant 25 : i32
    %scan3A_98 = arith.addi %scan3A_96, %scan3A_97 : i32
    %scan3A_99 = arith.constant 1 : i32
    scf.for %scan3A_142 = %scan3A_96 to %scan3A_98 step %scan3A_99  : i32 {
      %mul3A_143 = arith.constant 80 : i32
      %mul3A_144 = arith.muli %scan3A_142, %mul3A_143 : i32
      %add3A_145 = arith.constant 8000 : i32
      %add3A_146 = arith.addi %add3A_145, %mul3A_144 : i32
      %mul3A_147 = arith.constant 80 : i32
      %mul3A_148 = arith.muli %scan3A_142, %mul3A_147 : i32
      %dma_start3A = arith.constant 0 : i32
      %dma_start3A_149 = arith.constant 0 : i32
      %dma_start3A_150 = tpu.memref_slice %arg8[%dma_start3A, %mul3A_148, %dma_start3A_149] : memref<2x2000x16xf32, #tpu.memory_space<vmem>> -> memref<1x80x16xf32, #tpu.memory_space<vmem>>
      %dma_start3A_151 = tpu.memref_squeeze %dma_start3A_150 : memref<1x80x16xf32, #tpu.memory_space<vmem>> -> memref<80x16xf32, #tpu.memory_space<vmem>>
      %dma_start3A_152 = tpu.memref_slice %arg6[%add3A_146] : memref<10000xi32, #tpu.memory_space<vmem>> -> memref<80xi32, #tpu.memory_space<vmem>>
      %dma_start3A_153 = arith.constant 0 : i32
      %dma_start3A_154 = arith.constant 0 : i32
      %dma_start3A_155 = tpu.memref_slice %arg2[%dma_start3A_153, %dma_start3A_154] : memref<10000x16xf32, #tpu.memory_space<hbm>> -> memref<10000x16xf32, #tpu.memory_space<hbm>>
      tpu.enqueue_indirect_dma source(%dma_start3A_155 : memref<10000x16xf32, #tpu.memory_space<hbm>>) target(%dma_start3A_151 : memref<80x16xf32, #tpu.memory_space<vmem>>) offsets(%dma_start3A_152 : memref<80xi32, #tpu.memory_space<vmem>>) semaphore(%arg10 : memref<!tpu.dma_semaphore, #tpu.memory_space<semaphore_mem>>)
    }
    %scan3A_100 = arith.constant 25 : i32
    %scan3A_101 = arith.constant 0 : i32
    %scan3A_102 = arith.constant 0 : i32
    %scan3A_103 = arith.constant 25 : i32
    %scan3A_104 = arith.addi %scan3A_102, %scan3A_103 : i32
    %scan3A_105 = arith.constant 1 : i32
    scf.for %scan3A_142 = %scan3A_102 to %scan3A_104 step %scan3A_105  : i32 {
      %mul3A_143 = arith.constant 80 : i32
      %mul3A_144 = arith.muli %scan3A_142, %mul3A_143 : i32
      %add3A_145 = arith.constant 6000 : i32
      %add3A_146 = arith.addi %add3A_145, %mul3A_144 : i32
      %mul3A_147 = arith.constant 80 : i32
      %mul3A_148 = arith.muli %scan3A_142, %mul3A_147 : i32
      %dma_start3A = arith.constant 1 : i32
      %dma_start3A_149 = arith.constant 0 : i32
      %dma_start3A_150 = tpu.memref_slice %arg8[%dma_start3A, %mul3A_148, %dma_start3A_149] : memref<2x2000x16xf32, #tpu.memory_space<vmem>> -> memref<1x80x16xf32, #tpu.memory_space<vmem>>
      %dma_start3A_151 = tpu.memref_squeeze %dma_start3A_150 : memref<1x80x16xf32, #tpu.memory_space<vmem>> -> memref<80x16xf32, #tpu.memory_space<vmem>>
      %dma_start3A_152 = tpu.memref_slice %arg7[%add3A_146] : memref<10000xi32, #tpu.memory_space<vmem>> -> memref<80xi32, #tpu.memory_space<vmem>>
      %dma_start3A_153 = arith.constant 0 : i32
      %dma_start3A_154 = arith.constant 0 : i32
      %dma_start3A_155 = tpu.memref_slice %arg9[%dma_start3A_153, %dma_start3A_154] : memref<10000x16xf32, #tpu.memory_space<vmem_shared>> -> memref<10000x16xf32, #tpu.memory_space<vmem_shared>>
      tpu.enqueue_indirect_dma source(%dma_start3A_151 : memref<80x16xf32, #tpu.memory_space<vmem>>) target(%dma_start3A_155 : memref<10000x16xf32, #tpu.memory_space<vmem_shared>>) offsets(%dma_start3A_152 : memref<80xi32, #tpu.memory_space<vmem>>) semaphore(%arg11 : memref<!tpu.dma_semaphore, #tpu.memory_space<semaphore_mem>>) {add = true}
    }
    %scan3A_106 = arith.constant 25 : i32
    %scan3A_107 = arith.constant 0 : i32
    %scan3A_108 = arith.constant 0 : i32
    %scan3A_109 = arith.constant 25 : i32
    %scan3A_110 = arith.addi %scan3A_108, %scan3A_109 : i32
    %scan3A_111 = arith.constant 1 : i32
    scf.for %scan3A_142 = %scan3A_108 to %scan3A_110 step %scan3A_111  : i32 {
      %dma_wait3A = arith.constant 0 : i32
      %dma_wait3A_143 = arith.constant 0 : i32
      %dma_wait3A_144 = arith.constant 0 : i32
      %dma_wait3A_145 = tpu.memref_slice %arg8[%dma_wait3A, %dma_wait3A_143, %dma_wait3A_144] : memref<2x2000x16xf32, #tpu.memory_space<vmem>> -> memref<1x80x16xf32, #tpu.memory_space<vmem>>
      %dma_wait3A_146 = tpu.memref_squeeze %dma_wait3A_145 : memref<1x80x16xf32, #tpu.memory_space<vmem>> -> memref<80x16xf32, #tpu.memory_space<vmem>>
      %dma_wait3A_147 = arith.constant 0 : i32
      %dma_wait3A_148 = tpu.memref_slice %arg6[%dma_wait3A_147] : memref<10000xi32, #tpu.memory_space<vmem>> -> memref<80xi32, #tpu.memory_space<vmem>>
      %dma_wait3A_149 = arith.constant 0 : i32
      %dma_wait3A_150 = arith.constant 0 : i32
      %dma_wait3A_151 = tpu.memref_slice %arg2[%dma_wait3A_149, %dma_wait3A_150] : memref<10000x16xf32, #tpu.memory_space<hbm>> -> memref<10000x16xf32, #tpu.memory_space<hbm>>
      tpu.wait_indirect_dma semaphore(%arg10 : memref<!tpu.dma_semaphore, #tpu.memory_space<semaphore_mem>>) src(%dma_wait3A_151 : memref<10000x16xf32, #tpu.memory_space<hbm>>) dst(%dma_wait3A_146 : memref<80x16xf32, #tpu.memory_space<vmem>>)
    }
    %scan3A_112 = arith.constant 25 : i32
    %scan3A_113 = arith.constant 0 : i32
    %scan3A_114 = arith.constant 0 : i32
    %scan3A_115 = arith.constant 25 : i32
    %scan3A_116 = arith.addi %scan3A_114, %scan3A_115 : i32
    %scan3A_117 = arith.constant 1 : i32
    scf.for %scan3A_142 = %scan3A_114 to %scan3A_116 step %scan3A_117  : i32 {
      %dma_wait3A = arith.constant 0 : i32
      %dma_wait3A_143 = arith.constant 0 : i32
      %dma_wait3A_144 = arith.constant 0 : i32
      %dma_wait3A_145 = tpu.memref_slice %arg8[%dma_wait3A, %dma_wait3A_143, %dma_wait3A_144] : memref<2x2000x16xf32, #tpu.memory_space<vmem>> -> memref<1x80x16xf32, #tpu.memory_space<vmem>>
      %dma_wait3A_146 = tpu.memref_squeeze %dma_wait3A_145 : memref<1x80x16xf32, #tpu.memory_space<vmem>> -> memref<80x16xf32, #tpu.memory_space<vmem>>
      %dma_wait3A_147 = arith.constant 0 : i32
      %dma_wait3A_148 = tpu.memref_slice %arg7[%dma_wait3A_147] : memref<10000xi32, #tpu.memory_space<vmem>> -> memref<80xi32, #tpu.memory_space<vmem>>
      %dma_wait3A_149 = arith.constant 0 : i32
      %dma_wait3A_150 = arith.constant 0 : i32
      %dma_wait3A_151 = tpu.memref_slice %arg9[%dma_wait3A_149, %dma_wait3A_150] : memref<10000x16xf32, #tpu.memory_space<vmem_shared>> -> memref<10000x16xf32, #tpu.memory_space<vmem_shared>>
      tpu.wait_indirect_dma semaphore(%arg11 : memref<!tpu.dma_semaphore, #tpu.memory_space<semaphore_mem>>) src(%dma_wait3A_146 : memref<80x16xf32, #tpu.memory_space<vmem>>) dst(%dma_wait3A_151 : memref<10000x16xf32, #tpu.memory_space<vmem_shared>>)
    }
    %scan3A_118 = arith.constant 25 : i32
    %scan3A_119 = arith.constant 0 : i32
    %scan3A_120 = arith.constant 0 : i32
    %scan3A_121 = arith.constant 25 : i32
    %scan3A_122 = arith.addi %scan3A_120, %scan3A_121 : i32
    %scan3A_123 = arith.constant 1 : i32
    scf.for %scan3A_142 = %scan3A_120 to %scan3A_122 step %scan3A_123  : i32 {
      %mul3A_143 = arith.constant 80 : i32
      %mul3A_144 = arith.muli %scan3A_142, %mul3A_143 : i32
      %add3A_145 = arith.constant 8000 : i32
      %add3A_146 = arith.addi %add3A_145, %mul3A_144 : i32
      %mul3A_147 = arith.constant 80 : i32
      %mul3A_148 = arith.muli %scan3A_142, %mul3A_147 : i32
      %dma_start3A = arith.constant 0 : i32
      %dma_start3A_149 = arith.constant 0 : i32
      %dma_start3A_150 = tpu.memref_slice %arg8[%dma_start3A, %mul3A_148, %dma_start3A_149] : memref<2x2000x16xf32, #tpu.memory_space<vmem>> -> memref<1x80x16xf32, #tpu.memory_space<vmem>>
      %dma_start3A_151 = tpu.memref_squeeze %dma_start3A_150 : memref<1x80x16xf32, #tpu.memory_space<vmem>> -> memref<80x16xf32, #tpu.memory_space<vmem>>
      %dma_start3A_152 = tpu.memref_slice %arg7[%add3A_146] : memref<10000xi32, #tpu.memory_space<vmem>> -> memref<80xi32, #tpu.memory_space<vmem>>
      %dma_start3A_153 = arith.constant 0 : i32
      %dma_start3A_154 = arith.constant 0 : i32
      %dma_start3A_155 = tpu.memref_slice %arg9[%dma_start3A_153, %dma_start3A_154] : memref<10000x16xf32, #tpu.memory_space<vmem_shared>> -> memref<10000x16xf32, #tpu.memory_space<vmem_shared>>
      tpu.enqueue_indirect_dma source(%dma_start3A_151 : memref<80x16xf32, #tpu.memory_space<vmem>>) target(%dma_start3A_155 : memref<10000x16xf32, #tpu.memory_space<vmem_shared>>) offsets(%dma_start3A_152 : memref<80xi32, #tpu.memory_space<vmem>>) semaphore(%arg11 : memref<!tpu.dma_semaphore, #tpu.memory_space<semaphore_mem>>) {add = true}
    }
    %scan3A_124 = arith.constant 25 : i32
    %scan3A_125 = arith.constant 0 : i32
    %scan3A_126 = arith.constant 0 : i32
    %scan3A_127 = arith.constant 25 : i32
    %scan3A_128 = arith.addi %scan3A_126, %scan3A_127 : i32
    %scan3A_129 = arith.constant 1 : i32
    scf.for %scan3A_142 = %scan3A_126 to %scan3A_128 step %scan3A_129  : i32 {
      %dma_wait3A = arith.constant 0 : i32
      %dma_wait3A_143 = arith.constant 0 : i32
      %dma_wait3A_144 = arith.constant 0 : i32
      %dma_wait3A_145 = tpu.memref_slice %arg8[%dma_wait3A, %dma_wait3A_143, %dma_wait3A_144] : memref<2x2000x16xf32, #tpu.memory_space<vmem>> -> memref<1x80x16xf32, #tpu.memory_space<vmem>>
      %dma_wait3A_146 = tpu.memref_squeeze %dma_wait3A_145 : memref<1x80x16xf32, #tpu.memory_space<vmem>> -> memref<80x16xf32, #tpu.memory_space<vmem>>
      %dma_wait3A_147 = arith.constant 0 : i32
      %dma_wait3A_148 = tpu.memref_slice %arg7[%dma_wait3A_147] : memref<10000xi32, #tpu.memory_space<vmem>> -> memref<80xi32, #tpu.memory_space<vmem>>
      %dma_wait3A_149 = arith.constant 0 : i32
      %dma_wait3A_150 = arith.constant 0 : i32
      %dma_wait3A_151 = tpu.memref_slice %arg9[%dma_wait3A_149, %dma_wait3A_150] : memref<10000x16xf32, #tpu.memory_space<vmem_shared>> -> memref<10000x16xf32, #tpu.memory_space<vmem_shared>>
      tpu.wait_indirect_dma semaphore(%arg11 : memref<!tpu.dma_semaphore, #tpu.memory_space<semaphore_mem>>) src(%dma_wait3A_146 : memref<80x16xf32, #tpu.memory_space<vmem>>) dst(%dma_wait3A_151 : memref<10000x16xf32, #tpu.memory_space<vmem_shared>>)
    }
    %scan3A_130 = arith.constant 25 : i32
    %barrier3A_131 = arith.constant 0 : index
    tpu.barrier barrier_id(%barrier3A_131)
    %mul3A_132 = arith.constant 624 : i32
    %mul3A_133 = arith.muli %arg1, %mul3A_132 : i32
    %mul3A_134 = arith.constant 10000 : i32
    %mul3A_135 = arith.muli %arg0, %mul3A_134 : i32
    %add3A_136 = arith.addi %mul3A_135, %mul3A_133 : i32
    "tpu.region"() ({
      %run_scoped3A_142 = tpu.sem_alloc : memref<!tpu.dma_semaphore, #tpu.memory_space<semaphore_mem>>
      %dma_start3A = arith.constant 0 : i32
      %dma_start3A_143 = tpu.memref_slice %arg5[%add3A_136, %dma_start3A] : memref<20000x16xf32, #tpu.memory_space<hbm>> -> memref<624x16xf32, #tpu.memory_space<hbm>>
      %dma_start3A_144 = arith.constant 0 : i32
      %dma_start3A_145 = tpu.memref_slice %arg9[%mul3A_133, %dma_start3A_144] : memref<10000x16xf32, #tpu.memory_space<vmem_shared>> -> memref<624x16xf32, #tpu.memory_space<vmem_shared>>
      tpu.enqueue_dma source(%dma_start3A_145 : memref<624x16xf32, #tpu.memory_space<vmem_shared>>) target(%dma_start3A_143 : memref<624x16xf32, #tpu.memory_space<hbm>>) target_semaphore(%run_scoped3A_142 : memref<!tpu.dma_semaphore, #tpu.memory_space<semaphore_mem>>)
      %dma_wait3A = arith.constant 0 : i32
      %dma_wait3A_146 = tpu.memref_slice %arg5[%add3A_136, %dma_wait3A] : memref<20000x16xf32, #tpu.memory_space<hbm>> -> memref<624x16xf32, #tpu.memory_space<hbm>>
      %dma_wait3A_147 = arith.constant 0 : i32
      %dma_wait3A_148 = tpu.memref_slice %arg9[%mul3A_133, %dma_wait3A_147] : memref<10000x16xf32, #tpu.memory_space<vmem_shared>> -> memref<624x16xf32, #tpu.memory_space<vmem_shared>>
      tpu.wait_dma2 semaphore(%run_scoped3A_142 : memref<!tpu.dma_semaphore, #tpu.memory_space<semaphore_mem>>) src(%dma_wait3A_148 : memref<624x16xf32, #tpu.memory_space<vmem_shared>>) dst(%dma_wait3A_146 : memref<624x16xf32, #tpu.memory_space<hbm>>)
      tpu.yield
    }) : () -> ()
    %eq3A_137 = arith.constant 15 : i32
    %eq3A_138 = arith.cmpi eq, %arg1, %eq3A_137 : i32
    %convert_element_type3A_139 = arith.extui %eq3A_138 : i1 to i32
    %cond3A_140 = arith.constant 0 : i32
    %cond3A_141 = arith.cmpi ne, %convert_element_type3A_139, %cond3A_140 : i32
    scf.if %cond3A_141 {
      %mul3A_142 = arith.constant 10000 : i32
      %mul3A_143 = arith.muli %arg0, %mul3A_142 : i32
      %add3A_144 = arith.constant 9984 : i32
      %add3A_145 = arith.addi %mul3A_143, %add3A_144 : i32
      "tpu.region"() ({
        %run_scoped3A_146 = tpu.sem_alloc : memref<!tpu.dma_semaphore, #tpu.memory_space<semaphore_mem>>
        %dma_start3A = arith.constant 0 : i32
        %dma_start3A_147 = tpu.memref_slice %arg5[%add3A_145, %dma_start3A] : memref<20000x16xf32, #tpu.memory_space<hbm>> -> memref<16x16xf32, #tpu.memory_space<hbm>>
        %dma_start3A_148 = arith.constant 9984 : i32
        %dma_start3A_149 = arith.constant 0 : i32
        %dma_start3A_150 = tpu.memref_slice %arg9[%dma_start3A_148, %dma_start3A_149] : memref<10000x16xf32, #tpu.memory_space<vmem_shared>> -> memref<16x16xf32, #tpu.memory_space<vmem_shared>>
        tpu.enqueue_dma source(%dma_start3A_150 : memref<16x16xf32, #tpu.memory_space<vmem_shared>>) target(%dma_start3A_147 : memref<16x16xf32, #tpu.memory_space<hbm>>) target_semaphore(%run_scoped3A_146 : memref<!tpu.dma_semaphore, #tpu.memory_space<semaphore_mem>>)
        %dma_wait3A = arith.constant 0 : i32
        %dma_wait3A_151 = tpu.memref_slice %arg5[%add3A_145, %dma_wait3A] : memref<20000x16xf32, #tpu.memory_space<hbm>> -> memref<16x16xf32, #tpu.memory_space<hbm>>
        %dma_wait3A_152 = arith.constant 9984 : i32
        %dma_wait3A_153 = arith.constant 0 : i32
        %dma_wait3A_154 = tpu.memref_slice %arg9[%dma_wait3A_152, %dma_wait3A_153] : memref<10000x16xf32, #tpu.memory_space<vmem_shared>> -> memref<16x16xf32, #tpu.memory_space<vmem_shared>>
        tpu.wait_dma2 semaphore(%run_scoped3A_146 : memref<!tpu.dma_semaphore, #tpu.memory_space<semaphore_mem>>) src(%dma_wait3A_154 : memref<16x16xf32, #tpu.memory_space<vmem_shared>>) dst(%dma_wait3A_151 : memref<16x16xf32, #tpu.memory_space<hbm>>)
        tpu.yield
      }) : () -> ()
    } else {
    }
    return
  }
}

#map = affine_map<(d0, d1) -> (0, 0)>
module attributes {stable_mosaic.version = 14 : i64} {
  func.func @k(%arg0: i32, %arg1: i32, %arg2: memref<10000x16xf32, #tpu.memory_space<hbm>>, %arg3: memref<2x320000xi32, #tpu.memory_space<hbm>>, %arg4: memref<10000x16xf32, #tpu.memory_space<hbm>>, %arg5: memref<20000x16xf32, #tpu.memory_space<hbm>>, %arg6: memref<10000xi32, #tpu.memory_space<vmem>>, %arg7: memref<10000xi32, #tpu.memory_space<vmem>>, %arg8: memref<2x2000x16xf32, #tpu.memory_space<vmem>>, %arg9: memref<10000x16xf32, #tpu.memory_space<vmem_shared>>, %arg10: memref<!tpu.dma_semaphore, #tpu.memory_space<semaphore_mem>>, %arg11: memref<!tpu.dma_semaphore, #tpu.memory_space<semaphore_mem>>) attributes {dimension_semantics = [#tpu.dimension_semantics<core_parallel>, #tpu.dimension_semantics<subcore_parallel>], iteration_bounds = array<i64: 2, 16>, scalar_prefetch = 0 : i64, scratch_operands = 6 : i64, tpu.core_type = #tpu.core_type<sc_vector_subcore>, window_params = [{transform_indices = #map}, {transform_indices = #map}, {transform_indices = #map}, {transform_indices = #map}]} {
    %mul3A = arith.constant 16 : i32
    %mul3A_0 = arith.muli %arg0, %mul3A : i32
    %add3A = arith.addi %mul3A_0, %arg1 : i32
    %mul3A_1 = arith.constant 624 : i32
    %mul3A_2 = arith.muli %arg1, %mul3A_1 : i32
    %mul3A_3 = arith.constant 624 : i32
    %mul3A_4 = arith.muli %arg1, %mul3A_3 : i32
    "tpu.region"() ({
      %run_scoped3A_142 = tpu.sem_alloc : memref<!tpu.dma_semaphore, #tpu.memory_space<semaphore_mem>>
      %dma_start3A = arith.constant 0 : i32
      %dma_start3A_143 = tpu.memref_slice %arg9[%mul3A_4, %dma_start3A] : memref<10000x16xf32, #tpu.memory_space<vmem_shared>> -> memref<624x16xf32, #tpu.memory_space<vmem_shared>>
      %dma_start3A_144 = arith.constant 0 : i32
      %dma_start3A_145 = tpu.memref_slice %arg4[%mul3A_2, %dma_start3A_144] : memref<10000x16xf32, #tpu.memory_space<hbm>> -> memref<624x16xf32, #tpu.memory_space<hbm>>
      tpu.enqueue_dma source(%dma_start3A_145 : memref<624x16xf32, #tpu.memory_space<hbm>>) target(%dma_start3A_143 : memref<624x16xf32, #tpu.memory_space<vmem_shared>>) target_semaphore(%run_scoped3A_142 : memref<!tpu.dma_semaphore, #tpu.memory_space<semaphore_mem>>)
      %dma_wait3A = arith.constant 0 : i32
      %dma_wait3A_146 = tpu.memref_slice %arg9[%mul3A_4, %dma_wait3A] : memref<10000x16xf32, #tpu.memory_space<vmem_shared>> -> memref<624x16xf32, #tpu.memory_space<vmem_shared>>
      %dma_wait3A_147 = arith.constant 0 : i32
      %dma_wait3A_148 = tpu.memref_slice %arg4[%mul3A_2, %dma_wait3A_147] : memref<10000x16xf32, #tpu.memory_space<hbm>> -> memref<624x16xf32, #tpu.memory_space<hbm>>
      tpu.wait_dma2 semaphore(%run_scoped3A_142 : memref<!tpu.dma_semaphore, #tpu.memory_space<semaphore_mem>>) src(%dma_wait3A_148 : memref<624x16xf32, #tpu.memory_space<hbm>>) dst(%dma_wait3A_146 : memref<624x16xf32, #tpu.memory_space<vmem_shared>>)
      tpu.yield
    }) : () -> ()
    %eq3A = arith.constant 15 : i32
    %eq3A_5 = arith.cmpi eq, %arg1, %eq3A : i32
    %convert_element_type3A = arith.extui %eq3A_5 : i1 to i32
    %cond3A = arith.constant 0 : i32
    %cond3A_6 = arith.cmpi ne, %convert_element_type3A, %cond3A : i32
    scf.if %cond3A_6 {
      "tpu.region"() ({
        %run_scoped3A_142 = tpu.sem_alloc : memref<!tpu.dma_semaphore, #tpu.memory_space<semaphore_mem>>
        %dma_start3A = arith.constant 9984 : i32
        %dma_start3A_143 = arith.constant 0 : i32
        %dma_start3A_144 = tpu.memref_slice %arg9[%dma_start3A, %dma_start3A_143] : memref<10000x16xf32, #tpu.memory_space<vmem_shared>> -> memref<16x16xf32, #tpu.memory_space<vmem_shared>>
        %dma_start3A_145 = arith.constant 9984 : i32
        %dma_start3A_146 = arith.constant 0 : i32
        %dma_start3A_147 = tpu.memref_slice %arg4[%dma_start3A_145, %dma_start3A_146] : memref<10000x16xf32, #tpu.memory_space<hbm>> -> memref<16x16xf32, #tpu.memory_space<hbm>>
        tpu.enqueue_dma source(%dma_start3A_147 : memref<16x16xf32, #tpu.memory_space<hbm>>) target(%dma_start3A_144 : memref<16x16xf32, #tpu.memory_space<vmem_shared>>) target_semaphore(%run_scoped3A_142 : memref<!tpu.dma_semaphore, #tpu.memory_space<semaphore_mem>>)
        %dma_wait3A = arith.constant 9984 : i32
        %dma_wait3A_148 = arith.constant 0 : i32
        %dma_wait3A_149 = tpu.memref_slice %arg9[%dma_wait3A, %dma_wait3A_148] : memref<10000x16xf32, #tpu.memory_space<vmem_shared>> -> memref<16x16xf32, #tpu.memory_space<vmem_shared>>
        %dma_wait3A_150 = arith.constant 9984 : i32
        %dma_wait3A_151 = arith.constant 0 : i32
        %dma_wait3A_152 = tpu.memref_slice %arg4[%dma_wait3A_150, %dma_wait3A_151] : memref<10000x16xf32, #tpu.memory_space<hbm>> -> memref<16x16xf32, #tpu.memory_space<hbm>>
        tpu.wait_dma2 semaphore(%run_scoped3A_142 : memref<!tpu.dma_semaphore, #tpu.memory_space<semaphore_mem>>) src(%dma_wait3A_152 : memref<16x16xf32, #tpu.memory_space<hbm>>) dst(%dma_wait3A_149 : memref<16x16xf32, #tpu.memory_space<vmem_shared>>)
        tpu.yield
      }) : () -> ()
    } else {
    }
    %mul3A_7 = arith.constant 10000 : i32
    %mul3A_8 = arith.muli %add3A, %mul3A_7 : i32
    %run_scoped3A = arith.constant 0 : i32
    "tpu.region"() ({
      %run_scoped3A_142 = tpu.sem_alloc : memref<!tpu.dma_semaphore, #tpu.memory_space<semaphore_mem>>
      %dma_start3A = tpu.memref_slice %arg3[%run_scoped3A, %mul3A_8] : memref<2x320000xi32, #tpu.memory_space<hbm>> -> memref<1x10000xi32, #tpu.memory_space<hbm>>
      %dma_start3A_143 = tpu.memref_squeeze %dma_start3A : memref<1x10000xi32, #tpu.memory_space<hbm>> -> memref<10000xi32, #tpu.memory_space<hbm>>
      %dma_start3A_144 = tpu.memref_slice %arg3[%run_scoped3A, %mul3A_8] : memref<2x320000xi32, #tpu.memory_space<hbm>> -> memref<1x10000xi32, #tpu.memory_space<hbm>>
      %dma_start3A_145 = tpu.memref_squeeze %dma_start3A_144 : memref<1x10000xi32, #tpu.memory_space<hbm>> -> memref<10000xi32, #tpu.memory_space<hbm>>
      tpu.enqueue_dma source(%dma_start3A_145 : memref<10000xi32, #tpu.memory_space<hbm>>) target(%arg6 : memref<10000xi32, #tpu.memory_space<vmem>>) target_semaphore(%run_scoped3A_142 : memref<!tpu.dma_semaphore, #tpu.memory_space<semaphore_mem>>)
      %dma_wait3A = tpu.memref_slice %arg3[%run_scoped3A, %mul3A_8] : memref<2x320000xi32, #tpu.memory_space<hbm>> -> memref<1x10000xi32, #tpu.memory_space<hbm>>
      %dma_wait3A_146 = tpu.memref_squeeze %dma_wait3A : memref<1x10000xi32, #tpu.memory_space<hbm>> -> memref<10000xi32, #tpu.memory_space<hbm>>
      %dma_wait3A_147 = tpu.memref_slice %arg3[%run_scoped3A, %mul3A_8] : memref<2x320000xi32, #tpu.memory_space<hbm>> -> memref<1x10000xi32, #tpu.memory_space<hbm>>
      %dma_wait3A_148 = tpu.memref_squeeze %dma_wait3A_147 : memref<1x10000xi32, #tpu.memory_space<hbm>> -> memref<10000xi32, #tpu.memory_space<hbm>>
      tpu.wait_dma2 semaphore(%run_scoped3A_142 : memref<!tpu.dma_semaphore, #tpu.memory_space<semaphore_mem>>) src(%dma_wait3A_148 : memref<10000xi32, #tpu.memory_space<hbm>>) dst(%arg6 : memref<10000xi32, #tpu.memory_space<vmem>>)
      tpu.yield
    }) : () -> ()
    %mul3A_9 = arith.constant 10000 : i32
    %mul3A_10 = arith.muli %add3A, %mul3A_9 : i32
    %run_scoped3A_11 = arith.constant 1 : i32
    "tpu.region"() ({
      %run_scoped3A_142 = tpu.sem_alloc : memref<!tpu.dma_semaphore, #tpu.memory_space<semaphore_mem>>
      %dma_start3A = tpu.memref_slice %arg3[%run_scoped3A_11, %mul3A_10] : memref<2x320000xi32, #tpu.memory_space<hbm>> -> memref<1x10000xi32, #tpu.memory_space<hbm>>
      %dma_start3A_143 = tpu.memref_squeeze %dma_start3A : memref<1x10000xi32, #tpu.memory_space<hbm>> -> memref<10000xi32, #tpu.memory_space<hbm>>
      %dma_start3A_144 = tpu.memref_slice %arg3[%run_scoped3A_11, %mul3A_10] : memref<2x320000xi32, #tpu.memory_space<hbm>> -> memref<1x10000xi32, #tpu.memory_space<hbm>>
      %dma_start3A_145 = tpu.memref_squeeze %dma_start3A_144 : memref<1x10000xi32, #tpu.memory_space<hbm>> -> memref<10000xi32, #tpu.memory_space<hbm>>
      tpu.enqueue_dma source(%dma_start3A_145 : memref<10000xi32, #tpu.memory_space<hbm>>) target(%arg7 : memref<10000xi32, #tpu.memory_space<vmem>>) target_semaphore(%run_scoped3A_142 : memref<!tpu.dma_semaphore, #tpu.memory_space<semaphore_mem>>)
      %dma_wait3A = tpu.memref_slice %arg3[%run_scoped3A_11, %mul3A_10] : memref<2x320000xi32, #tpu.memory_space<hbm>> -> memref<1x10000xi32, #tpu.memory_space<hbm>>
      %dma_wait3A_146 = tpu.memref_squeeze %dma_wait3A : memref<1x10000xi32, #tpu.memory_space<hbm>> -> memref<10000xi32, #tpu.memory_space<hbm>>
      %dma_wait3A_147 = tpu.memref_slice %arg3[%run_scoped3A_11, %mul3A_10] : memref<2x320000xi32, #tpu.memory_space<hbm>> -> memref<1x10000xi32, #tpu.memory_space<hbm>>
      %dma_wait3A_148 = tpu.memref_squeeze %dma_wait3A_147 : memref<1x10000xi32, #tpu.memory_space<hbm>> -> memref<10000xi32, #tpu.memory_space<hbm>>
      tpu.wait_dma2 semaphore(%run_scoped3A_142 : memref<!tpu.dma_semaphore, #tpu.memory_space<semaphore_mem>>) src(%dma_wait3A_148 : memref<10000xi32, #tpu.memory_space<hbm>>) dst(%arg7 : memref<10000xi32, #tpu.memory_space<vmem>>)
      tpu.yield
    }) : () -> ()
    %barrier3A = arith.constant 0 : index
    tpu.barrier barrier_id(%barrier3A)
    %scan3A = arith.constant 0 : i32
    %scan3A_12 = arith.constant 0 : i32
    %scan3A_13 = arith.constant 25 : i32
    %scan3A_14 = arith.addi %scan3A_12, %scan3A_13 : i32
    %scan3A_15 = arith.constant 1 : i32
    scf.for %scan3A_142 = %scan3A_12 to %scan3A_14 step %scan3A_15  : i32 {
      %mul3A_143 = arith.constant 80 : i32
      %mul3A_144 = arith.muli %scan3A_142, %mul3A_143 : i32
      %add3A_145 = arith.constant 0 : i32
      %add3A_146 = arith.addi %add3A_145, %mul3A_144 : i32
      %mul3A_147 = arith.constant 80 : i32
      %mul3A_148 = arith.muli %scan3A_142, %mul3A_147 : i32
      %dma_start3A = arith.constant 0 : i32
      %dma_start3A_149 = arith.constant 0 : i32
      %dma_start3A_150 = tpu.memref_slice %arg8[%dma_start3A, %mul3A_148, %dma_start3A_149] : memref<2x2000x16xf32, #tpu.memory_space<vmem>> -> memref<1x80x16xf32, #tpu.memory_space<vmem>>
      %dma_start3A_151 = tpu.memref_squeeze %dma_start3A_150 : memref<1x80x16xf32, #tpu.memory_space<vmem>> -> memref<80x16xf32, #tpu.memory_space<vmem>>
      %dma_start3A_152 = tpu.memref_slice %arg6[%add3A_146] : memref<10000xi32, #tpu.memory_space<vmem>> -> memref<80xi32, #tpu.memory_space<vmem>>
      %dma_start3A_153 = arith.constant 0 : i32
      %dma_start3A_154 = arith.constant 0 : i32
      %dma_start3A_155 = tpu.memref_slice %arg2[%dma_start3A_153, %dma_start3A_154] : memref<10000x16xf32, #tpu.memory_space<hbm>> -> memref<10000x16xf32, #tpu.memory_space<hbm>>
      tpu.enqueue_indirect_dma source(%dma_start3A_155 : memref<10000x16xf32, #tpu.memory_space<hbm>>) target(%dma_start3A_151 : memref<80x16xf32, #tpu.memory_space<vmem>>) offsets(%dma_start3A_152 : memref<80xi32, #tpu.memory_space<vmem>>) semaphore(%arg10 : memref<!tpu.dma_semaphore, #tpu.memory_space<semaphore_mem>>)
    }
    %scan3A_16 = arith.constant 25 : i32
    %scan3A_17 = arith.constant 0 : i32
    %scan3A_18 = arith.constant 0 : i32
    %scan3A_19 = arith.constant 25 : i32
    %scan3A_20 = arith.addi %scan3A_18, %scan3A_19 : i32
    %scan3A_21 = arith.constant 1 : i32
    scf.for %scan3A_142 = %scan3A_18 to %scan3A_20 step %scan3A_21  : i32 {
      %dma_wait3A = arith.constant 0 : i32
      %dma_wait3A_143 = arith.constant 0 : i32
      %dma_wait3A_144 = arith.constant 0 : i32
      %dma_wait3A_145 = tpu.memref_slice %arg8[%dma_wait3A, %dma_wait3A_143, %dma_wait3A_144] : memref<2x2000x16xf32, #tpu.memory_space<vmem>> -> memref<1x80x16xf32, #tpu.memory_space<vmem>>
      %dma_wait3A_146 = tpu.memref_squeeze %dma_wait3A_145 : memref<1x80x16xf32, #tpu.memory_space<vmem>> -> memref<80x16xf32, #tpu.memory_space<vmem>>
      %dma_wait3A_147 = arith.constant 0 : i32
      %dma_wait3A_148 = tpu.memref_slice %arg6[%dma_wait3A_147] : memref<10000xi32, #tpu.memory_space<vmem>> -> memref<80xi32, #tpu.memory_space<vmem>>
      %dma_wait3A_149 = arith.constant 0 : i32
      %dma_wait3A_150 = arith.constant 0 : i32
      %dma_wait3A_151 = tpu.memref_slice %arg2[%dma_wait3A_149, %dma_wait3A_150] : memref<10000x16xf32, #tpu.memory_space<hbm>> -> memref<10000x16xf32, #tpu.memory_space<hbm>>
      tpu.wait_indirect_dma semaphore(%arg10 : memref<!tpu.dma_semaphore, #tpu.memory_space<semaphore_mem>>) src(%dma_wait3A_151 : memref<10000x16xf32, #tpu.memory_space<hbm>>) dst(%dma_wait3A_146 : memref<80x16xf32, #tpu.memory_space<vmem>>)
    }
    %scan3A_22 = arith.constant 25 : i32
    %scan3A_23 = arith.constant 0 : i32
    %scan3A_24 = arith.constant 0 : i32
    %scan3A_25 = arith.constant 25 : i32
    %scan3A_26 = arith.addi %scan3A_24, %scan3A_25 : i32
    %scan3A_27 = arith.constant 1 : i32
    scf.for %scan3A_142 = %scan3A_24 to %scan3A_26 step %scan3A_27  : i32 {
      %mul3A_143 = arith.constant 80 : i32
      %mul3A_144 = arith.muli %scan3A_142, %mul3A_143 : i32
      %add3A_145 = arith.constant 2000 : i32
      %add3A_146 = arith.addi %add3A_145, %mul3A_144 : i32
      %mul3A_147 = arith.constant 80 : i32
      %mul3A_148 = arith.muli %scan3A_142, %mul3A_147 : i32
      %dma_start3A = arith.constant 1 : i32
      %dma_start3A_149 = arith.constant 0 : i32
      %dma_start3A_150 = tpu.memref_slice %arg8[%dma_start3A, %mul3A_148, %dma_start3A_149] : memref<2x2000x16xf32, #tpu.memory_space<vmem>> -> memref<1x80x16xf32, #tpu.memory_space<vmem>>
      %dma_start3A_151 = tpu.memref_squeeze %dma_start3A_150 : memref<1x80x16xf32, #tpu.memory_space<vmem>> -> memref<80x16xf32, #tpu.memory_space<vmem>>
      %dma_start3A_152 = tpu.memref_slice %arg6[%add3A_146] : memref<10000xi32, #tpu.memory_space<vmem>> -> memref<80xi32, #tpu.memory_space<vmem>>
      %dma_start3A_153 = arith.constant 0 : i32
      %dma_start3A_154 = arith.constant 0 : i32
      %dma_start3A_155 = tpu.memref_slice %arg2[%dma_start3A_153, %dma_start3A_154] : memref<10000x16xf32, #tpu.memory_space<hbm>> -> memref<10000x16xf32, #tpu.memory_space<hbm>>
      tpu.enqueue_indirect_dma source(%dma_start3A_155 : memref<10000x16xf32, #tpu.memory_space<hbm>>) target(%dma_start3A_151 : memref<80x16xf32, #tpu.memory_space<vmem>>) offsets(%dma_start3A_152 : memref<80xi32, #tpu.memory_space<vmem>>) semaphore(%arg10 : memref<!tpu.dma_semaphore, #tpu.memory_space<semaphore_mem>>)
    }
    %scan3A_28 = arith.constant 25 : i32
    %scan3A_29 = arith.constant 0 : i32
    %scan3A_30 = arith.constant 0 : i32
    %scan3A_31 = arith.constant 25 : i32
    %scan3A_32 = arith.addi %scan3A_30, %scan3A_31 : i32
    %scan3A_33 = arith.constant 1 : i32
    scf.for %scan3A_142 = %scan3A_30 to %scan3A_32 step %scan3A_33  : i32 {
      %mul3A_143 = arith.constant 80 : i32
      %mul3A_144 = arith.muli %scan3A_142, %mul3A_143 : i32
      %add3A_145 = arith.constant 0 : i32
      %add3A_146 = arith.addi %add3A_145, %mul3A_144 : i32
      %mul3A_147 = arith.constant 80 : i32
      %mul3A_148 = arith.muli %scan3A_142, %mul3A_147 : i32
      %dma_start3A = arith.constant 0 : i32
      %dma_start3A_149 = arith.constant 0 : i32
      %dma_start3A_150 = tpu.memref_slice %arg8[%dma_start3A, %mul3A_148, %dma_start3A_149] : memref<2x2000x16xf32, #tpu.memory_space<vmem>> -> memref<1x80x16xf32, #tpu.memory_space<vmem>>
      %dma_start3A_151 = tpu.memref_squeeze %dma_start3A_150 : memref<1x80x16xf32, #tpu.memory_space<vmem>> -> memref<80x16xf32, #tpu.memory_space<vmem>>
      %dma_start3A_152 = tpu.memref_slice %arg7[%add3A_146] : memref<10000xi32, #tpu.memory_space<vmem>> -> memref<80xi32, #tpu.memory_space<vmem>>
      %dma_start3A_153 = arith.constant 0 : i32
      %dma_start3A_154 = arith.constant 0 : i32
      %dma_start3A_155 = tpu.memref_slice %arg9[%dma_start3A_153, %dma_start3A_154] : memref<10000x16xf32, #tpu.memory_space<vmem_shared>> -> memref<10000x16xf32, #tpu.memory_space<vmem_shared>>
      tpu.enqueue_indirect_dma source(%dma_start3A_151 : memref<80x16xf32, #tpu.memory_space<vmem>>) target(%dma_start3A_155 : memref<10000x16xf32, #tpu.memory_space<vmem_shared>>) offsets(%dma_start3A_152 : memref<80xi32, #tpu.memory_space<vmem>>) semaphore(%arg11 : memref<!tpu.dma_semaphore, #tpu.memory_space<semaphore_mem>>) {add = true}
    }
    %scan3A_34 = arith.constant 25 : i32
    %scan3A_35 = arith.constant 0 : i32
    %scan3A_36 = arith.constant 0 : i32
    %scan3A_37 = arith.constant 25 : i32
    %scan3A_38 = arith.addi %scan3A_36, %scan3A_37 : i32
    %scan3A_39 = arith.constant 1 : i32
    scf.for %scan3A_142 = %scan3A_36 to %scan3A_38 step %scan3A_39  : i32 {
      %dma_wait3A = arith.constant 0 : i32
      %dma_wait3A_143 = arith.constant 0 : i32
      %dma_wait3A_144 = arith.constant 0 : i32
      %dma_wait3A_145 = tpu.memref_slice %arg8[%dma_wait3A, %dma_wait3A_143, %dma_wait3A_144] : memref<2x2000x16xf32, #tpu.memory_space<vmem>> -> memref<1x80x16xf32, #tpu.memory_space<vmem>>
      %dma_wait3A_146 = tpu.memref_squeeze %dma_wait3A_145 : memref<1x80x16xf32, #tpu.memory_space<vmem>> -> memref<80x16xf32, #tpu.memory_space<vmem>>
      %dma_wait3A_147 = arith.constant 0 : i32
      %dma_wait3A_148 = tpu.memref_slice %arg6[%dma_wait3A_147] : memref<10000xi32, #tpu.memory_space<vmem>> -> memref<80xi32, #tpu.memory_space<vmem>>
      %dma_wait3A_149 = arith.constant 0 : i32
      %dma_wait3A_150 = arith.constant 0 : i32
      %dma_wait3A_151 = tpu.memref_slice %arg2[%dma_wait3A_149, %dma_wait3A_150] : memref<10000x16xf32, #tpu.memory_space<hbm>> -> memref<10000x16xf32, #tpu.memory_space<hbm>>
      tpu.wait_indirect_dma semaphore(%arg10 : memref<!tpu.dma_semaphore, #tpu.memory_space<semaphore_mem>>) src(%dma_wait3A_151 : memref<10000x16xf32, #tpu.memory_space<hbm>>) dst(%dma_wait3A_146 : memref<80x16xf32, #tpu.memory_space<vmem>>)
    }
    %scan3A_40 = arith.constant 25 : i32
    %scan3A_41 = arith.constant 0 : i32
    %scan3A_42 = arith.constant 0 : i32
    %scan3A_43 = arith.constant 25 : i32
    %scan3A_44 = arith.addi %scan3A_42, %scan3A_43 : i32
    %scan3A_45 = arith.constant 1 : i32
    scf.for %scan3A_142 = %scan3A_42 to %scan3A_44 step %scan3A_45  : i32 {
      %dma_wait3A = arith.constant 0 : i32
      %dma_wait3A_143 = arith.constant 0 : i32
      %dma_wait3A_144 = arith.constant 0 : i32
      %dma_wait3A_145 = tpu.memref_slice %arg8[%dma_wait3A, %dma_wait3A_143, %dma_wait3A_144] : memref<2x2000x16xf32, #tpu.memory_space<vmem>> -> memref<1x80x16xf32, #tpu.memory_space<vmem>>
      %dma_wait3A_146 = tpu.memref_squeeze %dma_wait3A_145 : memref<1x80x16xf32, #tpu.memory_space<vmem>> -> memref<80x16xf32, #tpu.memory_space<vmem>>
      %dma_wait3A_147 = arith.constant 0 : i32
      %dma_wait3A_148 = tpu.memref_slice %arg7[%dma_wait3A_147] : memref<10000xi32, #tpu.memory_space<vmem>> -> memref<80xi32, #tpu.memory_space<vmem>>
      %dma_wait3A_149 = arith.constant 0 : i32
      %dma_wait3A_150 = arith.constant 0 : i32
      %dma_wait3A_151 = tpu.memref_slice %arg9[%dma_wait3A_149, %dma_wait3A_150] : memref<10000x16xf32, #tpu.memory_space<vmem_shared>> -> memref<10000x16xf32, #tpu.memory_space<vmem_shared>>
      tpu.wait_indirect_dma semaphore(%arg11 : memref<!tpu.dma_semaphore, #tpu.memory_space<semaphore_mem>>) src(%dma_wait3A_146 : memref<80x16xf32, #tpu.memory_space<vmem>>) dst(%dma_wait3A_151 : memref<10000x16xf32, #tpu.memory_space<vmem_shared>>)
    }
    %scan3A_46 = arith.constant 25 : i32
    %scan3A_47 = arith.constant 0 : i32
    %scan3A_48 = arith.constant 0 : i32
    %scan3A_49 = arith.constant 25 : i32
    %scan3A_50 = arith.addi %scan3A_48, %scan3A_49 : i32
    %scan3A_51 = arith.constant 1 : i32
    scf.for %scan3A_142 = %scan3A_48 to %scan3A_50 step %scan3A_51  : i32 {
      %mul3A_143 = arith.constant 80 : i32
      %mul3A_144 = arith.muli %scan3A_142, %mul3A_143 : i32
      %add3A_145 = arith.constant 4000 : i32
      %add3A_146 = arith.addi %add3A_145, %mul3A_144 : i32
      %mul3A_147 = arith.constant 80 : i32
      %mul3A_148 = arith.muli %scan3A_142, %mul3A_147 : i32
      %dma_start3A = arith.constant 0 : i32
      %dma_start3A_149 = arith.constant 0 : i32
      %dma_start3A_150 = tpu.memref_slice %arg8[%dma_start3A, %mul3A_148, %dma_start3A_149] : memref<2x2000x16xf32, #tpu.memory_space<vmem>> -> memref<1x80x16xf32, #tpu.memory_space<vmem>>
      %dma_start3A_151 = tpu.memref_squeeze %dma_start3A_150 : memref<1x80x16xf32, #tpu.memory_space<vmem>> -> memref<80x16xf32, #tpu.memory_space<vmem>>
      %dma_start3A_152 = tpu.memref_slice %arg6[%add3A_146] : memref<10000xi32, #tpu.memory_space<vmem>> -> memref<80xi32, #tpu.memory_space<vmem>>
      %dma_start3A_153 = arith.constant 0 : i32
      %dma_start3A_154 = arith.constant 0 : i32
      %dma_start3A_155 = tpu.memref_slice %arg2[%dma_start3A_153, %dma_start3A_154] : memref<10000x16xf32, #tpu.memory_space<hbm>> -> memref<10000x16xf32, #tpu.memory_space<hbm>>
      tpu.enqueue_indirect_dma source(%dma_start3A_155 : memref<10000x16xf32, #tpu.memory_space<hbm>>) target(%dma_start3A_151 : memref<80x16xf32, #tpu.memory_space<vmem>>) offsets(%dma_start3A_152 : memref<80xi32, #tpu.memory_space<vmem>>) semaphore(%arg10 : memref<!tpu.dma_semaphore, #tpu.memory_space<semaphore_mem>>)
    }
    %scan3A_52 = arith.constant 25 : i32
    %scan3A_53 = arith.constant 0 : i32
    %scan3A_54 = arith.constant 0 : i32
    %scan3A_55 = arith.constant 25 : i32
    %scan3A_56 = arith.addi %scan3A_54, %scan3A_55 : i32
    %scan3A_57 = arith.constant 1 : i32
    scf.for %scan3A_142 = %scan3A_54 to %scan3A_56 step %scan3A_57  : i32 {
      %mul3A_143 = arith.constant 80 : i32
      %mul3A_144 = arith.muli %scan3A_142, %mul3A_143 : i32
      %add3A_145 = arith.constant 2000 : i32
      %add3A_146 = arith.addi %add3A_145, %mul3A_144 : i32
      %mul3A_147 = arith.constant 80 : i32
      %mul3A_148 = arith.muli %scan3A_142, %mul3A_147 : i32
      %dma_start3A = arith.constant 1 : i32
      %dma_start3A_149 = arith.constant 0 : i32
      %dma_start3A_150 = tpu.memref_slice %arg8[%dma_start3A, %mul3A_148, %dma_start3A_149] : memref<2x2000x16xf32, #tpu.memory_space<vmem>> -> memref<1x80x16xf32, #tpu.memory_space<vmem>>
      %dma_start3A_151 = tpu.memref_squeeze %dma_start3A_150 : memref<1x80x16xf32, #tpu.memory_space<vmem>> -> memref<80x16xf32, #tpu.memory_space<vmem>>
      %dma_start3A_152 = tpu.memref_slice %arg7[%add3A_146] : memref<10000xi32, #tpu.memory_space<vmem>> -> memref<80xi32, #tpu.memory_space<vmem>>
      %dma_start3A_153 = arith.constant 0 : i32
      %dma_start3A_154 = arith.constant 0 : i32
      %dma_start3A_155 = tpu.memref_slice %arg9[%dma_start3A_153, %dma_start3A_154] : memref<10000x16xf32, #tpu.memory_space<vmem_shared>> -> memref<10000x16xf32, #tpu.memory_space<vmem_shared>>
      tpu.enqueue_indirect_dma source(%dma_start3A_151 : memref<80x16xf32, #tpu.memory_space<vmem>>) target(%dma_start3A_155 : memref<10000x16xf32, #tpu.memory_space<vmem_shared>>) offsets(%dma_start3A_152 : memref<80xi32, #tpu.memory_space<vmem>>) semaphore(%arg11 : memref<!tpu.dma_semaphore, #tpu.memory_space<semaphore_mem>>) {add = true}
    }
    %scan3A_58 = arith.constant 25 : i32
    %scan3A_59 = arith.constant 0 : i32
    %scan3A_60 = arith.constant 0 : i32
    %scan3A_61 = arith.constant 25 : i32
    %scan3A_62 = arith.addi %scan3A_60, %scan3A_61 : i32
    %scan3A_63 = arith.constant 1 : i32
    scf.for %scan3A_142 = %scan3A_60 to %scan3A_62 step %scan3A_63  : i32 {
      %dma_wait3A = arith.constant 0 : i32
      %dma_wait3A_143 = arith.constant 0 : i32
      %dma_wait3A_144 = arith.constant 0 : i32
      %dma_wait3A_145 = tpu.memref_slice %arg8[%dma_wait3A, %dma_wait3A_143, %dma_wait3A_144] : memref<2x2000x16xf32, #tpu.memory_space<vmem>> -> memref<1x80x16xf32, #tpu.memory_space<vmem>>
      %dma_wait3A_146 = tpu.memref_squeeze %dma_wait3A_145 : memref<1x80x16xf32, #tpu.memory_space<vmem>> -> memref<80x16xf32, #tpu.memory_space<vmem>>
      %dma_wait3A_147 = arith.constant 0 : i32
      %dma_wait3A_148 = tpu.memref_slice %arg6[%dma_wait3A_147] : memref<10000xi32, #tpu.memory_space<vmem>> -> memref<80xi32, #tpu.memory_space<vmem>>
      %dma_wait3A_149 = arith.constant 0 : i32
      %dma_wait3A_150 = arith.constant 0 : i32
      %dma_wait3A_151 = tpu.memref_slice %arg2[%dma_wait3A_149, %dma_wait3A_150] : memref<10000x16xf32, #tpu.memory_space<hbm>> -> memref<10000x16xf32, #tpu.memory_space<hbm>>
      tpu.wait_indirect_dma semaphore(%arg10 : memref<!tpu.dma_semaphore, #tpu.memory_space<semaphore_mem>>) src(%dma_wait3A_151 : memref<10000x16xf32, #tpu.memory_space<hbm>>) dst(%dma_wait3A_146 : memref<80x16xf32, #tpu.memory_space<vmem>>)
    }
    %scan3A_64 = arith.constant 25 : i32
    %scan3A_65 = arith.constant 0 : i32
    %scan3A_66 = arith.constant 0 : i32
    %scan3A_67 = arith.constant 25 : i32
    %scan3A_68 = arith.addi %scan3A_66, %scan3A_67 : i32
    %scan3A_69 = arith.constant 1 : i32
    scf.for %scan3A_142 = %scan3A_66 to %scan3A_68 step %scan3A_69  : i32 {
      %dma_wait3A = arith.constant 0 : i32
      %dma_wait3A_143 = arith.constant 0 : i32
      %dma_wait3A_144 = arith.constant 0 : i32
      %dma_wait3A_145 = tpu.memref_slice %arg8[%dma_wait3A, %dma_wait3A_143, %dma_wait3A_144] : memref<2x2000x16xf32, #tpu.memory_space<vmem>> -> memref<1x80x16xf32, #tpu.memory_space<vmem>>
      %dma_wait3A_146 = tpu.memref_squeeze %dma_wait3A_145 : memref<1x80x16xf32, #tpu.memory_space<vmem>> -> memref<80x16xf32, #tpu.memory_space<vmem>>
      %dma_wait3A_147 = arith.constant 0 : i32
      %dma_wait3A_148 = tpu.memref_slice %arg7[%dma_wait3A_147] : memref<10000xi32, #tpu.memory_space<vmem>> -> memref<80xi32, #tpu.memory_space<vmem>>
      %dma_wait3A_149 = arith.constant 0 : i32
      %dma_wait3A_150 = arith.constant 0 : i32
      %dma_wait3A_151 = tpu.memref_slice %arg9[%dma_wait3A_149, %dma_wait3A_150] : memref<10000x16xf32, #tpu.memory_space<vmem_shared>> -> memref<10000x16xf32, #tpu.memory_space<vmem_shared>>
      tpu.wait_indirect_dma semaphore(%arg11 : memref<!tpu.dma_semaphore, #tpu.memory_space<semaphore_mem>>) src(%dma_wait3A_146 : memref<80x16xf32, #tpu.memory_space<vmem>>) dst(%dma_wait3A_151 : memref<10000x16xf32, #tpu.memory_space<vmem_shared>>)
    }
    %scan3A_70 = arith.constant 25 : i32
    %scan3A_71 = arith.constant 0 : i32
    %scan3A_72 = arith.constant 0 : i32
    %scan3A_73 = arith.constant 25 : i32
    %scan3A_74 = arith.addi %scan3A_72, %scan3A_73 : i32
    %scan3A_75 = arith.constant 1 : i32
    scf.for %scan3A_142 = %scan3A_72 to %scan3A_74 step %scan3A_75  : i32 {
      %mul3A_143 = arith.constant 80 : i32
      %mul3A_144 = arith.muli %scan3A_142, %mul3A_143 : i32
      %add3A_145 = arith.constant 6000 : i32
      %add3A_146 = arith.addi %add3A_145, %mul3A_144 : i32
      %mul3A_147 = arith.constant 80 : i32
      %mul3A_148 = arith.muli %scan3A_142, %mul3A_147 : i32
      %dma_start3A = arith.constant 1 : i32
      %dma_start3A_149 = arith.constant 0 : i32
      %dma_start3A_150 = tpu.memref_slice %arg8[%dma_start3A, %mul3A_148, %dma_start3A_149] : memref<2x2000x16xf32, #tpu.memory_space<vmem>> -> memref<1x80x16xf32, #tpu.memory_space<vmem>>
      %dma_start3A_151 = tpu.memref_squeeze %dma_start3A_150 : memref<1x80x16xf32, #tpu.memory_space<vmem>> -> memref<80x16xf32, #tpu.memory_space<vmem>>
      %dma_start3A_152 = tpu.memref_slice %arg6[%add3A_146] : memref<10000xi32, #tpu.memory_space<vmem>> -> memref<80xi32, #tpu.memory_space<vmem>>
      %dma_start3A_153 = arith.constant 0 : i32
      %dma_start3A_154 = arith.constant 0 : i32
      %dma_start3A_155 = tpu.memref_slice %arg2[%dma_start3A_153, %dma_start3A_154] : memref<10000x16xf32, #tpu.memory_space<hbm>> -> memref<10000x16xf32, #tpu.memory_space<hbm>>
      tpu.enqueue_indirect_dma source(%dma_start3A_155 : memref<10000x16xf32, #tpu.memory_space<hbm>>) target(%dma_start3A_151 : memref<80x16xf32, #tpu.memory_space<vmem>>) offsets(%dma_start3A_152 : memref<80xi32, #tpu.memory_space<vmem>>) semaphore(%arg10 : memref<!tpu.dma_semaphore, #tpu.memory_space<semaphore_mem>>)
    }
    %scan3A_76 = arith.constant 25 : i32
    %scan3A_77 = arith.constant 0 : i32
    %scan3A_78 = arith.constant 0 : i32
    %scan3A_79 = arith.constant 25 : i32
    %scan3A_80 = arith.addi %scan3A_78, %scan3A_79 : i32
    %scan3A_81 = arith.constant 1 : i32
    scf.for %scan3A_142 = %scan3A_78 to %scan3A_80 step %scan3A_81  : i32 {
      %mul3A_143 = arith.constant 80 : i32
      %mul3A_144 = arith.muli %scan3A_142, %mul3A_143 : i32
      %add3A_145 = arith.constant 4000 : i32
      %add3A_146 = arith.addi %add3A_145, %mul3A_144 : i32
      %mul3A_147 = arith.constant 80 : i32
      %mul3A_148 = arith.muli %scan3A_142, %mul3A_147 : i32
      %dma_start3A = arith.constant 0 : i32
      %dma_start3A_149 = arith.constant 0 : i32
      %dma_start3A_150 = tpu.memref_slice %arg8[%dma_start3A, %mul3A_148, %dma_start3A_149] : memref<2x2000x16xf32, #tpu.memory_space<vmem>> -> memref<1x80x16xf32, #tpu.memory_space<vmem>>
      %dma_start3A_151 = tpu.memref_squeeze %dma_start3A_150 : memref<1x80x16xf32, #tpu.memory_space<vmem>> -> memref<80x16xf32, #tpu.memory_space<vmem>>
      %dma_start3A_152 = tpu.memref_slice %arg7[%add3A_146] : memref<10000xi32, #tpu.memory_space<vmem>> -> memref<80xi32, #tpu.memory_space<vmem>>
      %dma_start3A_153 = arith.constant 0 : i32
      %dma_start3A_154 = arith.constant 0 : i32
      %dma_start3A_155 = tpu.memref_slice %arg9[%dma_start3A_153, %dma_start3A_154] : memref<10000x16xf32, #tpu.memory_space<vmem_shared>> -> memref<10000x16xf32, #tpu.memory_space<vmem_shared>>
      tpu.enqueue_indirect_dma source(%dma_start3A_151 : memref<80x16xf32, #tpu.memory_space<vmem>>) target(%dma_start3A_155 : memref<10000x16xf32, #tpu.memory_space<vmem_shared>>) offsets(%dma_start3A_152 : memref<80xi32, #tpu.memory_space<vmem>>) semaphore(%arg11 : memref<!tpu.dma_semaphore, #tpu.memory_space<semaphore_mem>>) {add = true}
    }
    %scan3A_82 = arith.constant 25 : i32
    %scan3A_83 = arith.constant 0 : i32
    %scan3A_84 = arith.constant 0 : i32
    %scan3A_85 = arith.constant 25 : i32
    %scan3A_86 = arith.addi %scan3A_84, %scan3A_85 : i32
    %scan3A_87 = arith.constant 1 : i32
    scf.for %scan3A_142 = %scan3A_84 to %scan3A_86 step %scan3A_87  : i32 {
      %dma_wait3A = arith.constant 0 : i32
      %dma_wait3A_143 = arith.constant 0 : i32
      %dma_wait3A_144 = arith.constant 0 : i32
      %dma_wait3A_145 = tpu.memref_slice %arg8[%dma_wait3A, %dma_wait3A_143, %dma_wait3A_144] : memref<2x2000x16xf32, #tpu.memory_space<vmem>> -> memref<1x80x16xf32, #tpu.memory_space<vmem>>
      %dma_wait3A_146 = tpu.memref_squeeze %dma_wait3A_145 : memref<1x80x16xf32, #tpu.memory_space<vmem>> -> memref<80x16xf32, #tpu.memory_space<vmem>>
      %dma_wait3A_147 = arith.constant 0 : i32
      %dma_wait3A_148 = tpu.memref_slice %arg6[%dma_wait3A_147] : memref<10000xi32, #tpu.memory_space<vmem>> -> memref<80xi32, #tpu.memory_space<vmem>>
      %dma_wait3A_149 = arith.constant 0 : i32
      %dma_wait3A_150 = arith.constant 0 : i32
      %dma_wait3A_151 = tpu.memref_slice %arg2[%dma_wait3A_149, %dma_wait3A_150] : memref<10000x16xf32, #tpu.memory_space<hbm>> -> memref<10000x16xf32, #tpu.memory_space<hbm>>
      tpu.wait_indirect_dma semaphore(%arg10 : memref<!tpu.dma_semaphore, #tpu.memory_space<semaphore_mem>>) src(%dma_wait3A_151 : memref<10000x16xf32, #tpu.memory_space<hbm>>) dst(%dma_wait3A_146 : memref<80x16xf32, #tpu.memory_space<vmem>>)
    }
    %scan3A_88 = arith.constant 25 : i32
    %scan3A_89 = arith.constant 0 : i32
    %scan3A_90 = arith.constant 0 : i32
    %scan3A_91 = arith.constant 25 : i32
    %scan3A_92 = arith.addi %scan3A_90, %scan3A_91 : i32
    %scan3A_93 = arith.constant 1 : i32
    scf.for %scan3A_142 = %scan3A_90 to %scan3A_92 step %scan3A_93  : i32 {
      %dma_wait3A = arith.constant 0 : i32
      %dma_wait3A_143 = arith.constant 0 : i32
      %dma_wait3A_144 = arith.constant 0 : i32
      %dma_wait3A_145 = tpu.memref_slice %arg8[%dma_wait3A, %dma_wait3A_143, %dma_wait3A_144] : memref<2x2000x16xf32, #tpu.memory_space<vmem>> -> memref<1x80x16xf32, #tpu.memory_space<vmem>>
      %dma_wait3A_146 = tpu.memref_squeeze %dma_wait3A_145 : memref<1x80x16xf32, #tpu.memory_space<vmem>> -> memref<80x16xf32, #tpu.memory_space<vmem>>
      %dma_wait3A_147 = arith.constant 0 : i32
      %dma_wait3A_148 = tpu.memref_slice %arg7[%dma_wait3A_147] : memref<10000xi32, #tpu.memory_space<vmem>> -> memref<80xi32, #tpu.memory_space<vmem>>
      %dma_wait3A_149 = arith.constant 0 : i32
      %dma_wait3A_150 = arith.constant 0 : i32
      %dma_wait3A_151 = tpu.memref_slice %arg9[%dma_wait3A_149, %dma_wait3A_150] : memref<10000x16xf32, #tpu.memory_space<vmem_shared>> -> memref<10000x16xf32, #tpu.memory_space<vmem_shared>>
      tpu.wait_indirect_dma semaphore(%arg11 : memref<!tpu.dma_semaphore, #tpu.memory_space<semaphore_mem>>) src(%dma_wait3A_146 : memref<80x16xf32, #tpu.memory_space<vmem>>) dst(%dma_wait3A_151 : memref<10000x16xf32, #tpu.memory_space<vmem_shared>>)
    }
    %scan3A_94 = arith.constant 25 : i32
    %scan3A_95 = arith.constant 0 : i32
    %scan3A_96 = arith.constant 0 : i32
    %scan3A_97 = arith.constant 25 : i32
    %scan3A_98 = arith.addi %scan3A_96, %scan3A_97 : i32
    %scan3A_99 = arith.constant 1 : i32
    scf.for %scan3A_142 = %scan3A_96 to %scan3A_98 step %scan3A_99  : i32 {
      %mul3A_143 = arith.constant 80 : i32
      %mul3A_144 = arith.muli %scan3A_142, %mul3A_143 : i32
      %add3A_145 = arith.constant 8000 : i32
      %add3A_146 = arith.addi %add3A_145, %mul3A_144 : i32
      %mul3A_147 = arith.constant 80 : i32
      %mul3A_148 = arith.muli %scan3A_142, %mul3A_147 : i32
      %dma_start3A = arith.constant 0 : i32
      %dma_start3A_149 = arith.constant 0 : i32
      %dma_start3A_150 = tpu.memref_slice %arg8[%dma_start3A, %mul3A_148, %dma_start3A_149] : memref<2x2000x16xf32, #tpu.memory_space<vmem>> -> memref<1x80x16xf32, #tpu.memory_space<vmem>>
      %dma_start3A_151 = tpu.memref_squeeze %dma_start3A_150 : memref<1x80x16xf32, #tpu.memory_space<vmem>> -> memref<80x16xf32, #tpu.memory_space<vmem>>
      %dma_start3A_152 = tpu.memref_slice %arg6[%add3A_146] : memref<10000xi32, #tpu.memory_space<vmem>> -> memref<80xi32, #tpu.memory_space<vmem>>
      %dma_start3A_153 = arith.constant 0 : i32
      %dma_start3A_154 = arith.constant 0 : i32
      %dma_start3A_155 = tpu.memref_slice %arg2[%dma_start3A_153, %dma_start3A_154] : memref<10000x16xf32, #tpu.memory_space<hbm>> -> memref<10000x16xf32, #tpu.memory_space<hbm>>
      tpu.enqueue_indirect_dma source(%dma_start3A_155 : memref<10000x16xf32, #tpu.memory_space<hbm>>) target(%dma_start3A_151 : memref<80x16xf32, #tpu.memory_space<vmem>>) offsets(%dma_start3A_152 : memref<80xi32, #tpu.memory_space<vmem>>) semaphore(%arg10 : memref<!tpu.dma_semaphore, #tpu.memory_space<semaphore_mem>>)
    }
    %scan3A_100 = arith.constant 25 : i32
    %scan3A_101 = arith.constant 0 : i32
    %scan3A_102 = arith.constant 0 : i32
    %scan3A_103 = arith.constant 25 : i32
    %scan3A_104 = arith.addi %scan3A_102, %scan3A_103 : i32
    %scan3A_105 = arith.constant 1 : i32
    scf.for %scan3A_142 = %scan3A_102 to %scan3A_104 step %scan3A_105  : i32 {
      %mul3A_143 = arith.constant 80 : i32
      %mul3A_144 = arith.muli %scan3A_142, %mul3A_143 : i32
      %add3A_145 = arith.constant 6000 : i32
      %add3A_146 = arith.addi %add3A_145, %mul3A_144 : i32
      %mul3A_147 = arith.constant 80 : i32
      %mul3A_148 = arith.muli %scan3A_142, %mul3A_147 : i32
      %dma_start3A = arith.constant 1 : i32
      %dma_start3A_149 = arith.constant 0 : i32
      %dma_start3A_150 = tpu.memref_slice %arg8[%dma_start3A, %mul3A_148, %dma_start3A_149] : memref<2x2000x16xf32, #tpu.memory_space<vmem>> -> memref<1x80x16xf32, #tpu.memory_space<vmem>>
      %dma_start3A_151 = tpu.memref_squeeze %dma_start3A_150 : memref<1x80x16xf32, #tpu.memory_space<vmem>> -> memref<80x16xf32, #tpu.memory_space<vmem>>
      %dma_start3A_152 = tpu.memref_slice %arg7[%add3A_146] : memref<10000xi32, #tpu.memory_space<vmem>> -> memref<80xi32, #tpu.memory_space<vmem>>
      %dma_start3A_153 = arith.constant 0 : i32
      %dma_start3A_154 = arith.constant 0 : i32
      %dma_start3A_155 = tpu.memref_slice %arg9[%dma_start3A_153, %dma_start3A_154] : memref<10000x16xf32, #tpu.memory_space<vmem_shared>> -> memref<10000x16xf32, #tpu.memory_space<vmem_shared>>
      tpu.enqueue_indirect_dma source(%dma_start3A_151 : memref<80x16xf32, #tpu.memory_space<vmem>>) target(%dma_start3A_155 : memref<10000x16xf32, #tpu.memory_space<vmem_shared>>) offsets(%dma_start3A_152 : memref<80xi32, #tpu.memory_space<vmem>>) semaphore(%arg11 : memref<!tpu.dma_semaphore, #tpu.memory_space<semaphore_mem>>) {add = true}
    }
    %scan3A_106 = arith.constant 25 : i32
    %scan3A_107 = arith.constant 0 : i32
    %scan3A_108 = arith.constant 0 : i32
    %scan3A_109 = arith.constant 25 : i32
    %scan3A_110 = arith.addi %scan3A_108, %scan3A_109 : i32
    %scan3A_111 = arith.constant 1 : i32
    scf.for %scan3A_142 = %scan3A_108 to %scan3A_110 step %scan3A_111  : i32 {
      %dma_wait3A = arith.constant 0 : i32
      %dma_wait3A_143 = arith.constant 0 : i32
      %dma_wait3A_144 = arith.constant 0 : i32
      %dma_wait3A_145 = tpu.memref_slice %arg8[%dma_wait3A, %dma_wait3A_143, %dma_wait3A_144] : memref<2x2000x16xf32, #tpu.memory_space<vmem>> -> memref<1x80x16xf32, #tpu.memory_space<vmem>>
      %dma_wait3A_146 = tpu.memref_squeeze %dma_wait3A_145 : memref<1x80x16xf32, #tpu.memory_space<vmem>> -> memref<80x16xf32, #tpu.memory_space<vmem>>
      %dma_wait3A_147 = arith.constant 0 : i32
      %dma_wait3A_148 = tpu.memref_slice %arg6[%dma_wait3A_147] : memref<10000xi32, #tpu.memory_space<vmem>> -> memref<80xi32, #tpu.memory_space<vmem>>
      %dma_wait3A_149 = arith.constant 0 : i32
      %dma_wait3A_150 = arith.constant 0 : i32
      %dma_wait3A_151 = tpu.memref_slice %arg2[%dma_wait3A_149, %dma_wait3A_150] : memref<10000x16xf32, #tpu.memory_space<hbm>> -> memref<10000x16xf32, #tpu.memory_space<hbm>>
      tpu.wait_indirect_dma semaphore(%arg10 : memref<!tpu.dma_semaphore, #tpu.memory_space<semaphore_mem>>) src(%dma_wait3A_151 : memref<10000x16xf32, #tpu.memory_space<hbm>>) dst(%dma_wait3A_146 : memref<80x16xf32, #tpu.memory_space<vmem>>)
    }
    %scan3A_112 = arith.constant 25 : i32
    %scan3A_113 = arith.constant 0 : i32
    %scan3A_114 = arith.constant 0 : i32
    %scan3A_115 = arith.constant 25 : i32
    %scan3A_116 = arith.addi %scan3A_114, %scan3A_115 : i32
    %scan3A_117 = arith.constant 1 : i32
    scf.for %scan3A_142 = %scan3A_114 to %scan3A_116 step %scan3A_117  : i32 {
      %dma_wait3A = arith.constant 0 : i32
      %dma_wait3A_143 = arith.constant 0 : i32
      %dma_wait3A_144 = arith.constant 0 : i32
      %dma_wait3A_145 = tpu.memref_slice %arg8[%dma_wait3A, %dma_wait3A_143, %dma_wait3A_144] : memref<2x2000x16xf32, #tpu.memory_space<vmem>> -> memref<1x80x16xf32, #tpu.memory_space<vmem>>
      %dma_wait3A_146 = tpu.memref_squeeze %dma_wait3A_145 : memref<1x80x16xf32, #tpu.memory_space<vmem>> -> memref<80x16xf32, #tpu.memory_space<vmem>>
      %dma_wait3A_147 = arith.constant 0 : i32
      %dma_wait3A_148 = tpu.memref_slice %arg7[%dma_wait3A_147] : memref<10000xi32, #tpu.memory_space<vmem>> -> memref<80xi32, #tpu.memory_space<vmem>>
      %dma_wait3A_149 = arith.constant 0 : i32
      %dma_wait3A_150 = arith.constant 0 : i32
      %dma_wait3A_151 = tpu.memref_slice %arg9[%dma_wait3A_149, %dma_wait3A_150] : memref<10000x16xf32, #tpu.memory_space<vmem_shared>> -> memref<10000x16xf32, #tpu.memory_space<vmem_shared>>
      tpu.wait_indirect_dma semaphore(%arg11 : memref<!tpu.dma_semaphore, #tpu.memory_space<semaphore_mem>>) src(%dma_wait3A_146 : memref<80x16xf32, #tpu.memory_space<vmem>>) dst(%dma_wait3A_151 : memref<10000x16xf32, #tpu.memory_space<vmem_shared>>)
    }
    %scan3A_118 = arith.constant 25 : i32
    %scan3A_119 = arith.constant 0 : i32
    %scan3A_120 = arith.constant 0 : i32
    %scan3A_121 = arith.constant 25 : i32
    %scan3A_122 = arith.addi %scan3A_120, %scan3A_121 : i32
    %scan3A_123 = arith.constant 1 : i32
    scf.for %scan3A_142 = %scan3A_120 to %scan3A_122 step %scan3A_123  : i32 {
      %mul3A_143 = arith.constant 80 : i32
      %mul3A_144 = arith.muli %scan3A_142, %mul3A_143 : i32
      %add3A_145 = arith.constant 8000 : i32
      %add3A_146 = arith.addi %add3A_145, %mul3A_144 : i32
      %mul3A_147 = arith.constant 80 : i32
      %mul3A_148 = arith.muli %scan3A_142, %mul3A_147 : i32
      %dma_start3A = arith.constant 0 : i32
      %dma_start3A_149 = arith.constant 0 : i32
      %dma_start3A_150 = tpu.memref_slice %arg8[%dma_start3A, %mul3A_148, %dma_start3A_149] : memref<2x2000x16xf32, #tpu.memory_space<vmem>> -> memref<1x80x16xf32, #tpu.memory_space<vmem>>
      %dma_start3A_151 = tpu.memref_squeeze %dma_start3A_150 : memref<1x80x16xf32, #tpu.memory_space<vmem>> -> memref<80x16xf32, #tpu.memory_space<vmem>>
      %dma_start3A_152 = tpu.memref_slice %arg7[%add3A_146] : memref<10000xi32, #tpu.memory_space<vmem>> -> memref<80xi32, #tpu.memory_space<vmem>>
      %dma_start3A_153 = arith.constant 0 : i32
      %dma_start3A_154 = arith.constant 0 : i32
      %dma_start3A_155 = tpu.memref_slice %arg9[%dma_start3A_153, %dma_start3A_154] : memref<10000x16xf32, #tpu.memory_space<vmem_shared>> -> memref<10000x16xf32, #tpu.memory_space<vmem_shared>>
      tpu.enqueue_indirect_dma source(%dma_start3A_151 : memref<80x16xf32, #tpu.memory_space<vmem>>) target(%dma_start3A_155 : memref<10000x16xf32, #tpu.memory_space<vmem_shared>>) offsets(%dma_start3A_152 : memref<80xi32, #tpu.memory_space<vmem>>) semaphore(%arg11 : memref<!tpu.dma_semaphore, #tpu.memory_space<semaphore_mem>>) {add = true}
    }
    %scan3A_124 = arith.constant 25 : i32
    %scan3A_125 = arith.constant 0 : i32
    %scan3A_126 = arith.constant 0 : i32
    %scan3A_127 = arith.constant 25 : i32
    %scan3A_128 = arith.addi %scan3A_126, %scan3A_127 : i32
    %scan3A_129 = arith.constant 1 : i32
    scf.for %scan3A_142 = %scan3A_126 to %scan3A_128 step %scan3A_129  : i32 {
      %dma_wait3A = arith.constant 0 : i32
      %dma_wait3A_143 = arith.constant 0 : i32
      %dma_wait3A_144 = arith.constant 0 : i32
      %dma_wait3A_145 = tpu.memref_slice %arg8[%dma_wait3A, %dma_wait3A_143, %dma_wait3A_144] : memref<2x2000x16xf32, #tpu.memory_space<vmem>> -> memref<1x80x16xf32, #tpu.memory_space<vmem>>
      %dma_wait3A_146 = tpu.memref_squeeze %dma_wait3A_145 : memref<1x80x16xf32, #tpu.memory_space<vmem>> -> memref<80x16xf32, #tpu.memory_space<vmem>>
      %dma_wait3A_147 = arith.constant 0 : i32
      %dma_wait3A_148 = tpu.memref_slice %arg7[%dma_wait3A_147] : memref<10000xi32, #tpu.memory_space<vmem>> -> memref<80xi32, #tpu.memory_space<vmem>>
      %dma_wait3A_149 = arith.constant 0 : i32
      %dma_wait3A_150 = arith.constant 0 : i32
      %dma_wait3A_151 = tpu.memref_slice %arg9[%dma_wait3A_149, %dma_wait3A_150] : memref<10000x16xf32, #tpu.memory_space<vmem_shared>> -> memref<10000x16xf32, #tpu.memory_space<vmem_shared>>
      tpu.wait_indirect_dma semaphore(%arg11 : memref<!tpu.dma_semaphore, #tpu.memory_space<semaphore_mem>>) src(%dma_wait3A_146 : memref<80x16xf32, #tpu.memory_space<vmem>>) dst(%dma_wait3A_151 : memref<10000x16xf32, #tpu.memory_space<vmem_shared>>)
    }
    %scan3A_130 = arith.constant 25 : i32
    %barrier3A_131 = arith.constant 0 : index
    tpu.barrier barrier_id(%barrier3A_131)
    %mul3A_132 = arith.constant 624 : i32
    %mul3A_133 = arith.muli %arg1, %mul3A_132 : i32
    %mul3A_134 = arith.constant 10000 : i32
    %mul3A_135 = arith.muli %arg0, %mul3A_134 : i32
    %add3A_136 = arith.addi %mul3A_135, %mul3A_133 : i32
    "tpu.region"() ({
      %run_scoped3A_142 = tpu.sem_alloc : memref<!tpu.dma_semaphore, #tpu.memory_space<semaphore_mem>>
      %dma_start3A = arith.constant 0 : i32
      %dma_start3A_143 = tpu.memref_slice %arg5[%add3A_136, %dma_start3A] : memref<20000x16xf32, #tpu.memory_space<hbm>> -> memref<624x16xf32, #tpu.memory_space<hbm>>
      %dma_start3A_144 = arith.constant 0 : i32
      %dma_start3A_145 = tpu.memref_slice %arg9[%mul3A_133, %dma_start3A_144] : memref<10000x16xf32, #tpu.memory_space<vmem_shared>> -> memref<624x16xf32, #tpu.memory_space<vmem_shared>>
      tpu.enqueue_dma source(%dma_start3A_145 : memref<624x16xf32, #tpu.memory_space<vmem_shared>>) target(%dma_start3A_143 : memref<624x16xf32, #tpu.memory_space<hbm>>) target_semaphore(%run_scoped3A_142 : memref<!tpu.dma_semaphore, #tpu.memory_space<semaphore_mem>>)
      %dma_wait3A = arith.constant 0 : i32
      %dma_wait3A_146 = tpu.memref_slice %arg5[%add3A_136, %dma_wait3A] : memref<20000x16xf32, #tpu.memory_space<hbm>> -> memref<624x16xf32, #tpu.memory_space<hbm>>
      %dma_wait3A_147 = arith.constant 0 : i32
      %dma_wait3A_148 = tpu.memref_slice %arg9[%mul3A_133, %dma_wait3A_147] : memref<10000x16xf32, #tpu.memory_space<vmem_shared>> -> memref<624x16xf32, #tpu.memory_space<vmem_shared>>
      tpu.wait_dma2 semaphore(%run_scoped3A_142 : memref<!tpu.dma_semaphore, #tpu.memory_space<semaphore_mem>>) src(%dma_wait3A_148 : memref<624x16xf32, #tpu.memory_space<vmem_shared>>) dst(%dma_wait3A_146 : memref<624x16xf32, #tpu.memory_space<hbm>>)
      tpu.yield
    }) : () -> ()
    %eq3A_137 = arith.constant 15 : i32
    %eq3A_138 = arith.cmpi eq, %arg1, %eq3A_137 : i32
    %convert_element_type3A_139 = arith.extui %eq3A_138 : i1 to i32
    %cond3A_140 = arith.constant 0 : i32
    %cond3A_141 = arith.cmpi ne, %convert_element_type3A_139, %cond3A_140 : i32
    scf.if %cond3A_141 {
      %mul3A_142 = arith.constant 10000 : i32
      %mul3A_143 = arith.muli %arg0, %mul3A_142 : i32
      %add3A_144 = arith.constant 9984 : i32
      %add3A_145 = arith.addi %mul3A_143, %add3A_144 : i32
      "tpu.region"() ({
        %run_scoped3A_146 = tpu.sem_alloc : memref<!tpu.dma_semaphore, #tpu.memory_space<semaphore_mem>>
        %dma_start3A = arith.constant 0 : i32
        %dma_start3A_147 = tpu.memref_slice %arg5[%add3A_145, %dma_start3A] : memref<20000x16xf32, #tpu.memory_space<hbm>> -> memref<16x16xf32, #tpu.memory_space<hbm>>
        %dma_start3A_148 = arith.constant 9984 : i32
        %dma_start3A_149 = arith.constant 0 : i32
        %dma_start3A_150 = tpu.memref_slice %arg9[%dma_start3A_148, %dma_start3A_149] : memref<10000x16xf32, #tpu.memory_space<vmem_shared>> -> memref<16x16xf32, #tpu.memory_space<vmem_shared>>
        tpu.enqueue_dma source(%dma_start3A_150 : memref<16x16xf32, #tpu.memory_space<vmem_shared>>) target(%dma_start3A_147 : memref<16x16xf32, #tpu.memory_space<hbm>>) target_semaphore(%run_scoped3A_146 : memref<!tpu.dma_semaphore, #tpu.memory_space<semaphore_mem>>)
        %dma_wait3A = arith.constant 0 : i32
        %dma_wait3A_151 = tpu.memref_slice %arg5[%add3A_145, %dma_wait3A] : memref<20000x16xf32, #tpu.memory_space<hbm>> -> memref<16x16xf32, #tpu.memory_space<hbm>>
        %dma_wait3A_152 = arith.constant 9984 : i32
        %dma_wait3A_153 = arith.constant 0 : i32
        %dma_wait3A_154 = tpu.memref_slice %arg9[%dma_wait3A_152, %dma_wait3A_153] : memref<10000x16xf32, #tpu.memory_space<vmem_shared>> -> memref<16x16xf32, #tpu.memory_space<vmem_shared>>
        tpu.wait_dma2 semaphore(%run_scoped3A_146 : memref<!tpu.dma_semaphore, #tpu.memory_space<semaphore_mem>>) src(%dma_wait3A_154 : memref<16x16xf32, #tpu.memory_space<vmem_shared>>) dst(%dma_wait3A_151 : memref<16x16xf32, #tpu.memory_space<hbm>>)
        tpu.yield
      }) : () -> ()
    } else {
    }
    return
  }
}

module attributes {stable_mosaic.version = 14 : i64} {
  func.func @body(%arg0: memref<1250x1024xf32, #tpu.memory_space<vmem>>, %arg1: memref<1024x128xf32, #tpu.memory_space<vmem>>, %arg2: memref<2x1250x128xf32, #tpu.memory_space<vmem>>, %arg3: memref<1250x128xf32, #tpu.memory_space<vmem>>, %arg4: memref<1250x128xf32, #tpu.memory_space<vmem>>) attributes {dimension_semantics = [], scalar_prefetch = 0 : i64, scratch_operands = 0 : i64, tpu.core_type = #tpu.core_type<tc>} {
    %get3A = arith.constant 0 : index
    %get3A_0 = arith.constant 0 : index
    %get3A_1 = arith.constant 0 : index
    %get3A_2 = vector.load %arg2[%get3A, %get3A_0, %get3A_1] : memref<2x1250x128xf32, #tpu.memory_space<vmem>>, vector<1x1250x128xf32>
    %get3A_3 = vector.shape_cast %get3A_2 : vector<1x1250x128xf32> to vector<1250x128xf32>
    %get3A_4 = arith.constant 1 : index
    %get3A_5 = arith.constant 0 : index
    %get3A_6 = arith.constant 0 : index
    %get3A_7 = vector.load %arg2[%get3A_4, %get3A_5, %get3A_6] : memref<2x1250x128xf32, #tpu.memory_space<vmem>>, vector<1x1250x128xf32>
    %get3A_8 = vector.shape_cast %get3A_7 : vector<1x1250x128xf32> to vector<1250x128xf32>
    %add3A = arith.addf %get3A_3, %get3A_8 : vector<1250x128xf32>
    %add3A_9 = arith.constant 1.000000e+00 : f32
    %add3A_10 = vector.broadcast %add3A_9 : f32 to vector<1250x128xf32>
    %add3A_11 = arith.addf %add3A, %add3A_10 : vector<1250x128xf32>
    %rsqrt3A = math.rsqrt %add3A_11 : vector<1250x128xf32>
    %get3A_12 = arith.constant 0 : index
    %get3A_13 = arith.constant 0 : index
    %get3A_14 = vector.load %arg0[%get3A_12, %get3A_13] : memref<1250x1024xf32, #tpu.memory_space<vmem>>, vector<1250x1024xf32>
    %get3A_15 = arith.constant 0 : index
    %get3A_16 = arith.constant 0 : index
    %get3A_17 = vector.load %arg1[%get3A_15, %get3A_16] : memref<1024x128xf32, #tpu.memory_space<vmem>>, vector<1024x128xf32>
    %dot_general3A = arith.constant dense<0.000000e+00> : vector<1250x128xf32>
    %dot_general3A_18 = tpu.matmul %get3A_14, %get3A_17, %dot_general3A {dimension_numbers = #tpu.dot_dimension_numbers<[1], [0], [0], [1], [0, 0, 1, 1], [], []>, transpose_lhs_hint = false} : vector<1250x1024xf32>, vector<1024x128xf32>, vector<1250x128xf32> -> vector<1250x128xf32>
    %mul3A = arith.mulf %dot_general3A_18, %rsqrt3A : vector<1250x128xf32>
    %swap3A = arith.constant 0 : index
    %swap3A_19 = arith.constant 0 : index
    %swap3A_20 = vector.load %arg3[%swap3A, %swap3A_19] : memref<1250x128xf32, #tpu.memory_space<vmem>>, vector<1250x128xf32>
    tpu.vector_store %arg3[%swap3A, %swap3A_19], %mul3A {strides = array<i32>} : memref<1250x128xf32, #tpu.memory_space<vmem>>, vector<1250x128xf32>,
    %swap3A_21 = arith.constant 0 : index
    %swap3A_22 = arith.constant 0 : index
    %swap3A_23 = vector.load %arg4[%swap3A_21, %swap3A_22] : memref<1250x128xf32, #tpu.memory_space<vmem>>, vector<1250x128xf32>
    tpu.vector_store %arg4[%swap3A_21, %swap3A_22], %rsqrt3A {strides = array<i32>} : memref<1250x128xf32, #tpu.memory_space<vmem>>, vector<1250x128xf32>,
    return
  }
}

module attributes {stable_mosaic.version = 14 : i64} {
  func.func @body(%arg0: memref<2x1250x128xf32, #tpu.memory_space<vmem>>, %arg1: memref<1250x128xf32, #tpu.memory_space<vmem>>, %arg2: memref<1250x128xf32, #tpu.memory_space<vmem>>, %arg3: memref<1x128xf32, #tpu.memory_space<vmem>>, %arg4: memref<128x128xf32, #tpu.memory_space<vmem>>, %arg5: memref<1250x128xf32, #tpu.memory_space<vmem>>) attributes {dimension_semantics = [], scalar_prefetch = 0 : i64, scratch_operands = 0 : i64, tpu.core_type = #tpu.core_type<tc>} {
    %get3A = arith.constant 0 : index
    %get3A_0 = arith.constant 0 : index
    %get3A_1 = vector.load %arg2[%get3A, %get3A_0] : memref<1250x128xf32, #tpu.memory_space<vmem>>, vector<1250x128xf32>
    %get3A_2 = arith.constant 0 : index
    %get3A_3 = arith.constant 0 : index
    %get3A_4 = arith.constant 0 : index
    %get3A_5 = vector.load %arg0[%get3A_2, %get3A_3, %get3A_4] : memref<2x1250x128xf32, #tpu.memory_space<vmem>>, vector<1x1250x128xf32>
    %get3A_6 = vector.shape_cast %get3A_5 : vector<1x1250x128xf32> to vector<1250x128xf32>
    %get3A_7 = arith.constant 1 : index
    %get3A_8 = arith.constant 0 : index
    %get3A_9 = arith.constant 0 : index
    %get3A_10 = vector.load %arg0[%get3A_7, %get3A_8, %get3A_9] : memref<2x1250x128xf32, #tpu.memory_space<vmem>>, vector<1x1250x128xf32>
    %get3A_11 = vector.shape_cast %get3A_10 : vector<1x1250x128xf32> to vector<1250x128xf32>
    %add3A = arith.addf %get3A_6, %get3A_11 : vector<1250x128xf32>
    %get3A_12 = arith.constant 0 : index
    %get3A_13 = arith.constant 0 : index
    %get3A_14 = vector.load %arg1[%get3A_12, %get3A_13] : memref<1250x128xf32, #tpu.memory_space<vmem>>, vector<1250x128xf32>
    %add3A_15 = arith.addf %add3A, %get3A_14 : vector<1250x128xf32>
    %mul3A = arith.mulf %get3A_1, %add3A_15 : vector<1250x128xf32>
    %get3A_16 = arith.constant 0 : index
    %get3A_17 = arith.constant 0 : index
    %get3A_18 = vector.load %arg3[%get3A_16, %get3A_17] : memref<1x128xf32, #tpu.memory_space<vmem>>, vector<1x128xf32>
    %add3A_19 = vector.broadcast %get3A_18 : vector<1x128xf32> to vector<1250x128xf32>
    %add3A_20 = arith.addf %mul3A, %add3A_19 : vector<1250x128xf32>
    %max3A = arith.constant 0.000000e+00 : f32
    %max3A_21 = vector.broadcast %max3A : f32 to vector<1250x128xf32>
    %max3A_22 = arith.maximumf %add3A_20, %max3A_21 : vector<1250x128xf32>
    %get3A_23 = arith.constant 0 : index
    %get3A_24 = arith.constant 0 : index
    %get3A_25 = vector.load %arg4[%get3A_23, %get3A_24] : memref<128x128xf32, #tpu.memory_space<vmem>>, vector<128x128xf32>
    %dot_general3A = arith.constant dense<0.000000e+00> : vector<1250x128xf32>
    %dot_general3A_26 = tpu.matmul %max3A_22, %get3A_25, %dot_general3A {dimension_numbers = #tpu.dot_dimension_numbers<[1], [0], [0], [1], [0, 0, 1, 1], [], []>, transpose_lhs_hint = false} : vector<1250x128xf32>, vector<128x128xf32>, vector<1250x128xf32> -> vector<1250x128xf32>
    %mul3A_27 = arith.mulf %dot_general3A_26, %get3A_1 : vector<1250x128xf32>
    %swap3A = arith.constant 0 : index
    %swap3A_28 = arith.constant 0 : index
    %swap3A_29 = vector.load %arg5[%swap3A, %swap3A_28] : memref<1250x128xf32, #tpu.memory_space<vmem>>, vector<1250x128xf32>
    tpu.vector_store %arg5[%swap3A, %swap3A_28], %mul3A_27 {strides = array<i32>} : memref<1250x128xf32, #tpu.memory_space<vmem>>, vector<1250x128xf32>,
    return
  }
}

module attributes {stable_mosaic.version = 14 : i64} {
  func.func @body(%arg0: memref<2x1250x128xf32, #tpu.memory_space<vmem>>, %arg1: memref<1250x128xf32, #tpu.memory_space<vmem>>, %arg2: memref<1250x128xf32, #tpu.memory_space<vmem>>, %arg3: memref<1x128xf32, #tpu.memory_space<vmem>>, %arg4: memref<128x24xf32, #tpu.memory_space<vmem>>, %arg5: memref<1x24xf32, #tpu.memory_space<vmem>>, %arg6: memref<1250x24xf32, #tpu.memory_space<vmem>>) attributes {dimension_semantics = [], scalar_prefetch = 0 : i64, scratch_operands = 0 : i64, tpu.core_type = #tpu.core_type<tc>} {
    %get3A = arith.constant 0 : index
    %get3A_0 = arith.constant 0 : index
    %get3A_1 = vector.load %arg2[%get3A, %get3A_0] : memref<1250x128xf32, #tpu.memory_space<vmem>>, vector<1250x128xf32>
    %get3A_2 = arith.constant 0 : index
    %get3A_3 = arith.constant 0 : index
    %get3A_4 = arith.constant 0 : index
    %get3A_5 = vector.load %arg0[%get3A_2, %get3A_3, %get3A_4] : memref<2x1250x128xf32, #tpu.memory_space<vmem>>, vector<1x1250x128xf32>
    %get3A_6 = vector.shape_cast %get3A_5 : vector<1x1250x128xf32> to vector<1250x128xf32>
    %get3A_7 = arith.constant 1 : index
    %get3A_8 = arith.constant 0 : index
    %get3A_9 = arith.constant 0 : index
    %get3A_10 = vector.load %arg0[%get3A_7, %get3A_8, %get3A_9] : memref<2x1250x128xf32, #tpu.memory_space<vmem>>, vector<1x1250x128xf32>
    %get3A_11 = vector.shape_cast %get3A_10 : vector<1x1250x128xf32> to vector<1250x128xf32>
    %add3A = arith.addf %get3A_6, %get3A_11 : vector<1250x128xf32>
    %get3A_12 = arith.constant 0 : index
    %get3A_13 = arith.constant 0 : index
    %get3A_14 = vector.load %arg1[%get3A_12, %get3A_13] : memref<1250x128xf32, #tpu.memory_space<vmem>>, vector<1250x128xf32>
    %add3A_15 = arith.addf %add3A, %get3A_14 : vector<1250x128xf32>
    %mul3A = arith.mulf %get3A_1, %add3A_15 : vector<1250x128xf32>
    %get3A_16 = arith.constant 0 : index
    %get3A_17 = arith.constant 0 : index
    %get3A_18 = vector.load %arg3[%get3A_16, %get3A_17] : memref<1x128xf32, #tpu.memory_space<vmem>>, vector<1x128xf32>
    %add3A_19 = vector.broadcast %get3A_18 : vector<1x128xf32> to vector<1250x128xf32>
    %add3A_20 = arith.addf %mul3A, %add3A_19 : vector<1250x128xf32>
    %max3A = arith.constant 0.000000e+00 : f32
    %max3A_21 = vector.broadcast %max3A : f32 to vector<1250x128xf32>
    %max3A_22 = arith.maximumf %add3A_20, %max3A_21 : vector<1250x128xf32>
    %get3A_23 = arith.constant 0 : index
    %get3A_24 = arith.constant 0 : index
    %get3A_25 = vector.load %arg4[%get3A_23, %get3A_24] : memref<128x24xf32, #tpu.memory_space<vmem>>, vector<128x24xf32>
    %dot_general3A = arith.constant dense<0.000000e+00> : vector<1250x24xf32>
    %dot_general3A_26 = tpu.matmul %max3A_22, %get3A_25, %dot_general3A {dimension_numbers = #tpu.dot_dimension_numbers<[1], [0], [0], [1], [0, 0, 1, 1], [], []>, transpose_lhs_hint = false} : vector<1250x128xf32>, vector<128x24xf32>, vector<1250x24xf32> -> vector<1250x24xf32>
    %get3A_27 = arith.constant 0 : index
    %get3A_28 = arith.constant 0 : index
    %get3A_29 = vector.load %arg5[%get3A_27, %get3A_28] : memref<1x24xf32, #tpu.memory_space<vmem>>, vector<1x24xf32>
    %add3A_30 = vector.broadcast %get3A_29 : vector<1x24xf32> to vector<1250x24xf32>
    %add3A_31 = arith.addf %dot_general3A_26, %add3A_30 : vector<1250x24xf32>
    %swap3A = arith.constant 0 : index
    %swap3A_32 = arith.constant 0 : index
    %swap3A_33 = vector.load %arg6[%swap3A, %swap3A_32] : memref<1250x24xf32, #tpu.memory_space<vmem>>, vector<1250x24xf32>
    tpu.vector_store %arg6[%swap3A, %swap3A_32], %add3A_31 {strides = array<i32>} : memref<1250x24xf32, #tpu.memory_space<vmem>>, vector<1250x24xf32>,
    return
  }
}

</mosaic_0001>

<sc_bundles>
// kernel: kernel.11.cloned.1.call-start
scs
__scs_entry_jumppad:
0x0: {  	(pc) =	sbr.rel $0x88, $3  }
0x1: {  	(tag) =	ssettag $0x0;
	lr =	simm.s32 $0x1  }
0x2: {  	[smem:$0x3F99] =	sst lr;
	_ =	strace $0xD0000000  }
0x3: {  	_ = 	snop  }
0x4: {  	_ = 	snop  }
0x5: {  	_ = 	snop  }
0x6: {  	_ = 	snop  }
0x7: {  	_ = 	snop  }
__scs_overlays_trampoline_lowered:
0x8: {  	[smem:$0x3FA8] =	sst s0  }
0x9: {  	[smem:$0x3FA9] =	sst s1  }
0xa: {  	[smem:$0x3FAA] =	sst s2  }
0xb: {  	[smem:$0x3FAB] =	sst s3  }
0xc: {  	[smem:$0x3FAC] =	sst s4  }
0xd: {  	[smem:$0x3FAD] =	sst s5  }
0xe: {  	[smem:$0x3FAE] =	sst s6  }
0xf: {  	[smem:$0x3FAF] =	sst s7  }
0x10: {  	[smem:$0x3FB0] =	sst s8  }
0x11: {  	[smem:$0x3FB1] =	sst s9;
	s0 =	simm.s32 @!p0 $0x0  }
0x12: {  	s1 =	sld [smem:$0x3F97];
	s0 =	simm.s32 @p0 $0x1  }
0x13: {  	[smem:$0x3FB2] =	sst s0;
	s0 =	simm.s32 @!p1 $0x0  }
0x14: {  	s2 =	sld [smem:$0x3F96];
	s0 =	simm.s32 @p1 $0x1  }
0x15: {  	[smem:$0x3FB3] =	sst s0;
	s0 =	simm.s32 @!p2 $0x0  }
0x16: {  	s3 =	sld [smem:$0x3FDB];
	s0 =	simm.s32 @p2 $0x1  }
0x17: {  	s4 =	simm.s32 $0x1BF5;
	[smem:$0x3FB5] =	sst s0  }
0x18: {  	s0 =	sld [smem:$0x3F98];
	_ =	swait.ge [sflag:s4], $0x0  }
0x19: {  	s7 =	sld [smem:$0x3F99]  }
0x1a: {  	s8 =	sadd.s32 $0xFFFFE003, lr  }
0x1b: {  	s9 =	sadd.s32 $0xFFFFFEF7, lr;
	s5 =	simm.s32 $0xFFFFFFFF;
	p2 =	slt.u32 s8, $0xFFFFF086  }
0x1c: {  	p1 =	slt.u32 s9, $0xF7A;
	s5 =	simm.s32 @!p2 $0x0  }
0x1d: {  	s5 =	simm.s32 @p1 $0x1;
	p0 =	seq.s32 s7, s2  }
0x1e: {  	s7 =	smul.u32 @!p0 $0xF7A, s2;
	p2 =	seq.s32 @!p0 s5, $0x0  }
0x1f: {  	s9 =	smul.u32 $0xF7A, s1;
	s8 =	simm.s32 @!p0 $0x1BF5;
	p2 =	por !p2, p0  }
0x20: {  	[sflag:s8] =	ssyncset.s32 @!p0 $0xFFFFF086;
	s6 =	sadd.s32 @!p0 s3, s7;
	s7 =	simm.s32 @!p0 $0x108  }
0x21: {  	s3 =	sadd.s32 s3, s9;
	s6 =	sadd.s32 @!p0 $0x88, s6;
	s7 =	simm.s32 @p2 $0x1082  }
0x22: {  	[simem:s7], [sflag:s8] =	dma.local @!p0 [hbm:s6], $0xF7A  }
0x23: {  	s9 =	sor.u32 $0xD0000000, s2;
	s6 =	simm.s32 $0x108;
	_ =	swait.ge @!p0 [sflag:s8], $0x0  }
0x24: {  	s3 =	sadd.s32 $0x88, s3;
	s6 =	simm.s32 @!p1 $0x1082;
	[sflag:s4] =	ssyncset.s32 $0xFFFFF086  }
0x25: {  	[simem:s6], [sflag:s4] =	dma.local [hbm:s3], $0xF7A  }
0x26: {  	[smem:$0x3F99] =	sst s1;
	(tag) =	ssettag s2;
	_ =	strace s9  }
0x27: {  	s1 =	sld [smem:$0x3FA9]  }
0x28: {  	s2 =	sld [smem:$0x3FAA]  }
0x29: {  	s4 =	sld [smem:$0x3FAC]  }
0x2a: {  	p0 =	seq.s32 s5, $0x0;
	s5 =	sld [smem:$0x3FAD]  }
0x2b: {  	s6 =	sld [smem:$0x3FAE]  }
0x2c: {  	s7 =	sld [smem:$0x3FAF]  }
0x2d: {  	s3 =	simm.s32 $0x108;
	s8 =	sld [smem:$0x3FB0]  }
0x2e: {  	s3 =	simm.s32 @!p0 $0x1082;
	s9 =	sld [smem:$0x3FB1]  }
0x2f: {  	lr =	sadd.s32 s0, s3;
	s0 =	sld [smem:$0x3FA8]  }
0x30: {  	s3 =	sld [smem:$0x3FAB]  }
0x31: {  	[smem:$0x3FB4] =	sst s10  }
0x32: {  	s10 =	sld [smem:$0x3FB2];
	_ =	sdelay $0x3  }
0x33: {  	p0 =	seq.s32 s10, $0x1;
	s10 =	sld [smem:$0x3FB4];
	_ =	sdelay $0x3  }
0x34: {  	[smem:$0x3FB4] =	sst s10  }
0x35: {  	s10 =	sld [smem:$0x3FB3];
	_ =	sdelay $0x3  }
0x36: {  	p1 =	seq.s32 s10, $0x1;
	s10 =	sld [smem:$0x3FB4];
	_ =	sdelay $0x3  }
0x37: {  	[smem:$0x3FB4] =	sst s10  }
0x38: {  	s10 =	sld [smem:$0x3FB5]  }
0x39: {  	_ = 	snop;
	(pc) =	sbr.ind lr, $3  }
0x3a: {  	_ = 	snop  }
0x3b: {  	_ = 	snop  }
0x3c: {  	p2 =	seq.s32 s10, $0x1;
	s10 =	sld [smem:$0x3FB4]  }
0x3d: {  	_ =	shalt  }
0x3e: {  	_ =	shalt  }
0x3f: {  	_ =	shalt  }
0x40: {  	_ =	shalt  }
0x41: {  	_ =	shalt  }
0x42: {  	_ =	shalt  }
0x43: {  	_ =	shalt  }
0x44: {  	_ =	shalt  }
0x45: {  	_ =	shalt  }
0x46: {  	_ =	shalt  }
0x47: {  	_ =	shalt  }
0x48: {  	_ =	shalt  }
0x49: {  	_ =	shalt  }
0x4a: {  	_ =	shalt  }
0x4b: {  	_ =	shalt  }
0x4c: {  	_ =	shalt  }
0x4d: {  	_ =	shalt  }
0x4e: {  	_ =	shalt  }
0x4f: {  	_ =	shalt  }
0x50: {  	_ =	shalt  }
0x51: {  	_ =	shalt  }
0x52: {  	_ =	shalt  }
0x53: {  	_ =	shalt  }
0x54: {  	_ =	shalt  }
0x55: {  	_ =	shalt  }
0x56: {  	_ =	shalt  }
0x57: {  	_ =	shalt  }
0x58: {  	_ =	shalt  }
0x59: {  	_ =	shalt  }
0x5a: {  	_ =	shalt  }
0x5b: {  	_ =	shalt  }
0x5c: {  	_ =	shalt  }
0x5d: {  	_ =	shalt  }
0x5e: {  	_ =	shalt  }
0x5f: {  	_ =	shalt  }
0x60: {  	_ =	shalt  }
0x61: {  	_ =	shalt  }
0x62: {  	_ =	shalt  }
0x63: {  	_ =	shalt  }
0x64: {  	_ =	shalt  }
0x65: {  	_ =	shalt  }
0x66: {  	_ =	shalt  }
0x67: {  	_ =	shalt  }
0x68: {  	_ =	shalt  }
0x69: {  	_ =	shalt  }
0x6a: {  	_ =	shalt  }
0x6b: {  	_ =	shalt  }
0x6c: {  	_ =	shalt  }
0x6d: {  	_ =	shalt  }
0x6e: {  	_ =	shalt  }
0x6f: {  	_ =	shalt  }
0x70: {  	_ =	shalt  }
0x71: {  	_ =	shalt  }
0x72: {  	_ =	shalt  }
0x73: {  	_ =	shalt  }
0x74: {  	_ =	shalt  }
0x75: {  	_ =	shalt  }
0x76: {  	_ =	shalt  }
0x77: {  	_ =	shalt  }
0x78: {  	_ =	shalt  }
0x79: {  	_ =	shalt  }
0x7a: {  	_ =	shalt  }
0x7b: {  	_ =	shalt  }
0x7c: {  	_ =	shalt  }
0x7d: {  	_ =	shalt  }
0x7e: {  	_ =	shalt  }
0x7f: {  	_ =	shalt  }
0x80: {  	_ =	shalt  }
0x81: {  	_ =	shalt  }
0x82: {  	_ =	shalt  }
0x83: {  	_ =	shalt  }
0x84: {  	_ =	shalt  }
0x85: {  	_ =	shalt  }
0x86: {  	_ =	shalt  }
0x87: {  	_ =	shalt  }
.Lfunc_end0:
.L_simem_size_0:
called_computation.1_lowered:
.L_overlay_start_0:
0x88: {  	s2 =	sld [smem:$0x3FD9]  }
0x89: {  	s3 =	sld [smem:$0x3FFE];
	_ =	sdelay $0x1  }
0x8a: {  	s1 =	srdreg.scid  }
0x8b: {  	s0 =	sand.u32 $0x1, s1  }
0x8c: {  	s16 =	sshll.u32 s0, $0xA;
	s2 =	sadd.s32 s3, s2  }
0x8d: {  	s2 =	sadd.s32 s2, s16  }
0x8e: {  	[smem:$0x3FC0] =	sst s2  }
0x8f: {  	_ = 	snop  }
0x90: {  	(tm) =	ssettm $0x1  }
0x91: {  	s17 =	sld [smem:$0x3FFB];
	_ =	sdelay $0x3  }
0x92: {  	_ =	strace s17  }
0x93: {  	s2 =	sld [smem:$0x3FFC];
	_ =	sdelay $0x3  }
0x94: {  	_ =	strace s2  }
0x95: {  	s2 =	sld [smem:$0x3FFD];
	_ =	sdelay $0x3  }
0x96: {  	_ =	strace s2  }
0x97: {  	_ =	strace $0x8FFFFFFF  }
0x98: {  	s18 =	sld [smem:$0x3FDB];
	_ =	sdelay $0x1  }
0x99: {  	s19 =	simm.s32 $_scs_section_size  }
0x9a: {  	s4 =	simm.s32 $_size__tile_overlayer_lowered;
	s5 =	simm.s32 $_tile_overlayer_lowered  }
0x9b: {  	s22 =	simm.s32 $0x1BFF;
	s21 =	sshll.u32 s5, $0x1;
	s2 =	sadd.s32 s19, s18  }
0x9c: {  	s6 =	simm.s32 $0x0;
	s20 =	sshll.u32 s4, $0x1;
	s4 =	sadd.s32 s21, s2  }
0x9d: {  	[timem:s6], [sflag:s22] =	dma.local [hbm:s4], s20  }
0x9e: {  	_ =	swait.ge [sflag:s22], s20  }
0x9f: {  	s3 =	ssub.s32 $0x0, s20;
	[sflag:s22] =	ssyncset.done $0x0  }
0xa0: {  	[sflag:s22] =	ssyncadd.s32 s3;
	_ =	sdelay $0x1  }
0xa1: {  	s23 =	simm.s32 $0x1B8B  }
0xa2: {  	_ =	swait.ge [sflag:s23], $0x1  }
0xa3: {  	[sflag:s23] =	ssyncset.done $0x0  }
0xa4: {  	s25 =	simm.s32 $0x1B8E;
	s24 =	sld [smem:$0x3FFE];
	[sflag:s23] =	ssyncadd.s32 $0xFFFFFFFF  }
0xa5: {  	s26 =	simm.s32 $execute0_lowered;
	[smem:$0x3FD2] =	sst s25  }
0xa6: {  	s4 =	sshll.u32 s26, $0x1;
	_ =	strace $0x80000049;
	[dreg:$0x1] =	wrdreg $0xFFFFFFFF  }
0xa7: {  	s28 =	simm.s32 $_size_execute0_lowered;
	s2 =	sadd.s32 s2, s4;
	[dreg:$0x0] =	wrdreg $0x0  }
0xa8: {  	s4 =	sshll.u32 s28, $0x1;
	[dreg:$0x2] =	wrdreg s2  }
0xa9: {  	[dreg:$0x3] =	wrdreg s4  }
0xaa: {  	[dreg:$0x4] =	wrdreg $0xC0  }
0xab: {  	_ =	task [dreg:s6], $0x5FFFF  }
0xac: {  	[dreg:$0x1] =	wrdreg $0xFFFFFFFF  }
0xad: {  	[dreg:$0x0] =	wrdreg $0x60  }
0xae: {  	[dreg:$0x2] =	wrdreg s24  }
0xaf: {  	[dreg:$0x3] =	wrdreg $0x148200  }
0xb0: {  	[dreg:$0x4] =	wrdreg $0x9  }
0xb1: {  	_ =	task.clear_ibuf [dreg:s6], $0x5FFFF;
	_ =	strace $0x90000049  }
0xb2: {  	s29 =	simm.s32 $0x9;
	_ =	strace $0x8000004B  }
0xb3: {  	_ =	swait.ge [sflag:s29], $0x1  }
0xb4: {  	[sflag:s29] =	ssyncadd.s32 $0xFFFFFFFF  }
0xb5: {  	_ =	strace $0x9000004B  }
0xb6: {  	_ =	sfence  }
0xb7: {  	s30 =	sld [smem:$0x0];
	_ =	sdelay $0x2  }
0xb8: {  	s31 =	sshll.u32 s1, $0xD;
	s1 =	sshrl.u32 s1, $0x2  }
0xb9: {  	s3 =	sand.u32 $0x4000, s31;
	s1 =	sadd.s32 s1, s30  }
0xba: {  	s0 =	sor.u32 s3, s0;
	s1 =	sshll.u32 s1, $0x11  }
0xbb: {  	s0 =	sor.u32 s1, s0  }
0xbc: {  	s0 =	sadd.s32 $0x8F2B, s0  }
0xbd: {  	[sflag:s0] =	ssyncadd.remote.s32 $0x1  }
0xbe: {  	_ =	sfence.sel $0xFFFF  }
0xbf: {  	[dreg:$0x0] =	wrdreg $0xFFFFFFFF;
	(pc) =	sbr.abs _section_cstart, $3  }
0xc0: {  	[dreg:$0x1] =	wrdreg $0xFFFFFFFF  }
0xc1: {  	_ =	task.clear_ibuf [dreg:s6], $0x2FFFF;
	_ =	strace $0x9FFFFFFF  }
0xc2: {  	(tm) =	ssettm $0x7FFFFFFF  }
0xc3: {  	_ =	shalt  }
tec
execute0_lowered:
.L_overlay_start_1:
0x0: {  	(tag) =	ssettag $0x1  }
0x1: {  	s3 =	rddreg [dreg:$0x0]  }
0x2: {  	s2 =	rddreg [dreg:$0x1];
	s5 =	simm.s32 $0x0  }
0x3: {  	[smem:$0x7FF] =	sst s5;
	s24 =	sadd.s32 $0x1B200, s3  }
0x4: {  	s11 =	simm.s32 $0x230;
	_ =	strace $0x8000004A;
	[dreg:$0x4] =	wrdreg s24  }
0x5: {  	s12 =	simm.s32 $0x280;
	[dreg:$0xe] =	wrdreg s11  }
0x6: {  	s13 =	simm.s32 $0x2D0;
	[dreg:$0xf] =	wrdreg s12  }
0x7: {  	s14 =	simm.s32 $0x320;
	[dreg:$0x10] =	wrdreg s13  }
0x8: {  	s15 =	simm.s32 $0x370;
	[dreg:$0x11] =	wrdreg s14  }
0x9: {  	s16 =	simm.s32 $0x3C0;
	[dreg:$0x12] =	wrdreg s15  }
0xa: {  	s17 =	simm.s32 $0x410;
	[dreg:$0x13] =	wrdreg s16  }
0xb: {  	s18 =	simm.s32 $0x460;
	[dreg:$0x14] =	wrdreg s17  }
0xc: {  	s19 =	simm.s32 $0x4B0;
	[dreg:$0x15] =	wrdreg s18  }
0xd: {  	s20 =	simm.s32 $0x500;
	[dreg:$0x16] =	wrdreg s19  }
0xe: {  	s21 =	simm.s32 $0x550;
	[dreg:$0x17] =	wrdreg s20  }
0xf: {  	s22 =	simm.s32 $0x5A0;
	[dreg:$0x18] =	wrdreg s21  }
0x10: {  	[dreg:$0x19] =	wrdreg s22;
	s24 =	simm.s32 $0x640  }
0x11: {  	s11 =	simm.s32 $0xA00;
	[dreg:$0x1b] =	wrdreg s24  }
0x12: {  	s12 =	simm.s32 $0xA50;
	[smem:$0x722] =	sst s11  }
0x13: {  	s13 =	simm.s32 $0xAA0;
	[smem:$0x723] =	sst s12  }
0x14: {  	s14 =	simm.s32 $0xAF0;
	[smem:$0x724] =	sst s13  }
0x15: {  	s15 =	simm.s32 $0xB40;
	[smem:$0x725] =	sst s14  }
0x16: {  	s16 =	simm.s32 $0xB90;
	[smem:$0x726] =	sst s15  }
0x17: {  	s17 =	simm.s32 $0xBE0;
	[smem:$0x727] =	sst s16  }
0x18: {  	s18 =	simm.s32 $0xC30;
	[smem:$0x728] =	sst s17  }
0x19: {  	s19 =	simm.s32 $0xC80;
	[smem:$0x729] =	sst s18  }
0x1a: {  	s20 =	simm.s32 $0xCD0;
	[smem:$0x72A] =	sst s19  }
0x1b: {  	s21 =	simm.s32 $0xD20;
	[smem:$0x72B] =	sst s20  }
0x1c: {  	s22 =	simm.s32 $0xD70;
	[smem:$0x72C] =	sst s21  }
0x1d: {  	[smem:$0x72D] =	sst s22;
	s24 =	simm.s32 $0xE10  }
0x1e: {  	s11 =	simm.s32 $0x2990;
	[smem:$0x72F] =	sst s24  }
0x1f: {  	s12 =	simm.s32 $0x29E0;
	[smem:$0x73B] =	sst s11  }
0x20: {  	s13 =	simm.s32 $0x2A30;
	[smem:$0x73C] =	sst s12  }
0x21: {  	s14 =	simm.s32 $0x2A80;
	[smem:$0x73D] =	sst s13  }
0x22: {  	s15 =	simm.s32 $0x2AD0;
	[smem:$0x73E] =	sst s14  }
0x23: {  	s16 =	simm.s32 $0x2B20;
	[smem:$0x73F] =	sst s15  }
0x24: {  	s0 =	srdreg.scid;
	s17 =	simm.s32 $0x2B70;
	[smem:$0x740] =	sst s16  }
0x25: {  	s10 =	stileid.u32;
	s18 =	simm.s32 $0x2BC0;
	[smem:$0x741] =	sst s17  }
0x26: {  	s1 =	sand.u32 $0x1, s0;
	s19 =	simm.s32 $0x2C10;
	[smem:$0x742] =	sst s18  }
0x27: {  	s6 =	smul.u32 $0x4E0, s10;
	s20 =	simm.s32 $0x2C60;
	[smem:$0x743] =	sst s19  }
0x28: {  	s7 =	smul.u32 $0x4E20, s1;
	s21 =	simm.s32 $0x2CB0;
	[smem:$0x744] =	sst s20  }
0x29: {  	s8 =	smul.u32 $0x27100, s1;
	s22 =	simm.s32 $0x2D00;
	[smem:$0x745] =	sst s21  }
0x2a: {  	s26 =	sadd.s32 s6, s7;
	s6 =	simm.s32 $0xF0;
	[smem:$0x746] =	sst s22  }
0x2b: {  	s7 =	simm.s32 $0x140;
	[dreg:$0xa] =	wrdreg s6  }
0x2c: {  	s28 =	sshrl.u32 s8, $0x3;
	s8 =	simm.s32 $0x190;
	[dreg:$0xb] =	wrdreg s7  }
0x2d: {  	s24 =	simm.s32 $0x2DA0;
	[dreg:$0xc] =	wrdreg s8  }
0x2e: {  	s11 =	simm.s32 $0x1220;
	[smem:$0x748] =	sst s24  }
0x2f: {  	s12 =	simm.s32 $0x1270;
	[smem:$0x754] =	sst s11  }
0x30: {  	s13 =	simm.s32 $0x12C0;
	[smem:$0x755] =	sst s12  }
0x31: {  	s14 =	simm.s32 $0x1310;
	[smem:$0x756] =	sst s13  }
0x32: {  	s15 =	simm.s32 $0x1360;
	[smem:$0x757] =	sst s14  }
0x33: {  	s16 =	simm.s32 $0x13B0;
	[smem:$0x758] =	sst s15  }
0x34: {  	s17 =	simm.s32 $0x1400;
	[smem:$0x759] =	sst s16  }
0x35: {  	s18 =	simm.s32 $0x1450;
	[smem:$0x75A] =	sst s17  }
0x36: {  	s19 =	simm.s32 $0x14A0;
	[smem:$0x75B] =	sst s18  }
0x37: {  	s20 =	simm.s32 $0x14F0;
	[smem:$0x75C] =	sst s19  }
0x38: {  	s21 =	simm.s32 $0x1540;
	[smem:$0x75D] =	sst s20  }
0x39: {  	s9 =	sadd.s32 $0x20400, s3;
	s22 =	simm.s32 $0x1590;
	[smem:$0x75E] =	sst s21  }
0x3a: {  	s29 =	sadd.s32 s9, s26;
	[smem:$0x75F] =	sst s22  }
0x3b: {  	s30 =	sadd.s32 s9, s28;
	s9 =	simm.s32 $0x1E0;
	[dreg:$0x7] =	wrdreg s29  }
0x3c: {  	s26 =	simm.s32 $0x6E0;
	[dreg:$0xd] =	wrdreg s9  }
0x3d: {  	s28 =	simm.s32 $0x730;
	[dreg:$0x1d] =	wrdreg s26  }
0x3e: {  	s6 =	simm.s32 $0x8C0;
	[dreg:$0x1e] =	wrdreg s28  }
0x3f: {  	s7 =	simm.s32 $0x910;
	[smem:$0x71E] =	sst s6  }
0x40: {  	s8 =	simm.s32 $0x960;
	[smem:$0x71F] =	sst s7  }
0x41: {  	s24 =	simm.s32 $0x1630;
	[smem:$0x720] =	sst s8  }
0x42: {  	s11 =	simm.s32 $0x3160;
	[smem:$0x761] =	sst s24  }
0x43: {  	s12 =	simm.s32 $0x31B0;
	[smem:$0x76D] =	sst s11  }
0x44: {  	s13 =	simm.s32 $0x3200;
	[smem:$0x76E] =	sst s12  }
0x45: {  	s14 =	simm.s32 $0x3250;
	[smem:$0x76F] =	sst s13  }
0x46: {  	s15 =	simm.s32 $0x32A0;
	[smem:$0x770] =	sst s14  }
0x47: {  	s16 =	simm.s32 $0x32F0;
	[smem:$0x771] =	sst s15  }
0x48: {  	s17 =	simm.s32 $0x3340;
	[smem:$0x772] =	sst s16  }
0x49: {  	s18 =	simm.s32 $0x3390;
	[smem:$0x773] =	sst s17  }
0x4a: {  	s0 =	sshll.u32 s1, $0x4;
	s19 =	simm.s32 $0x33E0;
	[smem:$0x774] =	sst s18  }
0x4b: {  	s4 =	sor.u32 s10, s0;
	s20 =	simm.s32 $0x3430;
	[smem:$0x775] =	sst s19  }
0x4c: {  	s0 =	smul.u32 $0x2700, s10;
	s21 =	simm.s32 $0x3480;
	[smem:$0x776] =	sst s20  }
0x4d: {  	s22 =	simm.s32 $0x34D0;
	[smem:$0x777] =	sst s21  }
0x4e: {  	s23 =	sshrl.u32 s0, $0x3;
	s31 =	sadd.s32 $0x4E00, s30;
	[smem:$0x778] =	sst s22  }
0x4f: {  	s5 =	sadd.s32 s23, s3;
	s23 =	simm.s32 $0x5F0;
	[dreg:$0x8] =	wrdreg s31  }
0x50: {  	s29 =	simm.s32 $0x780;
	[dreg:$0x1a] =	wrdreg s23  }
0x51: {  	s30 =	simm.s32 $0x7D0;
	[dreg:$0x1f] =	wrdreg s29  }
0x52: {  	s9 =	simm.s32 $0x9B0;
	[smem:$0x71B] =	sst s30  }
0x53: {  	s26 =	simm.s32 $0xEB0;
	[smem:$0x721] =	sst s9  }
0x54: {  	s28 =	simm.s32 $0xF00;
	[smem:$0x731] =	sst s26  }
0x55: {  	s6 =	simm.s32 $0x2850;
	[smem:$0x732] =	sst s28  }
0x56: {  	s7 =	simm.s32 $0x28A0;
	[smem:$0x737] =	sst s6  }
0x57: {  	s8 =	simm.s32 $0x28F0;
	[smem:$0x738] =	sst s7  }
0x58: {  	s24 =	simm.s32 $0x3570;
	[smem:$0x739] =	sst s8  }
0x59: {  	s11 =	simm.s32 $0x19F0;
	[smem:$0x77A] =	sst s24  }
0x5a: {  	s12 =	simm.s32 $0x1A40;
	[smem:$0x786] =	sst s11  }
0x5b: {  	s13 =	simm.s32 $0x1A90;
	[smem:$0x787] =	sst s12  }
0x5c: {  	s14 =	simm.s32 $0x1AE0;
	[smem:$0x788] =	sst s13  }
0x5d: {  	s15 =	simm.s32 $0x1B30;
	[smem:$0x789] =	sst s14  }
0x5e: {  	s16 =	simm.s32 $0x1B80;
	[smem:$0x78A] =	sst s15  }
0x5f: {  	s17 =	simm.s32 $0x1BD0;
	[smem:$0x78B] =	sst s16  }
0x60: {  	s18 =	simm.s32 $0x1C20;
	[smem:$0x78C] =	sst s17  }
0x61: {  	s19 =	simm.s32 $0x1C70;
	[smem:$0x78D] =	sst s18  }
0x62: {  	s20 =	simm.s32 $0x1CC0;
	[smem:$0x78E] =	sst s19  }
0x63: {  	s21 =	simm.s32 $0x1D10;
	[smem:$0x78F] =	sst s20  }
0x64: {  	s0 =	sadd.s32 s0, s2;
	s22 =	simm.s32 $0x1D60;
	[smem:$0x790] =	sst s21  }
0x65: {  	s0 =	sshrl.u32 s0, $0x3;
	[smem:$0x791] =	sst s22  }
0x66: {  	s5 =	sadd.s32 $0x16400, s5;
	[smem:$0x7EB] =	sst s0  }
0x67: {  	s31 =	simm.s32 $0x820;
	[dreg:$0x3] =	wrdreg s5  }
0x68: {  	s23 =	simm.s32 $0xDC0;
	[smem:$0x71C] =	sst s31  }
0x69: {  	s29 =	simm.s32 $0xF50;
	[smem:$0x72E] =	sst s23  }
0x6a: {  	s30 =	simm.s32 $0x2760;
	[smem:$0x733] =	sst s29  }
0x6b: {  	s9 =	simm.s32 $0x2940;
	[smem:$0x734] =	sst s30  }
0x6c: {  	s26 =	simm.s32 $0x2E40;
	[smem:$0x73A] =	sst s9  }
0x6d: {  	s28 =	simm.s32 $0x2E90;
	[smem:$0x74A] =	sst s26  }
0x6e: {  	s6 =	simm.s32 $0x10E0;
	[smem:$0x74B] =	sst s28  }
0x6f: {  	s7 =	simm.s32 $0x1130;
	[smem:$0x750] =	sst s6  }
0x70: {  	s8 =	simm.s32 $0x1180;
	[smem:$0x751] =	sst s7  }
0x71: {  	s24 =	simm.s32 $0x1E00;
	[smem:$0x752] =	sst s8  }
0x72: {  	s11 =	simm.s32 $0x3930;
	[smem:$0x793] =	sst s24  }
0x73: {  	s12 =	simm.s32 $0x3980;
	[smem:$0x79F] =	sst s11  }
0x74: {  	s13 =	simm.s32 $0x39D0;
	[smem:$0x7A0] =	sst s12  }
0x75: {  	s14 =	simm.s32 $0x3A20;
	[smem:$0x7A1] =	sst s13  }
0x76: {  	s15 =	simm.s32 $0x3A70;
	[smem:$0x7A2] =	sst s14  }
0x77: {  	s16 =	simm.s32 $0x3AC0;
	[smem:$0x7A3] =	sst s15  }
0x78: {  	s17 =	simm.s32 $0x3B10;
	[smem:$0x7A4] =	sst s16  }
0x79: {  	s18 =	simm.s32 $0x3B60;
	[smem:$0x7A5] =	sst s17  }
0x7a: {  	s4 =	smul.u32 $0x2710, s4;
	s19 =	simm.s32 $0x3BB0;
	[smem:$0x7A6] =	sst s18  }
0x7b: {  	s20 =	simm.s32 $0x3C00;
	[smem:$0x7A7] =	sst s19  }
0x7c: {  	s4 =	sshrl.u32 s4, $0x3;
	s21 =	simm.s32 $0x3C50;
	[smem:$0x7A8] =	sst s20  }
0x7d: {  	s4 =	sadd.s32 s4, s3;
	s22 =	simm.s32 $0x3CA0;
	[smem:$0x7A9] =	sst s21  }
0x7e: {  	s25 =	sadd.s32 $0x2A00, s4;
	[smem:$0x7AA] =	sst s22  }
0x7f: {  	s4 =	sadd.s32 $0xC640, s4;
	[dreg:$0x5] =	wrdreg s25  }
0x80: {  	s5 =	simm.s32 $0xA0;
	[dreg:$0x6] =	wrdreg s4  }
0x81: {  	s31 =	simm.s32 $0x27B0;
	[dreg:$0x9] =	wrdreg s5  }
0x82: {  	s23 =	simm.s32 $0x2D50;
	[smem:$0x735] =	sst s31  }
0x83: {  	s29 =	simm.s32 $0xFA0;
	[smem:$0x747] =	sst s23  }
0x84: {  	s30 =	simm.s32 $0xFF0;
	[smem:$0x74C] =	sst s29  }
0x85: {  	s9 =	simm.s32 $0x11D0;
	[smem:$0x74D] =	sst s30  }
0x86: {  	s26 =	simm.s32 $0x16D0;
	[smem:$0x753] =	sst s9  }
0x87: {  	s28 =	simm.s32 $0x1720;
	[smem:$0x763] =	sst s26  }
0x88: {  	s6 =	simm.s32 $0x3020;
	[smem:$0x764] =	sst s28  }
0x89: {  	s7 =	simm.s32 $0x3070;
	[smem:$0x769] =	sst s6  }
0x8a: {  	s8 =	simm.s32 $0x30C0;
	[smem:$0x76A] =	sst s7  }
0x8b: {  	s24 =	simm.s32 $0x3D40;
	[smem:$0x76B] =	sst s8  }
0x8c: {  	s11 =	simm.s32 $0x21C0;
	[smem:$0x7AC] =	sst s24  }
0x8d: {  	s12 =	simm.s32 $0x2210;
	[smem:$0x7B8] =	sst s11  }
0x8e: {  	s13 =	simm.s32 $0x2260;
	[smem:$0x7B9] =	sst s12  }
0x8f: {  	s14 =	simm.s32 $0x22B0;
	[smem:$0x7BA] =	sst s13  }
0x90: {  	s15 =	simm.s32 $0x2300;
	[smem:$0x7BB] =	sst s14  }
0x91: {  	s16 =	simm.s32 $0x2350;
	[smem:$0x7BC] =	sst s15  }
0x92: {  	s17 =	simm.s32 $0x23A0;
	[smem:$0x7BD] =	sst s16  }
0x93: {  	s18 =	simm.s32 $0x23F0;
	[smem:$0x7BE] =	sst s17  }
0x94: {  	s19 =	simm.s32 $0x2440;
	[smem:$0x7BF] =	sst s18  }
0x95: {  	s20 =	simm.s32 $0x2490;
	[smem:$0x7C0] =	sst s19  }
0x96: {  	s21 =	simm.s32 $0x24E0;
	[smem:$0x7C1] =	sst s20  }
0x97: {  	s22 =	simm.s32 $0x2530;
	[smem:$0x7C2] =	sst s21  }
0x98: {  	s25 =	simm.s32 $0x690;
	[smem:$0x7C3] =	sst s22  }
0x99: {  	s5 =	simm.s32 $0x870;
	[dreg:$0x1c] =	wrdreg s25  }
0x9a: {  	s31 =	simm.s32 $0x1040;
	[smem:$0x71D] =	sst s5  }
0x9b: {  	s23 =	simm.s32 $0x15E0;
	[smem:$0x74E] =	sst s31  }
0x9c: {  	s29 =	simm.s32 $0x2EE0;
	[smem:$0x760] =	sst s23  }
0x9d: {  	s30 =	simm.s32 $0x2F30;
	[smem:$0x765] =	sst s29  }
0x9e: {  	s9 =	simm.s32 $0x3110;
	[smem:$0x766] =	sst s30  }
0x9f: {  	s26 =	simm.s32 $0x3610;
	[smem:$0x76C] =	sst s9  }
0xa0: {  	s28 =	simm.s32 $0x3660;
	[smem:$0x77C] =	sst s26  }
0xa1: {  	s6 =	simm.s32 $0x18B0;
	[smem:$0x77D] =	sst s28  }
0xa2: {  	s7 =	simm.s32 $0x1900;
	[smem:$0x782] =	sst s6  }
0xa3: {  	s8 =	simm.s32 $0x1950;
	[smem:$0x783] =	sst s7  }
0xa4: {  	s24 =	simm.s32 $0x25D0;
	[smem:$0x784] =	sst s8  }
0xa5: {  	s11 =	simm.s32 $0x4100;
	[smem:$0x7C5] =	sst s24  }
0xa6: {  	s12 =	simm.s32 $0x4150;
	[smem:$0x7D1] =	sst s11  }
0xa7: {  	s13 =	simm.s32 $0x41A0;
	[smem:$0x7D2] =	sst s12  }
0xa8: {  	s14 =	simm.s32 $0x41F0;
	[smem:$0x7D3] =	sst s13  }
0xa9: {  	s15 =	simm.s32 $0x4240;
	[smem:$0x7D4] =	sst s14  }
0xaa: {  	s16 =	simm.s32 $0x4290;
	[smem:$0x7D5] =	sst s15  }
0xab: {  	s17 =	simm.s32 $0x42E0;
	[smem:$0x7D6] =	sst s16  }
0xac: {  	s18 =	simm.s32 $0x4330;
	[smem:$0x7D7] =	sst s17  }
0xad: {  	s19 =	simm.s32 $0x4380;
	[smem:$0x7D8] =	sst s18  }
0xae: {  	s20 =	simm.s32 $0x43D0;
	[smem:$0x7D9] =	sst s19  }
0xaf: {  	s21 =	simm.s32 $0x4420;
	[smem:$0x7DA] =	sst s20  }
0xb0: {  	s22 =	simm.s32 $0x4470;
	[smem:$0x7DB] =	sst s21  }
0xb1: {  	s25 =	simm.s32 $0xE60;
	[smem:$0x7DC] =	sst s22  }
0xb2: {  	s5 =	simm.s32 $0x2800;
	[smem:$0x730] =	sst s25  }
0xb3: {  	s31 =	simm.s32 $0x2F80;
	[smem:$0x736] =	sst s5  }
0xb4: {  	s23 =	simm.s32 $0x3520;
	[smem:$0x767] =	sst s31  }
0xb5: {  	s29 =	simm.s32 $0x1770;
	[smem:$0x779] =	sst s23  }
0xb6: {  	s30 =	simm.s32 $0x17C0;
	[smem:$0x77E] =	sst s29  }
0xb7: {  	s9 =	simm.s32 $0x19A0;
	[smem:$0x77F] =	sst s30  }
0xb8: {  	s26 =	simm.s32 $0x1EA0;
	[smem:$0x785] =	sst s9  }
0xb9: {  	s28 =	simm.s32 $0x1EF0;
	[smem:$0x795] =	sst s26  }
0xba: {  	s6 =	simm.s32 $0x37F0;
	[smem:$0x796] =	sst s28  }
0xbb: {  	s7 =	simm.s32 $0x3840;
	[smem:$0x79B] =	sst s6  }
0xbc: {  	s8 =	simm.s32 $0x3890;
	[smem:$0x79C] =	sst s7  }
0xbd: {  	s24 =	simm.s32 $0x4510;
	[smem:$0x79D] =	sst s8  }
0xbe: {  	s11 =	simm.s32 $0x47E0;
	[smem:$0x7DE] =	sst s24  }
0xbf: {  	s12 =	simm.s32 $0x4830;
	[smem:$0x7E8] =	sst s11  }
0xc0: {  	s13 =	simm.s32 $0x4880;
	[smem:$0x7E9] =	sst s12  }
0xc1: {  	s14 =	simm.s32 $0x48D0;
	[smem:$0x7EA] =	sst s13  }
0xc2: {  	s15 =	simm.s32 $0x4920;
	[smem:$0x7EC] =	sst s14  }
0xc3: {  	s16 =	simm.s32 $0x4970;
	[smem:$0x7ED] =	sst s15  }
0xc4: {  	s17 =	simm.s32 $0x49C0;
	[smem:$0x7EF] =	sst s16  }
0xc5: {  	s18 =	simm.s32 $0x4A10;
	[smem:$0x7F0] =	sst s17  }
0xc6: {  	s19 =	simm.s32 $0x4A60;
	[smem:$0x7F1] =	sst s18  }
0xc7: {  	s20 =	simm.s32 $0x4AB0;
	[smem:$0x7F2] =	sst s19  }
0xc8: {  	s21 =	simm.s32 $0x4B00;
	[smem:$0x7F3] =	sst s20  }
0xc9: {  	s22 =	simm.s32 $0x4B50;
	[smem:$0x7F4] =	sst s21  }
0xca: {  	s25 =	simm.s32 $0x2DF0;
	[smem:$0x7F5] =	sst s22  }
0xcb: {  	s5 =	simm.s32 $0x1090;
	[smem:$0x749] =	sst s25  }
0xcc: {  	s31 =	simm.s32 $0x1810;
	[smem:$0x74F] =	sst s5  }
0xcd: {  	s23 =	simm.s32 $0x1DB0;
	[smem:$0x780] =	sst s31  }
0xce: {  	s29 =	simm.s32 $0x36B0;
	[smem:$0x792] =	sst s23  }
0xcf: {  	s30 =	simm.s32 $0x3700;
	[smem:$0x797] =	sst s29  }
0xd0: {  	s9 =	simm.s32 $0x38E0;
	[smem:$0x798] =	sst s30  }
0xd1: {  	s26 =	simm.s32 $0x3DE0;
	[smem:$0x79E] =	sst s9  }
0xd2: {  	s28 =	simm.s32 $0x3E30;
	[smem:$0x7AE] =	sst s26  }
0xd3: {  	s6 =	simm.s32 $0x2080;
	[smem:$0x7AF] =	sst s28  }
0xd4: {  	s7 =	simm.s32 $0x20D0;
	[smem:$0x7B4] =	sst s6  }
0xd5: {  	s8 =	simm.s32 $0x2120;
	[smem:$0x7B5] =	sst s7  }
0xd6: {  	s24 =	simm.s32 $0x4BF0;
	[smem:$0x7B6] =	sst s8  }
0xd7: {  	s25 =	simm.s32 $0x1680;
	[smem:$0x7F7] =	sst s24  }
0xd8: {  	s5 =	simm.s32 $0x2FD0;
	[smem:$0x762] =	sst s25  }
0xd9: {  	s31 =	simm.s32 $0x3750;
	[smem:$0x768] =	sst s5  }
0xda: {  	s23 =	simm.s32 $0x3CF0;
	[smem:$0x799] =	sst s31  }
0xdb: {  	s29 =	simm.s32 $0x1F40;
	[smem:$0x7AB] =	sst s23  }
0xdc: {  	s30 =	simm.s32 $0x1F90;
	[smem:$0x7B0] =	sst s29  }
0xdd: {  	s9 =	simm.s32 $0x2170;
	[smem:$0x7B1] =	sst s30  }
0xde: {  	s26 =	simm.s32 $0x2670;
	[smem:$0x7B7] =	sst s9  }
0xdf: {  	s28 =	simm.s32 $0x26C0;
	[smem:$0x7C7] =	sst s26  }
0xe0: {  	s6 =	simm.s32 $0x3FC0;
	[smem:$0x7C8] =	sst s28  }
0xe1: {  	s7 =	simm.s32 $0x4010;
	[smem:$0x7CD] =	sst s6  }
0xe2: {  	s8 =	simm.s32 $0x4060;
	[smem:$0x7CE] =	sst s7  }
0xe3: {  	s25 =	simm.s32 $0x35C0;
	[smem:$0x7CF] =	sst s8  }
0xe4: {  	s5 =	simm.s32 $0x1860;
	[smem:$0x77B] =	sst s25  }
0xe5: {  	s31 =	simm.s32 $0x1FE0;
	[smem:$0x781] =	sst s5  }
0xe6: {  	s23 =	simm.s32 $0x2580;
	[smem:$0x7B2] =	sst s31  }
0xe7: {  	s29 =	simm.s32 $0x3E80;
	[smem:$0x7C4] =	sst s23  }
0xe8: {  	s30 =	simm.s32 $0x3ED0;
	[smem:$0x7C9] =	sst s29  }
0xe9: {  	s9 =	simm.s32 $0x40B0;
	[smem:$0x7CA] =	sst s30  }
0xea: {  	s26 =	simm.s32 $0x45B0;
	[smem:$0x7D0] =	sst s9  }
0xeb: {  	s28 =	simm.s32 $0x4600;
	[smem:$0x7E0] =	sst s26  }
0xec: {  	s6 =	simm.s32 $0x46F0;
	[smem:$0x7E1] =	sst s28  }
0xed: {  	s7 =	simm.s32 $0x4740;
	[smem:$0x7E4] =	sst s6  }
0xee: {  	s25 =	simm.s32 $0x1E50;
	[smem:$0x7E5] =	sst s7  }
0xef: {  	s5 =	simm.s32 $0x37A0;
	[smem:$0x794] =	sst s25  }
0xf0: {  	s31 =	simm.s32 $0x3F20;
	[smem:$0x79A] =	sst s5  }
0xf1: {  	s23 =	simm.s32 $0x44C0;
	[smem:$0x7CB] =	sst s31  }
0xf2: {  	s29 =	simm.s32 $0x4650;
	[smem:$0x7DD] =	sst s23  }
0xf3: {  	s9 =	simm.s32 $0x4790;
	[smem:$0x7E2] =	sst s29  }
0xf4: {  	s26 =	simm.s32 $0x4C90;
	[smem:$0x7E7] =	sst s9  }
0xf5: {  	s28 =	simm.s32 $0x4CE0;
	[smem:$0x7F9] =	sst s26  }
0xf6: {  	s25 =	simm.s32 $0x3D90;
	[smem:$0x7FA] =	sst s28  }
0xf7: {  	s5 =	simm.s32 $0x2030;
	[smem:$0x7AD] =	sst s25  }
0xf8: {  	s31 =	simm.s32 $0x46A0;
	[smem:$0x7B3] =	sst s5  }
0xf9: {  	s1 =	ssub.s32 $0x2, s1;
	s23 =	simm.s32 $0x4BA0;
	[smem:$0x7E3] =	sst s31  }
0xfa: {  	s30 =	sshrl.u32 s1, $0x1;
	s29 =	simm.s32 $0x4D30;
	[smem:$0x7F6] =	sst s23  }
0xfb: {  	s1 =	ssub.s32 s1, s30;
	s30 =	simm.s32 $0x4D80;
	[smem:$0x7FB] =	sst s29  }
0xfc: {  	s25 =	simm.s32 $0x2620;
	[smem:$0x7FC] =	sst s30  }
0xfd: {  	p0 =	sne.s32 s10, $0xF;
	s5 =	simm.s32 $0x3F70;
	[smem:$0x7C6] =	sst s25  }
0xfe: {  	s4 =	sadd.s32 $0x1B400, s3;
	s31 =	simm.s32 $0x4DD0;
	[smem:$0x7CC] =	sst s5  }
0xff: {  	s8 =	sshll.u32 s10, $0x6;
	s25 =	simm.s32 $0x4560;
	[smem:$0x7FD] =	sst s31  }
0x100: {  	s11 =	simm.s32 $0x50;
	s5 =	sor.u32 $0x1C03, s8;
	[smem:$0x7DF] =	sst s25  }
0x101: {  	[smem:$0x7E6] =	sst s5;
	s5 =	sadd.s32 $0x27000, s2;
	s25 =	simm.s32 $0x4C40  }
0x102: {  	s6 =	smax.u32 s1, $0x1;
	s1 =	sshrl.u32 @!p0 s5, $0x3;
	[smem:$0x7F8] =	sst s25  }
0x103: {  	s12 =	simm.s32 $0x1;
	s13 =	simm.s32 $0x2;
	[smem:$0x7EE] =	sst s1  }
.LBB2_1:
0x104: {  	s1 =	sld [smem:$0x7EB]  }
0x105: {  	s0 =	sld [smem:$0x7E6]  }
0x106: {  	[smem:$0x71A] =	sst s6  }
0x107: {  	s14 =	rddreg [dreg:$0x3];
	s3 =	simm.s32 $0x3  }
0x108: {  	[spmem:s1], [sflag:s0] =	dma.local [hbm:s14], $0x4E0  }
0x109: {  	_ =	swait.ge [sflag:s3], $0x4E0  }
0x10a: {  	s1 =	sld [smem:$0x7EE]  }
0x10b: {  	[sflag:s3] =	ssyncset.done $0x0  }
0x10c: {  	s14 =	rddreg [dreg:$0x4];
	[sflag:s3] =	ssyncadd.s32 $0xFFFFFB20  }
0x10d: {  	[spmem:s1], [sflag:s0] =	dma.local @!p0 [hbm:s14], $0x20  }
0x10e: {  	s1 =	simm.s32 @!p0 $0x3  }
0x10f: {  	_ =	swait.ge @!p0 [sflag:s1], $0x20  }
0x110: {  	[sflag:s1] =	ssyncset.done @!p0 $0x0  }
0x111: {  	s16 =	simm.s32 $0x0;
	s15 =	rddreg [dreg:$0x5];
	[sflag:s1] =	ssyncadd.s32 @!p0 $0xFFFFFFE0  }
0x112: {  	[tilespmem:s16], [sflag:$0x3] =	stream.linear.gather [hbm4b:s15+s16], $0x2710, $0x38;
	[tilespmem:$0x16F30] =	vst v63  }
0x113: {  	_ =	swait.ge [sflag:s3], $0x2710  }
0x114: {  	[sflag:s3] =	ssyncset.done $0x0  }
0x115: {  	s19 =	simm.s32 $0x2710;
	s17 =	rddreg [dreg:$0x6];
	[sflag:s3] =	ssyncadd.s32 $0xFFFFD8F0  }
0x116: {  	[tilespmem:s19], [sflag:$0x3] =	stream.linear.gather [hbm4b:s17+s16], $0x2710, $0x38;
	[tilespmem:$0x16F30] =	vst v63  }
0x117: {  	_ =	swait.ge [sflag:s3], $0x2710  }
0x118: {  	[sflag:s3] =	ssyncset.done $0x0  }
0x119: {  	[sflag:s3] =	ssyncadd.s32 $0xFFFFD8F0  }
0x11a: {  	s18 =	simm.s32 $0x4E20;
	[bflag:$0x0] =	sbarrier.arrive $0xFFFF  }
0x11b: {  	[tilespmem:s18], [sflag:$0x1] =	stream.indirect.gather [hbm4b:s4+s11], $0x10, s16, s11, $0xb8;
	[tilespmem:$0x16F30] =	vst v63  }
0x11c: {  	s21 =	simm.s32 $0x5320;
	s20 =	rddreg [dreg:$0x9]  }
0x11d: {  	[tilespmem:s21], [sflag:$0x1] =	stream.indirect.gather [hbm4b:s4+s11], $0x10, s11, s11, $0xb8;
	[tilespmem:$0x16F30] =	vst v63  }
0x11e: {  	s22 =	simm.s32 $0x5820;
	s23 =	rddreg [dreg:$0xa]  }
0x11f: {  	[tilespmem:s22], [sflag:$0x1] =	stream.indirect.gather [hbm4b:s4+s11], $0x10, s20, s11, $0xb8;
	[tilespmem:$0x16F30] =	vst v63  }
0x120: {  	s25 =	simm.s32 $0x5D20;
	s24 =	rddreg [dreg:$0xb]  }
0x121: {  	[tilespmem:s25], [sflag:$0x1] =	stream.indirect.gather [hbm4b:s4+s11], $0x10, s23, s11, $0xb8;
	[tilespmem:$0x16F30] =	vst v63  }
0x122: {  	s26 =	simm.s32 $0x6220;
	s15 =	rddreg [dreg:$0xc]  }
0x123: {  	[tilespmem:s26], [sflag:$0x1] =	stream.indirect.gather [hbm4b:s4+s11], $0x10, s24, s11, $0xb8;
	[tilespmem:$0x16F30] =	vst v63  }
0x124: {  	s29 =	simm.s32 $0x6720  }
0x125: {  	[tilespmem:s29], [sflag:$0x1] =	stream.indirect.gather [hbm4b:s4+s11], $0x10, s15, s11, $0xb8;
	[tilespmem:$0x16F30] =	vst v63  }
0x126: {  	s31 =	simm.s32 $0x6C20;
	s28 =	rddreg [dreg:$0xd]  }
0x127: {  	[tilespmem:s31], [sflag:$0x1] =	stream.indirect.gather [hbm4b:s4+s11], $0x10, s28, s11, $0xb8;
	[tilespmem:$0x16F30] =	vst v63  }
0x128: {  	s3 =	simm.s32 $0x7120;
	s30 =	rddreg [dreg:$0xe]  }
0x129: {  	[tilespmem:s3], [sflag:$0x1] =	stream.indirect.gather [hbm4b:s4+s11], $0x10, s30, s11, $0xb8;
	[tilespmem:$0x16F30] =	vst v63  }
0x12a: {  	s6 =	simm.s32 $0x7620;
	s0 =	rddreg [dreg:$0xf]  }
0x12b: {  	[tilespmem:s6], [sflag:$0x1] =	stream.indirect.gather [hbm4b:s4+s11], $0x10, s0, s11, $0xb8;
	[tilespmem:$0x16F30] =	vst v63  }
0x12c: {  	s8 =	simm.s32 $0x7B20;
	s5 =	rddreg [dreg:$0x10]  }
0x12d: {  	[tilespmem:s8], [sflag:$0x1] =	stream.indirect.gather [hbm4b:s4+s11], $0x10, s5, s11, $0xb8;
	[tilespmem:$0x16F30] =	vst v63  }
0x12e: {  	s20 =	simm.s32 $0x8020;
	s7 =	rddreg [dreg:$0x11]  }
0x12f: {  	[tilespmem:s20], [sflag:$0x1] =	stream.indirect.gather [hbm4b:s4+s11], $0x10, s7, s11, $0xb8;
	[tilespmem:$0x16F30] =	vst v63  }
0x130: {  	s22 =	simm.s32 $0x8520;
	s18 =	rddreg [dreg:$0x12]  }
0x131: {  	[tilespmem:s22], [sflag:$0x1] =	stream.indirect.gather [hbm4b:s4+s11], $0x10, s18, s11, $0xb8;
	[tilespmem:$0x16F30] =	vst v63  }
0x132: {  	s21 =	rddreg [dreg:$0x13];
	s24 =	simm.s32 $0x8A20  }
0x133: {  	[tilespmem:s24], [sflag:$0x1] =	stream.indirect.gather [hbm4b:s4+s11], $0x10, s21, s11, $0xb8;
	[tilespmem:$0x16F30] =	vst v63  }
0x134: {  	s23 =	rddreg [dreg:$0x14];
	s26 =	simm.s32 $0x8F20  }
0x135: {  	[tilespmem:s26], [sflag:$0x1] =	stream.indirect.gather [hbm4b:s4+s11], $0x10, s23, s11, $0xb8;
	[tilespmem:$0x16F30] =	vst v63  }
0x136: {  	s25 =	rddreg [dreg:$0x15];
	s29 =	simm.s32 $0x9420  }
0x137: {  	[tilespmem:s29], [sflag:$0x1] =	stream.indirect.gather [hbm4b:s4+s11], $0x10, s25, s11, $0xb8;
	[tilespmem:$0x16F30] =	vst v63  }
0x138: {  	s28 =	rddreg [dreg:$0x16];
	s31 =	simm.s32 $0x9920  }
0x139: {  	[tilespmem:s31], [sflag:$0x1] =	stream.indirect.gather [hbm4b:s4+s11], $0x10, s28, s11, $0xb8;
	[tilespmem:$0x16F30] =	vst v63  }
0x13a: {  	s30 =	rddreg [dreg:$0x17];
	s3 =	simm.s32 $0x9E20  }
0x13b: {  	[tilespmem:s3], [sflag:$0x1] =	stream.indirect.gather [hbm4b:s4+s11], $0x10, s30, s11, $0xb8;
	[tilespmem:$0x16F30] =	vst v63  }
0x13c: {  	s1 =	rddreg [dreg:$0x18];
	s7 =	simm.s32 $0xA320  }
0x13d: {  	[tilespmem:s7], [sflag:$0x1] =	stream.indirect.gather [hbm4b:s4+s11], $0x10, s1, s11, $0xb8;
	[tilespmem:$0x16F30] =	vst v63  }
0x13e: {  	s6 =	rddreg [dreg:$0x19];
	s20 =	simm.s32 $0xA820  }
0x13f: {  	[tilespmem:s20], [sflag:$0x1] =	stream.indirect.gather [hbm4b:s4+s11], $0x10, s6, s11, $0xb8;
	[tilespmem:$0x16F30] =	vst v63  }
0x140: {  	s18 =	rddreg [dreg:$0x1a];
	s23 =	simm.s32 $0xAD20  }
0x141: {  	[tilespmem:s23], [sflag:$0x1] =	stream.indirect.gather [hbm4b:s4+s11], $0x10, s18, s11, $0xb8;
	[tilespmem:$0x16F30] =	vst v63  }
0x142: {  	s21 =	rddreg [dreg:$0x1b];
	s25 =	simm.s32 $0xB220  }
0x143: {  	[tilespmem:s25], [sflag:$0x1] =	stream.indirect.gather [hbm4b:s4+s11], $0x10, s21, s11, $0xb8;
	[tilespmem:$0x16F30] =	vst v63  }
0x144: {  	s24 =	rddreg [dreg:$0x1c];
	s28 =	simm.s32 $0xB720  }
0x145: {  	[tilespmem:s28], [sflag:$0x1] =	stream.indirect.gather [hbm4b:s4+s11], $0x10, s24, s11, $0xb8;
	[tilespmem:$0x16F30] =	vst v63  }
0x146: {  	s26 =	rddreg [dreg:$0x1d];
	s30 =	simm.s32 $0xBC20  }
0x147: {  	[tilespmem:s30], [sflag:$0x1] =	stream.indirect.gather [hbm4b:s4+s11], $0x10, s26, s11, $0xb8;
	[tilespmem:$0x16F30] =	vst v63  }
0x148: {  	s29 =	rddreg [dreg:$0x1e];
	s6 =	simm.s32 $0xC120  }
0x149: {  	[tilespmem:s6], [sflag:$0x1] =	stream.indirect.gather [hbm4b:s4+s11], $0x10, s29, s11, $0xb8;
	[tilespmem:$0x16F30] =	vst v63  }
0x14a: {  	s31 =	rddreg [dreg:$0x1f];
	s7 =	simm.s32 $0xC620  }
0x14b: {  	[tilespmem:s7], [sflag:$0x1] =	stream.indirect.gather [hbm4b:s4+s11], $0x10, s31, s11, $0xb8;
	[tilespmem:$0x16F30] =	vst v63  }
0x14c: {  	_ =	swait.ge [sflag:s12], $0x500  }
0x14d: {  	[sflag:s12] =	ssyncset.done $0x0  }
0x14e: {  	[sflag:s12] =	ssyncadd.s32 $0xFFFFFB00  }
0x14f: {  	_ =	swait.ge [sflag:s12], $0x500  }
0x150: {  	[sflag:s12] =	ssyncset.done $0x0  }
0x151: {  	[sflag:s12] =	ssyncadd.s32 $0xFFFFFB00  }
0x152: {  	_ =	swait.ge [sflag:s12], $0x500  }
0x153: {  	[sflag:s12] =	ssyncset.done $0x0  }
0x154: {  	[sflag:s12] =	ssyncadd.s32 $0xFFFFFB00  }
0x155: {  	_ =	swait.ge [sflag:s12], $0x500  }
0x156: {  	[sflag:s12] =	ssyncset.done $0x0  }
0x157: {  	[sflag:s12] =	ssyncadd.s32 $0xFFFFFB00  }
0x158: {  	_ =	swait.ge [sflag:s12], $0x500  }
0x159: {  	[sflag:s12] =	ssyncset.done $0x0  }
0x15a: {  	[sflag:s12] =	ssyncadd.s32 $0xFFFFFB00  }
0x15b: {  	_ =	swait.ge [sflag:s12], $0x500  }
0x15c: {  	[sflag:s12] =	ssyncset.done $0x0  }
0x15d: {  	[sflag:s12] =	ssyncadd.s32 $0xFFFFFB00  }
0x15e: {  	_ =	swait.ge [sflag:s12], $0x500  }
0x15f: {  	[sflag:s12] =	ssyncset.done $0x0  }
0x160: {  	[sflag:s12] =	ssyncadd.s32 $0xFFFFFB00  }
0x161: {  	_ =	swait.ge [sflag:s12], $0x500  }
0x162: {  	[sflag:s12] =	ssyncset.done $0x0  }
0x163: {  	[sflag:s12] =	ssyncadd.s32 $0xFFFFFB00  }
0x164: {  	_ =	swait.ge [sflag:s12], $0x500  }
0x165: {  	[sflag:s12] =	ssyncset.done $0x0  }
0x166: {  	[sflag:s12] =	ssyncadd.s32 $0xFFFFFB00  }
0x167: {  	_ =	swait.ge [sflag:s12], $0x500  }
0x168: {  	[sflag:s12] =	ssyncset.done $0x0  }
0x169: {  	[sflag:s12] =	ssyncadd.s32 $0xFFFFFB00  }
0x16a: {  	_ =	swait.ge [sflag:s12], $0x500  }
0x16b: {  	[sflag:s12] =	ssyncset.done $0x0  }
0x16c: {  	[sflag:s12] =	ssyncadd.s32 $0xFFFFFB00  }
0x16d: {  	_ =	swait.ge [sflag:s12], $0x500  }
0x16e: {  	[sflag:s12] =	ssyncset.done $0x0  }
0x16f: {  	[sflag:s12] =	ssyncadd.s32 $0xFFFFFB00  }
0x170: {  	_ =	swait.ge [sflag:s12], $0x500  }
0x171: {  	[sflag:s12] =	ssyncset.done $0x0  }
0x172: {  	[sflag:s12] =	ssyncadd.s32 $0xFFFFFB00  }
0x173: {  	_ =	swait.ge [sflag:s12], $0x500  }
0x174: {  	[sflag:s12] =	ssyncset.done $0x0  }
0x175: {  	[sflag:s12] =	ssyncadd.s32 $0xFFFFFB00  }
0x176: {  	_ =	swait.ge [sflag:s12], $0x500  }
0x177: {  	[sflag:s12] =	ssyncset.done $0x0  }
0x178: {  	[sflag:s12] =	ssyncadd.s32 $0xFFFFFB00  }
0x179: {  	_ =	swait.ge [sflag:s12], $0x500  }
0x17a: {  	[sflag:s12] =	ssyncset.done $0x0  }
0x17b: {  	[sflag:s12] =	ssyncadd.s32 $0xFFFFFB00  }
0x17c: {  	_ =	swait.ge [sflag:s12], $0x500  }
0x17d: {  	[sflag:s12] =	ssyncset.done $0x0  }
0x17e: {  	[sflag:s12] =	ssyncadd.s32 $0xFFFFFB00  }
0x17f: {  	_ =	swait.ge [sflag:s12], $0x500  }
0x180: {  	[sflag:s12] =	ssyncset.done $0x0  }
0x181: {  	[sflag:s12] =	ssyncadd.s32 $0xFFFFFB00  }
0x182: {  	_ =	swait.ge [sflag:s12], $0x500  }
0x183: {  	[sflag:s12] =	ssyncset.done $0x0  }
0x184: {  	[sflag:s12] =	ssyncadd.s32 $0xFFFFFB00  }
0x185: {  	_ =	swait.ge [sflag:s12], $0x500  }
0x186: {  	[sflag:s12] =	ssyncset.done $0x0  }
0x187: {  	[sflag:s12] =	ssyncadd.s32 $0xFFFFFB00  }
0x188: {  	_ =	swait.ge [sflag:s12], $0x500  }
0x189: {  	[sflag:s12] =	ssyncset.done $0x0  }
0x18a: {  	[sflag:s12] =	ssyncadd.s32 $0xFFFFFB00  }
0x18b: {  	_ =	swait.ge [sflag:s12], $0x500  }
0x18c: {  	[sflag:s12] =	ssyncset.done $0x0  }
0x18d: {  	[sflag:s12] =	ssyncadd.s32 $0xFFFFFB00  }
0x18e: {  	_ =	swait.ge [sflag:s12], $0x500  }
0x18f: {  	[sflag:s12] =	ssyncset.done $0x0  }
0x190: {  	[sflag:s12] =	ssyncadd.s32 $0xFFFFFB00  }
0x191: {  	_ =	swait.ge [sflag:s12], $0x500  }
0x192: {  	[sflag:s12] =	ssyncset.done $0x0  }
0x193: {  	[sflag:s12] =	ssyncadd.s32 $0xFFFFFB00  }
0x194: {  	_ =	swait.ge [sflag:s12], $0x500  }
0x195: {  	s18 =	sld [smem:$0x71B]  }
0x196: {  	[sflag:s12] =	ssyncset.done $0x0  }
0x197: {  	s21 =	simm.s32 $0xCB20;
	s20 =	sld [smem:$0x71C];
	[sflag:s12] =	ssyncadd.s32 $0xFFFFFB00  }
0x198: {  	[tilespmem:s21], [sflag:$0x1] =	stream.indirect.gather [hbm4b:s4+s11], $0x10, s18, s11, $0xb8;
	[tilespmem:$0x16F30] =	vst v63  }
0x199: {  	s24 =	simm.s32 $0xD020;
	s23 =	sld [smem:$0x71D]  }
0x19a: {  	[tilespmem:s24], [sflag:$0x1] =	stream.indirect.gather [hbm4b:s4+s11], $0x10, s20, s11, $0xb8;
	[tilespmem:$0x16F30] =	vst v63  }
0x19b: {  	s26 =	simm.s32 $0xD520;
	s25 =	sld [smem:$0x71E]  }
0x19c: {  	[tilespmem:s26], [sflag:$0x1] =	stream.indirect.gather [hbm4b:s4+s11], $0x10, s23, s11, $0xb8;
	[tilespmem:$0x16F30] =	vst v63  }
0x19d: {  	s29 =	simm.s32 $0xDA20;
	s28 =	sld [smem:$0x71F]  }
0x19e: {  	[tilespmem:s29], [sflag:$0x1] =	stream.indirect.gather [hbm4b:s4+s11], $0x10, s25, s11, $0xb8;
	[tilespmem:$0x16F30] =	vst v63  }
0x19f: {  	s31 =	simm.s32 $0xDF20;
	s30 =	sld [smem:$0x720]  }
0x1a0: {  	[tilespmem:s31], [sflag:$0x1] =	stream.indirect.gather [hbm4b:s4+s11], $0x10, s28, s11, $0xb8;
	[tilespmem:$0x16F30] =	vst v63  }
0x1a1: {  	s6 =	sld [smem:$0x721];
	s18 =	simm.s32 $0xE420  }
0x1a2: {  	[tilespmem:s18], [sflag:$0x1] =	stream.indirect.gather [hbm4b:s4+s11], $0x10, s30, s11, $0xb8;
	[tilespmem:$0x16F30] =	vst v63  }
0x1a3: {  	s21 =	simm.s32 $0xE920;
	s20 =	sld [smem:$0x722]  }
0x1a4: {  	[tilespmem:s21], [sflag:$0x1] =	stream.indirect.gather [hbm4b:s4+s11], $0x10, s6, s11, $0xb8;
	[tilespmem:$0x16F30] =	vst v63  }
0x1a5: {  	s24 =	simm.s32 $0xEE20;
	s23 =	sld [smem:$0x723]  }
0x1a6: {  	[tilespmem:s24], [sflag:$0x1] =	stream.indirect.gather [hbm4b:s4+s11], $0x10, s20, s11, $0xb8;
	[tilespmem:$0x16F30] =	vst v63  }
0x1a7: {  	s26 =	simm.s32 $0xF320;
	s25 =	sld [smem:$0x724]  }
0x1a8: {  	[tilespmem:s26], [sflag:$0x1] =	stream.indirect.gather [hbm4b:s4+s11], $0x10, s23, s11, $0xb8;
	[tilespmem:$0x16F30] =	vst v63  }
0x1a9: {  	s29 =	simm.s32 $0xF820;
	s28 =	sld [smem:$0x725]  }
0x1aa: {  	[tilespmem:s29], [sflag:$0x1] =	stream.indirect.gather [hbm4b:s4+s11], $0x10, s25, s11, $0xb8;
	[tilespmem:$0x16F30] =	vst v63  }
0x1ab: {  	s31 =	simm.s32 $0xFD20;
	s30 =	sld [smem:$0x726]  }
0x1ac: {  	[tilespmem:s31], [sflag:$0x1] =	stream.indirect.gather [hbm4b:s4+s11], $0x10, s28, s11, $0xb8;
	[tilespmem:$0x16F30] =	vst v63  }
0x1ad: {  	s18 =	simm.s32 $0x10220;
	s6 =	sld [smem:$0x727]  }
0x1ae: {  	[tilespmem:s18], [sflag:$0x1] =	stream.indirect.gather [hbm4b:s4+s11], $0x10, s30, s11, $0xb8;
	[tilespmem:$0x16F30] =	vst v63  }
0x1af: {  	s21 =	simm.s32 $0x10720;
	s20 =	sld [smem:$0x728]  }
0x1b0: {  	[tilespmem:s21], [sflag:$0x1] =	stream.indirect.gather [hbm4b:s4+s11], $0x10, s6, s11, $0xb8;
	[tilespmem:$0x16F30] =	vst v63  }
0x1b1: {  	s24 =	simm.s32 $0x10C20;
	s23 =	sld [smem:$0x729]  }
0x1b2: {  	[tilespmem:s24], [sflag:$0x1] =	stream.indirect.gather [hbm4b:s4+s11], $0x10, s20, s11, $0xb8;
	[tilespmem:$0x16F30] =	vst v63  }
0x1b3: {  	s26 =	simm.s32 $0x11120;
	s25 =	sld [smem:$0x72A]  }
0x1b4: {  	[tilespmem:s26], [sflag:$0x1] =	stream.indirect.gather [hbm4b:s4+s11], $0x10, s23, s11, $0xb8;
	[tilespmem:$0x16F30] =	vst v63  }
0x1b5: {  	s29 =	simm.s32 $0x11620;
	s28 =	sld [smem:$0x72B]  }
0x1b6: {  	[tilespmem:s29], [sflag:$0x1] =	stream.indirect.gather [hbm4b:s4+s11], $0x10, s25, s11, $0xb8;
	[tilespmem:$0x16F30] =	vst v63  }
0x1b7: {  	s31 =	simm.s32 $0x11B20;
	s30 =	sld [smem:$0x72C]  }
0x1b8: {  	[tilespmem:s31], [sflag:$0x1] =	stream.indirect.gather [hbm4b:s4+s11], $0x10, s28, s11, $0xb8;
	[tilespmem:$0x16F30] =	vst v63  }
0x1b9: {  	s18 =	simm.s32 $0x12020;
	s6 =	sld [smem:$0x72D]  }
0x1ba: {  	[tilespmem:s18], [sflag:$0x1] =	stream.indirect.gather [hbm4b:s4+s11], $0x10, s30, s11, $0xb8;
	[tilespmem:$0x16F30] =	vst v63  }
0x1bb: {  	s21 =	simm.s32 $0x12520;
	s20 =	sld [smem:$0x72E]  }
0x1bc: {  	[tilespmem:s21], [sflag:$0x1] =	stream.indirect.gather [hbm4b:s4+s11], $0x10, s6, s11, $0xb8;
	[tilespmem:$0x16F30] =	vst v63  }
0x1bd: {  	s24 =	simm.s32 $0x12A20;
	s23 =	sld [smem:$0x72F]  }
0x1be: {  	[tilespmem:s24], [sflag:$0x1] =	stream.indirect.gather [hbm4b:s4+s11], $0x10, s20, s11, $0xb8;
	[tilespmem:$0x16F30] =	vst v63  }
0x1bf: {  	s26 =	simm.s32 $0x12F20;
	s25 =	sld [smem:$0x730]  }
0x1c0: {  	[tilespmem:s26], [sflag:$0x1] =	stream.indirect.gather [hbm4b:s4+s11], $0x10, s23, s11, $0xb8;
	[tilespmem:$0x16F30] =	vst v63  }
0x1c1: {  	s29 =	simm.s32 $0x13420;
	s28 =	sld [smem:$0x731]  }
0x1c2: {  	[tilespmem:s29], [sflag:$0x1] =	stream.indirect.gather [hbm4b:s4+s11], $0x10, s25, s11, $0xb8;
	[tilespmem:$0x16F30] =	vst v63  }
0x1c3: {  	s31 =	simm.s32 $0x13920;
	s30 =	sld [smem:$0x732]  }
0x1c4: {  	[tilespmem:s31], [sflag:$0x1] =	stream.indirect.gather [hbm4b:s4+s11], $0x10, s28, s11, $0xb8;
	[tilespmem:$0x16F30] =	vst v63  }
0x1c5: {  	s18 =	simm.s32 $0x13E20;
	s6 =	sld [smem:$0x733]  }
0x1c6: {  	[tilespmem:s18], [sflag:$0x1] =	stream.indirect.gather [hbm4b:s4+s11], $0x10, s30, s11, $0xb8;
	[tilespmem:$0x16F30] =	vst v63  }
0x1c7: {  	s20 =	simm.s32 $0x14320  }
0x1c8: {  	[tilespmem:s20], [sflag:$0x1] =	stream.indirect.gather [hbm4b:s4+s11], $0x10, s6, s11, $0xb8;
	[tilespmem:$0x16F30] =	vst v63  }
0x1c9: {  	s14 =	simm.s32 $0x4E20;
	s21 =	sld [smem:$0x734]  }
0x1ca: {  	[spmem:s2] =	stream.indirect.scatter.add.f32 [tilespmem:s14], [sflag:$0x2], $0x10, s19, s11, $0xb8;
	[tilespmem:$0x16F30] =	vst v63  }
0x1cb: {  	s17 =	simm.s32 $0x5320;
	s23 =	sld [smem:$0x735]  }
0x1cc: {  	[spmem:s2] =	stream.indirect.scatter.add.f32 [tilespmem:s17], [sflag:$0x2], $0x10, s21, s11, $0xb8;
	[tilespmem:$0x16F30] =	vst v63  }
0x1cd: {  	s25 =	sld [smem:$0x736];
	s19 =	simm.s32 $0x5820  }
0x1ce: {  	[spmem:s2] =	stream.indirect.scatter.add.f32 [tilespmem:s19], [sflag:$0x2], $0x10, s23, s11, $0xb8;
	[tilespmem:$0x16F30] =	vst v63  }
0x1cf: {  	s10 =	simm.s32 $0x5D20;
	s26 =	sld [smem:$0x737]  }
0x1d0: {  	[spmem:s2] =	stream.indirect.scatter.add.f32 [tilespmem:s10], [sflag:$0x2], $0x10, s25, s11, $0xb8;
	[tilespmem:$0x16F30] =	vst v63  }
0x1d1: {  	s9 =	simm.s32 $0x6220;
	s28 =	sld [smem:$0x738]  }
0x1d2: {  	[spmem:s2] =	stream.indirect.scatter.add.f32 [tilespmem:s9], [sflag:$0x2], $0x10, s26, s11, $0xb8;
	[tilespmem:$0x16F30] =	vst v63  }
0x1d3: {  	s29 =	sld [smem:$0x739];
	s9 =	simm.s32 $0x6720  }
0x1d4: {  	[spmem:s2] =	stream.indirect.scatter.add.f32 [tilespmem:s9], [sflag:$0x2], $0x10, s28, s11, $0xb8;
	[tilespmem:$0x16F30] =	vst v63  }
0x1d5: {  	s30 =	sld [smem:$0x73A];
	s17 =	simm.s32 $0x6C20  }
0x1d6: {  	[spmem:s2] =	stream.indirect.scatter.add.f32 [tilespmem:s17], [sflag:$0x2], $0x10, s29, s11, $0xb8;
	[tilespmem:$0x16F30] =	vst v63  }
0x1d7: {  	s0 =	simm.s32 $0x7120;
	s31 =	sld [smem:$0x73B]  }
0x1d8: {  	[spmem:s2] =	stream.indirect.scatter.add.f32 [tilespmem:s0], [sflag:$0x2], $0x10, s30, s11, $0xb8;
	[tilespmem:$0x16F30] =	vst v63  }
0x1d9: {  	s18 =	simm.s32 $0x7620;
	s10 =	sld [smem:$0x73C]  }
0x1da: {  	[spmem:s2] =	stream.indirect.scatter.add.f32 [tilespmem:s18], [sflag:$0x2], $0x10, s31, s11, $0xb8;
	[tilespmem:$0x16F30] =	vst v63  }
0x1db: {  	s5 =	simm.s32 $0x7B20;
	s20 =	sld [smem:$0x73D]  }
0x1dc: {  	[spmem:s2] =	stream.indirect.scatter.add.f32 [tilespmem:s5], [sflag:$0x2], $0x10, s10, s11, $0xb8;
	[tilespmem:$0x16F30] =	vst v63  }
0x1dd: {  	s21 =	sld [smem:$0x73E];
	s10 =	simm.s32 $0x8020  }
0x1de: {  	[spmem:s2] =	stream.indirect.scatter.add.f32 [tilespmem:s10], [sflag:$0x2], $0x10, s20, s11, $0xb8;
	[tilespmem:$0x16F30] =	vst v63  }
0x1df: {  	s8 =	simm.s32 $0x8520;
	s23 =	sld [smem:$0x73F]  }
0x1e0: {  	[spmem:s2] =	stream.indirect.scatter.add.f32 [tilespmem:s8], [sflag:$0x2], $0x10, s21, s11, $0xb8;
	[tilespmem:$0x16F30] =	vst v63  }
0x1e1: {  	s22 =	simm.s32 $0x8A20;
	s25 =	sld [smem:$0x740]  }
0x1e2: {  	[spmem:s2] =	stream.indirect.scatter.add.f32 [tilespmem:s22], [sflag:$0x2], $0x10, s23, s11, $0xb8;
	[tilespmem:$0x16F30] =	vst v63  }
0x1e3: {  	s26 =	sld [smem:$0x741];
	s23 =	simm.s32 $0x8F20  }
0x1e4: {  	[spmem:s2] =	stream.indirect.scatter.add.f32 [tilespmem:s23], [sflag:$0x2], $0x10, s25, s11, $0xb8;
	[tilespmem:$0x16F30] =	vst v63  }
0x1e5: {  	s28 =	sld [smem:$0x742];
	s25 =	simm.s32 $0x9420  }
0x1e6: {  	[spmem:s2] =	stream.indirect.scatter.add.f32 [tilespmem:s25], [sflag:$0x2], $0x10, s26, s11, $0xb8;
	[tilespmem:$0x16F30] =	vst v63  }
0x1e7: {  	s29 =	sld [smem:$0x743];
	s26 =	simm.s32 $0x9920  }
0x1e8: {  	[spmem:s2] =	stream.indirect.scatter.add.f32 [tilespmem:s26], [sflag:$0x2], $0x10, s28, s11, $0xb8;
	[tilespmem:$0x16F30] =	vst v63  }
0x1e9: {  	s30 =	sld [smem:$0x744];
	s28 =	simm.s32 $0x9E20  }
0x1ea: {  	[spmem:s2] =	stream.indirect.scatter.add.f32 [tilespmem:s28], [sflag:$0x2], $0x10, s29, s11, $0xb8;
	[tilespmem:$0x16F30] =	vst v63  }
0x1eb: {  	s31 =	sld [smem:$0x745];
	s29 =	simm.s32 $0xA320  }
0x1ec: {  	[spmem:s2] =	stream.indirect.scatter.add.f32 [tilespmem:s29], [sflag:$0x2], $0x10, s30, s11, $0xb8;
	[tilespmem:$0x16F30] =	vst v63  }
0x1ed: {  	s8 =	sld [smem:$0x746];
	s30 =	simm.s32 $0xA820  }
0x1ee: {  	[spmem:s2] =	stream.indirect.scatter.add.f32 [tilespmem:s30], [sflag:$0x2], $0x10, s31, s11, $0xb8;
	[tilespmem:$0x16F30] =	vst v63  }
0x1ef: {  	s22 =	sld [smem:$0x747];
	s31 =	simm.s32 $0xAD20  }
0x1f0: {  	[spmem:s2] =	stream.indirect.scatter.add.f32 [tilespmem:s31], [sflag:$0x2], $0x10, s8, s11, $0xb8;
	[tilespmem:$0x16F30] =	vst v63  }
0x1f1: {  	s15 =	sld [smem:$0x748];
	s8 =	simm.s32 $0xB220  }
0x1f2: {  	[spmem:s2] =	stream.indirect.scatter.add.f32 [tilespmem:s8], [sflag:$0x2], $0x10, s22, s11, $0xb8;
	[tilespmem:$0x16F30] =	vst v63  }
0x1f3: {  	s16 =	sld [smem:$0x749];
	s22 =	simm.s32 $0xB720  }
0x1f4: {  	[spmem:s2] =	stream.indirect.scatter.add.f32 [tilespmem:s22], [sflag:$0x2], $0x10, s15, s11, $0xb8;
	[tilespmem:$0x16F30] =	vst v63  }
0x1f5: {  	s1 =	simm.s32 $0xBC20;
	s15 =	sld [smem:$0x74A]  }
0x1f6: {  	[spmem:s2] =	stream.indirect.scatter.add.f32 [tilespmem:s1], [sflag:$0x2], $0x10, s16, s11, $0xb8;
	[tilespmem:$0x16F30] =	vst v63  }
0x1f7: {  	s3 =	simm.s32 $0xC120;
	s16 =	sld [smem:$0x74B]  }
0x1f8: {  	[spmem:s2] =	stream.indirect.scatter.add.f32 [tilespmem:s3], [sflag:$0x2], $0x10, s15, s11, $0xb8;
	[tilespmem:$0x16F30] =	vst v63  }
0x1f9: {  	s7 =	simm.s32 $0xC620  }
0x1fa: {  	[spmem:s2] =	stream.indirect.scatter.add.f32 [tilespmem:s7], [sflag:$0x2], $0x10, s16, s11, $0xb8;
	[tilespmem:$0x16F30] =	vst v63  }
0x1fb: {  	_ =	swait.ge [sflag:s12], $0x500  }
0x1fc: {  	[sflag:s12] =	ssyncset.done $0x0  }
0x1fd: {  	[sflag:s12] =	ssyncadd.s32 $0xFFFFFB00  }
0x1fe: {  	_ =	swait.ge [sflag:s12], $0x500  }
0x1ff: {  	[sflag:s12] =	ssyncset.done $0x0  }
0x200: {  	[sflag:s12] =	ssyncadd.s32 $0xFFFFFB00  }
0x201: {  	_ =	swait.ge [sflag:s12], $0x500  }
0x202: {  	[sflag:s12] =	ssyncset.done $0x0  }
0x203: {  	[sflag:s12] =	ssyncadd.s32 $0xFFFFFB00  }
0x204: {  	_ =	swait.ge [sflag:s12], $0x500  }
0x205: {  	[sflag:s12] =	ssyncset.done $0x0  }
0x206: {  	[sflag:s12] =	ssyncadd.s32 $0xFFFFFB00  }
0x207: {  	_ =	swait.ge [sflag:s12], $0x500  }
0x208: {  	[sflag:s12] =	ssyncset.done $0x0  }
0x209: {  	[sflag:s12] =	ssyncadd.s32 $0xFFFFFB00  }
0x20a: {  	_ =	swait.ge [sflag:s12], $0x500  }
0x20b: {  	[sflag:s12] =	ssyncset.done $0x0  }
0x20c: {  	[sflag:s12] =	ssyncadd.s32 $0xFFFFFB00  }
0x20d: {  	_ =	swait.ge [sflag:s12], $0x500  }
0x20e: {  	[sflag:s12] =	ssyncset.done $0x0  }
0x20f: {  	[sflag:s12] =	ssyncadd.s32 $0xFFFFFB00  }
0x210: {  	_ =	swait.ge [sflag:s12], $0x500  }
0x211: {  	[sflag:s12] =	ssyncset.done $0x0  }
0x212: {  	[sflag:s12] =	ssyncadd.s32 $0xFFFFFB00  }
0x213: {  	_ =	swait.ge [sflag:s12], $0x500  }
0x214: {  	[sflag:s12] =	ssyncset.done $0x0  }
0x215: {  	[sflag:s12] =	ssyncadd.s32 $0xFFFFFB00  }
0x216: {  	_ =	swait.ge [sflag:s12], $0x500  }
0x217: {  	[sflag:s12] =	ssyncset.done $0x0  }
0x218: {  	[sflag:s12] =	ssyncadd.s32 $0xFFFFFB00  }
0x219: {  	_ =	swait.ge [sflag:s12], $0x500  }
0x21a: {  	[sflag:s12] =	ssyncset.done $0x0  }
0x21b: {  	[sflag:s12] =	ssyncadd.s32 $0xFFFFFB00  }
0x21c: {  	_ =	swait.ge [sflag:s12], $0x500  }
0x21d: {  	[sflag:s12] =	ssyncset.done $0x0  }
0x21e: {  	[sflag:s12] =	ssyncadd.s32 $0xFFFFFB00  }
0x21f: {  	_ =	swait.ge [sflag:s12], $0x500  }
0x220: {  	[sflag:s12] =	ssyncset.done $0x0  }
0x221: {  	[sflag:s12] =	ssyncadd.s32 $0xFFFFFB00  }
0x222: {  	_ =	swait.ge [sflag:s12], $0x500  }
0x223: {  	[sflag:s12] =	ssyncset.done $0x0  }
0x224: {  	[sflag:s12] =	ssyncadd.s32 $0xFFFFFB00  }
0x225: {  	_ =	swait.ge [sflag:s12], $0x500  }
0x226: {  	[sflag:s12] =	ssyncset.done $0x0  }
0x227: {  	[sflag:s12] =	ssyncadd.s32 $0xFFFFFB00  }
0x228: {  	_ =	swait.ge [sflag:s12], $0x500  }
0x229: {  	[sflag:s12] =	ssyncset.done $0x0  }
0x22a: {  	[sflag:s12] =	ssyncadd.s32 $0xFFFFFB00  }
0x22b: {  	_ =	swait.ge [sflag:s12], $0x500  }
0x22c: {  	[sflag:s12] =	ssyncset.done $0x0  }
0x22d: {  	[sflag:s12] =	ssyncadd.s32 $0xFFFFFB00  }
0x22e: {  	_ =	swait.ge [sflag:s12], $0x500  }
0x22f: {  	[sflag:s12] =	ssyncset.done $0x0  }
0x230: {  	[sflag:s12] =	ssyncadd.s32 $0xFFFFFB00  }
0x231: {  	_ =	swait.ge [sflag:s12], $0x500  }
0x232: {  	[sflag:s12] =	ssyncset.done $0x0  }
0x233: {  	[sflag:s12] =	ssyncadd.s32 $0xFFFFFB00  }
0x234: {  	_ =	swait.ge [sflag:s12], $0x500  }
0x235: {  	[sflag:s12] =	ssyncset.done $0x0  }
0x236: {  	[sflag:s12] =	ssyncadd.s32 $0xFFFFFB00  }
0x237: {  	_ =	swait.ge [sflag:s12], $0x500  }
0x238: {  	[sflag:s12] =	ssyncset.done $0x0  }
0x239: {  	[sflag:s12] =	ssyncadd.s32 $0xFFFFFB00  }
0x23a: {  	_ =	swait.ge [sflag:s12], $0x500  }
0x23b: {  	[sflag:s12] =	ssyncset.done $0x0  }
0x23c: {  	[sflag:s12] =	ssyncadd.s32 $0xFFFFFB00  }
0x23d: {  	_ =	swait.ge [sflag:s12], $0x500  }
0x23e: {  	[sflag:s12] =	ssyncset.done $0x0  }
0x23f: {  	[sflag:s12] =	ssyncadd.s32 $0xFFFFFB00  }
0x240: {  	_ =	swait.ge [sflag:s12], $0x500  }
0x241: {  	[sflag:s12] =	ssyncset.done $0x0  }
0x242: {  	[sflag:s12] =	ssyncadd.s32 $0xFFFFFB00  }
0x243: {  	_ =	swait.ge [sflag:s12], $0x500  }
0x244: {  	[sflag:s12] =	ssyncset.done $0x0  }
0x245: {  	[sflag:s12] =	ssyncadd.s32 $0xFFFFFB00  }
0x246: {  	_ =	swait.ge [sflag:s13], $0x500  }
0x247: {  	[sflag:s13] =	ssyncset.done $0x0  }
0x248: {  	[sflag:s13] =	ssyncadd.s32 $0xFFFFFB00  }
0x249: {  	_ =	swait.ge [sflag:s13], $0x500  }
0x24a: {  	[sflag:s13] =	ssyncset.done $0x0  }
0x24b: {  	[sflag:s13] =	ssyncadd.s32 $0xFFFFFB00  }
0x24c: {  	_ =	swait.ge [sflag:s13], $0x500  }
0x24d: {  	[sflag:s13] =	ssyncset.done $0x0  }
0x24e: {  	[sflag:s13] =	ssyncadd.s32 $0xFFFFFB00  }
0x24f: {  	_ =	swait.ge [sflag:s13], $0x500  }
0x250: {  	[sflag:s13] =	ssyncset.done $0x0  }
0x251: {  	[sflag:s13] =	ssyncadd.s32 $0xFFFFFB00  }
0x252: {  	_ =	swait.ge [sflag:s13], $0x500  }
0x253: {  	[sflag:s13] =	ssyncset.done $0x0  }
0x254: {  	[sflag:s13] =	ssyncadd.s32 $0xFFFFFB00  }
0x255: {  	_ =	swait.ge [sflag:s13], $0x500  }
0x256: {  	[sflag:s13] =	ssyncset.done $0x0  }
0x257: {  	[sflag:s13] =	ssyncadd.s32 $0xFFFFFB00  }
0x258: {  	_ =	swait.ge [sflag:s13], $0x500  }
0x259: {  	[sflag:s13] =	ssyncset.done $0x0  }
0x25a: {  	[sflag:s13] =	ssyncadd.s32 $0xFFFFFB00  }
0x25b: {  	_ =	swait.ge [sflag:s13], $0x500  }
0x25c: {  	[sflag:s13] =	ssyncset.done $0x0  }
0x25d: {  	[sflag:s13] =	ssyncadd.s32 $0xFFFFFB00  }
0x25e: {  	_ =	swait.ge [sflag:s13], $0x500  }
0x25f: {  	[sflag:s13] =	ssyncset.done $0x0  }
0x260: {  	[sflag:s13] =	ssyncadd.s32 $0xFFFFFB00  }
0x261: {  	_ =	swait.ge [sflag:s13], $0x500  }
0x262: {  	[sflag:s13] =	ssyncset.done $0x0  }
0x263: {  	[sflag:s13] =	ssyncadd.s32 $0xFFFFFB00  }
0x264: {  	_ =	swait.ge [sflag:s13], $0x500  }
0x265: {  	[sflag:s13] =	ssyncset.done $0x0  }
0x266: {  	[sflag:s13] =	ssyncadd.s32 $0xFFFFFB00  }
0x267: {  	_ =	swait.ge [sflag:s13], $0x500  }
0x268: {  	[sflag:s13] =	ssyncset.done $0x0  }
0x269: {  	[sflag:s13] =	ssyncadd.s32 $0xFFFFFB00  }
0x26a: {  	_ =	swait.ge [sflag:s13], $0x500  }
0x26b: {  	[sflag:s13] =	ssyncset.done $0x0  }
0x26c: {  	[sflag:s13] =	ssyncadd.s32 $0xFFFFFB00  }
0x26d: {  	_ =	swait.ge [sflag:s13], $0x500  }
0x26e: {  	[sflag:s13] =	ssyncset.done $0x0  }
0x26f: {  	[sflag:s13] =	ssyncadd.s32 $0xFFFFFB00  }
0x270: {  	_ =	swait.ge [sflag:s13], $0x500  }
0x271: {  	[sflag:s13] =	ssyncset.done $0x0  }
0x272: {  	[sflag:s13] =	ssyncadd.s32 $0xFFFFFB00  }
0x273: {  	_ =	swait.ge [sflag:s13], $0x500  }
0x274: {  	[sflag:s13] =	ssyncset.done $0x0  }
0x275: {  	[sflag:s13] =	ssyncadd.s32 $0xFFFFFB00  }
0x276: {  	_ =	swait.ge [sflag:s13], $0x500  }
0x277: {  	[sflag:s13] =	ssyncset.done $0x0  }
0x278: {  	[sflag:s13] =	ssyncadd.s32 $0xFFFFFB00  }
0x279: {  	_ =	swait.ge [sflag:s13], $0x500  }
0x27a: {  	[sflag:s13] =	ssyncset.done $0x0  }
0x27b: {  	[sflag:s13] =	ssyncadd.s32 $0xFFFFFB00  }
0x27c: {  	_ =	swait.ge [sflag:s13], $0x500  }
0x27d: {  	[sflag:s13] =	ssyncset.done $0x0  }
0x27e: {  	[sflag:s13] =	ssyncadd.s32 $0xFFFFFB00  }
0x27f: {  	_ =	swait.ge [sflag:s13], $0x500  }
0x280: {  	[sflag:s13] =	ssyncset.done $0x0  }
0x281: {  	[sflag:s13] =	ssyncadd.s32 $0xFFFFFB00  }
0x282: {  	_ =	swait.ge [sflag:s13], $0x500  }
0x283: {  	[sflag:s13] =	ssyncset.done $0x0  }
0x284: {  	[sflag:s13] =	ssyncadd.s32 $0xFFFFFB00  }
0x285: {  	_ =	swait.ge [sflag:s13], $0x500  }
0x286: {  	[sflag:s13] =	ssyncset.done $0x0  }
0x287: {  	[sflag:s13] =	ssyncadd.s32 $0xFFFFFB00  }
0x288: {  	_ =	swait.ge [sflag:s13], $0x500  }
0x289: {  	[sflag:s13] =	ssyncset.done $0x0  }
0x28a: {  	[sflag:s13] =	ssyncadd.s32 $0xFFFFFB00  }
0x28b: {  	_ =	swait.ge [sflag:s13], $0x500  }
0x28c: {  	[sflag:s13] =	ssyncset.done $0x0  }
0x28d: {  	[sflag:s13] =	ssyncadd.s32 $0xFFFFFB00  }
0x28e: {  	_ =	swait.ge [sflag:s13], $0x500  }
0x28f: {  	s15 =	sld [smem:$0x74C]  }
0x290: {  	[sflag:s13] =	ssyncset.done $0x0  }
0x291: {  	s7 =	simm.s32 $0x4E20;
	s16 =	sld [smem:$0x74D];
	[sflag:s13] =	ssyncadd.s32 $0xFFFFFB00  }
0x292: {  	[tilespmem:s7], [sflag:$0x1] =	stream.indirect.gather [hbm4b:s4+s11], $0x10, s15, s11, $0xb8;
	[tilespmem:$0x16F30] =	vst v63  }
0x293: {  	s24 =	simm.s32 $0x5320;
	s7 =	sld [smem:$0x74E]  }
0x294: {  	[tilespmem:s24], [sflag:$0x1] =	stream.indirect.gather [hbm4b:s4+s11], $0x10, s16, s11, $0xb8;
	[tilespmem:$0x16F30] =	vst v63  }
0x295: {  	s24 =	sld [smem:$0x74F]  }
0x296: {  	[tilespmem:s19], [sflag:$0x1] =	stream.indirect.gather [hbm4b:s4+s11], $0x10, s7, s11, $0xb8;
	[tilespmem:$0x16F30] =	vst v63  }
0x297: {  	s6 =	simm.s32 $0x5D20;
	s7 =	sld [smem:$0x750]  }
0x298: {  	[tilespmem:s6], [sflag:$0x1] =	stream.indirect.gather [hbm4b:s4+s11], $0x10, s24, s11, $0xb8;
	[tilespmem:$0x16F30] =	vst v63  }
0x299: {  	s14 =	simm.s32 $0x6220;
	s19 =	sld [smem:$0x751]  }
0x29a: {  	[tilespmem:s14], [sflag:$0x1] =	stream.indirect.gather [hbm4b:s4+s11], $0x10, s7, s11, $0xb8;
	[tilespmem:$0x16F30] =	vst v63  }
0x29b: {  	s24 =	sld [smem:$0x752]  }
0x29c: {  	[tilespmem:s9], [sflag:$0x1] =	stream.indirect.gather [hbm4b:s4+s11], $0x10, s19, s11, $0xb8;
	[tilespmem:$0x16F30] =	vst v63  }
0x29d: {  	s6 =	sld [smem:$0x753]  }
0x29e: {  	[tilespmem:s17], [sflag:$0x1] =	stream.indirect.gather [hbm4b:s4+s11], $0x10, s24, s11, $0xb8;
	[tilespmem:$0x16F30] =	vst v63  }
0x29f: {  	s7 =	sld [smem:$0x754]  }
0x2a0: {  	[tilespmem:s0], [sflag:$0x1] =	stream.indirect.gather [hbm4b:s4+s11], $0x10, s6, s11, $0xb8;
	[tilespmem:$0x16F30] =	vst v63  }
0x2a1: {  	s9 =	sld [smem:$0x755]  }
0x2a2: {  	[tilespmem:s18], [sflag:$0x1] =	stream.indirect.gather [hbm4b:s4+s11], $0x10, s7, s11, $0xb8;
	[tilespmem:$0x16F30] =	vst v63  }
0x2a3: {  	s5 =	simm.s32 $0x7B20;
	s14 =	sld [smem:$0x756]  }
0x2a4: {  	[tilespmem:s5], [sflag:$0x1] =	stream.indirect.gather [hbm4b:s4+s11], $0x10, s9, s11, $0xb8;
	[tilespmem:$0x16F30] =	vst v63  }
0x2a5: {  	s17 =	sld [smem:$0x757]  }
0x2a6: {  	[tilespmem:s10], [sflag:$0x1] =	stream.indirect.gather [hbm4b:s4+s11], $0x10, s14, s11, $0xb8;
	[tilespmem:$0x16F30] =	vst v63  }
0x2a7: {  	s21 =	simm.s32 $0x8520;
	s18 =	sld [smem:$0x758]  }
0x2a8: {  	[tilespmem:s21], [sflag:$0x1] =	stream.indirect.gather [hbm4b:s4+s11], $0x10, s17, s11, $0xb8;
	[tilespmem:$0x16F30] =	vst v63  }
0x2a9: {  	s20 =	simm.s32 $0x8A20;
	s19 =	sld [smem:$0x759]  }
0x2aa: {  	[tilespmem:s20], [sflag:$0x1] =	stream.indirect.gather [hbm4b:s4+s11], $0x10, s18, s11, $0xb8;
	[tilespmem:$0x16F30] =	vst v63  }
0x2ab: {  	s21 =	sld [smem:$0x75A]  }
0x2ac: {  	[tilespmem:s23], [sflag:$0x1] =	stream.indirect.gather [hbm4b:s4+s11], $0x10, s19, s11, $0xb8;
	[tilespmem:$0x16F30] =	vst v63  }
0x2ad: {  	s23 =	sld [smem:$0x75B]  }
0x2ae: {  	[tilespmem:s25], [sflag:$0x1] =	stream.indirect.gather [hbm4b:s4+s11], $0x10, s21, s11, $0xb8;
	[tilespmem:$0x16F30] =	vst v63  }
0x2af: {  	s24 =	sld [smem:$0x75C]  }
0x2b0: {  	[tilespmem:s26], [sflag:$0x1] =	stream.indirect.gather [hbm4b:s4+s11], $0x10, s23, s11, $0xb8;
	[tilespmem:$0x16F30] =	vst v63  }
0x2b1: {  	s25 =	sld [smem:$0x75D]  }
0x2b2: {  	[tilespmem:s28], [sflag:$0x1] =	stream.indirect.gather [hbm4b:s4+s11], $0x10, s24, s11, $0xb8;
	[tilespmem:$0x16F30] =	vst v63  }
0x2b3: {  	s26 =	sld [smem:$0x75E]  }
0x2b4: {  	[tilespmem:s29], [sflag:$0x1] =	stream.indirect.gather [hbm4b:s4+s11], $0x10, s25, s11, $0xb8;
	[tilespmem:$0x16F30] =	vst v63  }
0x2b5: {  	s28 =	sld [smem:$0x75F]  }
0x2b6: {  	[tilespmem:s30], [sflag:$0x1] =	stream.indirect.gather [hbm4b:s4+s11], $0x10, s26, s11, $0xb8;
	[tilespmem:$0x16F30] =	vst v63  }
0x2b7: {  	s29 =	sld [smem:$0x760]  }
0x2b8: {  	[tilespmem:s31], [sflag:$0x1] =	stream.indirect.gather [hbm4b:s4+s11], $0x10, s28, s11, $0xb8;
	[tilespmem:$0x16F30] =	vst v63  }
0x2b9: {  	s30 =	sld [smem:$0x761]  }
0x2ba: {  	[tilespmem:s8], [sflag:$0x1] =	stream.indirect.gather [hbm4b:s4+s11], $0x10, s29, s11, $0xb8;
	[tilespmem:$0x16F30] =	vst v63  }
0x2bb: {  	s31 =	sld [smem:$0x762]  }
0x2bc: {  	[tilespmem:s22], [sflag:$0x1] =	stream.indirect.gather [hbm4b:s4+s11], $0x10, s30, s11, $0xb8;
	[tilespmem:$0x16F30] =	vst v63  }
0x2bd: {  	s1 =	simm.s32 $0xBC20;
	s0 =	sld [smem:$0x763]  }
0x2be: {  	[tilespmem:s1], [sflag:$0x1] =	stream.indirect.gather [hbm4b:s4+s11], $0x10, s31, s11, $0xb8;
	[tilespmem:$0x16F30] =	vst v63  }
0x2bf: {  	s3 =	simm.s32 $0xC120;
	s1 =	sld [smem:$0x764]  }
0x2c0: {  	[tilespmem:s3], [sflag:$0x1] =	stream.indirect.gather [hbm4b:s4+s11], $0x10, s0, s11, $0xb8;
	[tilespmem:$0x16F30] =	vst v63  }
0x2c1: {  	s5 =	simm.s32 $0xC620;
	s3 =	sld [smem:$0x765]  }
0x2c2: {  	[tilespmem:s5], [sflag:$0x1] =	stream.indirect.gather [hbm4b:s4+s11], $0x10, s1, s11, $0xb8;
	[tilespmem:$0x16F30] =	vst v63  }
0x2c3: {  	s6 =	sld [smem:$0x766];
	s22 =	simm.s32 $0xCB20  }
0x2c4: {  	[spmem:s2] =	stream.indirect.scatter.add.f32 [tilespmem:s22], [sflag:$0x2], $0x10, s3, s11, $0xb8;
	[tilespmem:$0x16F30] =	vst v63  }
0x2c5: {  	s7 =	sld [smem:$0x767];
	s30 =	simm.s32 $0xD020  }
0x2c6: {  	[spmem:s2] =	stream.indirect.scatter.add.f32 [tilespmem:s30], [sflag:$0x2], $0x10, s6, s11, $0xb8;
	[tilespmem:$0x16F30] =	vst v63  }
0x2c7: {  	s8 =	sld [smem:$0x768];
	s31 =	simm.s32 $0xD520  }
0x2c8: {  	[spmem:s2] =	stream.indirect.scatter.add.f32 [tilespmem:s31], [sflag:$0x2], $0x10, s7, s11, $0xb8;
	[tilespmem:$0x16F30] =	vst v63  }
0x2c9: {  	s9 =	sld [smem:$0x769];
	s0 =	simm.s32 $0xDA20  }
0x2ca: {  	[spmem:s2] =	stream.indirect.scatter.add.f32 [tilespmem:s0], [sflag:$0x2], $0x10, s8, s11, $0xb8;
	[tilespmem:$0x16F30] =	vst v63  }
0x2cb: {  	s10 =	sld [smem:$0x76A];
	s1 =	simm.s32 $0xDF20  }
0x2cc: {  	[spmem:s2] =	stream.indirect.scatter.add.f32 [tilespmem:s1], [sflag:$0x2], $0x10, s9, s11, $0xb8;
	[tilespmem:$0x16F30] =	vst v63  }
0x2cd: {  	s14 =	sld [smem:$0x76B];
	s3 =	simm.s32 $0xE420  }
0x2ce: {  	[spmem:s2] =	stream.indirect.scatter.add.f32 [tilespmem:s3], [sflag:$0x2], $0x10, s10, s11, $0xb8;
	[tilespmem:$0x16F30] =	vst v63  }
0x2cf: {  	s17 =	sld [smem:$0x76C];
	s5 =	simm.s32 $0xE920  }
0x2d0: {  	[spmem:s2] =	stream.indirect.scatter.add.f32 [tilespmem:s5], [sflag:$0x2], $0x10, s14, s11, $0xb8;
	[tilespmem:$0x16F30] =	vst v63  }
0x2d1: {  	s18 =	sld [smem:$0x76D];
	s8 =	simm.s32 $0xEE20  }
0x2d2: {  	[spmem:s2] =	stream.indirect.scatter.add.f32 [tilespmem:s8], [sflag:$0x2], $0x10, s17, s11, $0xb8;
	[tilespmem:$0x16F30] =	vst v63  }
0x2d3: {  	s19 =	sld [smem:$0x76E];
	s9 =	simm.s32 $0xF320  }
0x2d4: {  	[spmem:s2] =	stream.indirect.scatter.add.f32 [tilespmem:s9], [sflag:$0x2], $0x10, s18, s11, $0xb8;
	[tilespmem:$0x16F30] =	vst v63  }
0x2d5: {  	s20 =	sld [smem:$0x76F];
	s10 =	simm.s32 $0xF820  }
0x2d6: {  	[spmem:s2] =	stream.indirect.scatter.add.f32 [tilespmem:s10], [sflag:$0x2], $0x10, s19, s11, $0xb8;
	[tilespmem:$0x16F30] =	vst v63  }
0x2d7: {  	s21 =	sld [smem:$0x770];
	s14 =	simm.s32 $0xFD20  }
0x2d8: {  	[spmem:s2] =	stream.indirect.scatter.add.f32 [tilespmem:s14], [sflag:$0x2], $0x10, s20, s11, $0xb8;
	[tilespmem:$0x16F30] =	vst v63  }
0x2d9: {  	s23 =	sld [smem:$0x771];
	s17 =	simm.s32 $0x10220  }
0x2da: {  	[spmem:s2] =	stream.indirect.scatter.add.f32 [tilespmem:s17], [sflag:$0x2], $0x10, s21, s11, $0xb8;
	[tilespmem:$0x16F30] =	vst v63  }
0x2db: {  	s24 =	sld [smem:$0x772];
	s18 =	simm.s32 $0x10720  }
0x2dc: {  	[spmem:s2] =	stream.indirect.scatter.add.f32 [tilespmem:s18], [sflag:$0x2], $0x10, s23, s11, $0xb8;
	[tilespmem:$0x16F30] =	vst v63  }
0x2dd: {  	s25 =	sld [smem:$0x773];
	s19 =	simm.s32 $0x10C20  }
0x2de: {  	[spmem:s2] =	stream.indirect.scatter.add.f32 [tilespmem:s19], [sflag:$0x2], $0x10, s24, s11, $0xb8;
	[tilespmem:$0x16F30] =	vst v63  }
0x2df: {  	s26 =	sld [smem:$0x774];
	s21 =	simm.s32 $0x11120  }
0x2e0: {  	[spmem:s2] =	stream.indirect.scatter.add.f32 [tilespmem:s21], [sflag:$0x2], $0x10, s25, s11, $0xb8;
	[tilespmem:$0x16F30] =	vst v63  }
0x2e1: {  	s28 =	sld [smem:$0x775];
	s23 =	simm.s32 $0x11620  }
0x2e2: {  	[spmem:s2] =	stream.indirect.scatter.add.f32 [tilespmem:s23], [sflag:$0x2], $0x10, s26, s11, $0xb8;
	[tilespmem:$0x16F30] =	vst v63  }
0x2e3: {  	s29 =	sld [smem:$0x776];
	s24 =	simm.s32 $0x11B20  }
0x2e4: {  	[spmem:s2] =	stream.indirect.scatter.add.f32 [tilespmem:s24], [sflag:$0x2], $0x10, s28, s11, $0xb8;
	[tilespmem:$0x16F30] =	vst v63  }
0x2e5: {  	s6 =	sld [smem:$0x777];
	s25 =	simm.s32 $0x12020  }
0x2e6: {  	[spmem:s2] =	stream.indirect.scatter.add.f32 [tilespmem:s25], [sflag:$0x2], $0x10, s29, s11, $0xb8;
	[tilespmem:$0x16F30] =	vst v63  }
0x2e7: {  	s7 =	sld [smem:$0x778];
	s26 =	simm.s32 $0x12520  }
0x2e8: {  	[spmem:s2] =	stream.indirect.scatter.add.f32 [tilespmem:s26], [sflag:$0x2], $0x10, s6, s11, $0xb8;
	[tilespmem:$0x16F30] =	vst v63  }
0x2e9: {  	s20 =	sld [smem:$0x779];
	s28 =	simm.s32 $0x12A20  }
0x2ea: {  	[spmem:s2] =	stream.indirect.scatter.add.f32 [tilespmem:s28], [sflag:$0x2], $0x10, s7, s11, $0xb8;
	[tilespmem:$0x16F30] =	vst v63  }
0x2eb: {  	s29 =	simm.s32 $0x12F20;
	s6 =	sld [smem:$0x77A]  }
0x2ec: {  	[spmem:s2] =	stream.indirect.scatter.add.f32 [tilespmem:s29], [sflag:$0x2], $0x10, s20, s11, $0xb8;
	[tilespmem:$0x16F30] =	vst v63  }
0x2ed: {  	s7 =	sld [smem:$0x77B];
	s20 =	simm.s32 $0x13420  }
0x2ee: {  	[spmem:s2] =	stream.indirect.scatter.add.f32 [tilespmem:s20], [sflag:$0x2], $0x10, s6, s11, $0xb8;
	[tilespmem:$0x16F30] =	vst v63  }
0x2ef: {  	s15 =	sld [smem:$0x77C];
	s6 =	simm.s32 $0x13920  }
0x2f0: {  	[spmem:s2] =	stream.indirect.scatter.add.f32 [tilespmem:s6], [sflag:$0x2], $0x10, s7, s11, $0xb8;
	[tilespmem:$0x16F30] =	vst v63  }
0x2f1: {  	s16 =	sld [smem:$0x77D];
	s7 =	simm.s32 $0x13E20  }
0x2f2: {  	[spmem:s2] =	stream.indirect.scatter.add.f32 [tilespmem:s7], [sflag:$0x2], $0x10, s15, s11, $0xb8;
	[tilespmem:$0x16F30] =	vst v63  }
0x2f3: {  	s15 =	simm.s32 $0x14320  }
0x2f4: {  	[spmem:s2] =	stream.indirect.scatter.add.f32 [tilespmem:s15], [sflag:$0x2], $0x10, s16, s11, $0xb8;
	[tilespmem:$0x16F30] =	vst v63  }
0x2f5: {  	_ =	swait.ge [sflag:s12], $0x500  }
0x2f6: {  	[sflag:s12] =	ssyncset.done $0x0  }
0x2f7: {  	[sflag:s12] =	ssyncadd.s32 $0xFFFFFB00  }
0x2f8: {  	_ =	swait.ge [sflag:s12], $0x500  }
0x2f9: {  	[sflag:s12] =	ssyncset.done $0x0  }
0x2fa: {  	[sflag:s12] =	ssyncadd.s32 $0xFFFFFB00  }
0x2fb: {  	_ =	swait.ge [sflag:s12], $0x500  }
0x2fc: {  	[sflag:s12] =	ssyncset.done $0x0  }
0x2fd: {  	[sflag:s12] =	ssyncadd.s32 $0xFFFFFB00  }
0x2fe: {  	_ =	swait.ge [sflag:s12], $0x500  }
0x2ff: {  	[sflag:s12] =	ssyncset.done $0x0  }
0x300: {  	[sflag:s12] =	ssyncadd.s32 $0xFFFFFB00  }
0x301: {  	_ =	swait.ge [sflag:s12], $0x500  }
0x302: {  	[sflag:s12] =	ssyncset.done $0x0  }
0x303: {  	[sflag:s12] =	ssyncadd.s32 $0xFFFFFB00  }
0x304: {  	_ =	swait.ge [sflag:s12], $0x500  }
0x305: {  	[sflag:s12] =	ssyncset.done $0x0  }
0x306: {  	[sflag:s12] =	ssyncadd.s32 $0xFFFFFB00  }
0x307: {  	_ =	swait.ge [sflag:s12], $0x500  }
0x308: {  	[sflag:s12] =	ssyncset.done $0x0  }
0x309: {  	[sflag:s12] =	ssyncadd.s32 $0xFFFFFB00  }
0x30a: {  	_ =	swait.ge [sflag:s12], $0x500  }
0x30b: {  	[sflag:s12] =	ssyncset.done $0x0  }
0x30c: {  	[sflag:s12] =	ssyncadd.s32 $0xFFFFFB00  }
0x30d: {  	_ =	swait.ge [sflag:s12], $0x500  }
0x30e: {  	[sflag:s12] =	ssyncset.done $0x0  }
0x30f: {  	[sflag:s12] =	ssyncadd.s32 $0xFFFFFB00  }
0x310: {  	_ =	swait.ge [sflag:s12], $0x500  }
0x311: {  	[sflag:s12] =	ssyncset.done $0x0  }
0x312: {  	[sflag:s12] =	ssyncadd.s32 $0xFFFFFB00  }
0x313: {  	_ =	swait.ge [sflag:s12], $0x500  }
0x314: {  	[sflag:s12] =	ssyncset.done $0x0  }
0x315: {  	[sflag:s12] =	ssyncadd.s32 $0xFFFFFB00  }
0x316: {  	_ =	swait.ge [sflag:s12], $0x500  }
0x317: {  	[sflag:s12] =	ssyncset.done $0x0  }
0x318: {  	[sflag:s12] =	ssyncadd.s32 $0xFFFFFB00  }
0x319: {  	_ =	swait.ge [sflag:s12], $0x500  }
0x31a: {  	[sflag:s12] =	ssyncset.done $0x0  }
0x31b: {  	[sflag:s12] =	ssyncadd.s32 $0xFFFFFB00  }
0x31c: {  	_ =	swait.ge [sflag:s12], $0x500  }
0x31d: {  	[sflag:s12] =	ssyncset.done $0x0  }
0x31e: {  	[sflag:s12] =	ssyncadd.s32 $0xFFFFFB00  }
0x31f: {  	_ =	swait.ge [sflag:s12], $0x500  }
0x320: {  	[sflag:s12] =	ssyncset.done $0x0  }
0x321: {  	[sflag:s12] =	ssyncadd.s32 $0xFFFFFB00  }
0x322: {  	_ =	swait.ge [sflag:s12], $0x500  }
0x323: {  	[sflag:s12] =	ssyncset.done $0x0  }
0x324: {  	[sflag:s12] =	ssyncadd.s32 $0xFFFFFB00  }
0x325: {  	_ =	swait.ge [sflag:s12], $0x500  }
0x326: {  	[sflag:s12] =	ssyncset.done $0x0  }
0x327: {  	[sflag:s12] =	ssyncadd.s32 $0xFFFFFB00  }
0x328: {  	_ =	swait.ge [sflag:s12], $0x500  }
0x329: {  	[sflag:s12] =	ssyncset.done $0x0  }
0x32a: {  	[sflag:s12] =	ssyncadd.s32 $0xFFFFFB00  }
0x32b: {  	_ =	swait.ge [sflag:s12], $0x500  }
0x32c: {  	[sflag:s12] =	ssyncset.done $0x0  }
0x32d: {  	[sflag:s12] =	ssyncadd.s32 $0xFFFFFB00  }
0x32e: {  	_ =	swait.ge [sflag:s12], $0x500  }
0x32f: {  	[sflag:s12] =	ssyncset.done $0x0  }
0x330: {  	[sflag:s12] =	ssyncadd.s32 $0xFFFFFB00  }
0x331: {  	_ =	swait.ge [sflag:s12], $0x500  }
0x332: {  	[sflag:s12] =	ssyncset.done $0x0  }
0x333: {  	[sflag:s12] =	ssyncadd.s32 $0xFFFFFB00  }
0x334: {  	_ =	swait.ge [sflag:s12], $0x500  }
0x335: {  	[sflag:s12] =	ssyncset.done $0x0  }
0x336: {  	[sflag:s12] =	ssyncadd.s32 $0xFFFFFB00  }
0x337: {  	_ =	swait.ge [sflag:s12], $0x500  }
0x338: {  	[sflag:s12] =	ssyncset.done $0x0  }
0x339: {  	[sflag:s12] =	ssyncadd.s32 $0xFFFFFB00  }
0x33a: {  	_ =	swait.ge [sflag:s12], $0x500  }
0x33b: {  	[sflag:s12] =	ssyncset.done $0x0  }
0x33c: {  	[sflag:s12] =	ssyncadd.s32 $0xFFFFFB00  }
0x33d: {  	_ =	swait.ge [sflag:s12], $0x500  }
0x33e: {  	[sflag:s12] =	ssyncset.done $0x0  }
0x33f: {  	[sflag:s12] =	ssyncadd.s32 $0xFFFFFB00  }
0x340: {  	_ =	swait.ge [sflag:s13], $0x500  }
0x341: {  	[sflag:s13] =	ssyncset.done $0x0  }
0x342: {  	[sflag:s13] =	ssyncadd.s32 $0xFFFFFB00  }
0x343: {  	_ =	swait.ge [sflag:s13], $0x500  }
0x344: {  	[sflag:s13] =	ssyncset.done $0x0  }
0x345: {  	[sflag:s13] =	ssyncadd.s32 $0xFFFFFB00  }
0x346: {  	_ =	swait.ge [sflag:s13], $0x500  }
0x347: {  	[sflag:s13] =	ssyncset.done $0x0  }
0x348: {  	[sflag:s13] =	ssyncadd.s32 $0xFFFFFB00  }
0x349: {  	_ =	swait.ge [sflag:s13], $0x500  }
0x34a: {  	[sflag:s13] =	ssyncset.done $0x0  }
0x34b: {  	[sflag:s13] =	ssyncadd.s32 $0xFFFFFB00  }
0x34c: {  	_ =	swait.ge [sflag:s13], $0x500  }
0x34d: {  	[sflag:s13] =	ssyncset.done $0x0  }
0x34e: {  	[sflag:s13] =	ssyncadd.s32 $0xFFFFFB00  }
0x34f: {  	_ =	swait.ge [sflag:s13], $0x500  }
0x350: {  	[sflag:s13] =	ssyncset.done $0x0  }
0x351: {  	[sflag:s13] =	ssyncadd.s32 $0xFFFFFB00  }
0x352: {  	_ =	swait.ge [sflag:s13], $0x500  }
0x353: {  	[sflag:s13] =	ssyncset.done $0x0  }
0x354: {  	[sflag:s13] =	ssyncadd.s32 $0xFFFFFB00  }
0x355: {  	_ =	swait.ge [sflag:s13], $0x500  }
0x356: {  	[sflag:s13] =	ssyncset.done $0x0  }
0x357: {  	[sflag:s13] =	ssyncadd.s32 $0xFFFFFB00  }
0x358: {  	_ =	swait.ge [sflag:s13], $0x500  }
0x359: {  	[sflag:s13] =	ssyncset.done $0x0  }
0x35a: {  	[sflag:s13] =	ssyncadd.s32 $0xFFFFFB00  }
0x35b: {  	_ =	swait.ge [sflag:s13], $0x500  }
0x35c: {  	[sflag:s13] =	ssyncset.done $0x0  }
0x35d: {  	[sflag:s13] =	ssyncadd.s32 $0xFFFFFB00  }
0x35e: {  	_ =	swait.ge [sflag:s13], $0x500  }
0x35f: {  	[sflag:s13] =	ssyncset.done $0x0  }
0x360: {  	[sflag:s13] =	ssyncadd.s32 $0xFFFFFB00  }
0x361: {  	_ =	swait.ge [sflag:s13], $0x500  }
0x362: {  	[sflag:s13] =	ssyncset.done $0x0  }
0x363: {  	[sflag:s13] =	ssyncadd.s32 $0xFFFFFB00  }
0x364: {  	_ =	swait.ge [sflag:s13], $0x500  }
0x365: {  	[sflag:s13] =	ssyncset.done $0x0  }
0x366: {  	[sflag:s13] =	ssyncadd.s32 $0xFFFFFB00  }
0x367: {  	_ =	swait.ge [sflag:s13], $0x500  }
0x368: {  	[sflag:s13] =	ssyncset.done $0x0  }
0x369: {  	[sflag:s13] =	ssyncadd.s32 $0xFFFFFB00  }
0x36a: {  	_ =	swait.ge [sflag:s13], $0x500  }
0x36b: {  	[sflag:s13] =	ssyncset.done $0x0  }
0x36c: {  	[sflag:s13] =	ssyncadd.s32 $0xFFFFFB00  }
0x36d: {  	_ =	swait.ge [sflag:s13], $0x500  }
0x36e: {  	[sflag:s13] =	ssyncset.done $0x0  }
0x36f: {  	[sflag:s13] =	ssyncadd.s32 $0xFFFFFB00  }
0x370: {  	_ =	swait.ge [sflag:s13], $0x500  }
0x371: {  	[sflag:s13] =	ssyncset.done $0x0  }
0x372: {  	[sflag:s13] =	ssyncadd.s32 $0xFFFFFB00  }
0x373: {  	_ =	swait.ge [sflag:s13], $0x500  }
0x374: {  	[sflag:s13] =	ssyncset.done $0x0  }
0x375: {  	[sflag:s13] =	ssyncadd.s32 $0xFFFFFB00  }
0x376: {  	_ =	swait.ge [sflag:s13], $0x500  }
0x377: {  	[sflag:s13] =	ssyncset.done $0x0  }
0x378: {  	[sflag:s13] =	ssyncadd.s32 $0xFFFFFB00  }
0x379: {  	_ =	swait.ge [sflag:s13], $0x500  }
0x37a: {  	[sflag:s13] =	ssyncset.done $0x0  }
0x37b: {  	[sflag:s13] =	ssyncadd.s32 $0xFFFFFB00  }
0x37c: {  	_ =	swait.ge [sflag:s13], $0x500  }
0x37d: {  	[sflag:s13] =	ssyncset.done $0x0  }
0x37e: {  	[sflag:s13] =	ssyncadd.s32 $0xFFFFFB00  }
0x37f: {  	_ =	swait.ge [sflag:s13], $0x500  }
0x380: {  	[sflag:s13] =	ssyncset.done $0x0  }
0x381: {  	[sflag:s13] =	ssyncadd.s32 $0xFFFFFB00  }
0x382: {  	_ =	swait.ge [sflag:s13], $0x500  }
0x383: {  	[sflag:s13] =	ssyncset.done $0x0  }
0x384: {  	[sflag:s13] =	ssyncadd.s32 $0xFFFFFB00  }
0x385: {  	_ =	swait.ge [sflag:s13], $0x500  }
0x386: {  	[sflag:s13] =	ssyncset.done $0x0  }
0x387: {  	[sflag:s13] =	ssyncadd.s32 $0xFFFFFB00  }
0x388: {  	_ =	swait.ge [sflag:s13], $0x500  }
0x389: {  	s15 =	sld [smem:$0x77E]  }
0x38a: {  	[sflag:s13] =	ssyncset.done $0x0  }
0x38b: {  	s16 =	sld [smem:$0x77F];
	[sflag:s13] =	ssyncadd.s32 $0xFFFFFB00  }
0x38c: {  	[tilespmem:s22], [sflag:$0x1] =	stream.indirect.gather [hbm4b:s4+s11], $0x10, s15, s11, $0xb8;
	[tilespmem:$0x16F30] =	vst v63  }
0x38d: {  	s22 =	sld [smem:$0x780]  }
0x38e: {  	[tilespmem:s30], [sflag:$0x1] =	stream.indirect.gather [hbm4b:s4+s11], $0x10, s16, s11, $0xb8;
	[tilespmem:$0x16F30] =	vst v63  }
0x38f: {  	s30 =	sld [smem:$0x781]  }
0x390: {  	[tilespmem:s31], [sflag:$0x1] =	stream.indirect.gather [hbm4b:s4+s11], $0x10, s22, s11, $0xb8;
	[tilespmem:$0x16F30] =	vst v63  }
0x391: {  	s31 =	sld [smem:$0x782]  }
0x392: {  	[tilespmem:s0], [sflag:$0x1] =	stream.indirect.gather [hbm4b:s4+s11], $0x10, s30, s11, $0xb8;
	[tilespmem:$0x16F30] =	vst v63  }
0x393: {  	s0 =	sld [smem:$0x783]  }
0x394: {  	[tilespmem:s1], [sflag:$0x1] =	stream.indirect.gather [hbm4b:s4+s11], $0x10, s31, s11, $0xb8;
	[tilespmem:$0x16F30] =	vst v63  }
0x395: {  	s16 =	sld [smem:$0x784]  }
0x396: {  	[tilespmem:s3], [sflag:$0x1] =	stream.indirect.gather [hbm4b:s4+s11], $0x10, s0, s11, $0xb8;
	[tilespmem:$0x16F30] =	vst v63  }
0x397: {  	s3 =	sld [smem:$0x785]  }
0x398: {  	[tilespmem:s5], [sflag:$0x1] =	stream.indirect.gather [hbm4b:s4+s11], $0x10, s16, s11, $0xb8;
	[tilespmem:$0x16F30] =	vst v63  }
0x399: {  	s5 =	sld [smem:$0x786]  }
0x39a: {  	[tilespmem:s8], [sflag:$0x1] =	stream.indirect.gather [hbm4b:s4+s11], $0x10, s3, s11, $0xb8;
	[tilespmem:$0x16F30] =	vst v63  }
0x39b: {  	s8 =	sld [smem:$0x787]  }
0x39c: {  	[tilespmem:s9], [sflag:$0x1] =	stream.indirect.gather [hbm4b:s4+s11], $0x10, s5, s11, $0xb8;
	[tilespmem:$0x16F30] =	vst v63  }
0x39d: {  	s9 =	sld [smem:$0x788]  }
0x39e: {  	[tilespmem:s10], [sflag:$0x1] =	stream.indirect.gather [hbm4b:s4+s11], $0x10, s8, s11, $0xb8;
	[tilespmem:$0x16F30] =	vst v63  }
0x39f: {  	s10 =	sld [smem:$0x789]  }
0x3a0: {  	[tilespmem:s14], [sflag:$0x1] =	stream.indirect.gather [hbm4b:s4+s11], $0x10, s9, s11, $0xb8;
	[tilespmem:$0x16F30] =	vst v63  }
0x3a1: {  	s14 =	sld [smem:$0x78A]  }
0x3a2: {  	[tilespmem:s17], [sflag:$0x1] =	stream.indirect.gather [hbm4b:s4+s11], $0x10, s10, s11, $0xb8;
	[tilespmem:$0x16F30] =	vst v63  }
0x3a3: {  	s17 =	sld [smem:$0x78B]  }
0x3a4: {  	[tilespmem:s18], [sflag:$0x1] =	stream.indirect.gather [hbm4b:s4+s11], $0x10, s14, s11, $0xb8;
	[tilespmem:$0x16F30] =	vst v63  }
0x3a5: {  	s18 =	sld [smem:$0x78C]  }
0x3a6: {  	[tilespmem:s19], [sflag:$0x1] =	stream.indirect.gather [hbm4b:s4+s11], $0x10, s17, s11, $0xb8;
	[tilespmem:$0x16F30] =	vst v63  }
0x3a7: {  	s19 =	sld [smem:$0x78D]  }
0x3a8: {  	[tilespmem:s21], [sflag:$0x1] =	stream.indirect.gather [hbm4b:s4+s11], $0x10, s18, s11, $0xb8;
	[tilespmem:$0x16F30] =	vst v63  }
0x3a9: {  	s22 =	sld [smem:$0x78E]  }
0x3aa: {  	[tilespmem:s23], [sflag:$0x1] =	stream.indirect.gather [hbm4b:s4+s11], $0x10, s19, s11, $0xb8;
	[tilespmem:$0x16F30] =	vst v63  }
0x3ab: {  	s23 =	sld [smem:$0x78F]  }
0x3ac: {  	[tilespmem:s24], [sflag:$0x1] =	stream.indirect.gather [hbm4b:s4+s11], $0x10, s22, s11, $0xb8;
	[tilespmem:$0x16F30] =	vst v63  }
0x3ad: {  	s24 =	sld [smem:$0x790]  }
0x3ae: {  	[tilespmem:s25], [sflag:$0x1] =	stream.indirect.gather [hbm4b:s4+s11], $0x10, s23, s11, $0xb8;
	[tilespmem:$0x16F30] =	vst v63  }
0x3af: {  	s25 =	sld [smem:$0x791]  }
0x3b0: {  	[tilespmem:s26], [sflag:$0x1] =	stream.indirect.gather [hbm4b:s4+s11], $0x10, s24, s11, $0xb8;
	[tilespmem:$0x16F30] =	vst v63  }
0x3b1: {  	s26 =	sld [smem:$0x792]  }
0x3b2: {  	[tilespmem:s28], [sflag:$0x1] =	stream.indirect.gather [hbm4b:s4+s11], $0x10, s25, s11, $0xb8;
	[tilespmem:$0x16F30] =	vst v63  }
0x3b3: {  	s28 =	sld [smem:$0x793]  }
0x3b4: {  	[tilespmem:s29], [sflag:$0x1] =	stream.indirect.gather [hbm4b:s4+s11], $0x10, s26, s11, $0xb8;
	[tilespmem:$0x16F30] =	vst v63  }
0x3b5: {  	s30 =	sld [smem:$0x794]  }
0x3b6: {  	[tilespmem:s20], [sflag:$0x1] =	stream.indirect.gather [hbm4b:s4+s11], $0x10, s28, s11, $0xb8;
	[tilespmem:$0x16F30] =	vst v63  }
0x3b7: {  	s31 =	sld [smem:$0x795]  }
0x3b8: {  	[tilespmem:s6], [sflag:$0x1] =	stream.indirect.gather [hbm4b:s4+s11], $0x10, s30, s11, $0xb8;
	[tilespmem:$0x16F30] =	vst v63  }
0x3b9: {  	s0 =	sld [smem:$0x796]  }
0x3ba: {  	[tilespmem:s7], [sflag:$0x1] =	stream.indirect.gather [hbm4b:s4+s11], $0x10, s31, s11, $0xb8;
	[tilespmem:$0x16F30] =	vst v63  }
0x3bb: {  	s1 =	sld [smem:$0x797];
	s3 =	simm.s32 $0x14320  }
0x3bc: {  	[tilespmem:s3], [sflag:$0x1] =	stream.indirect.gather [hbm4b:s4+s11], $0x10, s0, s11, $0xb8;
	[tilespmem:$0x16F30] =	vst v63  }
0x3bd: {  	s5 =	sld [smem:$0x798];
	s6 =	simm.s32 $0x4E20  }
0x3be: {  	[spmem:s2] =	stream.indirect.scatter.add.f32 [tilespmem:s6], [sflag:$0x2], $0x10, s1, s11, $0xb8;
	[tilespmem:$0x16F30] =	vst v63  }
0x3bf: {  	s8 =	simm.s32 $0x5320;
	s7 =	sld [smem:$0x799]  }
0x3c0: {  	[spmem:s2] =	stream.indirect.scatter.add.f32 [tilespmem:s8], [sflag:$0x2], $0x10, s5, s11, $0xb8;
	[tilespmem:$0x16F30] =	vst v63  }
0x3c1: {  	s9 =	sld [smem:$0x79A];
	s10 =	simm.s32 $0x5820  }
0x3c2: {  	[spmem:s2] =	stream.indirect.scatter.add.f32 [tilespmem:s10], [sflag:$0x2], $0x10, s7, s11, $0xb8;
	[tilespmem:$0x16F30] =	vst v63  }
0x3c3: {  	s14 =	sld [smem:$0x79B];
	s17 =	simm.s32 $0x5D20  }
0x3c4: {  	[spmem:s2] =	stream.indirect.scatter.add.f32 [tilespmem:s17], [sflag:$0x2], $0x10, s9, s11, $0xb8;
	[tilespmem:$0x16F30] =	vst v63  }
0x3c5: {  	s18 =	sld [smem:$0x79C];
	s20 =	simm.s32 $0x6220  }
0x3c6: {  	[spmem:s2] =	stream.indirect.scatter.add.f32 [tilespmem:s20], [sflag:$0x2], $0x10, s14, s11, $0xb8;
	[tilespmem:$0x16F30] =	vst v63  }
0x3c7: {  	s21 =	sld [smem:$0x79D];
	s22 =	simm.s32 $0x6720  }
0x3c8: {  	[spmem:s2] =	stream.indirect.scatter.add.f32 [tilespmem:s22], [sflag:$0x2], $0x10, s18, s11, $0xb8;
	[tilespmem:$0x16F30] =	vst v63  }
0x3c9: {  	s23 =	sld [smem:$0x79E];
	s24 =	simm.s32 $0x6C20  }
0x3ca: {  	[spmem:s2] =	stream.indirect.scatter.add.f32 [tilespmem:s24], [sflag:$0x2], $0x10, s21, s11, $0xb8;
	[tilespmem:$0x16F30] =	vst v63  }
0x3cb: {  	s25 =	sld [smem:$0x79F];
	s26 =	simm.s32 $0x7120  }
0x3cc: {  	[spmem:s2] =	stream.indirect.scatter.add.f32 [tilespmem:s26], [sflag:$0x2], $0x10, s23, s11, $0xb8;
	[tilespmem:$0x16F30] =	vst v63  }
0x3cd: {  	s30 =	sld [smem:$0x7A0];
	s31 =	simm.s32 $0x7620  }
0x3ce: {  	[spmem:s2] =	stream.indirect.scatter.add.f32 [tilespmem:s31], [sflag:$0x2], $0x10, s25, s11, $0xb8;
	[tilespmem:$0x16F30] =	vst v63  }
0x3cf: {  	s6 =	sld [smem:$0x7A1];
	s10 =	simm.s32 $0x7B20  }
0x3d0: {  	[spmem:s2] =	stream.indirect.scatter.add.f32 [tilespmem:s10], [sflag:$0x2], $0x10, s30, s11, $0xb8;
	[tilespmem:$0x16F30] =	vst v63  }
0x3d1: {  	s17 =	simm.s32 $0x8020;
	s14 =	sld [smem:$0x7A2]  }
0x3d2: {  	[spmem:s2] =	stream.indirect.scatter.add.f32 [tilespmem:s17], [sflag:$0x2], $0x10, s6, s11, $0xb8;
	[tilespmem:$0x16F30] =	vst v63  }
0x3d3: {  	s20 =	simm.s32 $0x8520;
	s18 =	sld [smem:$0x7A3]  }
0x3d4: {  	[spmem:s2] =	stream.indirect.scatter.add.f32 [tilespmem:s20], [sflag:$0x2], $0x10, s14, s11, $0xb8;
	[tilespmem:$0x16F30] =	vst v63  }
0x3d5: {  	s22 =	simm.s32 $0x8A20;
	s21 =	sld [smem:$0x7A4]  }
0x3d6: {  	[spmem:s2] =	stream.indirect.scatter.add.f32 [tilespmem:s22], [sflag:$0x2], $0x10, s18, s11, $0xb8;
	[tilespmem:$0x16F30] =	vst v63  }
0x3d7: {  	s24 =	simm.s32 $0x8F20;
	s23 =	sld [smem:$0x7A5]  }
0x3d8: {  	[spmem:s2] =	stream.indirect.scatter.add.f32 [tilespmem:s24], [sflag:$0x2], $0x10, s21, s11, $0xb8;
	[tilespmem:$0x16F30] =	vst v63  }
0x3d9: {  	s26 =	simm.s32 $0x9420;
	s25 =	sld [smem:$0x7A6]  }
0x3da: {  	[spmem:s2] =	stream.indirect.scatter.add.f32 [tilespmem:s26], [sflag:$0x2], $0x10, s23, s11, $0xb8;
	[tilespmem:$0x16F30] =	vst v63  }
0x3db: {  	s10 =	sld [smem:$0x7A7];
	s14 =	simm.s32 $0x9920  }
0x3dc: {  	[spmem:s2] =	stream.indirect.scatter.add.f32 [tilespmem:s14], [sflag:$0x2], $0x10, s25, s11, $0xb8;
	[tilespmem:$0x16F30] =	vst v63  }
0x3dd: {  	s18 =	sld [smem:$0x7A8];
	s24 =	simm.s32 $0x9E20  }
0x3de: {  	[spmem:s2] =	stream.indirect.scatter.add.f32 [tilespmem:s24], [sflag:$0x2], $0x10, s10, s11, $0xb8;
	[tilespmem:$0x16F30] =	vst v63  }
0x3df: {  	s26 =	simm.s32 $0xA320;
	s25 =	sld [smem:$0x7A9]  }
0x3e0: {  	[spmem:s2] =	stream.indirect.scatter.add.f32 [tilespmem:s26], [sflag:$0x2], $0x10, s18, s11, $0xb8;
	[tilespmem:$0x16F30] =	vst v63  }
0x3e1: {  	s14 =	simm.s32 $0xA820;
	s10 =	sld [smem:$0x7AA]  }
0x3e2: {  	[spmem:s2] =	stream.indirect.scatter.add.f32 [tilespmem:s14], [sflag:$0x2], $0x10, s25, s11, $0xb8;
	[tilespmem:$0x16F30] =	vst v63  }
0x3e3: {  	s18 =	sld [smem:$0x7AB];
	s26 =	simm.s32 $0xAD20  }
0x3e4: {  	[spmem:s2] =	stream.indirect.scatter.add.f32 [tilespmem:s26], [sflag:$0x2], $0x10, s10, s11, $0xb8;
	[tilespmem:$0x16F30] =	vst v63  }
0x3e5: {  	s14 =	simm.s32 $0xB220;
	s10 =	sld [smem:$0x7AC]  }
0x3e6: {  	[spmem:s2] =	stream.indirect.scatter.add.f32 [tilespmem:s14], [sflag:$0x2], $0x10, s18, s11, $0xb8;
	[tilespmem:$0x16F30] =	vst v63  }
0x3e7: {  	s15 =	sld [smem:$0x7AD];
	s18 =	simm.s32 $0xB720  }
0x3e8: {  	[spmem:s2] =	stream.indirect.scatter.add.f32 [tilespmem:s18], [sflag:$0x2], $0x10, s10, s11, $0xb8;
	[tilespmem:$0x16F30] =	vst v63  }
0x3e9: {  	s16 =	sld [smem:$0x7AE];
	s14 =	simm.s32 $0xBC20  }
0x3ea: {  	[spmem:s2] =	stream.indirect.scatter.add.f32 [tilespmem:s14], [sflag:$0x2], $0x10, s15, s11, $0xb8;
	[tilespmem:$0x16F30] =	vst v63  }
0x3eb: {  	s15 =	sld [smem:$0x7AF];
	s14 =	simm.s32 $0xC120  }
0x3ec: {  	[spmem:s2] =	stream.indirect.scatter.add.f32 [tilespmem:s14], [sflag:$0x2], $0x10, s16, s11, $0xb8;
	[tilespmem:$0x16F30] =	vst v63  }
0x3ed: {  	s16 =	simm.s32 $0xC620  }
0x3ee: {  	[spmem:s2] =	stream.indirect.scatter.add.f32 [tilespmem:s16], [sflag:$0x2], $0x10, s15, s11, $0xb8;
	[tilespmem:$0x16F30] =	vst v63  }
0x3ef: {  	_ =	swait.ge [sflag:s12], $0x500  }
0x3f0: {  	[sflag:s12] =	ssyncset.done $0x0  }
0x3f1: {  	[sflag:s12] =	ssyncadd.s32 $0xFFFFFB00  }
0x3f2: {  	_ =	swait.ge [sflag:s12], $0x500  }
0x3f3: {  	[sflag:s12] =	ssyncset.done $0x0  }
0x3f4: {  	[sflag:s12] =	ssyncadd.s32 $0xFFFFFB00  }
0x3f5: {  	_ =	swait.ge [sflag:s12], $0x500  }
0x3f6: {  	[sflag:s12] =	ssyncset.done $0x0  }
0x3f7: {  	[sflag:s12] =	ssyncadd.s32 $0xFFFFFB00  }
0x3f8: {  	_ =	swait.ge [sflag:s12], $0x500  }
0x3f9: {  	[sflag:s12] =	ssyncset.done $0x0  }
0x3fa: {  	[sflag:s12] =	ssyncadd.s32 $0xFFFFFB00  }
0x3fb: {  	_ =	swait.ge [sflag:s12], $0x500  }
0x3fc: {  	[sflag:s12] =	ssyncset.done $0x0  }
0x3fd: {  	[sflag:s12] =	ssyncadd.s32 $0xFFFFFB00  }
0x3fe: {  	_ =	swait.ge [sflag:s12], $0x500  }
0x3ff: {  	[sflag:s12] =	ssyncset.done $0x0  }
0x400: {  	[sflag:s12] =	ssyncadd.s32 $0xFFFFFB00  }
0x401: {  	_ =	swait.ge [sflag:s12], $0x500  }
0x402: {  	[sflag:s12] =	ssyncset.done $0x0  }
0x403: {  	[sflag:s12] =	ssyncadd.s32 $0xFFFFFB00  }
0x404: {  	_ =	swait.ge [sflag:s12], $0x500  }
0x405: {  	[sflag:s12] =	ssyncset.done $0x0  }
0x406: {  	[sflag:s12] =	ssyncadd.s32 $0xFFFFFB00  }
0x407: {  	_ =	swait.ge [sflag:s12], $0x500  }
0x408: {  	[sflag:s12] =	ssyncset.done $0x0  }
0x409: {  	[sflag:s12] =	ssyncadd.s32 $0xFFFFFB00  }
0x40a: {  	_ =	swait.ge [sflag:s12], $0x500  }
0x40b: {  	[sflag:s12] =	ssyncset.done $0x0  }
0x40c: {  	[sflag:s12] =	ssyncadd.s32 $0xFFFFFB00  }
0x40d: {  	_ =	swait.ge [sflag:s12], $0x500  }
0x40e: {  	[sflag:s12] =	ssyncset.done $0x0  }
0x40f: {  	[sflag:s12] =	ssyncadd.s32 $0xFFFFFB00  }
0x410: {  	_ =	swait.ge [sflag:s12], $0x500  }
0x411: {  	[sflag:s12] =	ssyncset.done $0x0  }
0x412: {  	[sflag:s12] =	ssyncadd.s32 $0xFFFFFB00  }
0x413: {  	_ =	swait.ge [sflag:s12], $0x500  }
0x414: {  	[sflag:s12] =	ssyncset.done $0x0  }
0x415: {  	[sflag:s12] =	ssyncadd.s32 $0xFFFFFB00  }
0x416: {  	_ =	swait.ge [sflag:s12], $0x500  }
0x417: {  	[sflag:s12] =	ssyncset.done $0x0  }
0x418: {  	[sflag:s12] =	ssyncadd.s32 $0xFFFFFB00  }
0x419: {  	_ =	swait.ge [sflag:s12], $0x500  }
0x41a: {  	[sflag:s12] =	ssyncset.done $0x0  }
0x41b: {  	[sflag:s12] =	ssyncadd.s32 $0xFFFFFB00  }
0x41c: {  	_ =	swait.ge [sflag:s12], $0x500  }
0x41d: {  	[sflag:s12] =	ssyncset.done $0x0  }
0x41e: {  	[sflag:s12] =	ssyncadd.s32 $0xFFFFFB00  }
0x41f: {  	_ =	swait.ge [sflag:s12], $0x500  }
0x420: {  	[sflag:s12] =	ssyncset.done $0x0  }
0x421: {  	[sflag:s12] =	ssyncadd.s32 $0xFFFFFB00  }
0x422: {  	_ =	swait.ge [sflag:s12], $0x500  }
0x423: {  	[sflag:s12] =	ssyncset.done $0x0  }
0x424: {  	[sflag:s12] =	ssyncadd.s32 $0xFFFFFB00  }
0x425: {  	_ =	swait.ge [sflag:s12], $0x500  }
0x426: {  	[sflag:s12] =	ssyncset.done $0x0  }
0x427: {  	[sflag:s12] =	ssyncadd.s32 $0xFFFFFB00  }
0x428: {  	_ =	swait.ge [sflag:s12], $0x500  }
0x429: {  	[sflag:s12] =	ssyncset.done $0x0  }
0x42a: {  	[sflag:s12] =	ssyncadd.s32 $0xFFFFFB00  }
0x42b: {  	_ =	swait.ge [sflag:s12], $0x500  }
0x42c: {  	[sflag:s12] =	ssyncset.done $0x0  }
0x42d: {  	[sflag:s12] =	ssyncadd.s32 $0xFFFFFB00  }
0x42e: {  	_ =	swait.ge [sflag:s12], $0x500  }
0x42f: {  	[sflag:s12] =	ssyncset.done $0x0  }
0x430: {  	[sflag:s12] =	ssyncadd.s32 $0xFFFFFB00  }
0x431: {  	_ =	swait.ge [sflag:s12], $0x500  }
0x432: {  	[sflag:s12] =	ssyncset.done $0x0  }
0x433: {  	[sflag:s12] =	ssyncadd.s32 $0xFFFFFB00  }
0x434: {  	_ =	swait.ge [sflag:s12], $0x500  }
0x435: {  	[sflag:s12] =	ssyncset.done $0x0  }
0x436: {  	[sflag:s12] =	ssyncadd.s32 $0xFFFFFB00  }
0x437: {  	_ =	swait.ge [sflag:s12], $0x500  }
0x438: {  	[sflag:s12] =	ssyncset.done $0x0  }
0x439: {  	[sflag:s12] =	ssyncadd.s32 $0xFFFFFB00  }
0x43a: {  	_ =	swait.ge [sflag:s13], $0x500  }
0x43b: {  	[sflag:s13] =	ssyncset.done $0x0  }
0x43c: {  	[sflag:s13] =	ssyncadd.s32 $0xFFFFFB00  }
0x43d: {  	_ =	swait.ge [sflag:s13], $0x500  }
0x43e: {  	[sflag:s13] =	ssyncset.done $0x0  }
0x43f: {  	[sflag:s13] =	ssyncadd.s32 $0xFFFFFB00  }
0x440: {  	_ =	swait.ge [sflag:s13], $0x500  }
0x441: {  	[sflag:s13] =	ssyncset.done $0x0  }
0x442: {  	[sflag:s13] =	ssyncadd.s32 $0xFFFFFB00  }
0x443: {  	_ =	swait.ge [sflag:s13], $0x500  }
0x444: {  	[sflag:s13] =	ssyncset.done $0x0  }
0x445: {  	[sflag:s13] =	ssyncadd.s32 $0xFFFFFB00  }
0x446: {  	_ =	swait.ge [sflag:s13], $0x500  }
0x447: {  	[sflag:s13] =	ssyncset.done $0x0  }
0x448: {  	[sflag:s13] =	ssyncadd.s32 $0xFFFFFB00  }
0x449: {  	_ =	swait.ge [sflag:s13], $0x500  }
0x44a: {  	[sflag:s13] =	ssyncset.done $0x0  }
0x44b: {  	[sflag:s13] =	ssyncadd.s32 $0xFFFFFB00  }
0x44c: {  	_ =	swait.ge [sflag:s13], $0x500  }
0x44d: {  	[sflag:s13] =	ssyncset.done $0x0  }
0x44e: {  	[sflag:s13] =	ssyncadd.s32 $0xFFFFFB00  }
0x44f: {  	_ =	swait.ge [sflag:s13], $0x500  }
0x450: {  	[sflag:s13] =	ssyncset.done $0x0  }
0x451: {  	[sflag:s13] =	ssyncadd.s32 $0xFFFFFB00  }
0x452: {  	_ =	swait.ge [sflag:s13], $0x500  }
0x453: {  	[sflag:s13] =	ssyncset.done $0x0  }
0x454: {  	[sflag:s13] =	ssyncadd.s32 $0xFFFFFB00  }
0x455: {  	_ =	swait.ge [sflag:s13], $0x500  }
0x456: {  	[sflag:s13] =	ssyncset.done $0x0  }
0x457: {  	[sflag:s13] =	ssyncadd.s32 $0xFFFFFB00  }
0x458: {  	_ =	swait.ge [sflag:s13], $0x500  }
0x459: {  	[sflag:s13] =	ssyncset.done $0x0  }
0x45a: {  	[sflag:s13] =	ssyncadd.s32 $0xFFFFFB00  }
0x45b: {  	_ =	swait.ge [sflag:s13], $0x500  }
0x45c: {  	[sflag:s13] =	ssyncset.done $0x0  }
0x45d: {  	[sflag:s13] =	ssyncadd.s32 $0xFFFFFB00  }
0x45e: {  	_ =	swait.ge [sflag:s13], $0x500  }
0x45f: {  	[sflag:s13] =	ssyncset.done $0x0  }
0x460: {  	[sflag:s13] =	ssyncadd.s32 $0xFFFFFB00  }
0x461: {  	_ =	swait.ge [sflag:s13], $0x500  }
0x462: {  	[sflag:s13] =	ssyncset.done $0x0  }
0x463: {  	[sflag:s13] =	ssyncadd.s32 $0xFFFFFB00  }
0x464: {  	_ =	swait.ge [sflag:s13], $0x500  }
0x465: {  	[sflag:s13] =	ssyncset.done $0x0  }
0x466: {  	[sflag:s13] =	ssyncadd.s32 $0xFFFFFB00  }
0x467: {  	_ =	swait.ge [sflag:s13], $0x500  }
0x468: {  	[sflag:s13] =	ssyncset.done $0x0  }
0x469: {  	[sflag:s13] =	ssyncadd.s32 $0xFFFFFB00  }
0x46a: {  	_ =	swait.ge [sflag:s13], $0x500  }
0x46b: {  	[sflag:s13] =	ssyncset.done $0x0  }
0x46c: {  	[sflag:s13] =	ssyncadd.s32 $0xFFFFFB00  }
0x46d: {  	_ =	swait.ge [sflag:s13], $0x500  }
0x46e: {  	[sflag:s13] =	ssyncset.done $0x0  }
0x46f: {  	[sflag:s13] =	ssyncadd.s32 $0xFFFFFB00  }
0x470: {  	_ =	swait.ge [sflag:s13], $0x500  }
0x471: {  	[sflag:s13] =	ssyncset.done $0x0  }
0x472: {  	[sflag:s13] =	ssyncadd.s32 $0xFFFFFB00  }
0x473: {  	_ =	swait.ge [sflag:s13], $0x500  }
0x474: {  	[sflag:s13] =	ssyncset.done $0x0  }
0x475: {  	[sflag:s13] =	ssyncadd.s32 $0xFFFFFB00  }
0x476: {  	_ =	swait.ge [sflag:s13], $0x500  }
0x477: {  	[sflag:s13] =	ssyncset.done $0x0  }
0x478: {  	[sflag:s13] =	ssyncadd.s32 $0xFFFFFB00  }
0x479: {  	_ =	swait.ge [sflag:s13], $0x500  }
0x47a: {  	[sflag:s13] =	ssyncset.done $0x0  }
0x47b: {  	[sflag:s13] =	ssyncadd.s32 $0xFFFFFB00  }
0x47c: {  	_ =	swait.ge [sflag:s13], $0x500  }
0x47d: {  	[sflag:s13] =	ssyncset.done $0x0  }
0x47e: {  	[sflag:s13] =	ssyncadd.s32 $0xFFFFFB00  }
0x47f: {  	_ =	swait.ge [sflag:s13], $0x500  }
0x480: {  	[sflag:s13] =	ssyncset.done $0x0  }
0x481: {  	[sflag:s13] =	ssyncadd.s32 $0xFFFFFB00  }
0x482: {  	_ =	swait.ge [sflag:s13], $0x500  }
0x483: {  	s15 =	sld [smem:$0x7B0]  }
0x484: {  	[sflag:s13] =	ssyncset.done $0x0  }
0x485: {  	s0 =	simm.s32 $0x4E20;
	s16 =	sld [smem:$0x7B1];
	[sflag:s13] =	ssyncadd.s32 $0xFFFFFB00  }
0x486: {  	[tilespmem:s0], [sflag:$0x1] =	stream.indirect.gather [hbm4b:s4+s11], $0x10, s15, s11, $0xb8;
	[tilespmem:$0x16F30] =	vst v63  }
0x487: {  	s29 =	simm.s32 $0x5320;
	s0 =	sld [smem:$0x7B2]  }
0x488: {  	[tilespmem:s29], [sflag:$0x1] =	stream.indirect.gather [hbm4b:s4+s11], $0x10, s16, s11, $0xb8;
	[tilespmem:$0x16F30] =	vst v63  }
0x489: {  	s7 =	simm.s32 $0x5820;
	s16 =	sld [smem:$0x7B3]  }
0x48a: {  	[tilespmem:s7], [sflag:$0x1] =	stream.indirect.gather [hbm4b:s4+s11], $0x10, s0, s11, $0xb8;
	[tilespmem:$0x16F30] =	vst v63  }
0x48b: {  	s28 =	simm.s32 $0x5D20;
	s0 =	sld [smem:$0x7B4]  }
0x48c: {  	[tilespmem:s28], [sflag:$0x1] =	stream.indirect.gather [hbm4b:s4+s11], $0x10, s16, s11, $0xb8;
	[tilespmem:$0x16F30] =	vst v63  }
0x48d: {  	s19 =	simm.s32 $0x6220;
	s16 =	sld [smem:$0x7B5]  }
0x48e: {  	[tilespmem:s19], [sflag:$0x1] =	stream.indirect.gather [hbm4b:s4+s11], $0x10, s0, s11, $0xb8;
	[tilespmem:$0x16F30] =	vst v63  }
0x48f: {  	s5 =	simm.s32 $0x6720;
	s0 =	sld [smem:$0x7B6]  }
0x490: {  	[tilespmem:s5], [sflag:$0x1] =	stream.indirect.gather [hbm4b:s4+s11], $0x10, s16, s11, $0xb8;
	[tilespmem:$0x16F30] =	vst v63  }
0x491: {  	s8 =	simm.s32 $0x6C20;
	s16 =	sld [smem:$0x7B7]  }
0x492: {  	[tilespmem:s8], [sflag:$0x1] =	stream.indirect.gather [hbm4b:s4+s11], $0x10, s0, s11, $0xb8;
	[tilespmem:$0x16F30] =	vst v63  }
0x493: {  	s1 =	simm.s32 $0x7120;
	s0 =	sld [smem:$0x7B8]  }
0x494: {  	[tilespmem:s1], [sflag:$0x1] =	stream.indirect.gather [hbm4b:s4+s11], $0x10, s16, s11, $0xb8;
	[tilespmem:$0x16F30] =	vst v63  }
0x495: {  	s9 =	simm.s32 $0x7620;
	s1 =	sld [smem:$0x7B9]  }
0x496: {  	[tilespmem:s9], [sflag:$0x1] =	stream.indirect.gather [hbm4b:s4+s11], $0x10, s0, s11, $0xb8;
	[tilespmem:$0x16F30] =	vst v63  }
0x497: {  	s30 =	simm.s32 $0x7B20;
	s0 =	sld [smem:$0x7BA]  }
0x498: {  	[tilespmem:s30], [sflag:$0x1] =	stream.indirect.gather [hbm4b:s4+s11], $0x10, s1, s11, $0xb8;
	[tilespmem:$0x16F30] =	vst v63  }
0x499: {  	s6 =	simm.s32 $0x8020;
	s1 =	sld [smem:$0x7BB]  }
0x49a: {  	[tilespmem:s6], [sflag:$0x1] =	stream.indirect.gather [hbm4b:s4+s11], $0x10, s0, s11, $0xb8;
	[tilespmem:$0x16F30] =	vst v63  }
0x49b: {  	s17 =	simm.s32 $0x8520;
	s0 =	sld [smem:$0x7BC]  }
0x49c: {  	[tilespmem:s17], [sflag:$0x1] =	stream.indirect.gather [hbm4b:s4+s11], $0x10, s1, s11, $0xb8;
	[tilespmem:$0x16F30] =	vst v63  }
0x49d: {  	s31 =	simm.s32 $0x8A20;
	s1 =	sld [smem:$0x7BD]  }
0x49e: {  	[tilespmem:s31], [sflag:$0x1] =	stream.indirect.gather [hbm4b:s4+s11], $0x10, s0, s11, $0xb8;
	[tilespmem:$0x16F30] =	vst v63  }
0x49f: {  	s20 =	simm.s32 $0x8F20;
	s0 =	sld [smem:$0x7BE]  }
0x4a0: {  	[tilespmem:s20], [sflag:$0x1] =	stream.indirect.gather [hbm4b:s4+s11], $0x10, s1, s11, $0xb8;
	[tilespmem:$0x16F30] =	vst v63  }
0x4a1: {  	s21 =	simm.s32 $0x9420;
	s1 =	sld [smem:$0x7BF]  }
0x4a2: {  	[tilespmem:s21], [sflag:$0x1] =	stream.indirect.gather [hbm4b:s4+s11], $0x10, s0, s11, $0xb8;
	[tilespmem:$0x16F30] =	vst v63  }
0x4a3: {  	s22 =	simm.s32 $0x9920;
	s0 =	sld [smem:$0x7C0]  }
0x4a4: {  	[tilespmem:s22], [sflag:$0x1] =	stream.indirect.gather [hbm4b:s4+s11], $0x10, s1, s11, $0xb8;
	[tilespmem:$0x16F30] =	vst v63  }
0x4a5: {  	s23 =	simm.s32 $0x9E20;
	s1 =	sld [smem:$0x7C1]  }
0x4a6: {  	[tilespmem:s23], [sflag:$0x1] =	stream.indirect.gather [hbm4b:s4+s11], $0x10, s0, s11, $0xb8;
	[tilespmem:$0x16F30] =	vst v63  }
0x4a7: {  	s24 =	simm.s32 $0xA320;
	s0 =	sld [smem:$0x7C2]  }
0x4a8: {  	[tilespmem:s24], [sflag:$0x1] =	stream.indirect.gather [hbm4b:s4+s11], $0x10, s1, s11, $0xb8;
	[tilespmem:$0x16F30] =	vst v63  }
0x4a9: {  	s25 =	simm.s32 $0xA820;
	s1 =	sld [smem:$0x7C3]  }
0x4aa: {  	[tilespmem:s25], [sflag:$0x1] =	stream.indirect.gather [hbm4b:s4+s11], $0x10, s0, s11, $0xb8;
	[tilespmem:$0x16F30] =	vst v63  }
0x4ab: {  	s26 =	simm.s32 $0xAD20;
	s0 =	sld [smem:$0x7C4]  }
0x4ac: {  	[tilespmem:s26], [sflag:$0x1] =	stream.indirect.gather [hbm4b:s4+s11], $0x10, s1, s11, $0xb8;
	[tilespmem:$0x16F30] =	vst v63  }
0x4ad: {  	s3 =	simm.s32 $0xB220;
	s1 =	sld [smem:$0x7C5]  }
0x4ae: {  	[tilespmem:s3], [sflag:$0x1] =	stream.indirect.gather [hbm4b:s4+s11], $0x10, s0, s11, $0xb8;
	[tilespmem:$0x16F30] =	vst v63  }
0x4af: {  	s18 =	simm.s32 $0xB720;
	s0 =	sld [smem:$0x7C6]  }
0x4b0: {  	[tilespmem:s18], [sflag:$0x1] =	stream.indirect.gather [hbm4b:s4+s11], $0x10, s1, s11, $0xb8;
	[tilespmem:$0x16F30] =	vst v63  }
0x4b1: {  	s10 =	simm.s32 $0xBC20;
	s1 =	sld [smem:$0x7C7]  }
0x4b2: {  	[tilespmem:s10], [sflag:$0x1] =	stream.indirect.gather [hbm4b:s4+s11], $0x10, s0, s11, $0xb8;
	[tilespmem:$0x16F30] =	vst v63  }
0x4b3: {  	s14 =	simm.s32 $0xC120;
	s0 =	sld [smem:$0x7C8]  }
0x4b4: {  	[tilespmem:s14], [sflag:$0x1] =	stream.indirect.gather [hbm4b:s4+s11], $0x10, s1, s11, $0xb8;
	[tilespmem:$0x16F30] =	vst v63  }
0x4b5: {  	s16 =	sld [smem:$0x7C9];
	s1 =	simm.s32 $0xC620  }
0x4b6: {  	[tilespmem:s1], [sflag:$0x1] =	stream.indirect.gather [hbm4b:s4+s11], $0x10, s0, s11, $0xb8;
	[tilespmem:$0x16F30] =	vst v63  }
0x4b7: {  	s15 =	sld [smem:$0x7CA];
	s1 =	simm.s32 $0xCB20  }
0x4b8: {  	[spmem:s2] =	stream.indirect.scatter.add.f32 [tilespmem:s1], [sflag:$0x2], $0x10, s16, s11, $0xb8;
	[tilespmem:$0x16F30] =	vst v63  }
0x4b9: {  	s16 =	sld [smem:$0x7CB];
	s1 =	simm.s32 $0xD020  }
0x4ba: {  	[spmem:s2] =	stream.indirect.scatter.add.f32 [tilespmem:s1], [sflag:$0x2], $0x10, s15, s11, $0xb8;
	[tilespmem:$0x16F30] =	vst v63  }
0x4bb: {  	s15 =	sld [smem:$0x7CC];
	s1 =	simm.s32 $0xD520  }
0x4bc: {  	[spmem:s2] =	stream.indirect.scatter.add.f32 [tilespmem:s1], [sflag:$0x2], $0x10, s16, s11, $0xb8;
	[tilespmem:$0x16F30] =	vst v63  }
0x4bd: {  	s16 =	sld [smem:$0x7CD];
	s1 =	simm.s32 $0xDA20  }
0x4be: {  	[spmem:s2] =	stream.indirect.scatter.add.f32 [tilespmem:s1], [sflag:$0x2], $0x10, s15, s11, $0xb8;
	[tilespmem:$0x16F30] =	vst v63  }
0x4bf: {  	s15 =	sld [smem:$0x7CE];
	s1 =	simm.s32 $0xDF20  }
0x4c0: {  	[spmem:s2] =	stream.indirect.scatter.add.f32 [tilespmem:s1], [sflag:$0x2], $0x10, s16, s11, $0xb8;
	[tilespmem:$0x16F30] =	vst v63  }
0x4c1: {  	s16 =	sld [smem:$0x7CF];
	s1 =	simm.s32 $0xE420  }
0x4c2: {  	[spmem:s2] =	stream.indirect.scatter.add.f32 [tilespmem:s1], [sflag:$0x2], $0x10, s15, s11, $0xb8;
	[tilespmem:$0x16F30] =	vst v63  }
0x4c3: {  	s15 =	sld [smem:$0x7D0];
	s1 =	simm.s32 $0xE920  }
0x4c4: {  	[spmem:s2] =	stream.indirect.scatter.add.f32 [tilespmem:s1], [sflag:$0x2], $0x10, s16, s11, $0xb8;
	[tilespmem:$0x16F30] =	vst v63  }
0x4c5: {  	s16 =	sld [smem:$0x7D1];
	s1 =	simm.s32 $0xEE20  }
0x4c6: {  	[spmem:s2] =	stream.indirect.scatter.add.f32 [tilespmem:s1], [sflag:$0x2], $0x10, s15, s11, $0xb8;
	[tilespmem:$0x16F30] =	vst v63  }
0x4c7: {  	s15 =	sld [smem:$0x7D2];
	s1 =	simm.s32 $0xF320  }
0x4c8: {  	[spmem:s2] =	stream.indirect.scatter.add.f32 [tilespmem:s1], [sflag:$0x2], $0x10, s16, s11, $0xb8;
	[tilespmem:$0x16F30] =	vst v63  }
0x4c9: {  	s16 =	sld [smem:$0x7D3];
	s1 =	simm.s32 $0xF820  }
0x4ca: {  	[spmem:s2] =	stream.indirect.scatter.add.f32 [tilespmem:s1], [sflag:$0x2], $0x10, s15, s11, $0xb8;
	[tilespmem:$0x16F30] =	vst v63  }
0x4cb: {  	s15 =	sld [smem:$0x7D4];
	s1 =	simm.s32 $0xFD20  }
0x4cc: {  	[spmem:s2] =	stream.indirect.scatter.add.f32 [tilespmem:s1], [sflag:$0x2], $0x10, s16, s11, $0xb8;
	[tilespmem:$0x16F30] =	vst v63  }
0x4cd: {  	s16 =	sld [smem:$0x7D5];
	s1 =	simm.s32 $0x10220  }
0x4ce: {  	[spmem:s2] =	stream.indirect.scatter.add.f32 [tilespmem:s1], [sflag:$0x2], $0x10, s15, s11, $0xb8;
	[tilespmem:$0x16F30] =	vst v63  }
0x4cf: {  	s15 =	sld [smem:$0x7D6];
	s1 =	simm.s32 $0x10720  }
0x4d0: {  	[spmem:s2] =	stream.indirect.scatter.add.f32 [tilespmem:s1], [sflag:$0x2], $0x10, s16, s11, $0xb8;
	[tilespmem:$0x16F30] =	vst v63  }
0x4d1: {  	s16 =	sld [smem:$0x7D7];
	s1 =	simm.s32 $0x10C20  }
0x4d2: {  	[spmem:s2] =	stream.indirect.scatter.add.f32 [tilespmem:s1], [sflag:$0x2], $0x10, s15, s11, $0xb8;
	[tilespmem:$0x16F30] =	vst v63  }
0x4d3: {  	s15 =	sld [smem:$0x7D8];
	s1 =	simm.s32 $0x11120  }
0x4d4: {  	[spmem:s2] =	stream.indirect.scatter.add.f32 [tilespmem:s1], [sflag:$0x2], $0x10, s16, s11, $0xb8;
	[tilespmem:$0x16F30] =	vst v63  }
0x4d5: {  	s16 =	sld [smem:$0x7D9];
	s1 =	simm.s32 $0x11620  }
0x4d6: {  	[spmem:s2] =	stream.indirect.scatter.add.f32 [tilespmem:s1], [sflag:$0x2], $0x10, s15, s11, $0xb8;
	[tilespmem:$0x16F30] =	vst v63  }
0x4d7: {  	s15 =	sld [smem:$0x7DA];
	s1 =	simm.s32 $0x11B20  }
0x4d8: {  	[spmem:s2] =	stream.indirect.scatter.add.f32 [tilespmem:s1], [sflag:$0x2], $0x10, s16, s11, $0xb8;
	[tilespmem:$0x16F30] =	vst v63  }
0x4d9: {  	s16 =	sld [smem:$0x7DB];
	s1 =	simm.s32 $0x12020  }
0x4da: {  	[spmem:s2] =	stream.indirect.scatter.add.f32 [tilespmem:s1], [sflag:$0x2], $0x10, s15, s11, $0xb8;
	[tilespmem:$0x16F30] =	vst v63  }
0x4db: {  	s15 =	sld [smem:$0x7DC];
	s1 =	simm.s32 $0x12520  }
0x4dc: {  	[spmem:s2] =	stream.indirect.scatter.add.f32 [tilespmem:s1], [sflag:$0x2], $0x10, s16, s11, $0xb8;
	[tilespmem:$0x16F30] =	vst v63  }
0x4dd: {  	s16 =	sld [smem:$0x7DD];
	s1 =	simm.s32 $0x12A20  }
0x4de: {  	[spmem:s2] =	stream.indirect.scatter.add.f32 [tilespmem:s1], [sflag:$0x2], $0x10, s15, s11, $0xb8;
	[tilespmem:$0x16F30] =	vst v63  }
0x4df: {  	s15 =	sld [smem:$0x7DE];
	s1 =	simm.s32 $0x12F20  }
0x4e0: {  	[spmem:s2] =	stream.indirect.scatter.add.f32 [tilespmem:s1], [sflag:$0x2], $0x10, s16, s11, $0xb8;
	[tilespmem:$0x16F30] =	vst v63  }
0x4e1: {  	s16 =	sld [smem:$0x7DF];
	s1 =	simm.s32 $0x13420  }
0x4e2: {  	[spmem:s2] =	stream.indirect.scatter.add.f32 [tilespmem:s1], [sflag:$0x2], $0x10, s15, s11, $0xb8;
	[tilespmem:$0x16F30] =	vst v63  }
0x4e3: {  	s15 =	sld [smem:$0x7E0];
	s1 =	simm.s32 $0x13920  }
0x4e4: {  	[spmem:s2] =	stream.indirect.scatter.add.f32 [tilespmem:s1], [sflag:$0x2], $0x10, s16, s11, $0xb8;
	[tilespmem:$0x16F30] =	vst v63  }
0x4e5: {  	s16 =	sld [smem:$0x7E1];
	s1 =	simm.s32 $0x13E20  }
0x4e6: {  	[spmem:s2] =	stream.indirect.scatter.add.f32 [tilespmem:s1], [sflag:$0x2], $0x10, s15, s11, $0xb8;
	[tilespmem:$0x16F30] =	vst v63  }
0x4e7: {  	s15 =	simm.s32 $0x14320  }
0x4e8: {  	[spmem:s2] =	stream.indirect.scatter.add.f32 [tilespmem:s15], [sflag:$0x2], $0x10, s16, s11, $0xb8;
	[tilespmem:$0x16F30] =	vst v63  }
0x4e9: {  	_ =	swait.ge [sflag:s12], $0x500  }
0x4ea: {  	[sflag:s12] =	ssyncset.done $0x0  }
0x4eb: {  	[sflag:s12] =	ssyncadd.s32 $0xFFFFFB00  }
0x4ec: {  	_ =	swait.ge [sflag:s12], $0x500  }
0x4ed: {  	[sflag:s12] =	ssyncset.done $0x0  }
0x4ee: {  	[sflag:s12] =	ssyncadd.s32 $0xFFFFFB00  }
0x4ef: {  	_ =	swait.ge [sflag:s12], $0x500  }
0x4f0: {  	[sflag:s12] =	ssyncset.done $0x0  }
0x4f1: {  	[sflag:s12] =	ssyncadd.s32 $0xFFFFFB00  }
0x4f2: {  	_ =	swait.ge [sflag:s12], $0x500  }
0x4f3: {  	[sflag:s12] =	ssyncset.done $0x0  }
0x4f4: {  	[sflag:s12] =	ssyncadd.s32 $0xFFFFFB00  }
0x4f5: {  	_ =	swait.ge [sflag:s12], $0x500  }
0x4f6: {  	[sflag:s12] =	ssyncset.done $0x0  }
0x4f7: {  	[sflag:s12] =	ssyncadd.s32 $0xFFFFFB00  }
0x4f8: {  	_ =	swait.ge [sflag:s12], $0x500  }
0x4f9: {  	[sflag:s12] =	ssyncset.done $0x0  }
0x4fa: {  	[sflag:s12] =	ssyncadd.s32 $0xFFFFFB00  }
0x4fb: {  	_ =	swait.ge [sflag:s12], $0x500  }
0x4fc: {  	[sflag:s12] =	ssyncset.done $0x0  }
0x4fd: {  	[sflag:s12] =	ssyncadd.s32 $0xFFFFFB00  }
0x4fe: {  	_ =	swait.ge [sflag:s12], $0x500  }
0x4ff: {  	[sflag:s12] =	ssyncset.done $0x0  }
0x500: {  	[sflag:s12] =	ssyncadd.s32 $0xFFFFFB00  }
0x501: {  	_ =	swait.ge [sflag:s12], $0x500  }
0x502: {  	[sflag:s12] =	ssyncset.done $0x0  }
0x503: {  	[sflag:s12] =	ssyncadd.s32 $0xFFFFFB00  }
0x504: {  	_ =	swait.ge [sflag:s12], $0x500  }
0x505: {  	[sflag:s12] =	ssyncset.done $0x0  }
0x506: {  	[sflag:s12] =	ssyncadd.s32 $0xFFFFFB00  }
0x507: {  	_ =	swait.ge [sflag:s12], $0x500  }
0x508: {  	[sflag:s12] =	ssyncset.done $0x0  }
0x509: {  	[sflag:s12] =	ssyncadd.s32 $0xFFFFFB00  }
0x50a: {  	_ =	swait.ge [sflag:s12], $0x500  }
0x50b: {  	[sflag:s12] =	ssyncset.done $0x0  }
0x50c: {  	[sflag:s12] =	ssyncadd.s32 $0xFFFFFB00  }
0x50d: {  	_ =	swait.ge [sflag:s12], $0x500  }
0x50e: {  	[sflag:s12] =	ssyncset.done $0x0  }
0x50f: {  	[sflag:s12] =	ssyncadd.s32 $0xFFFFFB00  }
0x510: {  	_ =	swait.ge [sflag:s12], $0x500  }
0x511: {  	[sflag:s12] =	ssyncset.done $0x0  }
0x512: {  	[sflag:s12] =	ssyncadd.s32 $0xFFFFFB00  }
0x513: {  	_ =	swait.ge [sflag:s12], $0x500  }
0x514: {  	[sflag:s12] =	ssyncset.done $0x0  }
0x515: {  	[sflag:s12] =	ssyncadd.s32 $0xFFFFFB00  }
0x516: {  	_ =	swait.ge [sflag:s12], $0x500  }
0x517: {  	[sflag:s12] =	ssyncset.done $0x0  }
0x518: {  	[sflag:s12] =	ssyncadd.s32 $0xFFFFFB00  }
0x519: {  	_ =	swait.ge [sflag:s12], $0x500  }
0x51a: {  	[sflag:s12] =	ssyncset.done $0x0  }
0x51b: {  	[sflag:s12] =	ssyncadd.s32 $0xFFFFFB00  }
0x51c: {  	_ =	swait.ge [sflag:s12], $0x500  }
0x51d: {  	[sflag:s12] =	ssyncset.done $0x0  }
0x51e: {  	[sflag:s12] =	ssyncadd.s32 $0xFFFFFB00  }
0x51f: {  	_ =	swait.ge [sflag:s12], $0x500  }
0x520: {  	[sflag:s12] =	ssyncset.done $0x0  }
0x521: {  	[sflag:s12] =	ssyncadd.s32 $0xFFFFFB00  }
0x522: {  	_ =	swait.ge [sflag:s12], $0x500  }
0x523: {  	[sflag:s12] =	ssyncset.done $0x0  }
0x524: {  	[sflag:s12] =	ssyncadd.s32 $0xFFFFFB00  }
0x525: {  	_ =	swait.ge [sflag:s12], $0x500  }
0x526: {  	[sflag:s12] =	ssyncset.done $0x0  }
0x527: {  	[sflag:s12] =	ssyncadd.s32 $0xFFFFFB00  }
0x528: {  	_ =	swait.ge [sflag:s12], $0x500  }
0x529: {  	[sflag:s12] =	ssyncset.done $0x0  }
0x52a: {  	[sflag:s12] =	ssyncadd.s32 $0xFFFFFB00  }
0x52b: {  	_ =	swait.ge [sflag:s12], $0x500  }
0x52c: {  	[sflag:s12] =	ssyncset.done $0x0  }
0x52d: {  	[sflag:s12] =	ssyncadd.s32 $0xFFFFFB00  }
0x52e: {  	_ =	swait.ge [sflag:s12], $0x500  }
0x52f: {  	[sflag:s12] =	ssyncset.done $0x0  }
0x530: {  	[sflag:s12] =	ssyncadd.s32 $0xFFFFFB00  }
0x531: {  	_ =	swait.ge [sflag:s12], $0x500  }
0x532: {  	[sflag:s12] =	ssyncset.done $0x0  }
0x533: {  	[sflag:s12] =	ssyncadd.s32 $0xFFFFFB00  }
0x534: {  	_ =	swait.ge [sflag:s13], $0x500  }
0x535: {  	[sflag:s13] =	ssyncset.done $0x0  }
0x536: {  	[sflag:s13] =	ssyncadd.s32 $0xFFFFFB00  }
0x537: {  	_ =	swait.ge [sflag:s13], $0x500  }
0x538: {  	[sflag:s13] =	ssyncset.done $0x0  }
0x539: {  	[sflag:s13] =	ssyncadd.s32 $0xFFFFFB00  }
0x53a: {  	_ =	swait.ge [sflag:s13], $0x500  }
0x53b: {  	[sflag:s13] =	ssyncset.done $0x0  }
0x53c: {  	[sflag:s13] =	ssyncadd.s32 $0xFFFFFB00  }
0x53d: {  	_ =	swait.ge [sflag:s13], $0x500  }
0x53e: {  	[sflag:s13] =	ssyncset.done $0x0  }
0x53f: {  	[sflag:s13] =	ssyncadd.s32 $0xFFFFFB00  }
0x540: {  	_ =	swait.ge [sflag:s13], $0x500  }
0x541: {  	[sflag:s13] =	ssyncset.done $0x0  }
0x542: {  	[sflag:s13] =	ssyncadd.s32 $0xFFFFFB00  }
0x543: {  	_ =	swait.ge [sflag:s13], $0x500  }
0x544: {  	[sflag:s13] =	ssyncset.done $0x0  }
0x545: {  	[sflag:s13] =	ssyncadd.s32 $0xFFFFFB00  }
0x546: {  	_ =	swait.ge [sflag:s13], $0x500  }
0x547: {  	[sflag:s13] =	ssyncset.done $0x0  }
0x548: {  	[sflag:s13] =	ssyncadd.s32 $0xFFFFFB00  }
0x549: {  	_ =	swait.ge [sflag:s13], $0x500  }
0x54a: {  	[sflag:s13] =	ssyncset.done $0x0  }
0x54b: {  	[sflag:s13] =	ssyncadd.s32 $0xFFFFFB00  }
0x54c: {  	_ =	swait.ge [sflag:s13], $0x500  }
0x54d: {  	[sflag:s13] =	ssyncset.done $0x0  }
0x54e: {  	[sflag:s13] =	ssyncadd.s32 $0xFFFFFB00  }
0x54f: {  	_ =	swait.ge [sflag:s13], $0x500  }
0x550: {  	[sflag:s13] =	ssyncset.done $0x0  }
0x551: {  	[sflag:s13] =	ssyncadd.s32 $0xFFFFFB00  }
0x552: {  	_ =	swait.ge [sflag:s13], $0x500  }
0x553: {  	[sflag:s13] =	ssyncset.done $0x0  }
0x554: {  	[sflag:s13] =	ssyncadd.s32 $0xFFFFFB00  }
0x555: {  	_ =	swait.ge [sflag:s13], $0x500  }
0x556: {  	[sflag:s13] =	ssyncset.done $0x0  }
0x557: {  	[sflag:s13] =	ssyncadd.s32 $0xFFFFFB00  }
0x558: {  	_ =	swait.ge [sflag:s13], $0x500  }
0x559: {  	[sflag:s13] =	ssyncset.done $0x0  }
0x55a: {  	[sflag:s13] =	ssyncadd.s32 $0xFFFFFB00  }
0x55b: {  	_ =	swait.ge [sflag:s13], $0x500  }
0x55c: {  	[sflag:s13] =	ssyncset.done $0x0  }
0x55d: {  	[sflag:s13] =	ssyncadd.s32 $0xFFFFFB00  }
0x55e: {  	_ =	swait.ge [sflag:s13], $0x500  }
0x55f: {  	[sflag:s13] =	ssyncset.done $0x0  }
0x560: {  	[sflag:s13] =	ssyncadd.s32 $0xFFFFFB00  }
0x561: {  	_ =	swait.ge [sflag:s13], $0x500  }
0x562: {  	[sflag:s13] =	ssyncset.done $0x0  }
0x563: {  	[sflag:s13] =	ssyncadd.s32 $0xFFFFFB00  }
0x564: {  	_ =	swait.ge [sflag:s13], $0x500  }
0x565: {  	[sflag:s13] =	ssyncset.done $0x0  }
0x566: {  	[sflag:s13] =	ssyncadd.s32 $0xFFFFFB00  }
0x567: {  	_ =	swait.ge [sflag:s13], $0x500  }
0x568: {  	[sflag:s13] =	ssyncset.done $0x0  }
0x569: {  	[sflag:s13] =	ssyncadd.s32 $0xFFFFFB00  }
0x56a: {  	_ =	swait.ge [sflag:s13], $0x500  }
0x56b: {  	[sflag:s13] =	ssyncset.done $0x0  }
0x56c: {  	[sflag:s13] =	ssyncadd.s32 $0xFFFFFB00  }
0x56d: {  	_ =	swait.ge [sflag:s13], $0x500  }
0x56e: {  	[sflag:s13] =	ssyncset.done $0x0  }
0x56f: {  	[sflag:s13] =	ssyncadd.s32 $0xFFFFFB00  }
0x570: {  	_ =	swait.ge [sflag:s13], $0x500  }
0x571: {  	[sflag:s13] =	ssyncset.done $0x0  }
0x572: {  	[sflag:s13] =	ssyncadd.s32 $0xFFFFFB00  }
0x573: {  	_ =	swait.ge [sflag:s13], $0x500  }
0x574: {  	[sflag:s13] =	ssyncset.done $0x0  }
0x575: {  	[sflag:s13] =	ssyncadd.s32 $0xFFFFFB00  }
0x576: {  	_ =	swait.ge [sflag:s13], $0x500  }
0x577: {  	[sflag:s13] =	ssyncset.done $0x0  }
0x578: {  	[sflag:s13] =	ssyncadd.s32 $0xFFFFFB00  }
0x579: {  	_ =	swait.ge [sflag:s13], $0x500  }
0x57a: {  	[sflag:s13] =	ssyncset.done $0x0  }
0x57b: {  	[sflag:s13] =	ssyncadd.s32 $0xFFFFFB00  }
0x57c: {  	_ =	swait.ge [sflag:s13], $0x500  }
0x57d: {  	s15 =	sld [smem:$0x7E2]  }
0x57e: {  	[sflag:s13] =	ssyncset.done $0x0  }
0x57f: {  	s1 =	simm.s32 $0x4E20;
	s16 =	sld [smem:$0x7E3];
	[sflag:s13] =	ssyncadd.s32 $0xFFFFFB00  }
0x580: {  	[spmem:s2] =	stream.indirect.scatter.add.f32 [tilespmem:s1], [sflag:$0x2], $0x10, s15, s11, $0xb8;
	[tilespmem:$0x16F30] =	vst v63  }
0x581: {  	s29 =	simm.s32 $0x5320;
	s15 =	sld [smem:$0x7E4]  }
0x582: {  	[spmem:s2] =	stream.indirect.scatter.add.f32 [tilespmem:s29], [sflag:$0x2], $0x10, s16, s11, $0xb8;
	[tilespmem:$0x16F30] =	vst v63  }
0x583: {  	s7 =	simm.s32 $0x5820;
	s1 =	sld [smem:$0x7E5]  }
0x584: {  	[spmem:s2] =	stream.indirect.scatter.add.f32 [tilespmem:s7], [sflag:$0x2], $0x10, s15, s11, $0xb8;
	[tilespmem:$0x16F30] =	vst v63  }
0x585: {  	s28 =	simm.s32 $0x5D20;
	s7 =	sld [smem:$0x7E7]  }
0x586: {  	[spmem:s2] =	stream.indirect.scatter.add.f32 [tilespmem:s28], [sflag:$0x2], $0x10, s1, s11, $0xb8;
	[tilespmem:$0x16F30] =	vst v63  }
0x587: {  	s19 =	simm.s32 $0x6220;
	s29 =	sld [smem:$0x7E8]  }
0x588: {  	[spmem:s2] =	stream.indirect.scatter.add.f32 [tilespmem:s19], [sflag:$0x2], $0x10, s7, s11, $0xb8;
	[tilespmem:$0x16F30] =	vst v63  }
0x589: {  	s5 =	simm.s32 $0x6720;
	s1 =	sld [smem:$0x7E9]  }
0x58a: {  	[spmem:s2] =	stream.indirect.scatter.add.f32 [tilespmem:s5], [sflag:$0x2], $0x10, s29, s11, $0xb8;
	[tilespmem:$0x16F30] =	vst v63  }
0x58b: {  	s8 =	simm.s32 $0x6C20;
	s7 =	sld [smem:$0x7EA]  }
0x58c: {  	[spmem:s2] =	stream.indirect.scatter.add.f32 [tilespmem:s8], [sflag:$0x2], $0x10, s1, s11, $0xb8;
	[tilespmem:$0x16F30] =	vst v63  }
0x58d: {  	s28 =	simm.s32 $0x7120;
	s19 =	sld [smem:$0x7EC]  }
0x58e: {  	[spmem:s2] =	stream.indirect.scatter.add.f32 [tilespmem:s28], [sflag:$0x2], $0x10, s7, s11, $0xb8;
	[tilespmem:$0x16F30] =	vst v63  }
0x58f: {  	s9 =	simm.s32 $0x7620;
	s29 =	sld [smem:$0x7ED]  }
0x590: {  	[spmem:s2] =	stream.indirect.scatter.add.f32 [tilespmem:s9], [sflag:$0x2], $0x10, s19, s11, $0xb8;
	[tilespmem:$0x16F30] =	vst v63  }
0x591: {  	s30 =	simm.s32 $0x7B20;
	s1 =	sld [smem:$0x7EF]  }
0x592: {  	[spmem:s2] =	stream.indirect.scatter.add.f32 [tilespmem:s30], [sflag:$0x2], $0x10, s29, s11, $0xb8;
	[tilespmem:$0x16F30] =	vst v63  }
0x593: {  	s6 =	simm.s32 $0x8020;
	s5 =	sld [smem:$0x7F0]  }
0x594: {  	[spmem:s2] =	stream.indirect.scatter.add.f32 [tilespmem:s6], [sflag:$0x2], $0x10, s1, s11, $0xb8;
	[tilespmem:$0x16F30] =	vst v63  }
0x595: {  	s17 =	simm.s32 $0x8520;
	s6 =	sld [smem:$0x7F1]  }
0x596: {  	[spmem:s2] =	stream.indirect.scatter.add.f32 [tilespmem:s17], [sflag:$0x2], $0x10, s5, s11, $0xb8;
	[tilespmem:$0x16F30] =	vst v63  }
0x597: {  	s31 =	simm.s32 $0x8A20;
	s7 =	sld [smem:$0x7F2]  }
0x598: {  	[spmem:s2] =	stream.indirect.scatter.add.f32 [tilespmem:s31], [sflag:$0x2], $0x10, s6, s11, $0xb8;
	[tilespmem:$0x16F30] =	vst v63  }
0x599: {  	s20 =	simm.s32 $0x8F20;
	s8 =	sld [smem:$0x7F3]  }
0x59a: {  	[spmem:s2] =	stream.indirect.scatter.add.f32 [tilespmem:s20], [sflag:$0x2], $0x10, s7, s11, $0xb8;
	[tilespmem:$0x16F30] =	vst v63  }
0x59b: {  	s21 =	simm.s32 $0x9420;
	s9 =	sld [smem:$0x7F4]  }
0x59c: {  	[spmem:s2] =	stream.indirect.scatter.add.f32 [tilespmem:s21], [sflag:$0x2], $0x10, s8, s11, $0xb8;
	[tilespmem:$0x16F30] =	vst v63  }
0x59d: {  	s22 =	simm.s32 $0x9920;
	s17 =	sld [smem:$0x7F5]  }
0x59e: {  	[spmem:s2] =	stream.indirect.scatter.add.f32 [tilespmem:s22], [sflag:$0x2], $0x10, s9, s11, $0xb8;
	[tilespmem:$0x16F30] =	vst v63  }
0x59f: {  	s23 =	simm.s32 $0x9E20;
	s19 =	sld [smem:$0x7F6]  }
0x5a0: {  	[spmem:s2] =	stream.indirect.scatter.add.f32 [tilespmem:s23], [sflag:$0x2], $0x10, s17, s11, $0xb8;
	[tilespmem:$0x16F30] =	vst v63  }
0x5a1: {  	s24 =	simm.s32 $0xA320;
	s20 =	sld [smem:$0x7F7]  }
0x5a2: {  	[spmem:s2] =	stream.indirect.scatter.add.f32 [tilespmem:s24], [sflag:$0x2], $0x10, s19, s11, $0xb8;
	[tilespmem:$0x16F30] =	vst v63  }
0x5a3: {  	s25 =	simm.s32 $0xA820;
	s21 =	sld [smem:$0x7F8]  }
0x5a4: {  	[spmem:s2] =	stream.indirect.scatter.add.f32 [tilespmem:s25], [sflag:$0x2], $0x10, s20, s11, $0xb8;
	[tilespmem:$0x16F30] =	vst v63  }
0x5a5: {  	s26 =	simm.s32 $0xAD20;
	s22 =	sld [smem:$0x7F9]  }
0x5a6: {  	[spmem:s2] =	stream.indirect.scatter.add.f32 [tilespmem:s26], [sflag:$0x2], $0x10, s21, s11, $0xb8;
	[tilespmem:$0x16F30] =	vst v63  }
0x5a7: {  	s3 =	simm.s32 $0xB220;
	s23 =	sld [smem:$0x7FA]  }
0x5a8: {  	[spmem:s2] =	stream.indirect.scatter.add.f32 [tilespmem:s3], [sflag:$0x2], $0x10, s22, s11, $0xb8;
	[tilespmem:$0x16F30] =	vst v63  }
0x5a9: {  	s18 =	simm.s32 $0xB720;
	s24 =	sld [smem:$0x7FB]  }
0x5aa: {  	[spmem:s2] =	stream.indirect.scatter.add.f32 [tilespmem:s18], [sflag:$0x2], $0x10, s23, s11, $0xb8;
	[tilespmem:$0x16F30] =	vst v63  }
0x5ab: {  	s10 =	simm.s32 $0xBC20;
	s25 =	sld [smem:$0x7FC]  }
0x5ac: {  	[spmem:s2] =	stream.indirect.scatter.add.f32 [tilespmem:s10], [sflag:$0x2], $0x10, s24, s11, $0xb8;
	[tilespmem:$0x16F30] =	vst v63  }
0x5ad: {  	s14 =	simm.s32 $0xC120;
	s26 =	sld [smem:$0x7FD]  }
0x5ae: {  	[spmem:s2] =	stream.indirect.scatter.add.f32 [tilespmem:s14], [sflag:$0x2], $0x10, s25, s11, $0xb8;
	[tilespmem:$0x16F30] =	vst v63  }
0x5af: {  	s0 =	simm.s32 $0xC620  }
0x5b0: {  	[spmem:s2] =	stream.indirect.scatter.add.f32 [tilespmem:s0], [sflag:$0x2], $0x10, s26, s11, $0xb8;
	[tilespmem:$0x16F30] =	vst v63  }
0x5b1: {  	_ =	swait.ge [sflag:s13], $0x500  }
0x5b2: {  	[sflag:s13] =	ssyncset.done $0x0  }
0x5b3: {  	[sflag:s13] =	ssyncadd.s32 $0xFFFFFB00  }
0x5b4: {  	_ =	swait.ge [sflag:s13], $0x500  }
0x5b5: {  	[sflag:s13] =	ssyncset.done $0x0  }
0x5b6: {  	[sflag:s13] =	ssyncadd.s32 $0xFFFFFB00  }
0x5b7: {  	_ =	swait.ge [sflag:s13], $0x500  }
0x5b8: {  	[sflag:s13] =	ssyncset.done $0x0  }
0x5b9: {  	[sflag:s13] =	ssyncadd.s32 $0xFFFFFB00  }
0x5ba: {  	_ =	swait.ge [sflag:s13], $0x500  }
0x5bb: {  	[sflag:s13] =	ssyncset.done $0x0  }
0x5bc: {  	[sflag:s13] =	ssyncadd.s32 $0xFFFFFB00  }
0x5bd: {  	_ =	swait.ge [sflag:s13], $0x500  }
0x5be: {  	[sflag:s13] =	ssyncset.done $0x0  }
0x5bf: {  	[sflag:s13] =	ssyncadd.s32 $0xFFFFFB00  }
0x5c0: {  	_ =	swait.ge [sflag:s13], $0x500  }
0x5c1: {  	[sflag:s13] =	ssyncset.done $0x0  }
0x5c2: {  	[sflag:s13] =	ssyncadd.s32 $0xFFFFFB00  }
0x5c3: {  	_ =	swait.ge [sflag:s13], $0x500  }
0x5c4: {  	[sflag:s13] =	ssyncset.done $0x0  }
0x5c5: {  	[sflag:s13] =	ssyncadd.s32 $0xFFFFFB00  }
0x5c6: {  	_ =	swait.ge [sflag:s13], $0x500  }
0x5c7: {  	[sflag:s13] =	ssyncset.done $0x0  }
0x5c8: {  	[sflag:s13] =	ssyncadd.s32 $0xFFFFFB00  }
0x5c9: {  	_ =	swait.ge [sflag:s13], $0x500  }
0x5ca: {  	[sflag:s13] =	ssyncset.done $0x0  }
0x5cb: {  	[sflag:s13] =	ssyncadd.s32 $0xFFFFFB00  }
0x5cc: {  	_ =	swait.ge [sflag:s13], $0x500  }
0x5cd: {  	[sflag:s13] =	ssyncset.done $0x0  }
0x5ce: {  	[sflag:s13] =	ssyncadd.s32 $0xFFFFFB00  }
0x5cf: {  	_ =	swait.ge [sflag:s13], $0x500  }
0x5d0: {  	[sflag:s13] =	ssyncset.done $0x0  }
0x5d1: {  	[sflag:s13] =	ssyncadd.s32 $0xFFFFFB00  }
0x5d2: {  	_ =	swait.ge [sflag:s13], $0x500  }
0x5d3: {  	[sflag:s13] =	ssyncset.done $0x0  }
0x5d4: {  	[sflag:s13] =	ssyncadd.s32 $0xFFFFFB00  }
0x5d5: {  	_ =	swait.ge [sflag:s13], $0x500  }
0x5d6: {  	[sflag:s13] =	ssyncset.done $0x0  }
0x5d7: {  	[sflag:s13] =	ssyncadd.s32 $0xFFFFFB00  }
0x5d8: {  	_ =	swait.ge [sflag:s13], $0x500  }
0x5d9: {  	[sflag:s13] =	ssyncset.done $0x0  }
0x5da: {  	[sflag:s13] =	ssyncadd.s32 $0xFFFFFB00  }
0x5db: {  	_ =	swait.ge [sflag:s13], $0x500  }
0x5dc: {  	[sflag:s13] =	ssyncset.done $0x0  }
0x5dd: {  	[sflag:s13] =	ssyncadd.s32 $0xFFFFFB00  }
0x5de: {  	_ =	swait.ge [sflag:s13], $0x500  }
0x5df: {  	[sflag:s13] =	ssyncset.done $0x0  }
0x5e0: {  	[sflag:s13] =	ssyncadd.s32 $0xFFFFFB00  }
0x5e1: {  	_ =	swait.ge [sflag:s13], $0x500  }
0x5e2: {  	[sflag:s13] =	ssyncset.done $0x0  }
0x5e3: {  	[sflag:s13] =	ssyncadd.s32 $0xFFFFFB00  }
0x5e4: {  	_ =	swait.ge [sflag:s13], $0x500  }
0x5e5: {  	[sflag:s13] =	ssyncset.done $0x0  }
0x5e6: {  	[sflag:s13] =	ssyncadd.s32 $0xFFFFFB00  }
0x5e7: {  	_ =	swait.ge [sflag:s13], $0x500  }
0x5e8: {  	[sflag:s13] =	ssyncset.done $0x0  }
0x5e9: {  	[sflag:s13] =	ssyncadd.s32 $0xFFFFFB00  }
0x5ea: {  	_ =	swait.ge [sflag:s13], $0x500  }
0x5eb: {  	[sflag:s13] =	ssyncset.done $0x0  }
0x5ec: {  	[sflag:s13] =	ssyncadd.s32 $0xFFFFFB00  }
0x5ed: {  	_ =	swait.ge [sflag:s13], $0x500  }
0x5ee: {  	[sflag:s13] =	ssyncset.done $0x0  }
0x5ef: {  	[sflag:s13] =	ssyncadd.s32 $0xFFFFFB00  }
0x5f0: {  	_ =	swait.ge [sflag:s13], $0x500  }
0x5f1: {  	[sflag:s13] =	ssyncset.done $0x0  }
0x5f2: {  	[sflag:s13] =	ssyncadd.s32 $0xFFFFFB00  }
0x5f3: {  	_ =	swait.ge [sflag:s13], $0x500  }
0x5f4: {  	[sflag:s13] =	ssyncset.done $0x0  }
0x5f5: {  	[sflag:s13] =	ssyncadd.s32 $0xFFFFFB00  }
0x5f6: {  	_ =	swait.ge [sflag:s13], $0x500  }
0x5f7: {  	[sflag:s13] =	ssyncset.done $0x0  }
0x5f8: {  	[sflag:s13] =	ssyncadd.s32 $0xFFFFFB00  }
0x5f9: {  	_ =	swait.ge [sflag:s13], $0x500  }
0x5fa: {  	[sflag:s13] =	ssyncset.done $0x0  }
0x5fb: {  	[sflag:s13] =	ssyncadd.s32 $0xFFFFFB00  }
0x5fc: {  	[bflag:$0x0] =	sbarrier.arrive $0xFFFF  }
0x5fd: {  	s29 =	sld [smem:$0x7EB]  }
0x5fe: {  	s0 =	sld [smem:$0x7E6];
	_ =	sdelay $0x1  }
0x5ff: {  	s30 =	simm.s32 $0x3;
	s28 =	rddreg [dreg:$0x7]  }
0x600: {  	[hbm:s28], [sflag:s0] =	dma.local [spmem:s29], $0x4E0  }
0x601: {  	_ =	swait.ge [sflag:s30], $0x4E0  }
0x602: {  	s1 =	sld [smem:$0x7EE]  }
0x603: {  	[sflag:s30] =	ssyncset.done $0x0;
	s31 =	sld [smem:$0x71A]  }
0x604: {  	s15 =	rddreg [dreg:$0x8];
	[sflag:s30] =	ssyncadd.s32 $0xFFFFFB20  }
0x605: {  	[hbm:s15], [sflag:s0] =	dma.local @!p0 [spmem:s1], $0x20  }
0x606: {  	s6 =	sadd.s32 $0xFFFFFFFF, s31  }
0x607: {  	p1 =	sne.s32 s6, $0x0  }
.Ltmp0:
0x608: {  	_ = 	snop;
	(pc) =	sbr.rel @p1 .LBB2_1-.Ltmp0, $4  }
0x609: {  	s0 =	simm.s32 @!p0 $0x3  }
0x60a: {  	_ =	swait.ge @!p0 [sflag:s0], $0x20  }
0x60b: {  	[sflag:s0] =	ssyncset.done @!p0 $0x0;
	s0 =	simm.s32 @!p0 $0x3  }
0x60c: {  	[sflag:s0] =	ssyncadd.s32 @!p0 $0xFFFFFFE0  }
0x60d: {  	_ =	sfence.sel $0x180000  }
0x60e: {  	[bflag:$0x0] =	sbarrier.arrive $0xFFFF  }
0x60f: {  	_ =	strace $0x9000004A  }
0x610: {  	s0 =	stileid.u32;
	[bflag:$0x2] =	sbarrier.arrive $0xFFFF  }
0x611: {  	p0 =	sne.s32 s0, $0x0;
	s0 =	rddreg [dreg:$0x2]  }
0x612: {  	s0 =	sadd.s32 @!p0 $0x100000, s0  }
0x613: {  	[sflag:s0] =	ssyncadd.tile.s32 @!p0 $0x1;
	_ =	shalt  }
.Lfunc_end2:
_tile_overlayer_lowered:
.L_overlay_start_2:
0x614: {  	(tag) =	ssettag $0x2  }
0x615: {  	s0 =	rddreg [dreg:$0x0];
	s2 =	stileid.u32  }
0x616: {  	s1 =	rddreg [dreg:$0x1];
	p0 =	sne.s32 s2, $0x0  }
0x617: {  	s3 =	rddreg [dreg:$0x2];
	[bflag:$0x3] =	sbarrier.arrive $0xFFFF;
	s2 =	simm.s32 @!p0 $0x1C03  }
0x618: {  	[timem:s3], [sflag:s2] =	dma.local @!p0 [hbm:s0], s1  }
0x619: {  	s0 =	simm.s32 @!p0 $0x3  }
0x61a: {  	_ =	swait.ge @!p0 [sflag:s0], s1  }
0x61b: {  	s1 =	ssub.s32 @!p0 $0x0, s1;
	[sflag:s0] =	ssyncset.done @!p0 $0x0  }
0x61c: {  	[sflag:s0] =	ssyncadd.s32 @!p0 s1  }
0x61d: {  	[bflag:$0x3] =	sbarrier.arrive $0xFFFF  }
0x61e: {  	_ =	shalt  }

// kernel: kernel.14.cloned.1.call-start
scs
__scs_entry_jumppad:
0x0: {  	(pc) =	sbr.rel $0x88, $3  }
0x1: {  	(tag) =	ssettag $0x0;
	lr =	simm.s32 $0x1  }
0x2: {  	[smem:$0x3F99] =	sst lr;
	_ =	strace $0xD0000000  }
0x3: {  	_ = 	snop  }
0x4: {  	_ = 	snop  }
0x5: {  	_ = 	snop  }
0x6: {  	_ = 	snop  }
0x7: {  	_ = 	snop  }
__scs_overlays_trampoline_lowered:
0x8: {  	[smem:$0x3FA8] =	sst s0  }
0x9: {  	[smem:$0x3FA9] =	sst s1  }
0xa: {  	[smem:$0x3FAA] =	sst s2  }
0xb: {  	[smem:$0x3FAB] =	sst s3  }
0xc: {  	[smem:$0x3FAC] =	sst s4  }
0xd: {  	[smem:$0x3FAD] =	sst s5  }
0xe: {  	[smem:$0x3FAE] =	sst s6  }
0xf: {  	[smem:$0x3FAF] =	sst s7  }
0x10: {  	[smem:$0x3FB0] =	sst s8  }
0x11: {  	[smem:$0x3FB1] =	sst s9;
	s0 =	simm.s32 @!p0 $0x0  }
0x12: {  	s1 =	sld [smem:$0x3F97];
	s0 =	simm.s32 @p0 $0x1  }
0x13: {  	[smem:$0x3FB2] =	sst s0;
	s0 =	simm.s32 @!p1 $0x0  }
0x14: {  	s2 =	sld [smem:$0x3F96];
	s0 =	simm.s32 @p1 $0x1  }
0x15: {  	[smem:$0x3FB3] =	sst s0;
	s0 =	simm.s32 @!p2 $0x0  }
0x16: {  	s3 =	sld [smem:$0x3FDB];
	s0 =	simm.s32 @p2 $0x1  }
0x17: {  	s4 =	simm.s32 $0x1BF5;
	[smem:$0x3FB5] =	sst s0  }
0x18: {  	s0 =	sld [smem:$0x3F98];
	_ =	swait.ge [sflag:s4], $0x0  }
0x19: {  	s7 =	sld [smem:$0x3F99]  }
0x1a: {  	s8 =	sadd.s32 $0xFFFFE003, lr  }
0x1b: {  	s9 =	sadd.s32 $0xFFFFFEF7, lr;
	s5 =	simm.s32 $0xFFFFFFFF;
	p2 =	slt.u32 s8, $0xFFFFF086  }
0x1c: {  	p1 =	slt.u32 s9, $0xF7A;
	s5 =	simm.s32 @!p2 $0x0  }
0x1d: {  	s5 =	simm.s32 @p1 $0x1;
	p0 =	seq.s32 s7, s2  }
0x1e: {  	s7 =	smul.u32 @!p0 $0xF7A, s2;
	p2 =	seq.s32 @!p0 s5, $0x0  }
0x1f: {  	s9 =	smul.u32 $0xF7A, s1;
	s8 =	simm.s32 @!p0 $0x1BF5;
	p2 =	por !p2, p0  }
0x20: {  	[sflag:s8] =	ssyncset.s32 @!p0 $0xFFFFF086;
	s6 =	sadd.s32 @!p0 s3, s7;
	s7 =	simm.s32 @!p0 $0x108  }
0x21: {  	s3 =	sadd.s32 s3, s9;
	s6 =	sadd.s32 @!p0 $0x88, s6;
	s7 =	simm.s32 @p2 $0x1082  }
0x22: {  	[simem:s7], [sflag:s8] =	dma.local @!p0 [hbm:s6], $0xF7A  }
0x23: {  	s9 =	sor.u32 $0xD0000000, s2;
	s6 =	simm.s32 $0x108;
	_ =	swait.ge @!p0 [sflag:s8], $0x0  }
0x24: {  	s3 =	sadd.s32 $0x88, s3;
	s6 =	simm.s32 @!p1 $0x1082;
	[sflag:s4] =	ssyncset.s32 $0xFFFFF086  }
0x25: {  	[simem:s6], [sflag:s4] =	dma.local [hbm:s3], $0xF7A  }
0x26: {  	[smem:$0x3F99] =	sst s1;
	(tag) =	ssettag s2;
	_ =	strace s9  }
0x27: {  	s1 =	sld [smem:$0x3FA9]  }
0x28: {  	s2 =	sld [smem:$0x3FAA]  }
0x29: {  	s4 =	sld [smem:$0x3FAC]  }
0x2a: {  	p0 =	seq.s32 s5, $0x0;
	s5 =	sld [smem:$0x3FAD]  }
0x2b: {  	s6 =	sld [smem:$0x3FAE]  }
0x2c: {  	s7 =	sld [smem:$0x3FAF]  }
0x2d: {  	s3 =	simm.s32 $0x108;
	s8 =	sld [smem:$0x3FB0]  }
0x2e: {  	s3 =	simm.s32 @!p0 $0x1082;
	s9 =	sld [smem:$0x3FB1]  }
0x2f: {  	lr =	sadd.s32 s0, s3;
	s0 =	sld [smem:$0x3FA8]  }
0x30: {  	s3 =	sld [smem:$0x3FAB]  }
0x31: {  	[smem:$0x3FB4] =	sst s10  }
0x32: {  	s10 =	sld [smem:$0x3FB2];
	_ =	sdelay $0x3  }
0x33: {  	p0 =	seq.s32 s10, $0x1;
	s10 =	sld [smem:$0x3FB4];
	_ =	sdelay $0x3  }
0x34: {  	[smem:$0x3FB4] =	sst s10  }
0x35: {  	s10 =	sld [smem:$0x3FB3];
	_ =	sdelay $0x3  }
0x36: {  	p1 =	seq.s32 s10, $0x1;
	s10 =	sld [smem:$0x3FB4];
	_ =	sdelay $0x3  }
0x37: {  	[smem:$0x3FB4] =	sst s10  }
0x38: {  	s10 =	sld [smem:$0x3FB5]  }
0x39: {  	_ = 	snop;
	(pc) =	sbr.ind lr, $3  }
0x3a: {  	_ = 	snop  }
0x3b: {  	_ = 	snop  }
0x3c: {  	p2 =	seq.s32 s10, $0x1;
	s10 =	sld [smem:$0x3FB4]  }
0x3d: {  	_ =	shalt  }
0x3e: {  	_ =	shalt  }
0x3f: {  	_ =	shalt  }
0x40: {  	_ =	shalt  }
0x41: {  	_ =	shalt  }
0x42: {  	_ =	shalt  }
0x43: {  	_ =	shalt  }
0x44: {  	_ =	shalt  }
0x45: {  	_ =	shalt  }
0x46: {  	_ =	shalt  }
0x47: {  	_ =	shalt  }
0x48: {  	_ =	shalt  }
0x49: {  	_ =	shalt  }
0x4a: {  	_ =	shalt  }
0x4b: {  	_ =	shalt  }
0x4c: {  	_ =	shalt  }
0x4d: {  	_ =	shalt  }
0x4e: {  	_ =	shalt  }
0x4f: {  	_ =	shalt  }
0x50: {  	_ =	shalt  }
0x51: {  	_ =	shalt  }
0x52: {  	_ =	shalt  }
0x53: {  	_ =	shalt  }
0x54: {  	_ =	shalt  }
0x55: {  	_ =	shalt  }
0x56: {  	_ =	shalt  }
0x57: {  	_ =	shalt  }
0x58: {  	_ =	shalt  }
0x59: {  	_ =	shalt  }
0x5a: {  	_ =	shalt  }
0x5b: {  	_ =	shalt  }
0x5c: {  	_ =	shalt  }
0x5d: {  	_ =	shalt  }
0x5e: {  	_ =	shalt  }
0x5f: {  	_ =	shalt  }
0x60: {  	_ =	shalt  }
0x61: {  	_ =	shalt  }
0x62: {  	_ =	shalt  }
0x63: {  	_ =	shalt  }
0x64: {  	_ =	shalt  }
0x65: {  	_ =	shalt  }
0x66: {  	_ =	shalt  }
0x67: {  	_ =	shalt  }
0x68: {  	_ =	shalt  }
0x69: {  	_ =	shalt  }
0x6a: {  	_ =	shalt  }
0x6b: {  	_ =	shalt  }
0x6c: {  	_ =	shalt  }
0x6d: {  	_ =	shalt  }
0x6e: {  	_ =	shalt  }
0x6f: {  	_ =	shalt  }
0x70: {  	_ =	shalt  }
0x71: {  	_ =	shalt  }
0x72: {  	_ =	shalt  }
0x73: {  	_ =	shalt  }
0x74: {  	_ =	shalt  }
0x75: {  	_ =	shalt  }
0x76: {  	_ =	shalt  }
0x77: {  	_ =	shalt  }
0x78: {  	_ =	shalt  }
0x79: {  	_ =	shalt  }
0x7a: {  	_ =	shalt  }
0x7b: {  	_ =	shalt  }
0x7c: {  	_ =	shalt  }
0x7d: {  	_ =	shalt  }
0x7e: {  	_ =	shalt  }
0x7f: {  	_ =	shalt  }
0x80: {  	_ =	shalt  }
0x81: {  	_ =	shalt  }
0x82: {  	_ =	shalt  }
0x83: {  	_ =	shalt  }
0x84: {  	_ =	shalt  }
0x85: {  	_ =	shalt  }
0x86: {  	_ =	shalt  }
0x87: {  	_ =	shalt  }
.Lfunc_end0:
.L_simem_size_0:
called_computation.2_lowered:
.L_overlay_start_0:
0x88: {  	s2 =	sld [smem:$0x3FD9]  }
0x89: {  	s3 =	sld [smem:$0x3FFE];
	_ =	sdelay $0x1  }
0x8a: {  	s1 =	srdreg.scid  }
0x8b: {  	s0 =	sand.u32 $0x1, s1  }
0x8c: {  	s16 =	sshll.u32 s0, $0xA;
	s2 =	sadd.s32 s3, s2  }
0x8d: {  	s2 =	sadd.s32 s2, s16  }
0x8e: {  	[smem:$0x3FC0] =	sst s2  }
0x8f: {  	_ = 	snop  }
0x90: {  	(tm) =	ssettm $0x1  }
0x91: {  	s17 =	sld [smem:$0x3FFB];
	_ =	sdelay $0x3  }
0x92: {  	_ =	strace s17  }
0x93: {  	s2 =	sld [smem:$0x3FFC];
	_ =	sdelay $0x3  }
0x94: {  	_ =	strace s2  }
0x95: {  	s2 =	sld [smem:$0x3FFD];
	_ =	sdelay $0x3  }
0x96: {  	_ =	strace s2  }
0x97: {  	_ =	strace $0x8FFFFFFF  }
0x98: {  	s18 =	sld [smem:$0x3FDB];
	_ =	sdelay $0x1  }
0x99: {  	s19 =	simm.s32 $_scs_section_size  }
0x9a: {  	s4 =	simm.s32 $_size__tile_overlayer_lowered;
	s5 =	simm.s32 $_tile_overlayer_lowered  }
0x9b: {  	s22 =	simm.s32 $0x1BFF;
	s21 =	sshll.u32 s5, $0x1;
	s2 =	sadd.s32 s19, s18  }
0x9c: {  	s6 =	simm.s32 $0x0;
	s20 =	sshll.u32 s4, $0x1;
	s4 =	sadd.s32 s21, s2  }
0x9d: {  	[timem:s6], [sflag:s22] =	dma.local [hbm:s4], s20  }
0x9e: {  	_ =	swait.ge [sflag:s22], s20  }
0x9f: {  	s3 =	ssub.s32 $0x0, s20;
	[sflag:s22] =	ssyncset.done $0x0  }
0xa0: {  	[sflag:s22] =	ssyncadd.s32 s3;
	_ =	sdelay $0x1  }
0xa1: {  	s23 =	simm.s32 $0x1B8B  }
0xa2: {  	_ =	swait.ge [sflag:s23], $0x1  }
0xa3: {  	[sflag:s23] =	ssyncset.done $0x0  }
0xa4: {  	s25 =	simm.s32 $0x1B8E;
	s24 =	sld [smem:$0x3FFE];
	[sflag:s23] =	ssyncadd.s32 $0xFFFFFFFF  }
0xa5: {  	s26 =	simm.s32 $execute0_lowered;
	[smem:$0x3FD2] =	sst s25  }
0xa6: {  	s4 =	sshll.u32 s26, $0x1;
	_ =	strace $0x8000004C;
	[dreg:$0x1] =	wrdreg $0xFFFFFFFF  }
0xa7: {  	s28 =	simm.s32 $_size_execute0_lowered;
	s2 =	sadd.s32 s2, s4;
	[dreg:$0x0] =	wrdreg $0x0  }
0xa8: {  	s4 =	sshll.u32 s28, $0x1;
	[dreg:$0x2] =	wrdreg s2  }
0xa9: {  	[dreg:$0x3] =	wrdreg s4  }
0xaa: {  	[dreg:$0x4] =	wrdreg $0xC0  }
0xab: {  	_ =	task [dreg:s6], $0x5FFFF  }
0xac: {  	[dreg:$0x1] =	wrdreg $0xFFFFFFFF  }
0xad: {  	[dreg:$0x0] =	wrdreg $0x60  }
0xae: {  	[dreg:$0x2] =	wrdreg s24  }
0xaf: {  	[dreg:$0x3] =	wrdreg $0x148200  }
0xb0: {  	[dreg:$0x4] =	wrdreg $0x9  }
0xb1: {  	_ =	task.clear_ibuf [dreg:s6], $0x5FFFF;
	_ =	strace $0x9000004C  }
0xb2: {  	s29 =	simm.s32 $0x9;
	_ =	strace $0x8000004E  }
0xb3: {  	_ =	swait.ge [sflag:s29], $0x1  }
0xb4: {  	[sflag:s29] =	ssyncadd.s32 $0xFFFFFFFF  }
0xb5: {  	_ =	strace $0x9000004E  }
0xb6: {  	_ =	sfence  }
0xb7: {  	s30 =	sld [smem:$0x0];
	_ =	sdelay $0x2  }
0xb8: {  	s31 =	sshll.u32 s1, $0xD;
	s1 =	sshrl.u32 s1, $0x2  }
0xb9: {  	s3 =	sand.u32 $0x4000, s31;
	s1 =	sadd.s32 s1, s30  }
0xba: {  	s0 =	sor.u32 s3, s0;
	s1 =	sshll.u32 s1, $0x11  }
0xbb: {  	s0 =	sor.u32 s1, s0  }
0xbc: {  	s0 =	sadd.s32 $0x8F2B, s0  }
0xbd: {  	[sflag:s0] =	ssyncadd.remote.s32 $0x1  }
0xbe: {  	_ =	sfence.sel $0xFFFF  }
0xbf: {  	[dreg:$0x0] =	wrdreg $0xFFFFFFFF;
	(pc) =	sbr.abs _section_cstart, $3  }
0xc0: {  	[dreg:$0x1] =	wrdreg $0xFFFFFFFF  }
0xc1: {  	_ =	task.clear_ibuf [dreg:s6], $0x2FFFF;
	_ =	strace $0x9FFFFFFF  }
0xc2: {  	(tm) =	ssettm $0x7FFFFFFF  }
0xc3: {  	_ =	shalt  }
tec
execute0_lowered:
.L_overlay_start_1:
0x0: {  	(tag) =	ssettag $0x1  }
0x1: {  	s3 =	rddreg [dreg:$0x0]  }
0x2: {  	s2 =	rddreg [dreg:$0x1];
	s5 =	simm.s32 $0x0  }
0x3: {  	[smem:$0x7FF] =	sst s5;
	s24 =	sadd.s32 $0x1B200, s3  }
0x4: {  	s11 =	simm.s32 $0x230;
	_ =	strace $0x8000004D;
	[dreg:$0x4] =	wrdreg s24  }
0x5: {  	s12 =	simm.s32 $0x280;
	[dreg:$0xe] =	wrdreg s11  }
0x6: {  	s13 =	simm.s32 $0x2D0;
	[dreg:$0xf] =	wrdreg s12  }
0x7: {  	s14 =	simm.s32 $0x320;
	[dreg:$0x10] =	wrdreg s13  }
0x8: {  	s15 =	simm.s32 $0x370;
	[dreg:$0x11] =	wrdreg s14  }
0x9: {  	s16 =	simm.s32 $0x3C0;
	[dreg:$0x12] =	wrdreg s15  }
0xa: {  	s17 =	simm.s32 $0x410;
	[dreg:$0x13] =	wrdreg s16  }
0xb: {  	s18 =	simm.s32 $0x460;
	[dreg:$0x14] =	wrdreg s17  }
0xc: {  	s19 =	simm.s32 $0x4B0;
	[dreg:$0x15] =	wrdreg s18  }
0xd: {  	s20 =	simm.s32 $0x500;
	[dreg:$0x16] =	wrdreg s19  }
0xe: {  	s21 =	simm.s32 $0x550;
	[dreg:$0x17] =	wrdreg s20  }
0xf: {  	s22 =	simm.s32 $0x5A0;
	[dreg:$0x18] =	wrdreg s21  }
0x10: {  	[dreg:$0x19] =	wrdreg s22;
	s24 =	simm.s32 $0x640  }
0x11: {  	s11 =	simm.s32 $0xA00;
	[dreg:$0x1b] =	wrdreg s24  }
0x12: {  	s12 =	simm.s32 $0xA50;
	[smem:$0x722] =	sst s11  }
0x13: {  	s13 =	simm.s32 $0xAA0;
	[smem:$0x723] =	sst s12  }
0x14: {  	s14 =	simm.s32 $0xAF0;
	[smem:$0x724] =	sst s13  }
0x15: {  	s15 =	simm.s32 $0xB40;
	[smem:$0x725] =	sst s14  }
0x16: {  	s16 =	simm.s32 $0xB90;
	[smem:$0x726] =	sst s15  }
0x17: {  	s17 =	simm.s32 $0xBE0;
	[smem:$0x727] =	sst s16  }
0x18: {  	s18 =	simm.s32 $0xC30;
	[smem:$0x728] =	sst s17  }
0x19: {  	s19 =	simm.s32 $0xC80;
	[smem:$0x729] =	sst s18  }
0x1a: {  	s20 =	simm.s32 $0xCD0;
	[smem:$0x72A] =	sst s19  }
0x1b: {  	s21 =	simm.s32 $0xD20;
	[smem:$0x72B] =	sst s20  }
0x1c: {  	s22 =	simm.s32 $0xD70;
	[smem:$0x72C] =	sst s21  }
0x1d: {  	[smem:$0x72D] =	sst s22;
	s24 =	simm.s32 $0xE10  }
0x1e: {  	s11 =	simm.s32 $0x2990;
	[smem:$0x72F] =	sst s24  }
0x1f: {  	s12 =	simm.s32 $0x29E0;
	[smem:$0x73B] =	sst s11  }
0x20: {  	s13 =	simm.s32 $0x2A30;
	[smem:$0x73C] =	sst s12  }
0x21: {  	s14 =	simm.s32 $0x2A80;
	[smem:$0x73D] =	sst s13  }
0x22: {  	s15 =	simm.s32 $0x2AD0;
	[smem:$0x73E] =	sst s14  }
0x23: {  	s16 =	simm.s32 $0x2B20;
	[smem:$0x73F] =	sst s15  }
0x24: {  	s0 =	srdreg.scid;
	s17 =	simm.s32 $0x2B70;
	[smem:$0x740] =	sst s16  }
0x25: {  	s10 =	stileid.u32;
	s18 =	simm.s32 $0x2BC0;
	[smem:$0x741] =	sst s17  }
0x26: {  	s1 =	sand.u32 $0x1, s0;
	s19 =	simm.s32 $0x2C10;
	[smem:$0x742] =	sst s18  }
0x27: {  	s6 =	smul.u32 $0x4E0, s10;
	s20 =	simm.s32 $0x2C60;
	[smem:$0x743] =	sst s19  }
0x28: {  	s7 =	smul.u32 $0x4E20, s1;
	s21 =	simm.s32 $0x2CB0;
	[smem:$0x744] =	sst s20  }
0x29: {  	s8 =	smul.u32 $0x27100, s1;
	s22 =	simm.s32 $0x2D00;
	[smem:$0x745] =	sst s21  }
0x2a: {  	s26 =	sadd.s32 s6, s7;
	s6 =	simm.s32 $0xF0;
	[smem:$0x746] =	sst s22  }
0x2b: {  	s7 =	simm.s32 $0x140;
	[dreg:$0xa] =	wrdreg s6  }
0x2c: {  	s28 =	sshrl.u32 s8, $0x3;
	s8 =	simm.s32 $0x190;
	[dreg:$0xb] =	wrdreg s7  }
0x2d: {  	s24 =	simm.s32 $0x2DA0;
	[dreg:$0xc] =	wrdreg s8  }
0x2e: {  	s11 =	simm.s32 $0x1220;
	[smem:$0x748] =	sst s24  }
0x2f: {  	s12 =	simm.s32 $0x1270;
	[smem:$0x754] =	sst s11  }
0x30: {  	s13 =	simm.s32 $0x12C0;
	[smem:$0x755] =	sst s12  }
0x31: {  	s14 =	simm.s32 $0x1310;
	[smem:$0x756] =	sst s13  }
0x32: {  	s15 =	simm.s32 $0x1360;
	[smem:$0x757] =	sst s14  }
0x33: {  	s16 =	simm.s32 $0x13B0;
	[smem:$0x758] =	sst s15  }
0x34: {  	s17 =	simm.s32 $0x1400;
	[smem:$0x759] =	sst s16  }
0x35: {  	s18 =	simm.s32 $0x1450;
	[smem:$0x75A] =	sst s17  }
0x36: {  	s19 =	simm.s32 $0x14A0;
	[smem:$0x75B] =	sst s18  }
0x37: {  	s20 =	simm.s32 $0x14F0;
	[smem:$0x75C] =	sst s19  }
0x38: {  	s21 =	simm.s32 $0x1540;
	[smem:$0x75D] =	sst s20  }
0x39: {  	s9 =	sadd.s32 $0x20400, s3;
	s22 =	simm.s32 $0x1590;
	[smem:$0x75E] =	sst s21  }
0x3a: {  	s29 =	sadd.s32 s9, s26;
	[smem:$0x75F] =	sst s22  }
0x3b: {  	s30 =	sadd.s32 s9, s28;
	s9 =	simm.s32 $0x1E0;
	[dreg:$0x7] =	wrdreg s29  }
0x3c: {  	s26 =	simm.s32 $0x6E0;
	[dreg:$0xd] =	wrdreg s9  }
0x3d: {  	s28 =	simm.s32 $0x730;
	[dreg:$0x1d] =	wrdreg s26  }
0x3e: {  	s6 =	simm.s32 $0x8C0;
	[dreg:$0x1e] =	wrdreg s28  }
0x3f: {  	s7 =	simm.s32 $0x910;
	[smem:$0x71E] =	sst s6  }
0x40: {  	s8 =	simm.s32 $0x960;
	[smem:$0x71F] =	sst s7  }
0x41: {  	s24 =	simm.s32 $0x1630;
	[smem:$0x720] =	sst s8  }
0x42: {  	s11 =	simm.s32 $0x3160;
	[smem:$0x761] =	sst s24  }
0x43: {  	s12 =	simm.s32 $0x31B0;
	[smem:$0x76D] =	sst s11  }
0x44: {  	s13 =	simm.s32 $0x3200;
	[smem:$0x76E] =	sst s12  }
0x45: {  	s14 =	simm.s32 $0x3250;
	[smem:$0x76F] =	sst s13  }
0x46: {  	s15 =	simm.s32 $0x32A0;
	[smem:$0x770] =	sst s14  }
0x47: {  	s16 =	simm.s32 $0x32F0;
	[smem:$0x771] =	sst s15  }
0x48: {  	s17 =	simm.s32 $0x3340;
	[smem:$0x772] =	sst s16  }
0x49: {  	s18 =	simm.s32 $0x3390;
	[smem:$0x773] =	sst s17  }
0x4a: {  	s0 =	sshll.u32 s1, $0x4;
	s19 =	simm.s32 $0x33E0;
	[smem:$0x774] =	sst s18  }
0x4b: {  	s4 =	sor.u32 s10, s0;
	s20 =	simm.s32 $0x3430;
	[smem:$0x775] =	sst s19  }
0x4c: {  	s0 =	smul.u32 $0x2700, s10;
	s21 =	simm.s32 $0x3480;
	[smem:$0x776] =	sst s20  }
0x4d: {  	s22 =	simm.s32 $0x34D0;
	[smem:$0x777] =	sst s21  }
0x4e: {  	s23 =	sshrl.u32 s0, $0x3;
	s31 =	sadd.s32 $0x4E00, s30;
	[smem:$0x778] =	sst s22  }
0x4f: {  	s5 =	sadd.s32 s23, s3;
	s23 =	simm.s32 $0x5F0;
	[dreg:$0x8] =	wrdreg s31  }
0x50: {  	s29 =	simm.s32 $0x780;
	[dreg:$0x1a] =	wrdreg s23  }
0x51: {  	s30 =	simm.s32 $0x7D0;
	[dreg:$0x1f] =	wrdreg s29  }
0x52: {  	s9 =	simm.s32 $0x9B0;
	[smem:$0x71B] =	sst s30  }
0x53: {  	s26 =	simm.s32 $0xEB0;
	[smem:$0x721] =	sst s9  }
0x54: {  	s28 =	simm.s32 $0xF00;
	[smem:$0x731] =	sst s26  }
0x55: {  	s6 =	simm.s32 $0x2850;
	[smem:$0x732] =	sst s28  }
0x56: {  	s7 =	simm.s32 $0x28A0;
	[smem:$0x737] =	sst s6  }
0x57: {  	s8 =	simm.s32 $0x28F0;
	[smem:$0x738] =	sst s7  }
0x58: {  	s24 =	simm.s32 $0x3570;
	[smem:$0x739] =	sst s8  }
0x59: {  	s11 =	simm.s32 $0x19F0;
	[smem:$0x77A] =	sst s24  }
0x5a: {  	s12 =	simm.s32 $0x1A40;
	[smem:$0x786] =	sst s11  }
0x5b: {  	s13 =	simm.s32 $0x1A90;
	[smem:$0x787] =	sst s12  }
0x5c: {  	s14 =	simm.s32 $0x1AE0;
	[smem:$0x788] =	sst s13  }
0x5d: {  	s15 =	simm.s32 $0x1B30;
	[smem:$0x789] =	sst s14  }
0x5e: {  	s16 =	simm.s32 $0x1B80;
	[smem:$0x78A] =	sst s15  }
0x5f: {  	s17 =	simm.s32 $0x1BD0;
	[smem:$0x78B] =	sst s16  }
0x60: {  	s18 =	simm.s32 $0x1C20;
	[smem:$0x78C] =	sst s17  }
0x61: {  	s19 =	simm.s32 $0x1C70;
	[smem:$0x78D] =	sst s18  }
0x62: {  	s20 =	simm.s32 $0x1CC0;
	[smem:$0x78E] =	sst s19  }
0x63: {  	s21 =	simm.s32 $0x1D10;
	[smem:$0x78F] =	sst s20  }
0x64: {  	s0 =	sadd.s32 s0, s2;
	s22 =	simm.s32 $0x1D60;
	[smem:$0x790] =	sst s21  }
0x65: {  	s0 =	sshrl.u32 s0, $0x3;
	[smem:$0x791] =	sst s22  }
0x66: {  	s5 =	sadd.s32 $0x16400, s5;
	[smem:$0x7EB] =	sst s0  }
0x67: {  	s31 =	simm.s32 $0x820;
	[dreg:$0x3] =	wrdreg s5  }
0x68: {  	s23 =	simm.s32 $0xDC0;
	[smem:$0x71C] =	sst s31  }
0x69: {  	s29 =	simm.s32 $0xF50;
	[smem:$0x72E] =	sst s23  }
0x6a: {  	s30 =	simm.s32 $0x2760;
	[smem:$0x733] =	sst s29  }
0x6b: {  	s9 =	simm.s32 $0x2940;
	[smem:$0x734] =	sst s30  }
0x6c: {  	s26 =	simm.s32 $0x2E40;
	[smem:$0x73A] =	sst s9  }
0x6d: {  	s28 =	simm.s32 $0x2E90;
	[smem:$0x74A] =	sst s26  }
0x6e: {  	s6 =	simm.s32 $0x10E0;
	[smem:$0x74B] =	sst s28  }
0x6f: {  	s7 =	simm.s32 $0x1130;
	[smem:$0x750] =	sst s6  }
0x70: {  	s8 =	simm.s32 $0x1180;
	[smem:$0x751] =	sst s7  }
0x71: {  	s24 =	simm.s32 $0x1E00;
	[smem:$0x752] =	sst s8  }
0x72: {  	s11 =	simm.s32 $0x3930;
	[smem:$0x793] =	sst s24  }
0x73: {  	s12 =	simm.s32 $0x3980;
	[smem:$0x79F] =	sst s11  }
0x74: {  	s13 =	simm.s32 $0x39D0;
	[smem:$0x7A0] =	sst s12  }
0x75: {  	s14 =	simm.s32 $0x3A20;
	[smem:$0x7A1] =	sst s13  }
0x76: {  	s15 =	simm.s32 $0x3A70;
	[smem:$0x7A2] =	sst s14  }
0x77: {  	s16 =	simm.s32 $0x3AC0;
	[smem:$0x7A3] =	sst s15  }
0x78: {  	s17 =	simm.s32 $0x3B10;
	[smem:$0x7A4] =	sst s16  }
0x79: {  	s18 =	simm.s32 $0x3B60;
	[smem:$0x7A5] =	sst s17  }
0x7a: {  	s4 =	smul.u32 $0x2710, s4;
	s19 =	simm.s32 $0x3BB0;
	[smem:$0x7A6] =	sst s18  }
0x7b: {  	s20 =	simm.s32 $0x3C00;
	[smem:$0x7A7] =	sst s19  }
0x7c: {  	s4 =	sshrl.u32 s4, $0x3;
	s21 =	simm.s32 $0x3C50;
	[smem:$0x7A8] =	sst s20  }
0x7d: {  	s4 =	sadd.s32 s4, s3;
	s22 =	simm.s32 $0x3CA0;
	[smem:$0x7A9] =	sst s21  }
0x7e: {  	s25 =	sadd.s32 $0x2A00, s4;
	[smem:$0x7AA] =	sst s22  }
0x7f: {  	s4 =	sadd.s32 $0xC640, s4;
	[dreg:$0x5] =	wrdreg s25  }
0x80: {  	s5 =	simm.s32 $0xA0;
	[dreg:$0x6] =	wrdreg s4  }
0x81: {  	s31 =	simm.s32 $0x27B0;
	[dreg:$0x9] =	wrdreg s5  }
0x82: {  	s23 =	simm.s32 $0x2D50;
	[smem:$0x735] =	sst s31  }
0x83: {  	s29 =	simm.s32 $0xFA0;
	[smem:$0x747] =	sst s23  }
0x84: {  	s30 =	simm.s32 $0xFF0;
	[smem:$0x74C] =	sst s29  }
0x85: {  	s9 =	simm.s32 $0x11D0;
	[smem:$0x74D] =	sst s30  }
0x86: {  	s26 =	simm.s32 $0x16D0;
	[smem:$0x753] =	sst s9  }
0x87: {  	s28 =	simm.s32 $0x1720;
	[smem:$0x763] =	sst s26  }
0x88: {  	s6 =	simm.s32 $0x3020;
	[smem:$0x764] =	sst s28  }
0x89: {  	s7 =	simm.s32 $0x3070;
	[smem:$0x769] =	sst s6  }
0x8a: {  	s8 =	simm.s32 $0x30C0;
	[smem:$0x76A] =	sst s7  }
0x8b: {  	s24 =	simm.s32 $0x3D40;
	[smem:$0x76B] =	sst s8  }
0x8c: {  	s11 =	simm.s32 $0x21C0;
	[smem:$0x7AC] =	sst s24  }
0x8d: {  	s12 =	simm.s32 $0x2210;
	[smem:$0x7B8] =	sst s11  }
0x8e: {  	s13 =	simm.s32 $0x2260;
	[smem:$0x7B9] =	sst s12  }
0x8f: {  	s14 =	simm.s32 $0x22B0;
	[smem:$0x7BA] =	sst s13  }
0x90: {  	s15 =	simm.s32 $0x2300;
	[smem:$0x7BB] =	sst s14  }
0x91: {  	s16 =	simm.s32 $0x2350;
	[smem:$0x7BC] =	sst s15  }
0x92: {  	s17 =	simm.s32 $0x23A0;
	[smem:$0x7BD] =	sst s16  }
0x93: {  	s18 =	simm.s32 $0x23F0;
	[smem:$0x7BE] =	sst s17  }
0x94: {  	s19 =	simm.s32 $0x2440;
	[smem:$0x7BF] =	sst s18  }
0x95: {  	s20 =	simm.s32 $0x2490;
	[smem:$0x7C0] =	sst s19  }
0x96: {  	s21 =	simm.s32 $0x24E0;
	[smem:$0x7C1] =	sst s20  }
0x97: {  	s22 =	simm.s32 $0x2530;
	[smem:$0x7C2] =	sst s21  }
0x98: {  	s25 =	simm.s32 $0x690;
	[smem:$0x7C3] =	sst s22  }
0x99: {  	s5 =	simm.s32 $0x870;
	[dreg:$0x1c] =	wrdreg s25  }
0x9a: {  	s31 =	simm.s32 $0x1040;
	[smem:$0x71D] =	sst s5  }
0x9b: {  	s23 =	simm.s32 $0x15E0;
	[smem:$0x74E] =	sst s31  }
0x9c: {  	s29 =	simm.s32 $0x2EE0;
	[smem:$0x760] =	sst s23  }
0x9d: {  	s30 =	simm.s32 $0x2F30;
	[smem:$0x765] =	sst s29  }
0x9e: {  	s9 =	simm.s32 $0x3110;
	[smem:$0x766] =	sst s30  }
0x9f: {  	s26 =	simm.s32 $0x3610;
	[smem:$0x76C] =	sst s9  }
0xa0: {  	s28 =	simm.s32 $0x3660;
	[smem:$0x77C] =	sst s26  }
0xa1: {  	s6 =	simm.s32 $0x18B0;
	[smem:$0x77D] =	sst s28  }
0xa2: {  	s7 =	simm.s32 $0x1900;
	[smem:$0x782] =	sst s6  }
0xa3: {  	s8 =	simm.s32 $0x1950;
	[smem:$0x783] =	sst s7  }
0xa4: {  	s24 =	simm.s32 $0x25D0;
	[smem:$0x784] =	sst s8  }
0xa5: {  	s11 =	simm.s32 $0x4100;
	[smem:$0x7C5] =	sst s24  }
0xa6: {  	s12 =	simm.s32 $0x4150;
	[smem:$0x7D1] =	sst s11  }
0xa7: {  	s13 =	simm.s32 $0x41A0;
	[smem:$0x7D2] =	sst s12  }
0xa8: {  	s14 =	simm.s32 $0x41F0;
	[smem:$0x7D3] =	sst s13  }
0xa9: {  	s15 =	simm.s32 $0x4240;
	[smem:$0x7D4] =	sst s14  }
0xaa: {  	s16 =	simm.s32 $0x4290;
	[smem:$0x7D5] =	sst s15  }
0xab: {  	s17 =	simm.s32 $0x42E0;
	[smem:$0x7D6] =	sst s16  }
0xac: {  	s18 =	simm.s32 $0x4330;
	[smem:$0x7D7] =	sst s17  }
0xad: {  	s19 =	simm.s32 $0x4380;
	[smem:$0x7D8] =	sst s18  }
0xae: {  	s20 =	simm.s32 $0x43D0;
	[smem:$0x7D9] =	sst s19  }
0xaf: {  	s21 =	simm.s32 $0x4420;
	[smem:$0x7DA] =	sst s20  }
0xb0: {  	s22 =	simm.s32 $0x4470;
	[smem:$0x7DB] =	sst s21  }
0xb1: {  	s25 =	simm.s32 $0xE60;
	[smem:$0x7DC] =	sst s22  }
0xb2: {  	s5 =	simm.s32 $0x2800;
	[smem:$0x730] =	sst s25  }
0xb3: {  	s31 =	simm.s32 $0x2F80;
	[smem:$0x736] =	sst s5  }
0xb4: {  	s23 =	simm.s32 $0x3520;
	[smem:$0x767] =	sst s31  }
0xb5: {  	s29 =	simm.s32 $0x1770;
	[smem:$0x779] =	sst s23  }
0xb6: {  	s30 =	simm.s32 $0x17C0;
	[smem:$0x77E] =	sst s29  }
0xb7: {  	s9 =	simm.s32 $0x19A0;
	[smem:$0x77F] =	sst s30  }
0xb8: {  	s26 =	simm.s32 $0x1EA0;
	[smem:$0x785] =	sst s9  }
0xb9: {  	s28 =	simm.s32 $0x1EF0;
	[smem:$0x795] =	sst s26  }
0xba: {  	s6 =	simm.s32 $0x37F0;
	[smem:$0x796] =	sst s28  }
0xbb: {  	s7 =	simm.s32 $0x3840;
	[smem:$0x79B] =	sst s6  }
0xbc: {  	s8 =	simm.s32 $0x3890;
	[smem:$0x79C] =	sst s7  }
0xbd: {  	s24 =	simm.s32 $0x4510;
	[smem:$0x79D] =	sst s8  }
0xbe: {  	s11 =	simm.s32 $0x47E0;
	[smem:$0x7DE] =	sst s24  }
0xbf: {  	s12 =	simm.s32 $0x4830;
	[smem:$0x7E8] =	sst s11  }
0xc0: {  	s13 =	simm.s32 $0x4880;
	[smem:$0x7E9] =	sst s12  }
0xc1: {  	s14 =	simm.s32 $0x48D0;
	[smem:$0x7EA] =	sst s13  }
0xc2: {  	s15 =	simm.s32 $0x4920;
	[smem:$0x7EC] =	sst s14  }
0xc3: {  	s16 =	simm.s32 $0x4970;
	[smem:$0x7ED] =	sst s15  }
0xc4: {  	s17 =	simm.s32 $0x49C0;
	[smem:$0x7EF] =	sst s16  }
0xc5: {  	s18 =	simm.s32 $0x4A10;
	[smem:$0x7F0] =	sst s17  }
0xc6: {  	s19 =	simm.s32 $0x4A60;
	[smem:$0x7F1] =	sst s18  }
0xc7: {  	s20 =	simm.s32 $0x4AB0;
	[smem:$0x7F2] =	sst s19  }
0xc8: {  	s21 =	simm.s32 $0x4B00;
	[smem:$0x7F3] =	sst s20  }
0xc9: {  	s22 =	simm.s32 $0x4B50;
	[smem:$0x7F4] =	sst s21  }
0xca: {  	s25 =	simm.s32 $0x2DF0;
	[smem:$0x7F5] =	sst s22  }
0xcb: {  	s5 =	simm.s32 $0x1090;
	[smem:$0x749] =	sst s25  }
0xcc: {  	s31 =	simm.s32 $0x1810;
	[smem:$0x74F] =	sst s5  }
0xcd: {  	s23 =	simm.s32 $0x1DB0;
	[smem:$0x780] =	sst s31  }
0xce: {  	s29 =	simm.s32 $0x36B0;
	[smem:$0x792] =	sst s23  }
0xcf: {  	s30 =	simm.s32 $0x3700;
	[smem:$0x797] =	sst s29  }
0xd0: {  	s9 =	simm.s32 $0x38E0;
	[smem:$0x798] =	sst s30  }
0xd1: {  	s26 =	simm.s32 $0x3DE0;
	[smem:$0x79E] =	sst s9  }
0xd2: {  	s28 =	simm.s32 $0x3E30;
	[smem:$0x7AE] =	sst s26  }
0xd3: {  	s6 =	simm.s32 $0x2080;
	[smem:$0x7AF] =	sst s28  }
0xd4: {  	s7 =	simm.s32 $0x20D0;
	[smem:$0x7B4] =	sst s6  }
0xd5: {  	s8 =	simm.s32 $0x2120;
	[smem:$0x7B5] =	sst s7  }
0xd6: {  	s24 =	simm.s32 $0x4BF0;
	[smem:$0x7B6] =	sst s8  }
0xd7: {  	s25 =	simm.s32 $0x1680;
	[smem:$0x7F7] =	sst s24  }
0xd8: {  	s5 =	simm.s32 $0x2FD0;
	[smem:$0x762] =	sst s25  }
0xd9: {  	s31 =	simm.s32 $0x3750;
	[smem:$0x768] =	sst s5  }
0xda: {  	s23 =	simm.s32 $0x3CF0;
	[smem:$0x799] =	sst s31  }
0xdb: {  	s29 =	simm.s32 $0x1F40;
	[smem:$0x7AB] =	sst s23  }
0xdc: {  	s30 =	simm.s32 $0x1F90;
	[smem:$0x7B0] =	sst s29  }
0xdd: {  	s9 =	simm.s32 $0x2170;
	[smem:$0x7B1] =	sst s30  }
0xde: {  	s26 =	simm.s32 $0x2670;
	[smem:$0x7B7] =	sst s9  }
0xdf: {  	s28 =	simm.s32 $0x26C0;
	[smem:$0x7C7] =	sst s26  }
0xe0: {  	s6 =	simm.s32 $0x3FC0;
	[smem:$0x7C8] =	sst s28  }
0xe1: {  	s7 =	simm.s32 $0x4010;
	[smem:$0x7CD] =	sst s6  }
0xe2: {  	s8 =	simm.s32 $0x4060;
	[smem:$0x7CE] =	sst s7  }
0xe3: {  	s25 =	simm.s32 $0x35C0;
	[smem:$0x7CF] =	sst s8  }
0xe4: {  	s5 =	simm.s32 $0x1860;
	[smem:$0x77B] =	sst s25  }
0xe5: {  	s31 =	simm.s32 $0x1FE0;
	[smem:$0x781] =	sst s5  }
0xe6: {  	s23 =	simm.s32 $0x2580;
	[smem:$0x7B2] =	sst s31  }
0xe7: {  	s29 =	simm.s32 $0x3E80;
	[smem:$0x7C4] =	sst s23  }
0xe8: {  	s30 =	simm.s32 $0x3ED0;
	[smem:$0x7C9] =	sst s29  }
0xe9: {  	s9 =	simm.s32 $0x40B0;
	[smem:$0x7CA] =	sst s30  }
0xea: {  	s26 =	simm.s32 $0x45B0;
	[smem:$0x7D0] =	sst s9  }
0xeb: {  	s28 =	simm.s32 $0x4600;
	[smem:$0x7E0] =	sst s26  }
0xec: {  	s6 =	simm.s32 $0x46F0;
	[smem:$0x7E1] =	sst s28  }
0xed: {  	s7 =	simm.s32 $0x4740;
	[smem:$0x7E4] =	sst s6  }
0xee: {  	s25 =	simm.s32 $0x1E50;
	[smem:$0x7E5] =	sst s7  }
0xef: {  	s5 =	simm.s32 $0x37A0;
	[smem:$0x794] =	sst s25  }
0xf0: {  	s31 =	simm.s32 $0x3F20;
	[smem:$0x79A] =	sst s5  }
0xf1: {  	s23 =	simm.s32 $0x44C0;
	[smem:$0x7CB] =	sst s31  }
0xf2: {  	s29 =	simm.s32 $0x4650;
	[smem:$0x7DD] =	sst s23  }
0xf3: {  	s9 =	simm.s32 $0x4790;
	[smem:$0x7E2] =	sst s29  }
0xf4: {  	s26 =	simm.s32 $0x4C90;
	[smem:$0x7E7] =	sst s9  }
0xf5: {  	s28 =	simm.s32 $0x4CE0;
	[smem:$0x7F9] =	sst s26  }
0xf6: {  	s25 =	simm.s32 $0x3D90;
	[smem:$0x7FA] =	sst s28  }
0xf7: {  	s5 =	simm.s32 $0x2030;
	[smem:$0x7AD] =	sst s25  }
0xf8: {  	s31 =	simm.s32 $0x46A0;
	[smem:$0x7B3] =	sst s5  }
0xf9: {  	s1 =	ssub.s32 $0x2, s1;
	s23 =	simm.s32 $0x4BA0;
	[smem:$0x7E3] =	sst s31  }
0xfa: {  	s30 =	sshrl.u32 s1, $0x1;
	s29 =	simm.s32 $0x4D30;
	[smem:$0x7F6] =	sst s23  }
0xfb: {  	s1 =	ssub.s32 s1, s30;
	s30 =	simm.s32 $0x4D80;
	[smem:$0x7FB] =	sst s29  }
0xfc: {  	s25 =	simm.s32 $0x2620;
	[smem:$0x7FC] =	sst s30  }
0xfd: {  	p0 =	sne.s32 s10, $0xF;
	s5 =	simm.s32 $0x3F70;
	[smem:$0x7C6] =	sst s25  }
0xfe: {  	s4 =	sadd.s32 $0x1B400, s3;
	s31 =	simm.s32 $0x4DD0;
	[smem:$0x7CC] =	sst s5  }
0xff: {  	s8 =	sshll.u32 s10, $0x6;
	s25 =	simm.s32 $0x4560;
	[smem:$0x7FD] =	sst s31  }
0x100: {  	s11 =	simm.s32 $0x50;
	s5 =	sor.u32 $0x1C03, s8;
	[smem:$0x7DF] =	sst s25  }
0x101: {  	[smem:$0x7E6] =	sst s5;
	s5 =	sadd.s32 $0x27000, s2;
	s25 =	simm.s32 $0x4C40  }
0x102: {  	s6 =	smax.u32 s1, $0x1;
	s1 =	sshrl.u32 @!p0 s5, $0x3;
	[smem:$0x7F8] =	sst s25  }
0x103: {  	s12 =	simm.s32 $0x1;
	s13 =	simm.s32 $0x2;
	[smem:$0x7EE] =	sst s1  }
.LBB2_1:
0x104: {  	s1 =	sld [smem:$0x7EB]  }
0x105: {  	s0 =	sld [smem:$0x7E6]  }
0x106: {  	[smem:$0x71A] =	sst s6  }
0x107: {  	s14 =	rddreg [dreg:$0x3];
	s3 =	simm.s32 $0x3  }
0x108: {  	[spmem:s1], [sflag:s0] =	dma.local [hbm:s14], $0x4E0  }
0x109: {  	_ =	swait.ge [sflag:s3], $0x4E0  }
0x10a: {  	s1 =	sld [smem:$0x7EE]  }
0x10b: {  	[sflag:s3] =	ssyncset.done $0x0  }
0x10c: {  	s14 =	rddreg [dreg:$0x4];
	[sflag:s3] =	ssyncadd.s32 $0xFFFFFB20  }
0x10d: {  	[spmem:s1], [sflag:s0] =	dma.local @!p0 [hbm:s14], $0x20  }
0x10e: {  	s1 =	simm.s32 @!p0 $0x3  }
0x10f: {  	_ =	swait.ge @!p0 [sflag:s1], $0x20  }
0x110: {  	[sflag:s1] =	ssyncset.done @!p0 $0x0  }
0x111: {  	s16 =	simm.s32 $0x0;
	s15 =	rddreg [dreg:$0x5];
	[sflag:s1] =	ssyncadd.s32 @!p0 $0xFFFFFFE0  }
0x112: {  	[tilespmem:s16], [sflag:$0x3] =	stream.linear.gather [hbm4b:s15+s16], $0x2710, $0x38;
	[tilespmem:$0x16F30] =	vst v63  }
0x113: {  	_ =	swait.ge [sflag:s3], $0x2710  }
0x114: {  	[sflag:s3] =	ssyncset.done $0x0  }
0x115: {  	s19 =	simm.s32 $0x2710;
	s17 =	rddreg [dreg:$0x6];
	[sflag:s3] =	ssyncadd.s32 $0xFFFFD8F0  }
0x116: {  	[tilespmem:s19], [sflag:$0x3] =	stream.linear.gather [hbm4b:s17+s16], $0x2710, $0x38;
	[tilespmem:$0x16F30] =	vst v63  }
0x117: {  	_ =	swait.ge [sflag:s3], $0x2710  }
0x118: {  	[sflag:s3] =	ssyncset.done $0x0  }
0x119: {  	[sflag:s3] =	ssyncadd.s32 $0xFFFFD8F0  }
0x11a: {  	s18 =	simm.s32 $0x4E20;
	[bflag:$0x0] =	sbarrier.arrive $0xFFFF  }
0x11b: {  	[tilespmem:s18], [sflag:$0x1] =	stream.indirect.gather [hbm4b:s4+s11], $0x10, s16, s11, $0xb8;
	[tilespmem:$0x16F30] =	vst v63  }
0x11c: {  	s21 =	simm.s32 $0x5320;
	s20 =	rddreg [dreg:$0x9]  }
0x11d: {  	[tilespmem:s21], [sflag:$0x1] =	stream.indirect.gather [hbm4b:s4+s11], $0x10, s11, s11, $0xb8;
	[tilespmem:$0x16F30] =	vst v63  }
0x11e: {  	s22 =	simm.s32 $0x5820;
	s23 =	rddreg [dreg:$0xa]  }
0x11f: {  	[tilespmem:s22], [sflag:$0x1] =	stream.indirect.gather [hbm4b:s4+s11], $0x10, s20, s11, $0xb8;
	[tilespmem:$0x16F30] =	vst v63  }
0x120: {  	s25 =	simm.s32 $0x5D20;
	s24 =	rddreg [dreg:$0xb]  }
0x121: {  	[tilespmem:s25], [sflag:$0x1] =	stream.indirect.gather [hbm4b:s4+s11], $0x10, s23, s11, $0xb8;
	[tilespmem:$0x16F30] =	vst v63  }
0x122: {  	s26 =	simm.s32 $0x6220;
	s15 =	rddreg [dreg:$0xc]  }
0x123: {  	[tilespmem:s26], [sflag:$0x1] =	stream.indirect.gather [hbm4b:s4+s11], $0x10, s24, s11, $0xb8;
	[tilespmem:$0x16F30] =	vst v63  }
0x124: {  	s29 =	simm.s32 $0x6720  }
0x125: {  	[tilespmem:s29], [sflag:$0x1] =	stream.indirect.gather [hbm4b:s4+s11], $0x10, s15, s11, $0xb8;
	[tilespmem:$0x16F30] =	vst v63  }
0x126: {  	s31 =	simm.s32 $0x6C20;
	s28 =	rddreg [dreg:$0xd]  }
0x127: {  	[tilespmem:s31], [sflag:$0x1] =	stream.indirect.gather [hbm4b:s4+s11], $0x10, s28, s11, $0xb8;
	[tilespmem:$0x16F30] =	vst v63  }
0x128: {  	s3 =	simm.s32 $0x7120;
	s30 =	rddreg [dreg:$0xe]  }
0x129: {  	[tilespmem:s3], [sflag:$0x1] =	stream.indirect.gather [hbm4b:s4+s11], $0x10, s30, s11, $0xb8;
	[tilespmem:$0x16F30] =	vst v63  }
0x12a: {  	s6 =	simm.s32 $0x7620;
	s0 =	rddreg [dreg:$0xf]  }
0x12b: {  	[tilespmem:s6], [sflag:$0x1] =	stream.indirect.gather [hbm4b:s4+s11], $0x10, s0, s11, $0xb8;
	[tilespmem:$0x16F30] =	vst v63  }
0x12c: {  	s8 =	simm.s32 $0x7B20;
	s5 =	rddreg [dreg:$0x10]  }
0x12d: {  	[tilespmem:s8], [sflag:$0x1] =	stream.indirect.gather [hbm4b:s4+s11], $0x10, s5, s11, $0xb8;
	[tilespmem:$0x16F30] =	vst v63  }
0x12e: {  	s20 =	simm.s32 $0x8020;
	s7 =	rddreg [dreg:$0x11]  }
0x12f: {  	[tilespmem:s20], [sflag:$0x1] =	stream.indirect.gather [hbm4b:s4+s11], $0x10, s7, s11, $0xb8;
	[tilespmem:$0x16F30] =	vst v63  }
0x130: {  	s22 =	simm.s32 $0x8520;
	s18 =	rddreg [dreg:$0x12]  }
0x131: {  	[tilespmem:s22], [sflag:$0x1] =	stream.indirect.gather [hbm4b:s4+s11], $0x10, s18, s11, $0xb8;
	[tilespmem:$0x16F30] =	vst v63  }
0x132: {  	s21 =	rddreg [dreg:$0x13];
	s24 =	simm.s32 $0x8A20  }
0x133: {  	[tilespmem:s24], [sflag:$0x1] =	stream.indirect.gather [hbm4b:s4+s11], $0x10, s21, s11, $0xb8;
	[tilespmem:$0x16F30] =	vst v63  }
0x134: {  	s23 =	rddreg [dreg:$0x14];
	s26 =	simm.s32 $0x8F20  }
0x135: {  	[tilespmem:s26], [sflag:$0x1] =	stream.indirect.gather [hbm4b:s4+s11], $0x10, s23, s11, $0xb8;
	[tilespmem:$0x16F30] =	vst v63  }
0x136: {  	s25 =	rddreg [dreg:$0x15];
	s29 =	simm.s32 $0x9420  }
0x137: {  	[tilespmem:s29], [sflag:$0x1] =	stream.indirect.gather [hbm4b:s4+s11], $0x10, s25, s11, $0xb8;
	[tilespmem:$0x16F30] =	vst v63  }
0x138: {  	s28 =	rddreg [dreg:$0x16];
	s31 =	simm.s32 $0x9920  }
0x139: {  	[tilespmem:s31], [sflag:$0x1] =	stream.indirect.gather [hbm4b:s4+s11], $0x10, s28, s11, $0xb8;
	[tilespmem:$0x16F30] =	vst v63  }
0x13a: {  	s30 =	rddreg [dreg:$0x17];
	s3 =	simm.s32 $0x9E20  }
0x13b: {  	[tilespmem:s3], [sflag:$0x1] =	stream.indirect.gather [hbm4b:s4+s11], $0x10, s30, s11, $0xb8;
	[tilespmem:$0x16F30] =	vst v63  }
0x13c: {  	s1 =	rddreg [dreg:$0x18];
	s7 =	simm.s32 $0xA320  }
0x13d: {  	[tilespmem:s7], [sflag:$0x1] =	stream.indirect.gather [hbm4b:s4+s11], $0x10, s1, s11, $0xb8;
	[tilespmem:$0x16F30] =	vst v63  }
0x13e: {  	s6 =	rddreg [dreg:$0x19];
	s20 =	simm.s32 $0xA820  }
0x13f: {  	[tilespmem:s20], [sflag:$0x1] =	stream.indirect.gather [hbm4b:s4+s11], $0x10, s6, s11, $0xb8;
	[tilespmem:$0x16F30] =	vst v63  }
0x140: {  	s18 =	rddreg [dreg:$0x1a];
	s23 =	simm.s32 $0xAD20  }
0x141: {  	[tilespmem:s23], [sflag:$0x1] =	stream.indirect.gather [hbm4b:s4+s11], $0x10, s18, s11, $0xb8;
	[tilespmem:$0x16F30] =	vst v63  }
0x142: {  	s21 =	rddreg [dreg:$0x1b];
	s25 =	simm.s32 $0xB220  }
0x143: {  	[tilespmem:s25], [sflag:$0x1] =	stream.indirect.gather [hbm4b:s4+s11], $0x10, s21, s11, $0xb8;
	[tilespmem:$0x16F30] =	vst v63  }
0x144: {  	s24 =	rddreg [dreg:$0x1c];
	s28 =	simm.s32 $0xB720  }
0x145: {  	[tilespmem:s28], [sflag:$0x1] =	stream.indirect.gather [hbm4b:s4+s11], $0x10, s24, s11, $0xb8;
	[tilespmem:$0x16F30] =	vst v63  }
0x146: {  	s26 =	rddreg [dreg:$0x1d];
	s30 =	simm.s32 $0xBC20  }
0x147: {  	[tilespmem:s30], [sflag:$0x1] =	stream.indirect.gather [hbm4b:s4+s11], $0x10, s26, s11, $0xb8;
	[tilespmem:$0x16F30] =	vst v63  }
0x148: {  	s29 =	rddreg [dreg:$0x1e];
	s6 =	simm.s32 $0xC120  }
0x149: {  	[tilespmem:s6], [sflag:$0x1] =	stream.indirect.gather [hbm4b:s4+s11], $0x10, s29, s11, $0xb8;
	[tilespmem:$0x16F30] =	vst v63  }
0x14a: {  	s31 =	rddreg [dreg:$0x1f];
	s7 =	simm.s32 $0xC620  }
0x14b: {  	[tilespmem:s7], [sflag:$0x1] =	stream.indirect.gather [hbm4b:s4+s11], $0x10, s31, s11, $0xb8;
	[tilespmem:$0x16F30] =	vst v63  }
0x14c: {  	_ =	swait.ge [sflag:s12], $0x500  }
0x14d: {  	[sflag:s12] =	ssyncset.done $0x0  }
0x14e: {  	[sflag:s12] =	ssyncadd.s32 $0xFFFFFB00  }
0x14f: {  	_ =	swait.ge [sflag:s12], $0x500  }
0x150: {  	[sflag:s12] =	ssyncset.done $0x0  }
0x151: {  	[sflag:s12] =	ssyncadd.s32 $0xFFFFFB00  }
0x152: {  	_ =	swait.ge [sflag:s12], $0x500  }
0x153: {  	[sflag:s12] =	ssyncset.done $0x0  }
0x154: {  	[sflag:s12] =	ssyncadd.s32 $0xFFFFFB00  }
0x155: {  	_ =	swait.ge [sflag:s12], $0x500  }
0x156: {  	[sflag:s12] =	ssyncset.done $0x0  }
0x157: {  	[sflag:s12] =	ssyncadd.s32 $0xFFFFFB00  }
0x158: {  	_ =	swait.ge [sflag:s12], $0x500  }
0x159: {  	[sflag:s12] =	ssyncset.done $0x0  }
0x15a: {  	[sflag:s12] =	ssyncadd.s32 $0xFFFFFB00  }
0x15b: {  	_ =	swait.ge [sflag:s12], $0x500  }
0x15c: {  	[sflag:s12] =	ssyncset.done $0x0  }
0x15d: {  	[sflag:s12] =	ssyncadd.s32 $0xFFFFFB00  }
0x15e: {  	_ =	swait.ge [sflag:s12], $0x500  }
0x15f: {  	[sflag:s12] =	ssyncset.done $0x0  }
0x160: {  	[sflag:s12] =	ssyncadd.s32 $0xFFFFFB00  }
0x161: {  	_ =	swait.ge [sflag:s12], $0x500  }
0x162: {  	[sflag:s12] =	ssyncset.done $0x0  }
0x163: {  	[sflag:s12] =	ssyncadd.s32 $0xFFFFFB00  }
0x164: {  	_ =	swait.ge [sflag:s12], $0x500  }
0x165: {  	[sflag:s12] =	ssyncset.done $0x0  }
0x166: {  	[sflag:s12] =	ssyncadd.s32 $0xFFFFFB00  }
0x167: {  	_ =	swait.ge [sflag:s12], $0x500  }
0x168: {  	[sflag:s12] =	ssyncset.done $0x0  }
0x169: {  	[sflag:s12] =	ssyncadd.s32 $0xFFFFFB00  }
0x16a: {  	_ =	swait.ge [sflag:s12], $0x500  }
0x16b: {  	[sflag:s12] =	ssyncset.done $0x0  }
0x16c: {  	[sflag:s12] =	ssyncadd.s32 $0xFFFFFB00  }
0x16d: {  	_ =	swait.ge [sflag:s12], $0x500  }
0x16e: {  	[sflag:s12] =	ssyncset.done $0x0  }
0x16f: {  	[sflag:s12] =	ssyncadd.s32 $0xFFFFFB00  }
0x170: {  	_ =	swait.ge [sflag:s12], $0x500  }
0x171: {  	[sflag:s12] =	ssyncset.done $0x0  }
0x172: {  	[sflag:s12] =	ssyncadd.s32 $0xFFFFFB00  }
0x173: {  	_ =	swait.ge [sflag:s12], $0x500  }
0x174: {  	[sflag:s12] =	ssyncset.done $0x0  }
0x175: {  	[sflag:s12] =	ssyncadd.s32 $0xFFFFFB00  }
0x176: {  	_ =	swait.ge [sflag:s12], $0x500  }
0x177: {  	[sflag:s12] =	ssyncset.done $0x0  }
0x178: {  	[sflag:s12] =	ssyncadd.s32 $0xFFFFFB00  }
0x179: {  	_ =	swait.ge [sflag:s12], $0x500  }
0x17a: {  	[sflag:s12] =	ssyncset.done $0x0  }
0x17b: {  	[sflag:s12] =	ssyncadd.s32 $0xFFFFFB00  }
0x17c: {  	_ =	swait.ge [sflag:s12], $0x500  }
0x17d: {  	[sflag:s12] =	ssyncset.done $0x0  }
0x17e: {  	[sflag:s12] =	ssyncadd.s32 $0xFFFFFB00  }
0x17f: {  	_ =	swait.ge [sflag:s12], $0x500  }
0x180: {  	[sflag:s12] =	ssyncset.done $0x0  }
0x181: {  	[sflag:s12] =	ssyncadd.s32 $0xFFFFFB00  }
0x182: {  	_ =	swait.ge [sflag:s12], $0x500  }
0x183: {  	[sflag:s12] =	ssyncset.done $0x0  }
0x184: {  	[sflag:s12] =	ssyncadd.s32 $0xFFFFFB00  }
0x185: {  	_ =	swait.ge [sflag:s12], $0x500  }
0x186: {  	[sflag:s12] =	ssyncset.done $0x0  }
0x187: {  	[sflag:s12] =	ssyncadd.s32 $0xFFFFFB00  }
0x188: {  	_ =	swait.ge [sflag:s12], $0x500  }
0x189: {  	[sflag:s12] =	ssyncset.done $0x0  }
0x18a: {  	[sflag:s12] =	ssyncadd.s32 $0xFFFFFB00  }
0x18b: {  	_ =	swait.ge [sflag:s12], $0x500  }
0x18c: {  	[sflag:s12] =	ssyncset.done $0x0  }
0x18d: {  	[sflag:s12] =	ssyncadd.s32 $0xFFFFFB00  }
0x18e: {  	_ =	swait.ge [sflag:s12], $0x500  }
0x18f: {  	[sflag:s12] =	ssyncset.done $0x0  }
0x190: {  	[sflag:s12] =	ssyncadd.s32 $0xFFFFFB00  }
0x191: {  	_ =	swait.ge [sflag:s12], $0x500  }
0x192: {  	[sflag:s12] =	ssyncset.done $0x0  }
0x193: {  	[sflag:s12] =	ssyncadd.s32 $0xFFFFFB00  }
0x194: {  	_ =	swait.ge [sflag:s12], $0x500  }
0x195: {  	s18 =	sld [smem:$0x71B]  }
0x196: {  	[sflag:s12] =	ssyncset.done $0x0  }
0x197: {  	s21 =	simm.s32 $0xCB20;
	s20 =	sld [smem:$0x71C];
	[sflag:s12] =	ssyncadd.s32 $0xFFFFFB00  }
0x198: {  	[tilespmem:s21], [sflag:$0x1] =	stream.indirect.gather [hbm4b:s4+s11], $0x10, s18, s11, $0xb8;
	[tilespmem:$0x16F30] =	vst v63  }
0x199: {  	s24 =	simm.s32 $0xD020;
	s23 =	sld [smem:$0x71D]  }
0x19a: {  	[tilespmem:s24], [sflag:$0x1] =	stream.indirect.gather [hbm4b:s4+s11], $0x10, s20, s11, $0xb8;
	[tilespmem:$0x16F30] =	vst v63  }
0x19b: {  	s26 =	simm.s32 $0xD520;
	s25 =	sld [smem:$0x71E]  }
0x19c: {  	[tilespmem:s26], [sflag:$0x1] =	stream.indirect.gather [hbm4b:s4+s11], $0x10, s23, s11, $0xb8;
	[tilespmem:$0x16F30] =	vst v63  }
0x19d: {  	s29 =	simm.s32 $0xDA20;
	s28 =	sld [smem:$0x71F]  }
0x19e: {  	[tilespmem:s29], [sflag:$0x1] =	stream.indirect.gather [hbm4b:s4+s11], $0x10, s25, s11, $0xb8;
	[tilespmem:$0x16F30] =	vst v63  }
0x19f: {  	s31 =	simm.s32 $0xDF20;
	s30 =	sld [smem:$0x720]  }
0x1a0: {  	[tilespmem:s31], [sflag:$0x1] =	stream.indirect.gather [hbm4b:s4+s11], $0x10, s28, s11, $0xb8;
	[tilespmem:$0x16F30] =	vst v63  }
0x1a1: {  	s6 =	sld [smem:$0x721];
	s18 =	simm.s32 $0xE420  }
0x1a2: {  	[tilespmem:s18], [sflag:$0x1] =	stream.indirect.gather [hbm4b:s4+s11], $0x10, s30, s11, $0xb8;
	[tilespmem:$0x16F30] =	vst v63  }
0x1a3: {  	s21 =	simm.s32 $0xE920;
	s20 =	sld [smem:$0x722]  }
0x1a4: {  	[tilespmem:s21], [sflag:$0x1] =	stream.indirect.gather [hbm4b:s4+s11], $0x10, s6, s11, $0xb8;
	[tilespmem:$0x16F30] =	vst v63  }
0x1a5: {  	s24 =	simm.s32 $0xEE20;
	s23 =	sld [smem:$0x723]  }
0x1a6: {  	[tilespmem:s24], [sflag:$0x1] =	stream.indirect.gather [hbm4b:s4+s11], $0x10, s20, s11, $0xb8;
	[tilespmem:$0x16F30] =	vst v63  }
0x1a7: {  	s26 =	simm.s32 $0xF320;
	s25 =	sld [smem:$0x724]  }
0x1a8: {  	[tilespmem:s26], [sflag:$0x1] =	stream.indirect.gather [hbm4b:s4+s11], $0x10, s23, s11, $0xb8;
	[tilespmem:$0x16F30] =	vst v63  }
0x1a9: {  	s29 =	simm.s32 $0xF820;
	s28 =	sld [smem:$0x725]  }
0x1aa: {  	[tilespmem:s29], [sflag:$0x1] =	stream.indirect.gather [hbm4b:s4+s11], $0x10, s25, s11, $0xb8;
	[tilespmem:$0x16F30] =	vst v63  }
0x1ab: {  	s31 =	simm.s32 $0xFD20;
	s30 =	sld [smem:$0x726]  }
0x1ac: {  	[tilespmem:s31], [sflag:$0x1] =	stream.indirect.gather [hbm4b:s4+s11], $0x10, s28, s11, $0xb8;
	[tilespmem:$0x16F30] =	vst v63  }
0x1ad: {  	s18 =	simm.s32 $0x10220;
	s6 =	sld [smem:$0x727]  }
0x1ae: {  	[tilespmem:s18], [sflag:$0x1] =	stream.indirect.gather [hbm4b:s4+s11], $0x10, s30, s11, $0xb8;
	[tilespmem:$0x16F30] =	vst v63  }
0x1af: {  	s21 =	simm.s32 $0x10720;
	s20 =	sld [smem:$0x728]  }
0x1b0: {  	[tilespmem:s21], [sflag:$0x1] =	stream.indirect.gather [hbm4b:s4+s11], $0x10, s6, s11, $0xb8;
	[tilespmem:$0x16F30] =	vst v63  }
0x1b1: {  	s24 =	simm.s32 $0x10C20;
	s23 =	sld [smem:$0x729]  }
0x1b2: {  	[tilespmem:s24], [sflag:$0x1] =	stream.indirect.gather [hbm4b:s4+s11], $0x10, s20, s11, $0xb8;
	[tilespmem:$0x16F30] =	vst v63  }
0x1b3: {  	s26 =	simm.s32 $0x11120;
	s25 =	sld [smem:$0x72A]  }
0x1b4: {  	[tilespmem:s26], [sflag:$0x1] =	stream.indirect.gather [hbm4b:s4+s11], $0x10, s23, s11, $0xb8;
	[tilespmem:$0x16F30] =	vst v63  }
0x1b5: {  	s29 =	simm.s32 $0x11620;
	s28 =	sld [smem:$0x72B]  }
0x1b6: {  	[tilespmem:s29], [sflag:$0x1] =	stream.indirect.gather [hbm4b:s4+s11], $0x10, s25, s11, $0xb8;
	[tilespmem:$0x16F30] =	vst v63  }
0x1b7: {  	s31 =	simm.s32 $0x11B20;
	s30 =	sld [smem:$0x72C]  }
0x1b8: {  	[tilespmem:s31], [sflag:$0x1] =	stream.indirect.gather [hbm4b:s4+s11], $0x10, s28, s11, $0xb8;
	[tilespmem:$0x16F30] =	vst v63  }
0x1b9: {  	s18 =	simm.s32 $0x12020;
	s6 =	sld [smem:$0x72D]  }
0x1ba: {  	[tilespmem:s18], [sflag:$0x1] =	stream.indirect.gather [hbm4b:s4+s11], $0x10, s30, s11, $0xb8;
	[tilespmem:$0x16F30] =	vst v63  }
0x1bb: {  	s21 =	simm.s32 $0x12520;
	s20 =	sld [smem:$0x72E]  }
0x1bc: {  	[tilespmem:s21], [sflag:$0x1] =	stream.indirect.gather [hbm4b:s4+s11], $0x10, s6, s11, $0xb8;
	[tilespmem:$0x16F30] =	vst v63  }
0x1bd: {  	s24 =	simm.s32 $0x12A20;
	s23 =	sld [smem:$0x72F]  }
0x1be: {  	[tilespmem:s24], [sflag:$0x1] =	stream.indirect.gather [hbm4b:s4+s11], $0x10, s20, s11, $0xb8;
	[tilespmem:$0x16F30] =	vst v63  }
0x1bf: {  	s26 =	simm.s32 $0x12F20;
	s25 =	sld [smem:$0x730]  }
0x1c0: {  	[tilespmem:s26], [sflag:$0x1] =	stream.indirect.gather [hbm4b:s4+s11], $0x10, s23, s11, $0xb8;
	[tilespmem:$0x16F30] =	vst v63  }
0x1c1: {  	s29 =	simm.s32 $0x13420;
	s28 =	sld [smem:$0x731]  }
0x1c2: {  	[tilespmem:s29], [sflag:$0x1] =	stream.indirect.gather [hbm4b:s4+s11], $0x10, s25, s11, $0xb8;
	[tilespmem:$0x16F30] =	vst v63  }
0x1c3: {  	s31 =	simm.s32 $0x13920;
	s30 =	sld [smem:$0x732]  }
0x1c4: {  	[tilespmem:s31], [sflag:$0x1] =	stream.indirect.gather [hbm4b:s4+s11], $0x10, s28, s11, $0xb8;
	[tilespmem:$0x16F30] =	vst v63  }
0x1c5: {  	s18 =	simm.s32 $0x13E20;
	s6 =	sld [smem:$0x733]  }
0x1c6: {  	[tilespmem:s18], [sflag:$0x1] =	stream.indirect.gather [hbm4b:s4+s11], $0x10, s30, s11, $0xb8;
	[tilespmem:$0x16F30] =	vst v63  }
0x1c7: {  	s20 =	simm.s32 $0x14320  }
0x1c8: {  	[tilespmem:s20], [sflag:$0x1] =	stream.indirect.gather [hbm4b:s4+s11], $0x10, s6, s11, $0xb8;
	[tilespmem:$0x16F30] =	vst v63  }
0x1c9: {  	s14 =	simm.s32 $0x4E20;
	s21 =	sld [smem:$0x734]  }
0x1ca: {  	[spmem:s2] =	stream.indirect.scatter.add.f32 [tilespmem:s14], [sflag:$0x2], $0x10, s19, s11, $0xb8;
	[tilespmem:$0x16F30] =	vst v63  }
0x1cb: {  	s17 =	simm.s32 $0x5320;
	s23 =	sld [smem:$0x735]  }
0x1cc: {  	[spmem:s2] =	stream.indirect.scatter.add.f32 [tilespmem:s17], [sflag:$0x2], $0x10, s21, s11, $0xb8;
	[tilespmem:$0x16F30] =	vst v63  }
0x1cd: {  	s25 =	sld [smem:$0x736];
	s19 =	simm.s32 $0x5820  }
0x1ce: {  	[spmem:s2] =	stream.indirect.scatter.add.f32 [tilespmem:s19], [sflag:$0x2], $0x10, s23, s11, $0xb8;
	[tilespmem:$0x16F30] =	vst v63  }
0x1cf: {  	s10 =	simm.s32 $0x5D20;
	s26 =	sld [smem:$0x737]  }
0x1d0: {  	[spmem:s2] =	stream.indirect.scatter.add.f32 [tilespmem:s10], [sflag:$0x2], $0x10, s25, s11, $0xb8;
	[tilespmem:$0x16F30] =	vst v63  }
0x1d1: {  	s9 =	simm.s32 $0x6220;
	s28 =	sld [smem:$0x738]  }
0x1d2: {  	[spmem:s2] =	stream.indirect.scatter.add.f32 [tilespmem:s9], [sflag:$0x2], $0x10, s26, s11, $0xb8;
	[tilespmem:$0x16F30] =	vst v63  }
0x1d3: {  	s29 =	sld [smem:$0x739];
	s9 =	simm.s32 $0x6720  }
0x1d4: {  	[spmem:s2] =	stream.indirect.scatter.add.f32 [tilespmem:s9], [sflag:$0x2], $0x10, s28, s11, $0xb8;
	[tilespmem:$0x16F30] =	vst v63  }
0x1d5: {  	s30 =	sld [smem:$0x73A];
	s17 =	simm.s32 $0x6C20  }
0x1d6: {  	[spmem:s2] =	stream.indirect.scatter.add.f32 [tilespmem:s17], [sflag:$0x2], $0x10, s29, s11, $0xb8;
	[tilespmem:$0x16F30] =	vst v63  }
0x1d7: {  	s0 =	simm.s32 $0x7120;
	s31 =	sld [smem:$0x73B]  }
0x1d8: {  	[spmem:s2] =	stream.indirect.scatter.add.f32 [tilespmem:s0], [sflag:$0x2], $0x10, s30, s11, $0xb8;
	[tilespmem:$0x16F30] =	vst v63  }
0x1d9: {  	s18 =	simm.s32 $0x7620;
	s10 =	sld [smem:$0x73C]  }
0x1da: {  	[spmem:s2] =	stream.indirect.scatter.add.f32 [tilespmem:s18], [sflag:$0x2], $0x10, s31, s11, $0xb8;
	[tilespmem:$0x16F30] =	vst v63  }
0x1db: {  	s5 =	simm.s32 $0x7B20;
	s20 =	sld [smem:$0x73D]  }
0x1dc: {  	[spmem:s2] =	stream.indirect.scatter.add.f32 [tilespmem:s5], [sflag:$0x2], $0x10, s10, s11, $0xb8;
	[tilespmem:$0x16F30] =	vst v63  }
0x1dd: {  	s21 =	sld [smem:$0x73E];
	s10 =	simm.s32 $0x8020  }
0x1de: {  	[spmem:s2] =	stream.indirect.scatter.add.f32 [tilespmem:s10], [sflag:$0x2], $0x10, s20, s11, $0xb8;
	[tilespmem:$0x16F30] =	vst v63  }
0x1df: {  	s8 =	simm.s32 $0x8520;
	s23 =	sld [smem:$0x73F]  }
0x1e0: {  	[spmem:s2] =	stream.indirect.scatter.add.f32 [tilespmem:s8], [sflag:$0x2], $0x10, s21, s11, $0xb8;
	[tilespmem:$0x16F30] =	vst v63  }
0x1e1: {  	s22 =	simm.s32 $0x8A20;
	s25 =	sld [smem:$0x740]  }
0x1e2: {  	[spmem:s2] =	stream.indirect.scatter.add.f32 [tilespmem:s22], [sflag:$0x2], $0x10, s23, s11, $0xb8;
	[tilespmem:$0x16F30] =	vst v63  }
0x1e3: {  	s26 =	sld [smem:$0x741];
	s23 =	simm.s32 $0x8F20  }
0x1e4: {  	[spmem:s2] =	stream.indirect.scatter.add.f32 [tilespmem:s23], [sflag:$0x2], $0x10, s25, s11, $0xb8;
	[tilespmem:$0x16F30] =	vst v63  }
0x1e5: {  	s28 =	sld [smem:$0x742];
	s25 =	simm.s32 $0x9420  }
0x1e6: {  	[spmem:s2] =	stream.indirect.scatter.add.f32 [tilespmem:s25], [sflag:$0x2], $0x10, s26, s11, $0xb8;
	[tilespmem:$0x16F30] =	vst v63  }
0x1e7: {  	s29 =	sld [smem:$0x743];
	s26 =	simm.s32 $0x9920  }
0x1e8: {  	[spmem:s2] =	stream.indirect.scatter.add.f32 [tilespmem:s26], [sflag:$0x2], $0x10, s28, s11, $0xb8;
	[tilespmem:$0x16F30] =	vst v63  }
0x1e9: {  	s30 =	sld [smem:$0x744];
	s28 =	simm.s32 $0x9E20  }
0x1ea: {  	[spmem:s2] =	stream.indirect.scatter.add.f32 [tilespmem:s28], [sflag:$0x2], $0x10, s29, s11, $0xb8;
	[tilespmem:$0x16F30] =	vst v63  }
0x1eb: {  	s31 =	sld [smem:$0x745];
	s29 =	simm.s32 $0xA320  }
0x1ec: {  	[spmem:s2] =	stream.indirect.scatter.add.f32 [tilespmem:s29], [sflag:$0x2], $0x10, s30, s11, $0xb8;
	[tilespmem:$0x16F30] =	vst v63  }
0x1ed: {  	s8 =	sld [smem:$0x746];
	s30 =	simm.s32 $0xA820  }
0x1ee: {  	[spmem:s2] =	stream.indirect.scatter.add.f32 [tilespmem:s30], [sflag:$0x2], $0x10, s31, s11, $0xb8;
	[tilespmem:$0x16F30] =	vst v63  }
0x1ef: {  	s22 =	sld [smem:$0x747];
	s31 =	simm.s32 $0xAD20  }
0x1f0: {  	[spmem:s2] =	stream.indirect.scatter.add.f32 [tilespmem:s31], [sflag:$0x2], $0x10, s8, s11, $0xb8;
	[tilespmem:$0x16F30] =	vst v63  }
0x1f1: {  	s15 =	sld [smem:$0x748];
	s8 =	simm.s32 $0xB220  }
0x1f2: {  	[spmem:s2] =	stream.indirect.scatter.add.f32 [tilespmem:s8], [sflag:$0x2], $0x10, s22, s11, $0xb8;
	[tilespmem:$0x16F30] =	vst v63  }
0x1f3: {  	s16 =	sld [smem:$0x749];
	s22 =	simm.s32 $0xB720  }
0x1f4: {  	[spmem:s2] =	stream.indirect.scatter.add.f32 [tilespmem:s22], [sflag:$0x2], $0x10, s15, s11, $0xb8;
	[tilespmem:$0x16F30] =	vst v63  }
0x1f5: {  	s1 =	simm.s32 $0xBC20;
	s15 =	sld [smem:$0x74A]  }
0x1f6: {  	[spmem:s2] =	stream.indirect.scatter.add.f32 [tilespmem:s1], [sflag:$0x2], $0x10, s16, s11, $0xb8;
	[tilespmem:$0x16F30] =	vst v63  }
0x1f7: {  	s3 =	simm.s32 $0xC120;
	s16 =	sld [smem:$0x74B]  }
0x1f8: {  	[spmem:s2] =	stream.indirect.scatter.add.f32 [tilespmem:s3], [sflag:$0x2], $0x10, s15, s11, $0xb8;
	[tilespmem:$0x16F30] =	vst v63  }
0x1f9: {  	s7 =	simm.s32 $0xC620  }
0x1fa: {  	[spmem:s2] =	stream.indirect.scatter.add.f32 [tilespmem:s7], [sflag:$0x2], $0x10, s16, s11, $0xb8;
	[tilespmem:$0x16F30] =	vst v63  }
0x1fb: {  	_ =	swait.ge [sflag:s12], $0x500  }
0x1fc: {  	[sflag:s12] =	ssyncset.done $0x0  }
0x1fd: {  	[sflag:s12] =	ssyncadd.s32 $0xFFFFFB00  }
0x1fe: {  	_ =	swait.ge [sflag:s12], $0x500  }
0x1ff: {  	[sflag:s12] =	ssyncset.done $0x0  }
0x200: {  	[sflag:s12] =	ssyncadd.s32 $0xFFFFFB00  }
0x201: {  	_ =	swait.ge [sflag:s12], $0x500  }
0x202: {  	[sflag:s12] =	ssyncset.done $0x0  }
0x203: {  	[sflag:s12] =	ssyncadd.s32 $0xFFFFFB00  }
0x204: {  	_ =	swait.ge [sflag:s12], $0x500  }
0x205: {  	[sflag:s12] =	ssyncset.done $0x0  }
0x206: {  	[sflag:s12] =	ssyncadd.s32 $0xFFFFFB00  }
0x207: {  	_ =	swait.ge [sflag:s12], $0x500  }
0x208: {  	[sflag:s12] =	ssyncset.done $0x0  }
0x209: {  	[sflag:s12] =	ssyncadd.s32 $0xFFFFFB00  }
0x20a: {  	_ =	swait.ge [sflag:s12], $0x500  }
0x20b: {  	[sflag:s12] =	ssyncset.done $0x0  }
0x20c: {  	[sflag:s12] =	ssyncadd.s32 $0xFFFFFB00  }
0x20d: {  	_ =	swait.ge [sflag:s12], $0x500  }
0x20e: {  	[sflag:s12] =	ssyncset.done $0x0  }
0x20f: {  	[sflag:s12] =	ssyncadd.s32 $0xFFFFFB00  }
0x210: {  	_ =	swait.ge [sflag:s12], $0x500  }
0x211: {  	[sflag:s12] =	ssyncset.done $0x0  }
0x212: {  	[sflag:s12] =	ssyncadd.s32 $0xFFFFFB00  }
0x213: {  	_ =	swait.ge [sflag:s12], $0x500  }
0x214: {  	[sflag:s12] =	ssyncset.done $0x0  }
0x215: {  	[sflag:s12] =	ssyncadd.s32 $0xFFFFFB00  }
0x216: {  	_ =	swait.ge [sflag:s12], $0x500  }
0x217: {  	[sflag:s12] =	ssyncset.done $0x0  }
0x218: {  	[sflag:s12] =	ssyncadd.s32 $0xFFFFFB00  }
0x219: {  	_ =	swait.ge [sflag:s12], $0x500  }
0x21a: {  	[sflag:s12] =	ssyncset.done $0x0  }
0x21b: {  	[sflag:s12] =	ssyncadd.s32 $0xFFFFFB00  }
0x21c: {  	_ =	swait.ge [sflag:s12], $0x500  }
0x21d: {  	[sflag:s12] =	ssyncset.done $0x0  }
0x21e: {  	[sflag:s12] =	ssyncadd.s32 $0xFFFFFB00  }
0x21f: {  	_ =	swait.ge [sflag:s12], $0x500  }
0x220: {  	[sflag:s12] =	ssyncset.done $0x0  }
0x221: {  	[sflag:s12] =	ssyncadd.s32 $0xFFFFFB00  }
0x222: {  	_ =	swait.ge [sflag:s12], $0x500  }
0x223: {  	[sflag:s12] =	ssyncset.done $0x0  }
0x224: {  	[sflag:s12] =	ssyncadd.s32 $0xFFFFFB00  }
0x225: {  	_ =	swait.ge [sflag:s12], $0x500  }
0x226: {  	[sflag:s12] =	ssyncset.done $0x0  }
0x227: {  	[sflag:s12] =	ssyncadd.s32 $0xFFFFFB00  }
0x228: {  	_ =	swait.ge [sflag:s12], $0x500  }
0x229: {  	[sflag:s12] =	ssyncset.done $0x0  }
0x22a: {  	[sflag:s12] =	ssyncadd.s32 $0xFFFFFB00  }
0x22b: {  	_ =	swait.ge [sflag:s12], $0x500  }
0x22c: {  	[sflag:s12] =	ssyncset.done $0x0  }
0x22d: {  	[sflag:s12] =	ssyncadd.s32 $0xFFFFFB00  }
0x22e: {  	_ =	swait.ge [sflag:s12], $0x500  }
0x22f: {  	[sflag:s12] =	ssyncset.done $0x0  }
0x230: {  	[sflag:s12] =	ssyncadd.s32 $0xFFFFFB00  }
0x231: {  	_ =	swait.ge [sflag:s12], $0x500  }
0x232: {  	[sflag:s12] =	ssyncset.done $0x0  }
0x233: {  	[sflag:s12] =	ssyncadd.s32 $0xFFFFFB00  }
0x234: {  	_ =	swait.ge [sflag:s12], $0x500  }
0x235: {  	[sflag:s12] =	ssyncset.done $0x0  }
0x236: {  	[sflag:s12] =	ssyncadd.s32 $0xFFFFFB00  }
0x237: {  	_ =	swait.ge [sflag:s12], $0x500  }
0x238: {  	[sflag:s12] =	ssyncset.done $0x0  }
0x239: {  	[sflag:s12] =	ssyncadd.s32 $0xFFFFFB00  }
0x23a: {  	_ =	swait.ge [sflag:s12], $0x500  }
0x23b: {  	[sflag:s12] =	ssyncset.done $0x0  }
0x23c: {  	[sflag:s12] =	ssyncadd.s32 $0xFFFFFB00  }
0x23d: {  	_ =	swait.ge [sflag:s12], $0x500  }
0x23e: {  	[sflag:s12] =	ssyncset.done $0x0  }
0x23f: {  	[sflag:s12] =	ssyncadd.s32 $0xFFFFFB00  }
0x240: {  	_ =	swait.ge [sflag:s12], $0x500  }
0x241: {  	[sflag:s12] =	ssyncset.done $0x0  }
0x242: {  	[sflag:s12] =	ssyncadd.s32 $0xFFFFFB00  }
0x243: {  	_ =	swait.ge [sflag:s12], $0x500  }
0x244: {  	[sflag:s12] =	ssyncset.done $0x0  }
0x245: {  	[sflag:s12] =	ssyncadd.s32 $0xFFFFFB00  }
0x246: {  	_ =	swait.ge [sflag:s13], $0x500  }
0x247: {  	[sflag:s13] =	ssyncset.done $0x0  }
0x248: {  	[sflag:s13] =	ssyncadd.s32 $0xFFFFFB00  }
0x249: {  	_ =	swait.ge [sflag:s13], $0x500  }
0x24a: {  	[sflag:s13] =	ssyncset.done $0x0  }
0x24b: {  	[sflag:s13] =	ssyncadd.s32 $0xFFFFFB00  }
0x24c: {  	_ =	swait.ge [sflag:s13], $0x500  }
0x24d: {  	[sflag:s13] =	ssyncset.done $0x0  }
0x24e: {  	[sflag:s13] =	ssyncadd.s32 $0xFFFFFB00  }
0x24f: {  	_ =	swait.ge [sflag:s13], $0x500  }
0x250: {  	[sflag:s13] =	ssyncset.done $0x0  }
0x251: {  	[sflag:s13] =	ssyncadd.s32 $0xFFFFFB00  }
0x252: {  	_ =	swait.ge [sflag:s13], $0x500  }
0x253: {  	[sflag:s13] =	ssyncset.done $0x0  }
0x254: {  	[sflag:s13] =	ssyncadd.s32 $0xFFFFFB00  }
0x255: {  	_ =	swait.ge [sflag:s13], $0x500  }
0x256: {  	[sflag:s13] =	ssyncset.done $0x0  }
0x257: {  	[sflag:s13] =	ssyncadd.s32 $0xFFFFFB00  }
0x258: {  	_ =	swait.ge [sflag:s13], $0x500  }
0x259: {  	[sflag:s13] =	ssyncset.done $0x0  }
0x25a: {  	[sflag:s13] =	ssyncadd.s32 $0xFFFFFB00  }
0x25b: {  	_ =	swait.ge [sflag:s13], $0x500  }
0x25c: {  	[sflag:s13] =	ssyncset.done $0x0  }
0x25d: {  	[sflag:s13] =	ssyncadd.s32 $0xFFFFFB00  }
0x25e: {  	_ =	swait.ge [sflag:s13], $0x500  }
0x25f: {  	[sflag:s13] =	ssyncset.done $0x0  }
0x260: {  	[sflag:s13] =	ssyncadd.s32 $0xFFFFFB00  }
0x261: {  	_ =	swait.ge [sflag:s13], $0x500  }
0x262: {  	[sflag:s13] =	ssyncset.done $0x0  }
0x263: {  	[sflag:s13] =	ssyncadd.s32 $0xFFFFFB00  }
0x264: {  	_ =	swait.ge [sflag:s13], $0x500  }
0x265: {  	[sflag:s13] =	ssyncset.done $0x0  }
0x266: {  	[sflag:s13] =	ssyncadd.s32 $0xFFFFFB00  }
0x267: {  	_ =	swait.ge [sflag:s13], $0x500  }
0x268: {  	[sflag:s13] =	ssyncset.done $0x0  }
0x269: {  	[sflag:s13] =	ssyncadd.s32 $0xFFFFFB00  }
0x26a: {  	_ =	swait.ge [sflag:s13], $0x500  }
0x26b: {  	[sflag:s13] =	ssyncset.done $0x0  }
0x26c: {  	[sflag:s13] =	ssyncadd.s32 $0xFFFFFB00  }
0x26d: {  	_ =	swait.ge [sflag:s13], $0x500  }
0x26e: {  	[sflag:s13] =	ssyncset.done $0x0  }
0x26f: {  	[sflag:s13] =	ssyncadd.s32 $0xFFFFFB00  }
0x270: {  	_ =	swait.ge [sflag:s13], $0x500  }
0x271: {  	[sflag:s13] =	ssyncset.done $0x0  }
0x272: {  	[sflag:s13] =	ssyncadd.s32 $0xFFFFFB00  }
0x273: {  	_ =	swait.ge [sflag:s13], $0x500  }
0x274: {  	[sflag:s13] =	ssyncset.done $0x0  }
0x275: {  	[sflag:s13] =	ssyncadd.s32 $0xFFFFFB00  }
0x276: {  	_ =	swait.ge [sflag:s13], $0x500  }
0x277: {  	[sflag:s13] =	ssyncset.done $0x0  }
0x278: {  	[sflag:s13] =	ssyncadd.s32 $0xFFFFFB00  }
0x279: {  	_ =	swait.ge [sflag:s13], $0x500  }
0x27a: {  	[sflag:s13] =	ssyncset.done $0x0  }
0x27b: {  	[sflag:s13] =	ssyncadd.s32 $0xFFFFFB00  }
0x27c: {  	_ =	swait.ge [sflag:s13], $0x500  }
0x27d: {  	[sflag:s13] =	ssyncset.done $0x0  }
0x27e: {  	[sflag:s13] =	ssyncadd.s32 $0xFFFFFB00  }
0x27f: {  	_ =	swait.ge [sflag:s13], $0x500  }
0x280: {  	[sflag:s13] =	ssyncset.done $0x0  }
0x281: {  	[sflag:s13] =	ssyncadd.s32 $0xFFFFFB00  }
0x282: {  	_ =	swait.ge [sflag:s13], $0x500  }
0x283: {  	[sflag:s13] =	ssyncset.done $0x0  }
0x284: {  	[sflag:s13] =	ssyncadd.s32 $0xFFFFFB00  }
0x285: {  	_ =	swait.ge [sflag:s13], $0x500  }
0x286: {  	[sflag:s13] =	ssyncset.done $0x0  }
0x287: {  	[sflag:s13] =	ssyncadd.s32 $0xFFFFFB00  }
0x288: {  	_ =	swait.ge [sflag:s13], $0x500  }
0x289: {  	[sflag:s13] =	ssyncset.done $0x0  }
0x28a: {  	[sflag:s13] =	ssyncadd.s32 $0xFFFFFB00  }
0x28b: {  	_ =	swait.ge [sflag:s13], $0x500  }
0x28c: {  	[sflag:s13] =	ssyncset.done $0x0  }
0x28d: {  	[sflag:s13] =	ssyncadd.s32 $0xFFFFFB00  }
0x28e: {  	_ =	swait.ge [sflag:s13], $0x500  }
0x28f: {  	s15 =	sld [smem:$0x74C]  }
0x290: {  	[sflag:s13] =	ssyncset.done $0x0  }
0x291: {  	s7 =	simm.s32 $0x4E20;
	s16 =	sld [smem:$0x74D];
	[sflag:s13] =	ssyncadd.s32 $0xFFFFFB00  }
0x292: {  	[tilespmem:s7], [sflag:$0x1] =	stream.indirect.gather [hbm4b:s4+s11], $0x10, s15, s11, $0xb8;
	[tilespmem:$0x16F30] =	vst v63  }
0x293: {  	s24 =	simm.s32 $0x5320;
	s7 =	sld [smem:$0x74E]  }
0x294: {  	[tilespmem:s24], [sflag:$0x1] =	stream.indirect.gather [hbm4b:s4+s11], $0x10, s16, s11, $0xb8;
	[tilespmem:$0x16F30] =	vst v63  }
0x295: {  	s24 =	sld [smem:$0x74F]  }
0x296: {  	[tilespmem:s19], [sflag:$0x1] =	stream.indirect.gather [hbm4b:s4+s11], $0x10, s7, s11, $0xb8;
	[tilespmem:$0x16F30] =	vst v63  }
0x297: {  	s6 =	simm.s32 $0x5D20;
	s7 =	sld [smem:$0x750]  }
0x298: {  	[tilespmem:s6], [sflag:$0x1] =	stream.indirect.gather [hbm4b:s4+s11], $0x10, s24, s11, $0xb8;
	[tilespmem:$0x16F30] =	vst v63  }
0x299: {  	s14 =	simm.s32 $0x6220;
	s19 =	sld [smem:$0x751]  }
0x29a: {  	[tilespmem:s14], [sflag:$0x1] =	stream.indirect.gather [hbm4b:s4+s11], $0x10, s7, s11, $0xb8;
	[tilespmem:$0x16F30] =	vst v63  }
0x29b: {  	s24 =	sld [smem:$0x752]  }
0x29c: {  	[tilespmem:s9], [sflag:$0x1] =	stream.indirect.gather [hbm4b:s4+s11], $0x10, s19, s11, $0xb8;
	[tilespmem:$0x16F30] =	vst v63  }
0x29d: {  	s6 =	sld [smem:$0x753]  }
0x29e: {  	[tilespmem:s17], [sflag:$0x1] =	stream.indirect.gather [hbm4b:s4+s11], $0x10, s24, s11, $0xb8;
	[tilespmem:$0x16F30] =	vst v63  }
0x29f: {  	s7 =	sld [smem:$0x754]  }
0x2a0: {  	[tilespmem:s0], [sflag:$0x1] =	stream.indirect.gather [hbm4b:s4+s11], $0x10, s6, s11, $0xb8;
	[tilespmem:$0x16F30] =	vst v63  }
0x2a1: {  	s9 =	sld [smem:$0x755]  }
0x2a2: {  	[tilespmem:s18], [sflag:$0x1] =	stream.indirect.gather [hbm4b:s4+s11], $0x10, s7, s11, $0xb8;
	[tilespmem:$0x16F30] =	vst v63  }
0x2a3: {  	s5 =	simm.s32 $0x7B20;
	s14 =	sld [smem:$0x756]  }
0x2a4: {  	[tilespmem:s5], [sflag:$0x1] =	stream.indirect.gather [hbm4b:s4+s11], $0x10, s9, s11, $0xb8;
	[tilespmem:$0x16F30] =	vst v63  }
0x2a5: {  	s17 =	sld [smem:$0x757]  }
0x2a6: {  	[tilespmem:s10], [sflag:$0x1] =	stream.indirect.gather [hbm4b:s4+s11], $0x10, s14, s11, $0xb8;
	[tilespmem:$0x16F30] =	vst v63  }
0x2a7: {  	s21 =	simm.s32 $0x8520;
	s18 =	sld [smem:$0x758]  }
0x2a8: {  	[tilespmem:s21], [sflag:$0x1] =	stream.indirect.gather [hbm4b:s4+s11], $0x10, s17, s11, $0xb8;
	[tilespmem:$0x16F30] =	vst v63  }
0x2a9: {  	s20 =	simm.s32 $0x8A20;
	s19 =	sld [smem:$0x759]  }
0x2aa: {  	[tilespmem:s20], [sflag:$0x1] =	stream.indirect.gather [hbm4b:s4+s11], $0x10, s18, s11, $0xb8;
	[tilespmem:$0x16F30] =	vst v63  }
0x2ab: {  	s21 =	sld [smem:$0x75A]  }
0x2ac: {  	[tilespmem:s23], [sflag:$0x1] =	stream.indirect.gather [hbm4b:s4+s11], $0x10, s19, s11, $0xb8;
	[tilespmem:$0x16F30] =	vst v63  }
0x2ad: {  	s23 =	sld [smem:$0x75B]  }
0x2ae: {  	[tilespmem:s25], [sflag:$0x1] =	stream.indirect.gather [hbm4b:s4+s11], $0x10, s21, s11, $0xb8;
	[tilespmem:$0x16F30] =	vst v63  }
0x2af: {  	s24 =	sld [smem:$0x75C]  }
0x2b0: {  	[tilespmem:s26], [sflag:$0x1] =	stream.indirect.gather [hbm4b:s4+s11], $0x10, s23, s11, $0xb8;
	[tilespmem:$0x16F30] =	vst v63  }
0x2b1: {  	s25 =	sld [smem:$0x75D]  }
0x2b2: {  	[tilespmem:s28], [sflag:$0x1] =	stream.indirect.gather [hbm4b:s4+s11], $0x10, s24, s11, $0xb8;
	[tilespmem:$0x16F30] =	vst v63  }
0x2b3: {  	s26 =	sld [smem:$0x75E]  }
0x2b4: {  	[tilespmem:s29], [sflag:$0x1] =	stream.indirect.gather [hbm4b:s4+s11], $0x10, s25, s11, $0xb8;
	[tilespmem:$0x16F30] =	vst v63  }
0x2b5: {  	s28 =	sld [smem:$0x75F]  }
0x2b6: {  	[tilespmem:s30], [sflag:$0x1] =	stream.indirect.gather [hbm4b:s4+s11], $0x10, s26, s11, $0xb8;
	[tilespmem:$0x16F30] =	vst v63  }
0x2b7: {  	s29 =	sld [smem:$0x760]  }
0x2b8: {  	[tilespmem:s31], [sflag:$0x1] =	stream.indirect.gather [hbm4b:s4+s11], $0x10, s28, s11, $0xb8;
	[tilespmem:$0x16F30] =	vst v63  }
0x2b9: {  	s30 =	sld [smem:$0x761]  }
0x2ba: {  	[tilespmem:s8], [sflag:$0x1] =	stream.indirect.gather [hbm4b:s4+s11], $0x10, s29, s11, $0xb8;
	[tilespmem:$0x16F30] =	vst v63  }
0x2bb: {  	s31 =	sld [smem:$0x762]  }
0x2bc: {  	[tilespmem:s22], [sflag:$0x1] =	stream.indirect.gather [hbm4b:s4+s11], $0x10, s30, s11, $0xb8;
	[tilespmem:$0x16F30] =	vst v63  }
0x2bd: {  	s1 =	simm.s32 $0xBC20;
	s0 =	sld [smem:$0x763]  }
0x2be: {  	[tilespmem:s1], [sflag:$0x1] =	stream.indirect.gather [hbm4b:s4+s11], $0x10, s31, s11, $0xb8;
	[tilespmem:$0x16F30] =	vst v63  }
0x2bf: {  	s3 =	simm.s32 $0xC120;
	s1 =	sld [smem:$0x764]  }
0x2c0: {  	[tilespmem:s3], [sflag:$0x1] =	stream.indirect.gather [hbm4b:s4+s11], $0x10, s0, s11, $0xb8;
	[tilespmem:$0x16F30] =	vst v63  }
0x2c1: {  	s5 =	simm.s32 $0xC620;
	s3 =	sld [smem:$0x765]  }
0x2c2: {  	[tilespmem:s5], [sflag:$0x1] =	stream.indirect.gather [hbm4b:s4+s11], $0x10, s1, s11, $0xb8;
	[tilespmem:$0x16F30] =	vst v63  }
0x2c3: {  	s6 =	sld [smem:$0x766];
	s22 =	simm.s32 $0xCB20  }
0x2c4: {  	[spmem:s2] =	stream.indirect.scatter.add.f32 [tilespmem:s22], [sflag:$0x2], $0x10, s3, s11, $0xb8;
	[tilespmem:$0x16F30] =	vst v63  }
0x2c5: {  	s7 =	sld [smem:$0x767];
	s30 =	simm.s32 $0xD020  }
0x2c6: {  	[spmem:s2] =	stream.indirect.scatter.add.f32 [tilespmem:s30], [sflag:$0x2], $0x10, s6, s11, $0xb8;
	[tilespmem:$0x16F30] =	vst v63  }
0x2c7: {  	s8 =	sld [smem:$0x768];
	s31 =	simm.s32 $0xD520  }
0x2c8: {  	[spmem:s2] =	stream.indirect.scatter.add.f32 [tilespmem:s31], [sflag:$0x2], $0x10, s7, s11, $0xb8;
	[tilespmem:$0x16F30] =	vst v63  }
0x2c9: {  	s9 =	sld [smem:$0x769];
	s0 =	simm.s32 $0xDA20  }
0x2ca: {  	[spmem:s2] =	stream.indirect.scatter.add.f32 [tilespmem:s0], [sflag:$0x2], $0x10, s8, s11, $0xb8;
	[tilespmem:$0x16F30] =	vst v63  }
0x2cb: {  	s10 =	sld [smem:$0x76A];
	s1 =	simm.s32 $0xDF20  }
0x2cc: {  	[spmem:s2] =	stream.indirect.scatter.add.f32 [tilespmem:s1], [sflag:$0x2], $0x10, s9, s11, $0xb8;
	[tilespmem:$0x16F30] =	vst v63  }
0x2cd: {  	s14 =	sld [smem:$0x76B];
	s3 =	simm.s32 $0xE420  }
0x2ce: {  	[spmem:s2] =	stream.indirect.scatter.add.f32 [tilespmem:s3], [sflag:$0x2], $0x10, s10, s11, $0xb8;
	[tilespmem:$0x16F30] =	vst v63  }
0x2cf: {  	s17 =	sld [smem:$0x76C];
	s5 =	simm.s32 $0xE920  }
0x2d0: {  	[spmem:s2] =	stream.indirect.scatter.add.f32 [tilespmem:s5], [sflag:$0x2], $0x10, s14, s11, $0xb8;
	[tilespmem:$0x16F30] =	vst v63  }
0x2d1: {  	s18 =	sld [smem:$0x76D];
	s8 =	simm.s32 $0xEE20  }
0x2d2: {  	[spmem:s2] =	stream.indirect.scatter.add.f32 [tilespmem:s8], [sflag:$0x2], $0x10, s17, s11, $0xb8;
	[tilespmem:$0x16F30] =	vst v63  }
0x2d3: {  	s19 =	sld [smem:$0x76E];
	s9 =	simm.s32 $0xF320  }
0x2d4: {  	[spmem:s2] =	stream.indirect.scatter.add.f32 [tilespmem:s9], [sflag:$0x2], $0x10, s18, s11, $0xb8;
	[tilespmem:$0x16F30] =	vst v63  }
0x2d5: {  	s20 =	sld [smem:$0x76F];
	s10 =	simm.s32 $0xF820  }
0x2d6: {  	[spmem:s2] =	stream.indirect.scatter.add.f32 [tilespmem:s10], [sflag:$0x2], $0x10, s19, s11, $0xb8;
	[tilespmem:$0x16F30] =	vst v63  }
0x2d7: {  	s21 =	sld [smem:$0x770];
	s14 =	simm.s32 $0xFD20  }
0x2d8: {  	[spmem:s2] =	stream.indirect.scatter.add.f32 [tilespmem:s14], [sflag:$0x2], $0x10, s20, s11, $0xb8;
	[tilespmem:$0x16F30] =	vst v63  }
0x2d9: {  	s23 =	sld [smem:$0x771];
	s17 =	simm.s32 $0x10220  }
0x2da: {  	[spmem:s2] =	stream.indirect.scatter.add.f32 [tilespmem:s17], [sflag:$0x2], $0x10, s21, s11, $0xb8;
	[tilespmem:$0x16F30] =	vst v63  }
0x2db: {  	s24 =	sld [smem:$0x772];
	s18 =	simm.s32 $0x10720  }
0x2dc: {  	[spmem:s2] =	stream.indirect.scatter.add.f32 [tilespmem:s18], [sflag:$0x2], $0x10, s23, s11, $0xb8;
	[tilespmem:$0x16F30] =	vst v63  }
0x2dd: {  	s25 =	sld [smem:$0x773];
	s19 =	simm.s32 $0x10C20  }
0x2de: {  	[spmem:s2] =	stream.indirect.scatter.add.f32 [tilespmem:s19], [sflag:$0x2], $0x10, s24, s11, $0xb8;
	[tilespmem:$0x16F30] =	vst v63  }
0x2df: {  	s26 =	sld [smem:$0x774];
	s21 =	simm.s32 $0x11120  }
0x2e0: {  	[spmem:s2] =	stream.indirect.scatter.add.f32 [tilespmem:s21], [sflag:$0x2], $0x10, s25, s11, $0xb8;
	[tilespmem:$0x16F30] =	vst v63  }
0x2e1: {  	s28 =	sld [smem:$0x775];
	s23 =	simm.s32 $0x11620  }
0x2e2: {  	[spmem:s2] =	stream.indirect.scatter.add.f32 [tilespmem:s23], [sflag:$0x2], $0x10, s26, s11, $0xb8;
	[tilespmem:$0x16F30] =	vst v63  }
0x2e3: {  	s29 =	sld [smem:$0x776];
	s24 =	simm.s32 $0x11B20  }
0x2e4: {  	[spmem:s2] =	stream.indirect.scatter.add.f32 [tilespmem:s24], [sflag:$0x2], $0x10, s28, s11, $0xb8;
	[tilespmem:$0x16F30] =	vst v63  }
0x2e5: {  	s6 =	sld [smem:$0x777];
	s25 =	simm.s32 $0x12020  }
0x2e6: {  	[spmem:s2] =	stream.indirect.scatter.add.f32 [tilespmem:s25], [sflag:$0x2], $0x10, s29, s11, $0xb8;
	[tilespmem:$0x16F30] =	vst v63  }
0x2e7: {  	s7 =	sld [smem:$0x778];
	s26 =	simm.s32 $0x12520  }
0x2e8: {  	[spmem:s2] =	stream.indirect.scatter.add.f32 [tilespmem:s26], [sflag:$0x2], $0x10, s6, s11, $0xb8;
	[tilespmem:$0x16F30] =	vst v63  }
0x2e9: {  	s20 =	sld [smem:$0x779];
	s28 =	simm.s32 $0x12A20  }
0x2ea: {  	[spmem:s2] =	stream.indirect.scatter.add.f32 [tilespmem:s28], [sflag:$0x2], $0x10, s7, s11, $0xb8;
	[tilespmem:$0x16F30] =	vst v63  }
0x2eb: {  	s29 =	simm.s32 $0x12F20;
	s6 =	sld [smem:$0x77A]  }
0x2ec: {  	[spmem:s2] =	stream.indirect.scatter.add.f32 [tilespmem:s29], [sflag:$0x2], $0x10, s20, s11, $0xb8;
	[tilespmem:$0x16F30] =	vst v63  }
0x2ed: {  	s7 =	sld [smem:$0x77B];
	s20 =	simm.s32 $0x13420  }
0x2ee: {  	[spmem:s2] =	stream.indirect.scatter.add.f32 [tilespmem:s20], [sflag:$0x2], $0x10, s6, s11, $0xb8;
	[tilespmem:$0x16F30] =	vst v63  }
0x2ef: {  	s15 =	sld [smem:$0x77C];
	s6 =	simm.s32 $0x13920  }
0x2f0: {  	[spmem:s2] =	stream.indirect.scatter.add.f32 [tilespmem:s6], [sflag:$0x2], $0x10, s7, s11, $0xb8;
	[tilespmem:$0x16F30] =	vst v63  }
0x2f1: {  	s16 =	sld [smem:$0x77D];
	s7 =	simm.s32 $0x13E20  }
0x2f2: {  	[spmem:s2] =	stream.indirect.scatter.add.f32 [tilespmem:s7], [sflag:$0x2], $0x10, s15, s11, $0xb8;
	[tilespmem:$0x16F30] =	vst v63  }
0x2f3: {  	s15 =	simm.s32 $0x14320  }
0x2f4: {  	[spmem:s2] =	stream.indirect.scatter.add.f32 [tilespmem:s15], [sflag:$0x2], $0x10, s16, s11, $0xb8;
	[tilespmem:$0x16F30] =	vst v63  }
0x2f5: {  	_ =	swait.ge [sflag:s12], $0x500  }
0x2f6: {  	[sflag:s12] =	ssyncset.done $0x0  }
0x2f7: {  	[sflag:s12] =	ssyncadd.s32 $0xFFFFFB00  }
0x2f8: {  	_ =	swait.ge [sflag:s12], $0x500  }
0x2f9: {  	[sflag:s12] =	ssyncset.done $0x0  }
0x2fa: {  	[sflag:s12] =	ssyncadd.s32 $0xFFFFFB00  }
0x2fb: {  	_ =	swait.ge [sflag:s12], $0x500  }
0x2fc: {  	[sflag:s12] =	ssyncset.done $0x0  }
0x2fd: {  	[sflag:s12] =	ssyncadd.s32 $0xFFFFFB00  }
0x2fe: {  	_ =	swait.ge [sflag:s12], $0x500  }
0x2ff: {  	[sflag:s12] =	ssyncset.done $0x0  }
0x300: {  	[sflag:s12] =	ssyncadd.s32 $0xFFFFFB00  }
0x301: {  	_ =	swait.ge [sflag:s12], $0x500  }
0x302: {  	[sflag:s12] =	ssyncset.done $0x0  }
0x303: {  	[sflag:s12] =	ssyncadd.s32 $0xFFFFFB00  }
0x304: {  	_ =	swait.ge [sflag:s12], $0x500  }
0x305: {  	[sflag:s12] =	ssyncset.done $0x0  }
0x306: {  	[sflag:s12] =	ssyncadd.s32 $0xFFFFFB00  }
0x307: {  	_ =	swait.ge [sflag:s12], $0x500  }
0x308: {  	[sflag:s12] =	ssyncset.done $0x0  }
0x309: {  	[sflag:s12] =	ssyncadd.s32 $0xFFFFFB00  }
0x30a: {  	_ =	swait.ge [sflag:s12], $0x500  }
0x30b: {  	[sflag:s12] =	ssyncset.done $0x0  }
0x30c: {  	[sflag:s12] =	ssyncadd.s32 $0xFFFFFB00  }
0x30d: {  	_ =	swait.ge [sflag:s12], $0x500  }
0x30e: {  	[sflag:s12] =	ssyncset.done $0x0  }
0x30f: {  	[sflag:s12] =	ssyncadd.s32 $0xFFFFFB00  }
0x310: {  	_ =	swait.ge [sflag:s12], $0x500  }
0x311: {  	[sflag:s12] =	ssyncset.done $0x0  }
0x312: {  	[sflag:s12] =	ssyncadd.s32 $0xFFFFFB00  }
0x313: {  	_ =	swait.ge [sflag:s12], $0x500  }
0x314: {  	[sflag:s12] =	ssyncset.done $0x0  }
0x315: {  	[sflag:s12] =	ssyncadd.s32 $0xFFFFFB00  }
0x316: {  	_ =	swait.ge [sflag:s12], $0x500  }
0x317: {  	[sflag:s12] =	ssyncset.done $0x0  }
0x318: {  	[sflag:s12] =	ssyncadd.s32 $0xFFFFFB00  }
0x319: {  	_ =	swait.ge [sflag:s12], $0x500  }
0x31a: {  	[sflag:s12] =	ssyncset.done $0x0  }
0x31b: {  	[sflag:s12] =	ssyncadd.s32 $0xFFFFFB00  }
0x31c: {  	_ =	swait.ge [sflag:s12], $0x500  }
0x31d: {  	[sflag:s12] =	ssyncset.done $0x0  }
0x31e: {  	[sflag:s12] =	ssyncadd.s32 $0xFFFFFB00  }
0x31f: {  	_ =	swait.ge [sflag:s12], $0x500  }
0x320: {  	[sflag:s12] =	ssyncset.done $0x0  }
0x321: {  	[sflag:s12] =	ssyncadd.s32 $0xFFFFFB00  }
0x322: {  	_ =	swait.ge [sflag:s12], $0x500  }
0x323: {  	[sflag:s12] =	ssyncset.done $0x0  }
0x324: {  	[sflag:s12] =	ssyncadd.s32 $0xFFFFFB00  }
0x325: {  	_ =	swait.ge [sflag:s12], $0x500  }
0x326: {  	[sflag:s12] =	ssyncset.done $0x0  }
0x327: {  	[sflag:s12] =	ssyncadd.s32 $0xFFFFFB00  }
0x328: {  	_ =	swait.ge [sflag:s12], $0x500  }
0x329: {  	[sflag:s12] =	ssyncset.done $0x0  }
0x32a: {  	[sflag:s12] =	ssyncadd.s32 $0xFFFFFB00  }
0x32b: {  	_ =	swait.ge [sflag:s12], $0x500  }
0x32c: {  	[sflag:s12] =	ssyncset.done $0x0  }
0x32d: {  	[sflag:s12] =	ssyncadd.s32 $0xFFFFFB00  }
0x32e: {  	_ =	swait.ge [sflag:s12], $0x500  }
0x32f: {  	[sflag:s12] =	ssyncset.done $0x0  }
0x330: {  	[sflag:s12] =	ssyncadd.s32 $0xFFFFFB00  }
0x331: {  	_ =	swait.ge [sflag:s12], $0x500  }
0x332: {  	[sflag:s12] =	ssyncset.done $0x0  }
0x333: {  	[sflag:s12] =	ssyncadd.s32 $0xFFFFFB00  }
0x334: {  	_ =	swait.ge [sflag:s12], $0x500  }
0x335: {  	[sflag:s12] =	ssyncset.done $0x0  }
0x336: {  	[sflag:s12] =	ssyncadd.s32 $0xFFFFFB00  }
0x337: {  	_ =	swait.ge [sflag:s12], $0x500  }
0x338: {  	[sflag:s12] =	ssyncset.done $0x0  }
0x339: {  	[sflag:s12] =	ssyncadd.s32 $0xFFFFFB00  }
0x33a: {  	_ =	swait.ge [sflag:s12], $0x500  }
0x33b: {  	[sflag:s12] =	ssyncset.done $0x0  }
0x33c: {  	[sflag:s12] =	ssyncadd.s32 $0xFFFFFB00  }
0x33d: {  	_ =	swait.ge [sflag:s12], $0x500  }
0x33e: {  	[sflag:s12] =	ssyncset.done $0x0  }
0x33f: {  	[sflag:s12] =	ssyncadd.s32 $0xFFFFFB00  }
0x340: {  	_ =	swait.ge [sflag:s13], $0x500  }
0x341: {  	[sflag:s13] =	ssyncset.done $0x0  }
0x342: {  	[sflag:s13] =	ssyncadd.s32 $0xFFFFFB00  }
0x343: {  	_ =	swait.ge [sflag:s13], $0x500  }
0x344: {  	[sflag:s13] =	ssyncset.done $0x0  }
0x345: {  	[sflag:s13] =	ssyncadd.s32 $0xFFFFFB00  }
0x346: {  	_ =	swait.ge [sflag:s13], $0x500  }
0x347: {  	[sflag:s13] =	ssyncset.done $0x0  }
0x348: {  	[sflag:s13] =	ssyncadd.s32 $0xFFFFFB00  }
0x349: {  	_ =	swait.ge [sflag:s13], $0x500  }
0x34a: {  	[sflag:s13] =	ssyncset.done $0x0  }
0x34b: {  	[sflag:s13] =	ssyncadd.s32 $0xFFFFFB00  }
0x34c: {  	_ =	swait.ge [sflag:s13], $0x500  }
0x34d: {  	[sflag:s13] =	ssyncset.done $0x0  }
0x34e: {  	[sflag:s13] =	ssyncadd.s32 $0xFFFFFB00  }
0x34f: {  	_ =	swait.ge [sflag:s13], $0x500  }
0x350: {  	[sflag:s13] =	ssyncset.done $0x0  }
0x351: {  	[sflag:s13] =	ssyncadd.s32 $0xFFFFFB00  }
0x352: {  	_ =	swait.ge [sflag:s13], $0x500  }
0x353: {  	[sflag:s13] =	ssyncset.done $0x0  }
0x354: {  	[sflag:s13] =	ssyncadd.s32 $0xFFFFFB00  }
0x355: {  	_ =	swait.ge [sflag:s13], $0x500  }
0x356: {  	[sflag:s13] =	ssyncset.done $0x0  }
0x357: {  	[sflag:s13] =	ssyncadd.s32 $0xFFFFFB00  }
0x358: {  	_ =	swait.ge [sflag:s13], $0x500  }
0x359: {  	[sflag:s13] =	ssyncset.done $0x0  }
0x35a: {  	[sflag:s13] =	ssyncadd.s32 $0xFFFFFB00  }
0x35b: {  	_ =	swait.ge [sflag:s13], $0x500  }
0x35c: {  	[sflag:s13] =	ssyncset.done $0x0  }
0x35d: {  	[sflag:s13] =	ssyncadd.s32 $0xFFFFFB00  }
0x35e: {  	_ =	swait.ge [sflag:s13], $0x500  }
0x35f: {  	[sflag:s13] =	ssyncset.done $0x0  }
0x360: {  	[sflag:s13] =	ssyncadd.s32 $0xFFFFFB00  }
0x361: {  	_ =	swait.ge [sflag:s13], $0x500  }
0x362: {  	[sflag:s13] =	ssyncset.done $0x0  }
0x363: {  	[sflag:s13] =	ssyncadd.s32 $0xFFFFFB00  }
0x364: {  	_ =	swait.ge [sflag:s13], $0x500  }
0x365: {  	[sflag:s13] =	ssyncset.done $0x0  }
0x366: {  	[sflag:s13] =	ssyncadd.s32 $0xFFFFFB00  }
0x367: {  	_ =	swait.ge [sflag:s13], $0x500  }
0x368: {  	[sflag:s13] =	ssyncset.done $0x0  }
0x369: {  	[sflag:s13] =	ssyncadd.s32 $0xFFFFFB00  }
0x36a: {  	_ =	swait.ge [sflag:s13], $0x500  }
0x36b: {  	[sflag:s13] =	ssyncset.done $0x0  }
0x36c: {  	[sflag:s13] =	ssyncadd.s32 $0xFFFFFB00  }
0x36d: {  	_ =	swait.ge [sflag:s13], $0x500  }
0x36e: {  	[sflag:s13] =	ssyncset.done $0x0  }
0x36f: {  	[sflag:s13] =	ssyncadd.s32 $0xFFFFFB00  }
0x370: {  	_ =	swait.ge [sflag:s13], $0x500  }
0x371: {  	[sflag:s13] =	ssyncset.done $0x0  }
0x372: {  	[sflag:s13] =	ssyncadd.s32 $0xFFFFFB00  }
0x373: {  	_ =	swait.ge [sflag:s13], $0x500  }
0x374: {  	[sflag:s13] =	ssyncset.done $0x0  }
0x375: {  	[sflag:s13] =	ssyncadd.s32 $0xFFFFFB00  }
0x376: {  	_ =	swait.ge [sflag:s13], $0x500  }
0x377: {  	[sflag:s13] =	ssyncset.done $0x0  }
0x378: {  	[sflag:s13] =	ssyncadd.s32 $0xFFFFFB00  }
0x379: {  	_ =	swait.ge [sflag:s13], $0x500  }
0x37a: {  	[sflag:s13] =	ssyncset.done $0x0  }
0x37b: {  	[sflag:s13] =	ssyncadd.s32 $0xFFFFFB00  }
0x37c: {  	_ =	swait.ge [sflag:s13], $0x500  }
0x37d: {  	[sflag:s13] =	ssyncset.done $0x0  }
0x37e: {  	[sflag:s13] =	ssyncadd.s32 $0xFFFFFB00  }
0x37f: {  	_ =	swait.ge [sflag:s13], $0x500  }
0x380: {  	[sflag:s13] =	ssyncset.done $0x0  }
0x381: {  	[sflag:s13] =	ssyncadd.s32 $0xFFFFFB00  }
0x382: {  	_ =	swait.ge [sflag:s13], $0x500  }
0x383: {  	[sflag:s13] =	ssyncset.done $0x0  }
0x384: {  	[sflag:s13] =	ssyncadd.s32 $0xFFFFFB00  }
0x385: {  	_ =	swait.ge [sflag:s13], $0x500  }
0x386: {  	[sflag:s13] =	ssyncset.done $0x0  }
0x387: {  	[sflag:s13] =	ssyncadd.s32 $0xFFFFFB00  }
0x388: {  	_ =	swait.ge [sflag:s13], $0x500  }
0x389: {  	s15 =	sld [smem:$0x77E]  }
0x38a: {  	[sflag:s13] =	ssyncset.done $0x0  }
0x38b: {  	s16 =	sld [smem:$0x77F];
	[sflag:s13] =	ssyncadd.s32 $0xFFFFFB00  }
0x38c: {  	[tilespmem:s22], [sflag:$0x1] =	stream.indirect.gather [hbm4b:s4+s11], $0x10, s15, s11, $0xb8;
	[tilespmem:$0x16F30] =	vst v63  }
0x38d: {  	s22 =	sld [smem:$0x780]  }
0x38e: {  	[tilespmem:s30], [sflag:$0x1] =	stream.indirect.gather [hbm4b:s4+s11], $0x10, s16, s11, $0xb8;
	[tilespmem:$0x16F30] =	vst v63  }
0x38f: {  	s30 =	sld [smem:$0x781]  }
0x390: {  	[tilespmem:s31], [sflag:$0x1] =	stream.indirect.gather [hbm4b:s4+s11], $0x10, s22, s11, $0xb8;
	[tilespmem:$0x16F30] =	vst v63  }
0x391: {  	s31 =	sld [smem:$0x782]  }
0x392: {  	[tilespmem:s0], [sflag:$0x1] =	stream.indirect.gather [hbm4b:s4+s11], $0x10, s30, s11, $0xb8;
	[tilespmem:$0x16F30] =	vst v63  }
0x393: {  	s0 =	sld [smem:$0x783]  }
0x394: {  	[tilespmem:s1], [sflag:$0x1] =	stream.indirect.gather [hbm4b:s4+s11], $0x10, s31, s11, $0xb8;
	[tilespmem:$0x16F30] =	vst v63  }
0x395: {  	s16 =	sld [smem:$0x784]  }
0x396: {  	[tilespmem:s3], [sflag:$0x1] =	stream.indirect.gather [hbm4b:s4+s11], $0x10, s0, s11, $0xb8;
	[tilespmem:$0x16F30] =	vst v63  }
0x397: {  	s3 =	sld [smem:$0x785]  }
0x398: {  	[tilespmem:s5], [sflag:$0x1] =	stream.indirect.gather [hbm4b:s4+s11], $0x10, s16, s11, $0xb8;
	[tilespmem:$0x16F30] =	vst v63  }
0x399: {  	s5 =	sld [smem:$0x786]  }
0x39a: {  	[tilespmem:s8], [sflag:$0x1] =	stream.indirect.gather [hbm4b:s4+s11], $0x10, s3, s11, $0xb8;
	[tilespmem:$0x16F30] =	vst v63  }
0x39b: {  	s8 =	sld [smem:$0x787]  }
0x39c: {  	[tilespmem:s9], [sflag:$0x1] =	stream.indirect.gather [hbm4b:s4+s11], $0x10, s5, s11, $0xb8;
	[tilespmem:$0x16F30] =	vst v63  }
0x39d: {  	s9 =	sld [smem:$0x788]  }
0x39e: {  	[tilespmem:s10], [sflag:$0x1] =	stream.indirect.gather [hbm4b:s4+s11], $0x10, s8, s11, $0xb8;
	[tilespmem:$0x16F30] =	vst v63  }
0x39f: {  	s10 =	sld [smem:$0x789]  }
0x3a0: {  	[tilespmem:s14], [sflag:$0x1] =	stream.indirect.gather [hbm4b:s4+s11], $0x10, s9, s11, $0xb8;
	[tilespmem:$0x16F30] =	vst v63  }
0x3a1: {  	s14 =	sld [smem:$0x78A]  }
0x3a2: {  	[tilespmem:s17], [sflag:$0x1] =	stream.indirect.gather [hbm4b:s4+s11], $0x10, s10, s11, $0xb8;
	[tilespmem:$0x16F30] =	vst v63  }
0x3a3: {  	s17 =	sld [smem:$0x78B]  }
0x3a4: {  	[tilespmem:s18], [sflag:$0x1] =	stream.indirect.gather [hbm4b:s4+s11], $0x10, s14, s11, $0xb8;
	[tilespmem:$0x16F30] =	vst v63  }
0x3a5: {  	s18 =	sld [smem:$0x78C]  }
0x3a6: {  	[tilespmem:s19], [sflag:$0x1] =	stream.indirect.gather [hbm4b:s4+s11], $0x10, s17, s11, $0xb8;
	[tilespmem:$0x16F30] =	vst v63  }
0x3a7: {  	s19 =	sld [smem:$0x78D]  }
0x3a8: {  	[tilespmem:s21], [sflag:$0x1] =	stream.indirect.gather [hbm4b:s4+s11], $0x10, s18, s11, $0xb8;
	[tilespmem:$0x16F30] =	vst v63  }
0x3a9: {  	s22 =	sld [smem:$0x78E]  }
0x3aa: {  	[tilespmem:s23], [sflag:$0x1] =	stream.indirect.gather [hbm4b:s4+s11], $0x10, s19, s11, $0xb8;
	[tilespmem:$0x16F30] =	vst v63  }
0x3ab: {  	s23 =	sld [smem:$0x78F]  }
0x3ac: {  	[tilespmem:s24], [sflag:$0x1] =	stream.indirect.gather [hbm4b:s4+s11], $0x10, s22, s11, $0xb8;
	[tilespmem:$0x16F30] =	vst v63  }
0x3ad: {  	s24 =	sld [smem:$0x790]  }
0x3ae: {  	[tilespmem:s25], [sflag:$0x1] =	stream.indirect.gather [hbm4b:s4+s11], $0x10, s23, s11, $0xb8;
	[tilespmem:$0x16F30] =	vst v63  }
0x3af: {  	s25 =	sld [smem:$0x791]  }
0x3b0: {  	[tilespmem:s26], [sflag:$0x1] =	stream.indirect.gather [hbm4b:s4+s11], $0x10, s24, s11, $0xb8;
	[tilespmem:$0x16F30] =	vst v63  }
0x3b1: {  	s26 =	sld [smem:$0x792]  }
0x3b2: {  	[tilespmem:s28], [sflag:$0x1] =	stream.indirect.gather [hbm4b:s4+s11], $0x10, s25, s11, $0xb8;
	[tilespmem:$0x16F30] =	vst v63  }
0x3b3: {  	s28 =	sld [smem:$0x793]  }
0x3b4: {  	[tilespmem:s29], [sflag:$0x1] =	stream.indirect.gather [hbm4b:s4+s11], $0x10, s26, s11, $0xb8;
	[tilespmem:$0x16F30] =	vst v63  }
0x3b5: {  	s30 =	sld [smem:$0x794]  }
0x3b6: {  	[tilespmem:s20], [sflag:$0x1] =	stream.indirect.gather [hbm4b:s4+s11], $0x10, s28, s11, $0xb8;
	[tilespmem:$0x16F30] =	vst v63  }
0x3b7: {  	s31 =	sld [smem:$0x795]  }
0x3b8: {  	[tilespmem:s6], [sflag:$0x1] =	stream.indirect.gather [hbm4b:s4+s11], $0x10, s30, s11, $0xb8;
	[tilespmem:$0x16F30] =	vst v63  }
0x3b9: {  	s0 =	sld [smem:$0x796]  }
0x3ba: {  	[tilespmem:s7], [sflag:$0x1] =	stream.indirect.gather [hbm4b:s4+s11], $0x10, s31, s11, $0xb8;
	[tilespmem:$0x16F30] =	vst v63  }
0x3bb: {  	s1 =	sld [smem:$0x797];
	s3 =	simm.s32 $0x14320  }
0x3bc: {  	[tilespmem:s3], [sflag:$0x1] =	stream.indirect.gather [hbm4b:s4+s11], $0x10, s0, s11, $0xb8;
	[tilespmem:$0x16F30] =	vst v63  }
0x3bd: {  	s5 =	sld [smem:$0x798];
	s6 =	simm.s32 $0x4E20  }
0x3be: {  	[spmem:s2] =	stream.indirect.scatter.add.f32 [tilespmem:s6], [sflag:$0x2], $0x10, s1, s11, $0xb8;
	[tilespmem:$0x16F30] =	vst v63  }
0x3bf: {  	s8 =	simm.s32 $0x5320;
	s7 =	sld [smem:$0x799]  }
0x3c0: {  	[spmem:s2] =	stream.indirect.scatter.add.f32 [tilespmem:s8], [sflag:$0x2], $0x10, s5, s11, $0xb8;
	[tilespmem:$0x16F30] =	vst v63  }
0x3c1: {  	s9 =	sld [smem:$0x79A];
	s10 =	simm.s32 $0x5820  }
0x3c2: {  	[spmem:s2] =	stream.indirect.scatter.add.f32 [tilespmem:s10], [sflag:$0x2], $0x10, s7, s11, $0xb8;
	[tilespmem:$0x16F30] =	vst v63  }
0x3c3: {  	s14 =	sld [smem:$0x79B];
	s17 =	simm.s32 $0x5D20  }
0x3c4: {  	[spmem:s2] =	stream.indirect.scatter.add.f32 [tilespmem:s17], [sflag:$0x2], $0x10, s9, s11, $0xb8;
	[tilespmem:$0x16F30] =	vst v63  }
0x3c5: {  	s18 =	sld [smem:$0x79C];
	s20 =	simm.s32 $0x6220  }
0x3c6: {  	[spmem:s2] =	stream.indirect.scatter.add.f32 [tilespmem:s20], [sflag:$0x2], $0x10, s14, s11, $0xb8;
	[tilespmem:$0x16F30] =	vst v63  }
0x3c7: {  	s21 =	sld [smem:$0x79D];
	s22 =	simm.s32 $0x6720  }
0x3c8: {  	[spmem:s2] =	stream.indirect.scatter.add.f32 [tilespmem:s22], [sflag:$0x2], $0x10, s18, s11, $0xb8;
	[tilespmem:$0x16F30] =	vst v63  }
0x3c9: {  	s23 =	sld [smem:$0x79E];
	s24 =	simm.s32 $0x6C20  }
0x3ca: {  	[spmem:s2] =	stream.indirect.scatter.add.f32 [tilespmem:s24], [sflag:$0x2], $0x10, s21, s11, $0xb8;
	[tilespmem:$0x16F30] =	vst v63  }
0x3cb: {  	s25 =	sld [smem:$0x79F];
	s26 =	simm.s32 $0x7120  }
0x3cc: {  	[spmem:s2] =	stream.indirect.scatter.add.f32 [tilespmem:s26], [sflag:$0x2], $0x10, s23, s11, $0xb8;
	[tilespmem:$0x16F30] =	vst v63  }
0x3cd: {  	s30 =	sld [smem:$0x7A0];
	s31 =	simm.s32 $0x7620  }
0x3ce: {  	[spmem:s2] =	stream.indirect.scatter.add.f32 [tilespmem:s31], [sflag:$0x2], $0x10, s25, s11, $0xb8;
	[tilespmem:$0x16F30] =	vst v63  }
0x3cf: {  	s6 =	sld [smem:$0x7A1];
	s10 =	simm.s32 $0x7B20  }
0x3d0: {  	[spmem:s2] =	stream.indirect.scatter.add.f32 [tilespmem:s10], [sflag:$0x2], $0x10, s30, s11, $0xb8;
	[tilespmem:$0x16F30] =	vst v63  }
0x3d1: {  	s17 =	simm.s32 $0x8020;
	s14 =	sld [smem:$0x7A2]  }
0x3d2: {  	[spmem:s2] =	stream.indirect.scatter.add.f32 [tilespmem:s17], [sflag:$0x2], $0x10, s6, s11, $0xb8;
	[tilespmem:$0x16F30] =	vst v63  }
0x3d3: {  	s20 =	simm.s32 $0x8520;
	s18 =	sld [smem:$0x7A3]  }
0x3d4: {  	[spmem:s2] =	stream.indirect.scatter.add.f32 [tilespmem:s20], [sflag:$0x2], $0x10, s14, s11, $0xb8;
	[tilespmem:$0x16F30] =	vst v63  }
0x3d5: {  	s22 =	simm.s32 $0x8A20;
	s21 =	sld [smem:$0x7A4]  }
0x3d6: {  	[spmem:s2] =	stream.indirect.scatter.add.f32 [tilespmem:s22], [sflag:$0x2], $0x10, s18, s11, $0xb8;
	[tilespmem:$0x16F30] =	vst v63  }
0x3d7: {  	s24 =	simm.s32 $0x8F20;
	s23 =	sld [smem:$0x7A5]  }
0x3d8: {  	[spmem:s2] =	stream.indirect.scatter.add.f32 [tilespmem:s24], [sflag:$0x2], $0x10, s21, s11, $0xb8;
	[tilespmem:$0x16F30] =	vst v63  }
0x3d9: {  	s26 =	simm.s32 $0x9420;
	s25 =	sld [smem:$0x7A6]  }
0x3da: {  	[spmem:s2] =	stream.indirect.scatter.add.f32 [tilespmem:s26], [sflag:$0x2], $0x10, s23, s11, $0xb8;
	[tilespmem:$0x16F30] =	vst v63  }
0x3db: {  	s10 =	sld [smem:$0x7A7];
	s14 =	simm.s32 $0x9920  }
0x3dc: {  	[spmem:s2] =	stream.indirect.scatter.add.f32 [tilespmem:s14], [sflag:$0x2], $0x10, s25, s11, $0xb8;
	[tilespmem:$0x16F30] =	vst v63  }
0x3dd: {  	s18 =	sld [smem:$0x7A8];
	s24 =	simm.s32 $0x9E20  }
0x3de: {  	[spmem:s2] =	stream.indirect.scatter.add.f32 [tilespmem:s24], [sflag:$0x2], $0x10, s10, s11, $0xb8;
	[tilespmem:$0x16F30] =	vst v63  }
0x3df: {  	s26 =	simm.s32 $0xA320;
	s25 =	sld [smem:$0x7A9]  }
0x3e0: {  	[spmem:s2] =	stream.indirect.scatter.add.f32 [tilespmem:s26], [sflag:$0x2], $0x10, s18, s11, $0xb8;
	[tilespmem:$0x16F30] =	vst v63  }
0x3e1: {  	s14 =	simm.s32 $0xA820;
	s10 =	sld [smem:$0x7AA]  }
0x3e2: {  	[spmem:s2] =	stream.indirect.scatter.add.f32 [tilespmem:s14], [sflag:$0x2], $0x10, s25, s11, $0xb8;
	[tilespmem:$0x16F30] =	vst v63  }
0x3e3: {  	s18 =	sld [smem:$0x7AB];
	s26 =	simm.s32 $0xAD20  }
0x3e4: {  	[spmem:s2] =	stream.indirect.scatter.add.f32 [tilespmem:s26], [sflag:$0x2], $0x10, s10, s11, $0xb8;
	[tilespmem:$0x16F30] =	vst v63  }
0x3e5: {  	s14 =	simm.s32 $0xB220;
	s10 =	sld [smem:$0x7AC]  }
0x3e6: {  	[spmem:s2] =	stream.indirect.scatter.add.f32 [tilespmem:s14], [sflag:$0x2], $0x10, s18, s11, $0xb8;
	[tilespmem:$0x16F30] =	vst v63  }
0x3e7: {  	s15 =	sld [smem:$0x7AD];
	s18 =	simm.s32 $0xB720  }
0x3e8: {  	[spmem:s2] =	stream.indirect.scatter.add.f32 [tilespmem:s18], [sflag:$0x2], $0x10, s10, s11, $0xb8;
	[tilespmem:$0x16F30] =	vst v63  }
0x3e9: {  	s16 =	sld [smem:$0x7AE];
	s14 =	simm.s32 $0xBC20  }
0x3ea: {  	[spmem:s2] =	stream.indirect.scatter.add.f32 [tilespmem:s14], [sflag:$0x2], $0x10, s15, s11, $0xb8;
	[tilespmem:$0x16F30] =	vst v63  }
0x3eb: {  	s15 =	sld [smem:$0x7AF];
	s14 =	simm.s32 $0xC120  }
0x3ec: {  	[spmem:s2] =	stream.indirect.scatter.add.f32 [tilespmem:s14], [sflag:$0x2], $0x10, s16, s11, $0xb8;
	[tilespmem:$0x16F30] =	vst v63  }
0x3ed: {  	s16 =	simm.s32 $0xC620  }
0x3ee: {  	[spmem:s2] =	stream.indirect.scatter.add.f32 [tilespmem:s16], [sflag:$0x2], $0x10, s15, s11, $0xb8;
	[tilespmem:$0x16F30] =	vst v63  }
0x3ef: {  	_ =	swait.ge [sflag:s12], $0x500  }
0x3f0: {  	[sflag:s12] =	ssyncset.done $0x0  }
0x3f1: {  	[sflag:s12] =	ssyncadd.s32 $0xFFFFFB00  }
0x3f2: {  	_ =	swait.ge [sflag:s12], $0x500  }
0x3f3: {  	[sflag:s12] =	ssyncset.done $0x0  }
0x3f4: {  	[sflag:s12] =	ssyncadd.s32 $0xFFFFFB00  }
0x3f5: {  	_ =	swait.ge [sflag:s12], $0x500  }
0x3f6: {  	[sflag:s12] =	ssyncset.done $0x0  }
0x3f7: {  	[sflag:s12] =	ssyncadd.s32 $0xFFFFFB00  }
0x3f8: {  	_ =	swait.ge [sflag:s12], $0x500  }
0x3f9: {  	[sflag:s12] =	ssyncset.done $0x0  }
0x3fa: {  	[sflag:s12] =	ssyncadd.s32 $0xFFFFFB00  }
0x3fb: {  	_ =	swait.ge [sflag:s12], $0x500  }
0x3fc: {  	[sflag:s12] =	ssyncset.done $0x0  }
0x3fd: {  	[sflag:s12] =	ssyncadd.s32 $0xFFFFFB00  }
0x3fe: {  	_ =	swait.ge [sflag:s12], $0x500  }
0x3ff: {  	[sflag:s12] =	ssyncset.done $0x0  }
0x400: {  	[sflag:s12] =	ssyncadd.s32 $0xFFFFFB00  }
0x401: {  	_ =	swait.ge [sflag:s12], $0x500  }
0x402: {  	[sflag:s12] =	ssyncset.done $0x0  }
0x403: {  	[sflag:s12] =	ssyncadd.s32 $0xFFFFFB00  }
0x404: {  	_ =	swait.ge [sflag:s12], $0x500  }
0x405: {  	[sflag:s12] =	ssyncset.done $0x0  }
0x406: {  	[sflag:s12] =	ssyncadd.s32 $0xFFFFFB00  }
0x407: {  	_ =	swait.ge [sflag:s12], $0x500  }
0x408: {  	[sflag:s12] =	ssyncset.done $0x0  }
0x409: {  	[sflag:s12] =	ssyncadd.s32 $0xFFFFFB00  }
0x40a: {  	_ =	swait.ge [sflag:s12], $0x500  }
0x40b: {  	[sflag:s12] =	ssyncset.done $0x0  }
0x40c: {  	[sflag:s12] =	ssyncadd.s32 $0xFFFFFB00  }
0x40d: {  	_ =	swait.ge [sflag:s12], $0x500  }
0x40e: {  	[sflag:s12] =	ssyncset.done $0x0  }
0x40f: {  	[sflag:s12] =	ssyncadd.s32 $0xFFFFFB00  }
0x410: {  	_ =	swait.ge [sflag:s12], $0x500  }
0x411: {  	[sflag:s12] =	ssyncset.done $0x0  }
0x412: {  	[sflag:s12] =	ssyncadd.s32 $0xFFFFFB00  }
0x413: {  	_ =	swait.ge [sflag:s12], $0x500  }
0x414: {  	[sflag:s12] =	ssyncset.done $0x0  }
0x415: {  	[sflag:s12] =	ssyncadd.s32 $0xFFFFFB00  }
0x416: {  	_ =	swait.ge [sflag:s12], $0x500  }
0x417: {  	[sflag:s12] =	ssyncset.done $0x0  }
0x418: {  	[sflag:s12] =	ssyncadd.s32 $0xFFFFFB00  }
0x419: {  	_ =	swait.ge [sflag:s12], $0x500  }
0x41a: {  	[sflag:s12] =	ssyncset.done $0x0  }
0x41b: {  	[sflag:s12] =	ssyncadd.s32 $0xFFFFFB00  }
0x41c: {  	_ =	swait.ge [sflag:s12], $0x500  }
0x41d: {  	[sflag:s12] =	ssyncset.done $0x0  }
0x41e: {  	[sflag:s12] =	ssyncadd.s32 $0xFFFFFB00  }
0x41f: {  	_ =	swait.ge [sflag:s12], $0x500  }
0x420: {  	[sflag:s12] =	ssyncset.done $0x0  }
0x421: {  	[sflag:s12] =	ssyncadd.s32 $0xFFFFFB00  }
0x422: {  	_ =	swait.ge [sflag:s12], $0x500  }
0x423: {  	[sflag:s12] =	ssyncset.done $0x0  }
0x424: {  	[sflag:s12] =	ssyncadd.s32 $0xFFFFFB00  }
0x425: {  	_ =	swait.ge [sflag:s12], $0x500  }
0x426: {  	[sflag:s12] =	ssyncset.done $0x0  }
0x427: {  	[sflag:s12] =	ssyncadd.s32 $0xFFFFFB00  }
0x428: {  	_ =	swait.ge [sflag:s12], $0x500  }
0x429: {  	[sflag:s12] =	ssyncset.done $0x0  }
0x42a: {  	[sflag:s12] =	ssyncadd.s32 $0xFFFFFB00  }
0x42b: {  	_ =	swait.ge [sflag:s12], $0x500  }
0x42c: {  	[sflag:s12] =	ssyncset.done $0x0  }
0x42d: {  	[sflag:s12] =	ssyncadd.s32 $0xFFFFFB00  }
0x42e: {  	_ =	swait.ge [sflag:s12], $0x500  }
0x42f: {  	[sflag:s12] =	ssyncset.done $0x0  }
0x430: {  	[sflag:s12] =	ssyncadd.s32 $0xFFFFFB00  }
0x431: {  	_ =	swait.ge [sflag:s12], $0x500  }
0x432: {  	[sflag:s12] =	ssyncset.done $0x0  }
0x433: {  	[sflag:s12] =	ssyncadd.s32 $0xFFFFFB00  }
0x434: {  	_ =	swait.ge [sflag:s12], $0x500  }
0x435: {  	[sflag:s12] =	ssyncset.done $0x0  }
0x436: {  	[sflag:s12] =	ssyncadd.s32 $0xFFFFFB00  }
0x437: {  	_ =	swait.ge [sflag:s12], $0x500  }
0x438: {  	[sflag:s12] =	ssyncset.done $0x0  }
0x439: {  	[sflag:s12] =	ssyncadd.s32 $0xFFFFFB00  }
0x43a: {  	_ =	swait.ge [sflag:s13], $0x500  }
0x43b: {  	[sflag:s13] =	ssyncset.done $0x0  }
0x43c: {  	[sflag:s13] =	ssyncadd.s32 $0xFFFFFB00  }
0x43d: {  	_ =	swait.ge [sflag:s13], $0x500  }
0x43e: {  	[sflag:s13] =	ssyncset.done $0x0  }
0x43f: {  	[sflag:s13] =	ssyncadd.s32 $0xFFFFFB00  }
0x440: {  	_ =	swait.ge [sflag:s13], $0x500  }
0x441: {  	[sflag:s13] =	ssyncset.done $0x0  }
0x442: {  	[sflag:s13] =	ssyncadd.s32 $0xFFFFFB00  }
0x443: {  	_ =	swait.ge [sflag:s13], $0x500  }
0x444: {  	[sflag:s13] =	ssyncset.done $0x0  }
0x445: {  	[sflag:s13] =	ssyncadd.s32 $0xFFFFFB00  }
0x446: {  	_ =	swait.ge [sflag:s13], $0x500  }
0x447: {  	[sflag:s13] =	ssyncset.done $0x0  }
0x448: {  	[sflag:s13] =	ssyncadd.s32 $0xFFFFFB00  }
0x449: {  	_ =	swait.ge [sflag:s13], $0x500  }
0x44a: {  	[sflag:s13] =	ssyncset.done $0x0  }
0x44b: {  	[sflag:s13] =	ssyncadd.s32 $0xFFFFFB00  }
0x44c: {  	_ =	swait.ge [sflag:s13], $0x500  }
0x44d: {  	[sflag:s13] =	ssyncset.done $0x0  }
0x44e: {  	[sflag:s13] =	ssyncadd.s32 $0xFFFFFB00  }
0x44f: {  	_ =	swait.ge [sflag:s13], $0x500  }
0x450: {  	[sflag:s13] =	ssyncset.done $0x0  }
0x451: {  	[sflag:s13] =	ssyncadd.s32 $0xFFFFFB00  }
0x452: {  	_ =	swait.ge [sflag:s13], $0x500  }
0x453: {  	[sflag:s13] =	ssyncset.done $0x0  }
0x454: {  	[sflag:s13] =	ssyncadd.s32 $0xFFFFFB00  }
0x455: {  	_ =	swait.ge [sflag:s13], $0x500  }
0x456: {  	[sflag:s13] =	ssyncset.done $0x0  }
0x457: {  	[sflag:s13] =	ssyncadd.s32 $0xFFFFFB00  }
0x458: {  	_ =	swait.ge [sflag:s13], $0x500  }
0x459: {  	[sflag:s13] =	ssyncset.done $0x0  }
0x45a: {  	[sflag:s13] =	ssyncadd.s32 $0xFFFFFB00  }
0x45b: {  	_ =	swait.ge [sflag:s13], $0x500  }
0x45c: {  	[sflag:s13] =	ssyncset.done $0x0  }
0x45d: {  	[sflag:s13] =	ssyncadd.s32 $0xFFFFFB00  }
0x45e: {  	_ =	swait.ge [sflag:s13], $0x500  }
0x45f: {  	[sflag:s13] =	ssyncset.done $0x0  }
0x460: {  	[sflag:s13] =	ssyncadd.s32 $0xFFFFFB00  }
0x461: {  	_ =	swait.ge [sflag:s13], $0x500  }
0x462: {  	[sflag:s13] =	ssyncset.done $0x0  }
0x463: {  	[sflag:s13] =	ssyncadd.s32 $0xFFFFFB00  }
0x464: {  	_ =	swait.ge [sflag:s13], $0x500  }
0x465: {  	[sflag:s13] =	ssyncset.done $0x0  }
0x466: {  	[sflag:s13] =	ssyncadd.s32 $0xFFFFFB00  }
0x467: {  	_ =	swait.ge [sflag:s13], $0x500  }
0x468: {  	[sflag:s13] =	ssyncset.done $0x0  }
0x469: {  	[sflag:s13] =	ssyncadd.s32 $0xFFFFFB00  }
0x46a: {  	_ =	swait.ge [sflag:s13], $0x500  }
0x46b: {  	[sflag:s13] =	ssyncset.done $0x0  }
0x46c: {  	[sflag:s13] =	ssyncadd.s32 $0xFFFFFB00  }
0x46d: {  	_ =	swait.ge [sflag:s13], $0x500  }
0x46e: {  	[sflag:s13] =	ssyncset.done $0x0  }
0x46f: {  	[sflag:s13] =	ssyncadd.s32 $0xFFFFFB00  }
0x470: {  	_ =	swait.ge [sflag:s13], $0x500  }
0x471: {  	[sflag:s13] =	ssyncset.done $0x0  }
0x472: {  	[sflag:s13] =	ssyncadd.s32 $0xFFFFFB00  }
0x473: {  	_ =	swait.ge [sflag:s13], $0x500  }
0x474: {  	[sflag:s13] =	ssyncset.done $0x0  }
0x475: {  	[sflag:s13] =	ssyncadd.s32 $0xFFFFFB00  }
0x476: {  	_ =	swait.ge [sflag:s13], $0x500  }
0x477: {  	[sflag:s13] =	ssyncset.done $0x0  }
0x478: {  	[sflag:s13] =	ssyncadd.s32 $0xFFFFFB00  }
0x479: {  	_ =	swait.ge [sflag:s13], $0x500  }
0x47a: {  	[sflag:s13] =	ssyncset.done $0x0  }
0x47b: {  	[sflag:s13] =	ssyncadd.s32 $0xFFFFFB00  }
0x47c: {  	_ =	swait.ge [sflag:s13], $0x500  }
0x47d: {  	[sflag:s13] =	ssyncset.done $0x0  }
0x47e: {  	[sflag:s13] =	ssyncadd.s32 $0xFFFFFB00  }
0x47f: {  	_ =	swait.ge [sflag:s13], $0x500  }
0x480: {  	[sflag:s13] =	ssyncset.done $0x0  }
0x481: {  	[sflag:s13] =	ssyncadd.s32 $0xFFFFFB00  }
0x482: {  	_ =	swait.ge [sflag:s13], $0x500  }
0x483: {  	s15 =	sld [smem:$0x7B0]  }
0x484: {  	[sflag:s13] =	ssyncset.done $0x0  }
0x485: {  	s0 =	simm.s32 $0x4E20;
	s16 =	sld [smem:$0x7B1];
	[sflag:s13] =	ssyncadd.s32 $0xFFFFFB00  }
0x486: {  	[tilespmem:s0], [sflag:$0x1] =	stream.indirect.gather [hbm4b:s4+s11], $0x10, s15, s11, $0xb8;
	[tilespmem:$0x16F30] =	vst v63  }
0x487: {  	s29 =	simm.s32 $0x5320;
	s0 =	sld [smem:$0x7B2]  }
0x488: {  	[tilespmem:s29], [sflag:$0x1] =	stream.indirect.gather [hbm4b:s4+s11], $0x10, s16, s11, $0xb8;
	[tilespmem:$0x16F30] =	vst v63  }
0x489: {  	s7 =	simm.s32 $0x5820;
	s16 =	sld [smem:$0x7B3]  }
0x48a: {  	[tilespmem:s7], [sflag:$0x1] =	stream.indirect.gather [hbm4b:s4+s11], $0x10, s0, s11, $0xb8;
	[tilespmem:$0x16F30] =	vst v63  }
0x48b: {  	s28 =	simm.s32 $0x5D20;
	s0 =	sld [smem:$0x7B4]  }
0x48c: {  	[tilespmem:s28], [sflag:$0x1] =	stream.indirect.gather [hbm4b:s4+s11], $0x10, s16, s11, $0xb8;
	[tilespmem:$0x16F30] =	vst v63  }
0x48d: {  	s19 =	simm.s32 $0x6220;
	s16 =	sld [smem:$0x7B5]  }
0x48e: {  	[tilespmem:s19], [sflag:$0x1] =	stream.indirect.gather [hbm4b:s4+s11], $0x10, s0, s11, $0xb8;
	[tilespmem:$0x16F30] =	vst v63  }
0x48f: {  	s5 =	simm.s32 $0x6720;
	s0 =	sld [smem:$0x7B6]  }
0x490: {  	[tilespmem:s5], [sflag:$0x1] =	stream.indirect.gather [hbm4b:s4+s11], $0x10, s16, s11, $0xb8;
	[tilespmem:$0x16F30] =	vst v63  }
0x491: {  	s8 =	simm.s32 $0x6C20;
	s16 =	sld [smem:$0x7B7]  }
0x492: {  	[tilespmem:s8], [sflag:$0x1] =	stream.indirect.gather [hbm4b:s4+s11], $0x10, s0, s11, $0xb8;
	[tilespmem:$0x16F30] =	vst v63  }
0x493: {  	s1 =	simm.s32 $0x7120;
	s0 =	sld [smem:$0x7B8]  }
0x494: {  	[tilespmem:s1], [sflag:$0x1] =	stream.indirect.gather [hbm4b:s4+s11], $0x10, s16, s11, $0xb8;
	[tilespmem:$0x16F30] =	vst v63  }
0x495: {  	s9 =	simm.s32 $0x7620;
	s1 =	sld [smem:$0x7B9]  }
0x496: {  	[tilespmem:s9], [sflag:$0x1] =	stream.indirect.gather [hbm4b:s4+s11], $0x10, s0, s11, $0xb8;
	[tilespmem:$0x16F30] =	vst v63  }
0x497: {  	s30 =	simm.s32 $0x7B20;
	s0 =	sld [smem:$0x7BA]  }
0x498: {  	[tilespmem:s30], [sflag:$0x1] =	stream.indirect.gather [hbm4b:s4+s11], $0x10, s1, s11, $0xb8;
	[tilespmem:$0x16F30] =	vst v63  }
0x499: {  	s6 =	simm.s32 $0x8020;
	s1 =	sld [smem:$0x7BB]  }
0x49a: {  	[tilespmem:s6], [sflag:$0x1] =	stream.indirect.gather [hbm4b:s4+s11], $0x10, s0, s11, $0xb8;
	[tilespmem:$0x16F30] =	vst v63  }
0x49b: {  	s17 =	simm.s32 $0x8520;
	s0 =	sld [smem:$0x7BC]  }
0x49c: {  	[tilespmem:s17], [sflag:$0x1] =	stream.indirect.gather [hbm4b:s4+s11], $0x10, s1, s11, $0xb8;
	[tilespmem:$0x16F30] =	vst v63  }
0x49d: {  	s31 =	simm.s32 $0x8A20;
	s1 =	sld [smem:$0x7BD]  }
0x49e: {  	[tilespmem:s31], [sflag:$0x1] =	stream.indirect.gather [hbm4b:s4+s11], $0x10, s0, s11, $0xb8;
	[tilespmem:$0x16F30] =	vst v63  }
0x49f: {  	s20 =	simm.s32 $0x8F20;
	s0 =	sld [smem:$0x7BE]  }
0x4a0: {  	[tilespmem:s20], [sflag:$0x1] =	stream.indirect.gather [hbm4b:s4+s11], $0x10, s1, s11, $0xb8;
	[tilespmem:$0x16F30] =	vst v63  }
0x4a1: {  	s21 =	simm.s32 $0x9420;
	s1 =	sld [smem:$0x7BF]  }
0x4a2: {  	[tilespmem:s21], [sflag:$0x1] =	stream.indirect.gather [hbm4b:s4+s11], $0x10, s0, s11, $0xb8;
	[tilespmem:$0x16F30] =	vst v63  }
0x4a3: {  	s22 =	simm.s32 $0x9920;
	s0 =	sld [smem:$0x7C0]  }
0x4a4: {  	[tilespmem:s22], [sflag:$0x1] =	stream.indirect.gather [hbm4b:s4+s11], $0x10, s1, s11, $0xb8;
	[tilespmem:$0x16F30] =	vst v63  }
0x4a5: {  	s23 =	simm.s32 $0x9E20;
	s1 =	sld [smem:$0x7C1]  }
0x4a6: {  	[tilespmem:s23], [sflag:$0x1] =	stream.indirect.gather [hbm4b:s4+s11], $0x10, s0, s11, $0xb8;
	[tilespmem:$0x16F30] =	vst v63  }
0x4a7: {  	s24 =	simm.s32 $0xA320;
	s0 =	sld [smem:$0x7C2]  }
0x4a8: {  	[tilespmem:s24], [sflag:$0x1] =	stream.indirect.gather [hbm4b:s4+s11], $0x10, s1, s11, $0xb8;
	[tilespmem:$0x16F30] =	vst v63  }
0x4a9: {  	s25 =	simm.s32 $0xA820;
	s1 =	sld [smem:$0x7C3]  }
0x4aa: {  	[tilespmem:s25], [sflag:$0x1] =	stream.indirect.gather [hbm4b:s4+s11], $0x10, s0, s11, $0xb8;
	[tilespmem:$0x16F30] =	vst v63  }
0x4ab: {  	s26 =	simm.s32 $0xAD20;
	s0 =	sld [smem:$0x7C4]  }
0x4ac: {  	[tilespmem:s26], [sflag:$0x1] =	stream.indirect.gather [hbm4b:s4+s11], $0x10, s1, s11, $0xb8;
	[tilespmem:$0x16F30] =	vst v63  }
0x4ad: {  	s3 =	simm.s32 $0xB220;
	s1 =	sld [smem:$0x7C5]  }
0x4ae: {  	[tilespmem:s3], [sflag:$0x1] =	stream.indirect.gather [hbm4b:s4+s11], $0x10, s0, s11, $0xb8;
	[tilespmem:$0x16F30] =	vst v63  }
0x4af: {  	s18 =	simm.s32 $0xB720;
	s0 =	sld [smem:$0x7C6]  }
0x4b0: {  	[tilespmem:s18], [sflag:$0x1] =	stream.indirect.gather [hbm4b:s4+s11], $0x10, s1, s11, $0xb8;
	[tilespmem:$0x16F30] =	vst v63  }
0x4b1: {  	s10 =	simm.s32 $0xBC20;
	s1 =	sld [smem:$0x7C7]  }
0x4b2: {  	[tilespmem:s10], [sflag:$0x1] =	stream.indirect.gather [hbm4b:s4+s11], $0x10, s0, s11, $0xb8;
	[tilespmem:$0x16F30] =	vst v63  }
0x4b3: {  	s14 =	simm.s32 $0xC120;
	s0 =	sld [smem:$0x7C8]  }
0x4b4: {  	[tilespmem:s14], [sflag:$0x1] =	stream.indirect.gather [hbm4b:s4+s11], $0x10, s1, s11, $0xb8;
	[tilespmem:$0x16F30] =	vst v63  }
0x4b5: {  	s16 =	sld [smem:$0x7C9];
	s1 =	simm.s32 $0xC620  }
0x4b6: {  	[tilespmem:s1], [sflag:$0x1] =	stream.indirect.gather [hbm4b:s4+s11], $0x10, s0, s11, $0xb8;
	[tilespmem:$0x16F30] =	vst v63  }
0x4b7: {  	s15 =	sld [smem:$0x7CA];
	s1 =	simm.s32 $0xCB20  }
0x4b8: {  	[spmem:s2] =	stream.indirect.scatter.add.f32 [tilespmem:s1], [sflag:$0x2], $0x10, s16, s11, $0xb8;
	[tilespmem:$0x16F30] =	vst v63  }
0x4b9: {  	s16 =	sld [smem:$0x7CB];
	s1 =	simm.s32 $0xD020  }
0x4ba: {  	[spmem:s2] =	stream.indirect.scatter.add.f32 [tilespmem:s1], [sflag:$0x2], $0x10, s15, s11, $0xb8;
	[tilespmem:$0x16F30] =	vst v63  }
0x4bb: {  	s15 =	sld [smem:$0x7CC];
	s1 =	simm.s32 $0xD520  }
0x4bc: {  	[spmem:s2] =	stream.indirect.scatter.add.f32 [tilespmem:s1], [sflag:$0x2], $0x10, s16, s11, $0xb8;
	[tilespmem:$0x16F30] =	vst v63  }
0x4bd: {  	s16 =	sld [smem:$0x7CD];
	s1 =	simm.s32 $0xDA20  }
0x4be: {  	[spmem:s2] =	stream.indirect.scatter.add.f32 [tilespmem:s1], [sflag:$0x2], $0x10, s15, s11, $0xb8;
	[tilespmem:$0x16F30] =	vst v63  }
0x4bf: {  	s15 =	sld [smem:$0x7CE];
	s1 =	simm.s32 $0xDF20  }
0x4c0: {  	[spmem:s2] =	stream.indirect.scatter.add.f32 [tilespmem:s1], [sflag:$0x2], $0x10, s16, s11, $0xb8;
	[tilespmem:$0x16F30] =	vst v63  }
0x4c1: {  	s16 =	sld [smem:$0x7CF];
	s1 =	simm.s32 $0xE420  }
0x4c2: {  	[spmem:s2] =	stream.indirect.scatter.add.f32 [tilespmem:s1], [sflag:$0x2], $0x10, s15, s11, $0xb8;
	[tilespmem:$0x16F30] =	vst v63  }
0x4c3: {  	s15 =	sld [smem:$0x7D0];
	s1 =	simm.s32 $0xE920  }
0x4c4: {  	[spmem:s2] =	stream.indirect.scatter.add.f32 [tilespmem:s1], [sflag:$0x2], $0x10, s16, s11, $0xb8;
	[tilespmem:$0x16F30] =	vst v63  }
0x4c5: {  	s16 =	sld [smem:$0x7D1];
	s1 =	simm.s32 $0xEE20  }
0x4c6: {  	[spmem:s2] =	stream.indirect.scatter.add.f32 [tilespmem:s1], [sflag:$0x2], $0x10, s15, s11, $0xb8;
	[tilespmem:$0x16F30] =	vst v63  }
0x4c7: {  	s15 =	sld [smem:$0x7D2];
	s1 =	simm.s32 $0xF320  }
0x4c8: {  	[spmem:s2] =	stream.indirect.scatter.add.f32 [tilespmem:s1], [sflag:$0x2], $0x10, s16, s11, $0xb8;
	[tilespmem:$0x16F30] =	vst v63  }
0x4c9: {  	s16 =	sld [smem:$0x7D3];
	s1 =	simm.s32 $0xF820  }
0x4ca: {  	[spmem:s2] =	stream.indirect.scatter.add.f32 [tilespmem:s1], [sflag:$0x2], $0x10, s15, s11, $0xb8;
	[tilespmem:$0x16F30] =	vst v63  }
0x4cb: {  	s15 =	sld [smem:$0x7D4];
	s1 =	simm.s32 $0xFD20  }
0x4cc: {  	[spmem:s2] =	stream.indirect.scatter.add.f32 [tilespmem:s1], [sflag:$0x2], $0x10, s16, s11, $0xb8;
	[tilespmem:$0x16F30] =	vst v63  }
0x4cd: {  	s16 =	sld [smem:$0x7D5];
	s1 =	simm.s32 $0x10220  }
0x4ce: {  	[spmem:s2] =	stream.indirect.scatter.add.f32 [tilespmem:s1], [sflag:$0x2], $0x10, s15, s11, $0xb8;
	[tilespmem:$0x16F30] =	vst v63  }
0x4cf: {  	s15 =	sld [smem:$0x7D6];
	s1 =	simm.s32 $0x10720  }
0x4d0: {  	[spmem:s2] =	stream.indirect.scatter.add.f32 [tilespmem:s1], [sflag:$0x2], $0x10, s16, s11, $0xb8;
	[tilespmem:$0x16F30] =	vst v63  }
0x4d1: {  	s16 =	sld [smem:$0x7D7];
	s1 =	simm.s32 $0x10C20  }
0x4d2: {  	[spmem:s2] =	stream.indirect.scatter.add.f32 [tilespmem:s1], [sflag:$0x2], $0x10, s15, s11, $0xb8;
	[tilespmem:$0x16F30] =	vst v63  }
0x4d3: {  	s15 =	sld [smem:$0x7D8];
	s1 =	simm.s32 $0x11120  }
0x4d4: {  	[spmem:s2] =	stream.indirect.scatter.add.f32 [tilespmem:s1], [sflag:$0x2], $0x10, s16, s11, $0xb8;
	[tilespmem:$0x16F30] =	vst v63  }
0x4d5: {  	s16 =	sld [smem:$0x7D9];
	s1 =	simm.s32 $0x11620  }
0x4d6: {  	[spmem:s2] =	stream.indirect.scatter.add.f32 [tilespmem:s1], [sflag:$0x2], $0x10, s15, s11, $0xb8;
	[tilespmem:$0x16F30] =	vst v63  }
0x4d7: {  	s15 =	sld [smem:$0x7DA];
	s1 =	simm.s32 $0x11B20  }
0x4d8: {  	[spmem:s2] =	stream.indirect.scatter.add.f32 [tilespmem:s1], [sflag:$0x2], $0x10, s16, s11, $0xb8;
	[tilespmem:$0x16F30] =	vst v63  }
0x4d9: {  	s16 =	sld [smem:$0x7DB];
	s1 =	simm.s32 $0x12020  }
0x4da: {  	[spmem:s2] =	stream.indirect.scatter.add.f32 [tilespmem:s1], [sflag:$0x2], $0x10, s15, s11, $0xb8;
	[tilespmem:$0x16F30] =	vst v63  }
0x4db: {  	s15 =	sld [smem:$0x7DC];
	s1 =	simm.s32 $0x12520  }
0x4dc: {  	[spmem:s2] =	stream.indirect.scatter.add.f32 [tilespmem:s1], [sflag:$0x2], $0x10, s16, s11, $0xb8;
	[tilespmem:$0x16F30] =	vst v63  }
0x4dd: {  	s16 =	sld [smem:$0x7DD];
	s1 =	simm.s32 $0x12A20  }
0x4de: {  	[spmem:s2] =	stream.indirect.scatter.add.f32 [tilespmem:s1], [sflag:$0x2], $0x10, s15, s11, $0xb8;
	[tilespmem:$0x16F30] =	vst v63  }
0x4df: {  	s15 =	sld [smem:$0x7DE];
	s1 =	simm.s32 $0x12F20  }
0x4e0: {  	[spmem:s2] =	stream.indirect.scatter.add.f32 [tilespmem:s1], [sflag:$0x2], $0x10, s16, s11, $0xb8;
	[tilespmem:$0x16F30] =	vst v63  }
0x4e1: {  	s16 =	sld [smem:$0x7DF];
	s1 =	simm.s32 $0x13420  }
0x4e2: {  	[spmem:s2] =	stream.indirect.scatter.add.f32 [tilespmem:s1], [sflag:$0x2], $0x10, s15, s11, $0xb8;
	[tilespmem:$0x16F30] =	vst v63  }
0x4e3: {  	s15 =	sld [smem:$0x7E0];
	s1 =	simm.s32 $0x13920  }
0x4e4: {  	[spmem:s2] =	stream.indirect.scatter.add.f32 [tilespmem:s1], [sflag:$0x2], $0x10, s16, s11, $0xb8;
	[tilespmem:$0x16F30] =	vst v63  }
0x4e5: {  	s16 =	sld [smem:$0x7E1];
	s1 =	simm.s32 $0x13E20  }
0x4e6: {  	[spmem:s2] =	stream.indirect.scatter.add.f32 [tilespmem:s1], [sflag:$0x2], $0x10, s15, s11, $0xb8;
	[tilespmem:$0x16F30] =	vst v63  }
0x4e7: {  	s15 =	simm.s32 $0x14320  }
0x4e8: {  	[spmem:s2] =	stream.indirect.scatter.add.f32 [tilespmem:s15], [sflag:$0x2], $0x10, s16, s11, $0xb8;
	[tilespmem:$0x16F30] =	vst v63  }
0x4e9: {  	_ =	swait.ge [sflag:s12], $0x500  }
0x4ea: {  	[sflag:s12] =	ssyncset.done $0x0  }
0x4eb: {  	[sflag:s12] =	ssyncadd.s32 $0xFFFFFB00  }
0x4ec: {  	_ =	swait.ge [sflag:s12], $0x500  }
0x4ed: {  	[sflag:s12] =	ssyncset.done $0x0  }
0x4ee: {  	[sflag:s12] =	ssyncadd.s32 $0xFFFFFB00  }
0x4ef: {  	_ =	swait.ge [sflag:s12], $0x500  }
0x4f0: {  	[sflag:s12] =	ssyncset.done $0x0  }
0x4f1: {  	[sflag:s12] =	ssyncadd.s32 $0xFFFFFB00  }
0x4f2: {  	_ =	swait.ge [sflag:s12], $0x500  }
0x4f3: {  	[sflag:s12] =	ssyncset.done $0x0  }
0x4f4: {  	[sflag:s12] =	ssyncadd.s32 $0xFFFFFB00  }
0x4f5: {  	_ =	swait.ge [sflag:s12], $0x500  }
0x4f6: {  	[sflag:s12] =	ssyncset.done $0x0  }
0x4f7: {  	[sflag:s12] =	ssyncadd.s32 $0xFFFFFB00  }
0x4f8: {  	_ =	swait.ge [sflag:s12], $0x500  }
0x4f9: {  	[sflag:s12] =	ssyncset.done $0x0  }
0x4fa: {  	[sflag:s12] =	ssyncadd.s32 $0xFFFFFB00  }
0x4fb: {  	_ =	swait.ge [sflag:s12], $0x500  }
0x4fc: {  	[sflag:s12] =	ssyncset.done $0x0  }
0x4fd: {  	[sflag:s12] =	ssyncadd.s32 $0xFFFFFB00  }
0x4fe: {  	_ =	swait.ge [sflag:s12], $0x500  }
0x4ff: {  	[sflag:s12] =	ssyncset.done $0x0  }
0x500: {  	[sflag:s12] =	ssyncadd.s32 $0xFFFFFB00  }
0x501: {  	_ =	swait.ge [sflag:s12], $0x500  }
0x502: {  	[sflag:s12] =	ssyncset.done $0x0  }
0x503: {  	[sflag:s12] =	ssyncadd.s32 $0xFFFFFB00  }
0x504: {  	_ =	swait.ge [sflag:s12], $0x500  }
0x505: {  	[sflag:s12] =	ssyncset.done $0x0  }
0x506: {  	[sflag:s12] =	ssyncadd.s32 $0xFFFFFB00  }
0x507: {  	_ =	swait.ge [sflag:s12], $0x500  }
0x508: {  	[sflag:s12] =	ssyncset.done $0x0  }
0x509: {  	[sflag:s12] =	ssyncadd.s32 $0xFFFFFB00  }
0x50a: {  	_ =	swait.ge [sflag:s12], $0x500  }
0x50b: {  	[sflag:s12] =	ssyncset.done $0x0  }
0x50c: {  	[sflag:s12] =	ssyncadd.s32 $0xFFFFFB00  }
0x50d: {  	_ =	swait.ge [sflag:s12], $0x500  }
0x50e: {  	[sflag:s12] =	ssyncset.done $0x0  }
0x50f: {  	[sflag:s12] =	ssyncadd.s32 $0xFFFFFB00  }
0x510: {  	_ =	swait.ge [sflag:s12], $0x500  }
0x511: {  	[sflag:s12] =	ssyncset.done $0x0  }
0x512: {  	[sflag:s12] =	ssyncadd.s32 $0xFFFFFB00  }
0x513: {  	_ =	swait.ge [sflag:s12], $0x500  }
0x514: {  	[sflag:s12] =	ssyncset.done $0x0  }
0x515: {  	[sflag:s12] =	ssyncadd.s32 $0xFFFFFB00  }
0x516: {  	_ =	swait.ge [sflag:s12], $0x500  }
0x517: {  	[sflag:s12] =	ssyncset.done $0x0  }
0x518: {  	[sflag:s12] =	ssyncadd.s32 $0xFFFFFB00  }
0x519: {  	_ =	swait.ge [sflag:s12], $0x500  }
0x51a: {  	[sflag:s12] =	ssyncset.done $0x0  }
0x51b: {  	[sflag:s12] =	ssyncadd.s32 $0xFFFFFB00  }
0x51c: {  	_ =	swait.ge [sflag:s12], $0x500  }
0x51d: {  	[sflag:s12] =	ssyncset.done $0x0  }
0x51e: {  	[sflag:s12] =	ssyncadd.s32 $0xFFFFFB00  }
0x51f: {  	_ =	swait.ge [sflag:s12], $0x500  }
0x520: {  	[sflag:s12] =	ssyncset.done $0x0  }
0x521: {  	[sflag:s12] =	ssyncadd.s32 $0xFFFFFB00  }
0x522: {  	_ =	swait.ge [sflag:s12], $0x500  }
0x523: {  	[sflag:s12] =	ssyncset.done $0x0  }
0x524: {  	[sflag:s12] =	ssyncadd.s32 $0xFFFFFB00  }
0x525: {  	_ =	swait.ge [sflag:s12], $0x500  }
0x526: {  	[sflag:s12] =	ssyncset.done $0x0  }
0x527: {  	[sflag:s12] =	ssyncadd.s32 $0xFFFFFB00  }
0x528: {  	_ =	swait.ge [sflag:s12], $0x500  }
0x529: {  	[sflag:s12] =	ssyncset.done $0x0  }
0x52a: {  	[sflag:s12] =	ssyncadd.s32 $0xFFFFFB00  }
0x52b: {  	_ =	swait.ge [sflag:s12], $0x500  }
0x52c: {  	[sflag:s12] =	ssyncset.done $0x0  }
0x52d: {  	[sflag:s12] =	ssyncadd.s32 $0xFFFFFB00  }
0x52e: {  	_ =	swait.ge [sflag:s12], $0x500  }
0x52f: {  	[sflag:s12] =	ssyncset.done $0x0  }
0x530: {  	[sflag:s12] =	ssyncadd.s32 $0xFFFFFB00  }
0x531: {  	_ =	swait.ge [sflag:s12], $0x500  }
0x532: {  	[sflag:s12] =	ssyncset.done $0x0  }
0x533: {  	[sflag:s12] =	ssyncadd.s32 $0xFFFFFB00  }
0x534: {  	_ =	swait.ge [sflag:s13], $0x500  }
0x535: {  	[sflag:s13] =	ssyncset.done $0x0  }
0x536: {  	[sflag:s13] =	ssyncadd.s32 $0xFFFFFB00  }
0x537: {  	_ =	swait.ge [sflag:s13], $0x500  }
0x538: {  	[sflag:s13] =	ssyncset.done $0x0  }
0x539: {  	[sflag:s13] =	ssyncadd.s32 $0xFFFFFB00  }
0x53a: {  	_ =	swait.ge [sflag:s13], $0x500  }
0x53b: {  	[sflag:s13] =	ssyncset.done $0x0  }
0x53c: {  	[sflag:s13] =	ssyncadd.s32 $0xFFFFFB00  }
0x53d: {  	_ =	swait.ge [sflag:s13], $0x500  }
0x53e: {  	[sflag:s13] =	ssyncset.done $0x0  }
0x53f: {  	[sflag:s13] =	ssyncadd.s32 $0xFFFFFB00  }
0x540: {  	_ =	swait.ge [sflag:s13], $0x500  }
0x541: {  	[sflag:s13] =	ssyncset.done $0x0  }
0x542: {  	[sflag:s13] =	ssyncadd.s32 $0xFFFFFB00  }
0x543: {  	_ =	swait.ge [sflag:s13], $0x500  }
0x544: {  	[sflag:s13] =	ssyncset.done $0x0  }
0x545: {  	[sflag:s13] =	ssyncadd.s32 $0xFFFFFB00  }
0x546: {  	_ =	swait.ge [sflag:s13], $0x500  }
0x547: {  	[sflag:s13] =	ssyncset.done $0x0  }
0x548: {  	[sflag:s13] =	ssyncadd.s32 $0xFFFFFB00  }
0x549: {  	_ =	swait.ge [sflag:s13], $0x500  }
0x54a: {  	[sflag:s13] =	ssyncset.done $0x0  }
0x54b: {  	[sflag:s13] =	ssyncadd.s32 $0xFFFFFB00  }
0x54c: {  	_ =	swait.ge [sflag:s13], $0x500  }
0x54d: {  	[sflag:s13] =	ssyncset.done $0x0  }
0x54e: {  	[sflag:s13] =	ssyncadd.s32 $0xFFFFFB00  }
0x54f: {  	_ =	swait.ge [sflag:s13], $0x500  }
0x550: {  	[sflag:s13] =	ssyncset.done $0x0  }
0x551: {  	[sflag:s13] =	ssyncadd.s32 $0xFFFFFB00  }
0x552: {  	_ =	swait.ge [sflag:s13], $0x500  }
0x553: {  	[sflag:s13] =	ssyncset.done $0x0  }
0x554: {  	[sflag:s13] =	ssyncadd.s32 $0xFFFFFB00  }
0x555: {  	_ =	swait.ge [sflag:s13], $0x500  }
0x556: {  	[sflag:s13] =	ssyncset.done $0x0  }
0x557: {  	[sflag:s13] =	ssyncadd.s32 $0xFFFFFB00  }
0x558: {  	_ =	swait.ge [sflag:s13], $0x500  }
0x559: {  	[sflag:s13] =	ssyncset.done $0x0  }
0x55a: {  	[sflag:s13] =	ssyncadd.s32 $0xFFFFFB00  }
0x55b: {  	_ =	swait.ge [sflag:s13], $0x500  }
0x55c: {  	[sflag:s13] =	ssyncset.done $0x0  }
0x55d: {  	[sflag:s13] =	ssyncadd.s32 $0xFFFFFB00  }
0x55e: {  	_ =	swait.ge [sflag:s13], $0x500  }
0x55f: {  	[sflag:s13] =	ssyncset.done $0x0  }
0x560: {  	[sflag:s13] =	ssyncadd.s32 $0xFFFFFB00  }
0x561: {  	_ =	swait.ge [sflag:s13], $0x500  }
0x562: {  	[sflag:s13] =	ssyncset.done $0x0  }
0x563: {  	[sflag:s13] =	ssyncadd.s32 $0xFFFFFB00  }
0x564: {  	_ =	swait.ge [sflag:s13], $0x500  }
0x565: {  	[sflag:s13] =	ssyncset.done $0x0  }
0x566: {  	[sflag:s13] =	ssyncadd.s32 $0xFFFFFB00  }
0x567: {  	_ =	swait.ge [sflag:s13], $0x500  }
0x568: {  	[sflag:s13] =	ssyncset.done $0x0  }
0x569: {  	[sflag:s13] =	ssyncadd.s32 $0xFFFFFB00  }
0x56a: {  	_ =	swait.ge [sflag:s13], $0x500  }
0x56b: {  	[sflag:s13] =	ssyncset.done $0x0  }
0x56c: {  	[sflag:s13] =	ssyncadd.s32 $0xFFFFFB00  }
0x56d: {  	_ =	swait.ge [sflag:s13], $0x500  }
0x56e: {  	[sflag:s13] =	ssyncset.done $0x0  }
0x56f: {  	[sflag:s13] =	ssyncadd.s32 $0xFFFFFB00  }
0x570: {  	_ =	swait.ge [sflag:s13], $0x500  }
0x571: {  	[sflag:s13] =	ssyncset.done $0x0  }
0x572: {  	[sflag:s13] =	ssyncadd.s32 $0xFFFFFB00  }
0x573: {  	_ =	swait.ge [sflag:s13], $0x500  }
0x574: {  	[sflag:s13] =	ssyncset.done $0x0  }
0x575: {  	[sflag:s13] =	ssyncadd.s32 $0xFFFFFB00  }
0x576: {  	_ =	swait.ge [sflag:s13], $0x500  }
0x577: {  	[sflag:s13] =	ssyncset.done $0x0  }
0x578: {  	[sflag:s13] =	ssyncadd.s32 $0xFFFFFB00  }
0x579: {  	_ =	swait.ge [sflag:s13], $0x500  }
0x57a: {  	[sflag:s13] =	ssyncset.done $0x0  }
0x57b: {  	[sflag:s13] =	ssyncadd.s32 $0xFFFFFB00  }
0x57c: {  	_ =	swait.ge [sflag:s13], $0x500  }
0x57d: {  	s15 =	sld [smem:$0x7E2]  }
0x57e: {  	[sflag:s13] =	ssyncset.done $0x0  }
0x57f: {  	s1 =	simm.s32 $0x4E20;
	s16 =	sld [smem:$0x7E3];
	[sflag:s13] =	ssyncadd.s32 $0xFFFFFB00  }
0x580: {  	[spmem:s2] =	stream.indirect.scatter.add.f32 [tilespmem:s1], [sflag:$0x2], $0x10, s15, s11, $0xb8;
	[tilespmem:$0x16F30] =	vst v63  }
0x581: {  	s29 =	simm.s32 $0x5320;
	s15 =	sld [smem:$0x7E4]  }
0x582: {  	[spmem:s2] =	stream.indirect.scatter.add.f32 [tilespmem:s29], [sflag:$0x2], $0x10, s16, s11, $0xb8;
	[tilespmem:$0x16F30] =	vst v63  }
0x583: {  	s7 =	simm.s32 $0x5820;
	s1 =	sld [smem:$0x7E5]  }
0x584: {  	[spmem:s2] =	stream.indirect.scatter.add.f32 [tilespmem:s7], [sflag:$0x2], $0x10, s15, s11, $0xb8;
	[tilespmem:$0x16F30] =	vst v63  }
0x585: {  	s28 =	simm.s32 $0x5D20;
	s7 =	sld [smem:$0x7E7]  }
0x586: {  	[spmem:s2] =	stream.indirect.scatter.add.f32 [tilespmem:s28], [sflag:$0x2], $0x10, s1, s11, $0xb8;
	[tilespmem:$0x16F30] =	vst v63  }
0x587: {  	s19 =	simm.s32 $0x6220;
	s29 =	sld [smem:$0x7E8]  }
0x588: {  	[spmem:s2] =	stream.indirect.scatter.add.f32 [tilespmem:s19], [sflag:$0x2], $0x10, s7, s11, $0xb8;
	[tilespmem:$0x16F30] =	vst v63  }
0x589: {  	s5 =	simm.s32 $0x6720;
	s1 =	sld [smem:$0x7E9]  }
0x58a: {  	[spmem:s2] =	stream.indirect.scatter.add.f32 [tilespmem:s5], [sflag:$0x2], $0x10, s29, s11, $0xb8;
	[tilespmem:$0x16F30] =	vst v63  }
0x58b: {  	s8 =	simm.s32 $0x6C20;
	s7 =	sld [smem:$0x7EA]  }
0x58c: {  	[spmem:s2] =	stream.indirect.scatter.add.f32 [tilespmem:s8], [sflag:$0x2], $0x10, s1, s11, $0xb8;
	[tilespmem:$0x16F30] =	vst v63  }
0x58d: {  	s28 =	simm.s32 $0x7120;
	s19 =	sld [smem:$0x7EC]  }
0x58e: {  	[spmem:s2] =	stream.indirect.scatter.add.f32 [tilespmem:s28], [sflag:$0x2], $0x10, s7, s11, $0xb8;
	[tilespmem:$0x16F30] =	vst v63  }
0x58f: {  	s9 =	simm.s32 $0x7620;
	s29 =	sld [smem:$0x7ED]  }
0x590: {  	[spmem:s2] =	stream.indirect.scatter.add.f32 [tilespmem:s9], [sflag:$0x2], $0x10, s19, s11, $0xb8;
	[tilespmem:$0x16F30] =	vst v63  }
0x591: {  	s30 =	simm.s32 $0x7B20;
	s1 =	sld [smem:$0x7EF]  }
0x592: {  	[spmem:s2] =	stream.indirect.scatter.add.f32 [tilespmem:s30], [sflag:$0x2], $0x10, s29, s11, $0xb8;
	[tilespmem:$0x16F30] =	vst v63  }
0x593: {  	s6 =	simm.s32 $0x8020;
	s5 =	sld [smem:$0x7F0]  }
0x594: {  	[spmem:s2] =	stream.indirect.scatter.add.f32 [tilespmem:s6], [sflag:$0x2], $0x10, s1, s11, $0xb8;
	[tilespmem:$0x16F30] =	vst v63  }
0x595: {  	s17 =	simm.s32 $0x8520;
	s6 =	sld [smem:$0x7F1]  }
0x596: {  	[spmem:s2] =	stream.indirect.scatter.add.f32 [tilespmem:s17], [sflag:$0x2], $0x10, s5, s11, $0xb8;
	[tilespmem:$0x16F30] =	vst v63  }
0x597: {  	s31 =	simm.s32 $0x8A20;
	s7 =	sld [smem:$0x7F2]  }
0x598: {  	[spmem:s2] =	stream.indirect.scatter.add.f32 [tilespmem:s31], [sflag:$0x2], $0x10, s6, s11, $0xb8;
	[tilespmem:$0x16F30] =	vst v63  }
0x599: {  	s20 =	simm.s32 $0x8F20;
	s8 =	sld [smem:$0x7F3]  }
0x59a: {  	[spmem:s2] =	stream.indirect.scatter.add.f32 [tilespmem:s20], [sflag:$0x2], $0x10, s7, s11, $0xb8;
	[tilespmem:$0x16F30] =	vst v63  }
0x59b: {  	s21 =	simm.s32 $0x9420;
	s9 =	sld [smem:$0x7F4]  }
0x59c: {  	[spmem:s2] =	stream.indirect.scatter.add.f32 [tilespmem:s21], [sflag:$0x2], $0x10, s8, s11, $0xb8;
	[tilespmem:$0x16F30] =	vst v63  }
0x59d: {  	s22 =	simm.s32 $0x9920;
	s17 =	sld [smem:$0x7F5]  }
0x59e: {  	[spmem:s2] =	stream.indirect.scatter.add.f32 [tilespmem:s22], [sflag:$0x2], $0x10, s9, s11, $0xb8;
	[tilespmem:$0x16F30] =	vst v63  }
0x59f: {  	s23 =	simm.s32 $0x9E20;
	s19 =	sld [smem:$0x7F6]  }
0x5a0: {  	[spmem:s2] =	stream.indirect.scatter.add.f32 [tilespmem:s23], [sflag:$0x2], $0x10, s17, s11, $0xb8;
	[tilespmem:$0x16F30] =	vst v63  }
0x5a1: {  	s24 =	simm.s32 $0xA320;
	s20 =	sld [smem:$0x7F7]  }
0x5a2: {  	[spmem:s2] =	stream.indirect.scatter.add.f32 [tilespmem:s24], [sflag:$0x2], $0x10, s19, s11, $0xb8;
	[tilespmem:$0x16F30] =	vst v63  }
0x5a3: {  	s25 =	simm.s32 $0xA820;
	s21 =	sld [smem:$0x7F8]  }
0x5a4: {  	[spmem:s2] =	stream.indirect.scatter.add.f32 [tilespmem:s25], [sflag:$0x2], $0x10, s20, s11, $0xb8;
	[tilespmem:$0x16F30] =	vst v63  }
0x5a5: {  	s26 =	simm.s32 $0xAD20;
	s22 =	sld [smem:$0x7F9]  }
0x5a6: {  	[spmem:s2] =	stream.indirect.scatter.add.f32 [tilespmem:s26], [sflag:$0x2], $0x10, s21, s11, $0xb8;
	[tilespmem:$0x16F30] =	vst v63  }
0x5a7: {  	s3 =	simm.s32 $0xB220;
	s23 =	sld [smem:$0x7FA]  }
0x5a8: {  	[spmem:s2] =	stream.indirect.scatter.add.f32 [tilespmem:s3], [sflag:$0x2], $0x10, s22, s11, $0xb8;
	[tilespmem:$0x16F30] =	vst v63  }
0x5a9: {  	s18 =	simm.s32 $0xB720;
	s24 =	sld [smem:$0x7FB]  }
0x5aa: {  	[spmem:s2] =	stream.indirect.scatter.add.f32 [tilespmem:s18], [sflag:$0x2], $0x10, s23, s11, $0xb8;
	[tilespmem:$0x16F30] =	vst v63  }
0x5ab: {  	s10 =	simm.s32 $0xBC20;
	s25 =	sld [smem:$0x7FC]  }
0x5ac: {  	[spmem:s2] =	stream.indirect.scatter.add.f32 [tilespmem:s10], [sflag:$0x2], $0x10, s24, s11, $0xb8;
	[tilespmem:$0x16F30] =	vst v63  }
0x5ad: {  	s14 =	simm.s32 $0xC120;
	s26 =	sld [smem:$0x7FD]  }
0x5ae: {  	[spmem:s2] =	stream.indirect.scatter.add.f32 [tilespmem:s14], [sflag:$0x2], $0x10, s25, s11, $0xb8;
	[tilespmem:$0x16F30] =	vst v63  }
0x5af: {  	s0 =	simm.s32 $0xC620  }
0x5b0: {  	[spmem:s2] =	stream.indirect.scatter.add.f32 [tilespmem:s0], [sflag:$0x2], $0x10, s26, s11, $0xb8;
	[tilespmem:$0x16F30] =	vst v63  }
0x5b1: {  	_ =	swait.ge [sflag:s13], $0x500  }
0x5b2: {  	[sflag:s13] =	ssyncset.done $0x0  }
0x5b3: {  	[sflag:s13] =	ssyncadd.s32 $0xFFFFFB00  }
0x5b4: {  	_ =	swait.ge [sflag:s13], $0x500  }
0x5b5: {  	[sflag:s13] =	ssyncset.done $0x0  }
0x5b6: {  	[sflag:s13] =	ssyncadd.s32 $0xFFFFFB00  }
0x5b7: {  	_ =	swait.ge [sflag:s13], $0x500  }
0x5b8: {  	[sflag:s13] =	ssyncset.done $0x0  }
0x5b9: {  	[sflag:s13] =	ssyncadd.s32 $0xFFFFFB00  }
0x5ba: {  	_ =	swait.ge [sflag:s13], $0x500  }
0x5bb: {  	[sflag:s13] =	ssyncset.done $0x0  }
0x5bc: {  	[sflag:s13] =	ssyncadd.s32 $0xFFFFFB00  }
0x5bd: {  	_ =	swait.ge [sflag:s13], $0x500  }
0x5be: {  	[sflag:s13] =	ssyncset.done $0x0  }
0x5bf: {  	[sflag:s13] =	ssyncadd.s32 $0xFFFFFB00  }
0x5c0: {  	_ =	swait.ge [sflag:s13], $0x500  }
0x5c1: {  	[sflag:s13] =	ssyncset.done $0x0  }
0x5c2: {  	[sflag:s13] =	ssyncadd.s32 $0xFFFFFB00  }
0x5c3: {  	_ =	swait.ge [sflag:s13], $0x500  }
0x5c4: {  	[sflag:s13] =	ssyncset.done $0x0  }
0x5c5: {  	[sflag:s13] =	ssyncadd.s32 $0xFFFFFB00  }
0x5c6: {  	_ =	swait.ge [sflag:s13], $0x500  }
0x5c7: {  	[sflag:s13] =	ssyncset.done $0x0  }
0x5c8: {  	[sflag:s13] =	ssyncadd.s32 $0xFFFFFB00  }
0x5c9: {  	_ =	swait.ge [sflag:s13], $0x500  }
0x5ca: {  	[sflag:s13] =	ssyncset.done $0x0  }
0x5cb: {  	[sflag:s13] =	ssyncadd.s32 $0xFFFFFB00  }
0x5cc: {  	_ =	swait.ge [sflag:s13], $0x500  }
0x5cd: {  	[sflag:s13] =	ssyncset.done $0x0  }
0x5ce: {  	[sflag:s13] =	ssyncadd.s32 $0xFFFFFB00  }
0x5cf: {  	_ =	swait.ge [sflag:s13], $0x500  }
0x5d0: {  	[sflag:s13] =	ssyncset.done $0x0  }
0x5d1: {  	[sflag:s13] =	ssyncadd.s32 $0xFFFFFB00  }
0x5d2: {  	_ =	swait.ge [sflag:s13], $0x500  }
0x5d3: {  	[sflag:s13] =	ssyncset.done $0x0  }
0x5d4: {  	[sflag:s13] =	ssyncadd.s32 $0xFFFFFB00  }
0x5d5: {  	_ =	swait.ge [sflag:s13], $0x500  }
0x5d6: {  	[sflag:s13] =	ssyncset.done $0x0  }
0x5d7: {  	[sflag:s13] =	ssyncadd.s32 $0xFFFFFB00  }
0x5d8: {  	_ =	swait.ge [sflag:s13], $0x500  }
0x5d9: {  	[sflag:s13] =	ssyncset.done $0x0  }
0x5da: {  	[sflag:s13] =	ssyncadd.s32 $0xFFFFFB00  }
0x5db: {  	_ =	swait.ge [sflag:s13], $0x500  }
0x5dc: {  	[sflag:s13] =	ssyncset.done $0x0  }
0x5dd: {  	[sflag:s13] =	ssyncadd.s32 $0xFFFFFB00  }
0x5de: {  	_ =	swait.ge [sflag:s13], $0x500  }
0x5df: {  	[sflag:s13] =	ssyncset.done $0x0  }
0x5e0: {  	[sflag:s13] =	ssyncadd.s32 $0xFFFFFB00  }
0x5e1: {  	_ =	swait.ge [sflag:s13], $0x500  }
0x5e2: {  	[sflag:s13] =	ssyncset.done $0x0  }
0x5e3: {  	[sflag:s13] =	ssyncadd.s32 $0xFFFFFB00  }
0x5e4: {  	_ =	swait.ge [sflag:s13], $0x500  }
0x5e5: {  	[sflag:s13] =	ssyncset.done $0x0  }
0x5e6: {  	[sflag:s13] =	ssyncadd.s32 $0xFFFFFB00  }
0x5e7: {  	_ =	swait.ge [sflag:s13], $0x500  }
0x5e8: {  	[sflag:s13] =	ssyncset.done $0x0  }
0x5e9: {  	[sflag:s13] =	ssyncadd.s32 $0xFFFFFB00  }
0x5ea: {  	_ =	swait.ge [sflag:s13], $0x500  }
0x5eb: {  	[sflag:s13] =	ssyncset.done $0x0  }
0x5ec: {  	[sflag:s13] =	ssyncadd.s32 $0xFFFFFB00  }
0x5ed: {  	_ =	swait.ge [sflag:s13], $0x500  }
0x5ee: {  	[sflag:s13] =	ssyncset.done $0x0  }
0x5ef: {  	[sflag:s13] =	ssyncadd.s32 $0xFFFFFB00  }
0x5f0: {  	_ =	swait.ge [sflag:s13], $0x500  }
0x5f1: {  	[sflag:s13] =	ssyncset.done $0x0  }
0x5f2: {  	[sflag:s13] =	ssyncadd.s32 $0xFFFFFB00  }
0x5f3: {  	_ =	swait.ge [sflag:s13], $0x500  }
0x5f4: {  	[sflag:s13] =	ssyncset.done $0x0  }
0x5f5: {  	[sflag:s13] =	ssyncadd.s32 $0xFFFFFB00  }
0x5f6: {  	_ =	swait.ge [sflag:s13], $0x500  }
0x5f7: {  	[sflag:s13] =	ssyncset.done $0x0  }
0x5f8: {  	[sflag:s13] =	ssyncadd.s32 $0xFFFFFB00  }
0x5f9: {  	_ =	swait.ge [sflag:s13], $0x500  }
0x5fa: {  	[sflag:s13] =	ssyncset.done $0x0  }
0x5fb: {  	[sflag:s13] =	ssyncadd.s32 $0xFFFFFB00  }
0x5fc: {  	[bflag:$0x0] =	sbarrier.arrive $0xFFFF  }
0x5fd: {  	s29 =	sld [smem:$0x7EB]  }
0x5fe: {  	s0 =	sld [smem:$0x7E6];
	_ =	sdelay $0x1  }
0x5ff: {  	s30 =	simm.s32 $0x3;
	s28 =	rddreg [dreg:$0x7]  }
0x600: {  	[hbm:s28], [sflag:s0] =	dma.local [spmem:s29], $0x4E0  }
0x601: {  	_ =	swait.ge [sflag:s30], $0x4E0  }
0x602: {  	s1 =	sld [smem:$0x7EE]  }
0x603: {  	[sflag:s30] =	ssyncset.done $0x0;
	s31 =	sld [smem:$0x71A]  }
0x604: {  	s15 =	rddreg [dreg:$0x8];
	[sflag:s30] =	ssyncadd.s32 $0xFFFFFB20  }
0x605: {  	[hbm:s15], [sflag:s0] =	dma.local @!p0 [spmem:s1], $0x20  }
0x606: {  	s6 =	sadd.s32 $0xFFFFFFFF, s31  }
0x607: {  	p1 =	sne.s32 s6, $0x0  }
.Ltmp0:
0x608: {  	_ = 	snop;
	(pc) =	sbr.rel @p1 .LBB2_1-.Ltmp0, $4  }
0x609: {  	s0 =	simm.s32 @!p0 $0x3  }
0x60a: {  	_ =	swait.ge @!p0 [sflag:s0], $0x20  }
0x60b: {  	[sflag:s0] =	ssyncset.done @!p0 $0x0;
	s0 =	simm.s32 @!p0 $0x3  }
0x60c: {  	[sflag:s0] =	ssyncadd.s32 @!p0 $0xFFFFFFE0  }
0x60d: {  	_ =	sfence.sel $0x180000  }
0x60e: {  	[bflag:$0x0] =	sbarrier.arrive $0xFFFF  }
0x60f: {  	_ =	strace $0x9000004D  }
0x610: {  	s0 =	stileid.u32;
	[bflag:$0x2] =	sbarrier.arrive $0xFFFF  }
0x611: {  	p0 =	sne.s32 s0, $0x0;
	s0 =	rddreg [dreg:$0x2]  }
0x612: {  	s0 =	sadd.s32 @!p0 $0x100000, s0  }
0x613: {  	[sflag:s0] =	ssyncadd.tile.s32 @!p0 $0x1;
	_ =	shalt  }
.Lfunc_end2:
_tile_overlayer_lowered:
.L_overlay_start_2:
0x614: {  	(tag) =	ssettag $0x2  }
0x615: {  	s0 =	rddreg [dreg:$0x0];
	s2 =	stileid.u32  }
0x616: {  	s1 =	rddreg [dreg:$0x1];
	p0 =	sne.s32 s2, $0x0  }
0x617: {  	s3 =	rddreg [dreg:$0x2];
	[bflag:$0x3] =	sbarrier.arrive $0xFFFF;
	s2 =	simm.s32 @!p0 $0x1C03  }
0x618: {  	[timem:s3], [sflag:s2] =	dma.local @!p0 [hbm:s0], s1  }
0x619: {  	s0 =	simm.s32 @!p0 $0x3  }
0x61a: {  	_ =	swait.ge @!p0 [sflag:s0], s1  }
0x61b: {  	s1 =	ssub.s32 @!p0 $0x0, s1;
	[sflag:s0] =	ssyncset.done @!p0 $0x0  }
0x61c: {  	[sflag:s0] =	ssyncadd.s32 @!p0 s1  }
0x61d: {  	[bflag:$0x3] =	sbarrier.arrive $0xFFFF  }
0x61e: {  	_ =	shalt  }

// kernel: kernel.8.cloned.1.call-start
scs
__scs_entry_jumppad:
0x0: {  	(pc) =	sbr.rel $0x88, $3  }
0x1: {  	(tag) =	ssettag $0x0;
	lr =	simm.s32 $0x1  }
0x2: {  	[smem:$0x3F99] =	sst lr;
	_ =	strace $0xD0000000  }
0x3: {  	_ = 	snop  }
0x4: {  	_ = 	snop  }
0x5: {  	_ = 	snop  }
0x6: {  	_ = 	snop  }
0x7: {  	_ = 	snop  }
__scs_overlays_trampoline_lowered:
0x8: {  	[smem:$0x3FA8] =	sst s0  }
0x9: {  	[smem:$0x3FA9] =	sst s1  }
0xa: {  	[smem:$0x3FAA] =	sst s2  }
0xb: {  	[smem:$0x3FAB] =	sst s3  }
0xc: {  	[smem:$0x3FAC] =	sst s4  }
0xd: {  	[smem:$0x3FAD] =	sst s5  }
0xe: {  	[smem:$0x3FAE] =	sst s6  }
0xf: {  	[smem:$0x3FAF] =	sst s7  }
0x10: {  	[smem:$0x3FB0] =	sst s8  }
0x11: {  	[smem:$0x3FB1] =	sst s9;
	s0 =	simm.s32 @!p0 $0x0  }
0x12: {  	s1 =	sld [smem:$0x3F97];
	s0 =	simm.s32 @p0 $0x1  }
0x13: {  	[smem:$0x3FB2] =	sst s0;
	s0 =	simm.s32 @!p1 $0x0  }
0x14: {  	s2 =	sld [smem:$0x3F96];
	s0 =	simm.s32 @p1 $0x1  }
0x15: {  	[smem:$0x3FB3] =	sst s0;
	s0 =	simm.s32 @!p2 $0x0  }
0x16: {  	s3 =	sld [smem:$0x3FDB];
	s0 =	simm.s32 @p2 $0x1  }
0x17: {  	s4 =	simm.s32 $0x1BF5;
	[smem:$0x3FB5] =	sst s0  }
0x18: {  	s0 =	sld [smem:$0x3F98];
	_ =	swait.ge [sflag:s4], $0x0  }
0x19: {  	s7 =	sld [smem:$0x3F99]  }
0x1a: {  	s8 =	sadd.s32 $0xFFFFE003, lr  }
0x1b: {  	s9 =	sadd.s32 $0xFFFFFEF7, lr;
	s5 =	simm.s32 $0xFFFFFFFF;
	p2 =	slt.u32 s8, $0xFFFFF086  }
0x1c: {  	p1 =	slt.u32 s9, $0xF7A;
	s5 =	simm.s32 @!p2 $0x0  }
0x1d: {  	s5 =	simm.s32 @p1 $0x1;
	p0 =	seq.s32 s7, s2  }
0x1e: {  	s7 =	smul.u32 @!p0 $0xF7A, s2;
	p2 =	seq.s32 @!p0 s5, $0x0  }
0x1f: {  	s9 =	smul.u32 $0xF7A, s1;
	s8 =	simm.s32 @!p0 $0x1BF5;
	p2 =	por !p2, p0  }
0x20: {  	[sflag:s8] =	ssyncset.s32 @!p0 $0xFFFFF086;
	s6 =	sadd.s32 @!p0 s3, s7;
	s7 =	simm.s32 @!p0 $0x108  }
0x21: {  	s3 =	sadd.s32 s3, s9;
	s6 =	sadd.s32 @!p0 $0x88, s6;
	s7 =	simm.s32 @p2 $0x1082  }
0x22: {  	[simem:s7], [sflag:s8] =	dma.local @!p0 [hbm:s6], $0xF7A  }
0x23: {  	s9 =	sor.u32 $0xD0000000, s2;
	s6 =	simm.s32 $0x108;
	_ =	swait.ge @!p0 [sflag:s8], $0x0  }
0x24: {  	s3 =	sadd.s32 $0x88, s3;
	s6 =	simm.s32 @!p1 $0x1082;
	[sflag:s4] =	ssyncset.s32 $0xFFFFF086  }
0x25: {  	[simem:s6], [sflag:s4] =	dma.local [hbm:s3], $0xF7A  }
0x26: {  	[smem:$0x3F99] =	sst s1;
	(tag) =	ssettag s2;
	_ =	strace s9  }
0x27: {  	s1 =	sld [smem:$0x3FA9]  }
0x28: {  	s2 =	sld [smem:$0x3FAA]  }
0x29: {  	s4 =	sld [smem:$0x3FAC]  }
0x2a: {  	p0 =	seq.s32 s5, $0x0;
	s5 =	sld [smem:$0x3FAD]  }
0x2b: {  	s6 =	sld [smem:$0x3FAE]  }
0x2c: {  	s7 =	sld [smem:$0x3FAF]  }
0x2d: {  	s3 =	simm.s32 $0x108;
	s8 =	sld [smem:$0x3FB0]  }
0x2e: {  	s3 =	simm.s32 @!p0 $0x1082;
	s9 =	sld [smem:$0x3FB1]  }
0x2f: {  	lr =	sadd.s32 s0, s3;
	s0 =	sld [smem:$0x3FA8]  }
0x30: {  	s3 =	sld [smem:$0x3FAB]  }
0x31: {  	[smem:$0x3FB4] =	sst s10  }
0x32: {  	s10 =	sld [smem:$0x3FB2];
	_ =	sdelay $0x3  }
0x33: {  	p0 =	seq.s32 s10, $0x1;
	s10 =	sld [smem:$0x3FB4];
	_ =	sdelay $0x3  }
0x34: {  	[smem:$0x3FB4] =	sst s10  }
0x35: {  	s10 =	sld [smem:$0x3FB3];
	_ =	sdelay $0x3  }
0x36: {  	p1 =	seq.s32 s10, $0x1;
	s10 =	sld [smem:$0x3FB4];
	_ =	sdelay $0x3  }
0x37: {  	[smem:$0x3FB4] =	sst s10  }
0x38: {  	s10 =	sld [smem:$0x3FB5]  }
0x39: {  	_ = 	snop;
	(pc) =	sbr.ind lr, $3  }
0x3a: {  	_ = 	snop  }
0x3b: {  	_ = 	snop  }
0x3c: {  	p2 =	seq.s32 s10, $0x1;
	s10 =	sld [smem:$0x3FB4]  }
0x3d: {  	_ =	shalt  }
0x3e: {  	_ =	shalt  }
0x3f: {  	_ =	shalt  }
0x40: {  	_ =	shalt  }
0x41: {  	_ =	shalt  }
0x42: {  	_ =	shalt  }
0x43: {  	_ =	shalt  }
0x44: {  	_ =	shalt  }
0x45: {  	_ =	shalt  }
0x46: {  	_ =	shalt  }
0x47: {  	_ =	shalt  }
0x48: {  	_ =	shalt  }
0x49: {  	_ =	shalt  }
0x4a: {  	_ =	shalt  }
0x4b: {  	_ =	shalt  }
0x4c: {  	_ =	shalt  }
0x4d: {  	_ =	shalt  }
0x4e: {  	_ =	shalt  }
0x4f: {  	_ =	shalt  }
0x50: {  	_ =	shalt  }
0x51: {  	_ =	shalt  }
0x52: {  	_ =	shalt  }
0x53: {  	_ =	shalt  }
0x54: {  	_ =	shalt  }
0x55: {  	_ =	shalt  }
0x56: {  	_ =	shalt  }
0x57: {  	_ =	shalt  }
0x58: {  	_ =	shalt  }
0x59: {  	_ =	shalt  }
0x5a: {  	_ =	shalt  }
0x5b: {  	_ =	shalt  }
0x5c: {  	_ =	shalt  }
0x5d: {  	_ =	shalt  }
0x5e: {  	_ =	shalt  }
0x5f: {  	_ =	shalt  }
0x60: {  	_ =	shalt  }
0x61: {  	_ =	shalt  }
0x62: {  	_ =	shalt  }
0x63: {  	_ =	shalt  }
0x64: {  	_ =	shalt  }
0x65: {  	_ =	shalt  }
0x66: {  	_ =	shalt  }
0x67: {  	_ =	shalt  }
0x68: {  	_ =	shalt  }
0x69: {  	_ =	shalt  }
0x6a: {  	_ =	shalt  }
0x6b: {  	_ =	shalt  }
0x6c: {  	_ =	shalt  }
0x6d: {  	_ =	shalt  }
0x6e: {  	_ =	shalt  }
0x6f: {  	_ =	shalt  }
0x70: {  	_ =	shalt  }
0x71: {  	_ =	shalt  }
0x72: {  	_ =	shalt  }
0x73: {  	_ =	shalt  }
0x74: {  	_ =	shalt  }
0x75: {  	_ =	shalt  }
0x76: {  	_ =	shalt  }
0x77: {  	_ =	shalt  }
0x78: {  	_ =	shalt  }
0x79: {  	_ =	shalt  }
0x7a: {  	_ =	shalt  }
0x7b: {  	_ =	shalt  }
0x7c: {  	_ =	shalt  }
0x7d: {  	_ =	shalt  }
0x7e: {  	_ =	shalt  }
0x7f: {  	_ =	shalt  }
0x80: {  	_ =	shalt  }
0x81: {  	_ =	shalt  }
0x82: {  	_ =	shalt  }
0x83: {  	_ =	shalt  }
0x84: {  	_ =	shalt  }
0x85: {  	_ =	shalt  }
0x86: {  	_ =	shalt  }
0x87: {  	_ =	shalt  }
.Lfunc_end0:
.L_simem_size_0:
called_computation_lowered:
.L_overlay_start_0:
0x88: {  	s2 =	sld [smem:$0x3FD9]  }
0x89: {  	s3 =	sld [smem:$0x3FFE];
	_ =	sdelay $0x1  }
0x8a: {  	s1 =	srdreg.scid  }
0x8b: {  	s0 =	sand.u32 $0x1, s1  }
0x8c: {  	s16 =	sshll.u32 s0, $0xA;
	s2 =	sadd.s32 s3, s2  }
0x8d: {  	s2 =	sadd.s32 s2, s16  }
0x8e: {  	[smem:$0x3FC0] =	sst s2  }
0x8f: {  	_ = 	snop  }
0x90: {  	(tm) =	ssettm $0x1  }
0x91: {  	s17 =	sld [smem:$0x3FFB];
	_ =	sdelay $0x3  }
0x92: {  	_ =	strace s17  }
0x93: {  	s2 =	sld [smem:$0x3FFC];
	_ =	sdelay $0x3  }
0x94: {  	_ =	strace s2  }
0x95: {  	s2 =	sld [smem:$0x3FFD];
	_ =	sdelay $0x3  }
0x96: {  	_ =	strace s2  }
0x97: {  	_ =	strace $0x8FFFFFFF  }
0x98: {  	s18 =	sld [smem:$0x3FDB];
	_ =	sdelay $0x1  }
0x99: {  	s19 =	simm.s32 $_scs_section_size  }
0x9a: {  	s4 =	simm.s32 $_size__tile_overlayer_lowered;
	s5 =	simm.s32 $_tile_overlayer_lowered  }
0x9b: {  	s22 =	simm.s32 $0x1BFF;
	s21 =	sshll.u32 s5, $0x1;
	s2 =	sadd.s32 s19, s18  }
0x9c: {  	s6 =	simm.s32 $0x0;
	s20 =	sshll.u32 s4, $0x1;
	s4 =	sadd.s32 s21, s2  }
0x9d: {  	[timem:s6], [sflag:s22] =	dma.local [hbm:s4], s20  }
0x9e: {  	_ =	swait.ge [sflag:s22], s20  }
0x9f: {  	s3 =	ssub.s32 $0x0, s20;
	[sflag:s22] =	ssyncset.done $0x0  }
0xa0: {  	[sflag:s22] =	ssyncadd.s32 s3;
	_ =	sdelay $0x1  }
0xa1: {  	s23 =	simm.s32 $0x1B8B  }
0xa2: {  	_ =	swait.ge [sflag:s23], $0x1  }
0xa3: {  	[sflag:s23] =	ssyncset.done $0x0  }
0xa4: {  	s25 =	simm.s32 $0x1B8E;
	s24 =	sld [smem:$0x3FFE];
	[sflag:s23] =	ssyncadd.s32 $0xFFFFFFFF  }
0xa5: {  	s26 =	simm.s32 $execute0_lowered;
	[smem:$0x3FD2] =	sst s25  }
0xa6: {  	s4 =	sshll.u32 s26, $0x1;
	_ =	strace $0x80000046;
	[dreg:$0x1] =	wrdreg $0xFFFFFFFF  }
0xa7: {  	s28 =	simm.s32 $_size_execute0_lowered;
	s2 =	sadd.s32 s2, s4;
	[dreg:$0x0] =	wrdreg $0x0  }
0xa8: {  	s4 =	sshll.u32 s28, $0x1;
	[dreg:$0x2] =	wrdreg s2  }
0xa9: {  	[dreg:$0x3] =	wrdreg s4  }
0xaa: {  	[dreg:$0x4] =	wrdreg $0xC0  }
0xab: {  	_ =	task [dreg:s6], $0x5FFFF  }
0xac: {  	[dreg:$0x1] =	wrdreg $0xFFFFFFFF  }
0xad: {  	[dreg:$0x0] =	wrdreg $0x60  }
0xae: {  	[dreg:$0x2] =	wrdreg s24  }
0xaf: {  	[dreg:$0x3] =	wrdreg $0x2C100  }
0xb0: {  	[dreg:$0x4] =	wrdreg $0x9  }
0xb1: {  	_ =	task.clear_ibuf [dreg:s6], $0x5FFFF;
	_ =	strace $0x90000046  }
0xb2: {  	s29 =	simm.s32 $0x9;
	_ =	strace $0x80000048  }
0xb3: {  	_ =	swait.ge [sflag:s29], $0x1  }
0xb4: {  	[sflag:s29] =	ssyncadd.s32 $0xFFFFFFFF  }
0xb5: {  	_ =	strace $0x90000048  }
0xb6: {  	_ =	sfence  }
0xb7: {  	s30 =	sld [smem:$0x0];
	_ =	sdelay $0x2  }
0xb8: {  	s31 =	sshll.u32 s1, $0xD;
	s1 =	sshrl.u32 s1, $0x2  }
0xb9: {  	s3 =	sand.u32 $0x4000, s31;
	s1 =	sadd.s32 s1, s30  }
0xba: {  	s0 =	sor.u32 s3, s0;
	s1 =	sshll.u32 s1, $0x11  }
0xbb: {  	s0 =	sor.u32 s1, s0  }
0xbc: {  	s0 =	sadd.s32 $0x8F2B, s0  }
0xbd: {  	[sflag:s0] =	ssyncadd.remote.s32 $0x1  }
0xbe: {  	_ =	sfence.sel $0xFFFF  }
0xbf: {  	[dreg:$0x0] =	wrdreg $0xFFFFFFFF;
	(pc) =	sbr.abs _section_cstart, $3  }
0xc0: {  	[dreg:$0x1] =	wrdreg $0xFFFFFFFF  }
0xc1: {  	_ =	task.clear_ibuf [dreg:s6], $0x2FFFF;
	_ =	strace $0x9FFFFFFF  }
0xc2: {  	(tm) =	ssettm $0x7FFFFFFF  }
0xc3: {  	_ =	shalt  }
tec
execute0_lowered:
.L_overlay_start_1:
0x0: {  	(tag) =	ssettag $0x1  }
0x1: {  	s7 =	rddreg [dreg:$0x0]  }
0x2: {  	s0 =	stileid.u32;
	s2 =	rddreg [dreg:$0x1]  }
0x3: {  	s1 =	rddreg [dreg:$0x2];
	s3 =	simm.s32 $0x0;
	s6 =	srdreg.scid  }
0x4: {  	s16 =	simm.s32 $0x1;
	s17 =	simm.s32 $0x0;
	s4 =	smul.u32 $0x2700, s0  }
0x5: {  	[smem:$0x7FF] =	sst s3;
	s6 =	sand.u32 $0x1, s6;
	s8 =	sadd.s32 $0x1B400, s7  }
0x6: {  	s12 =	smul.u32 $0x4E0, s0;
	s29 =	sshll.u32 s0, $0x6;
	s14 =	sadd.s32 $0x27000, s2  }
0x7: {  	p0 =	sne.s32 s0, $0xF;
	_ =	strace $0x80000047;
	s30 =	smul.u32 $0x27100, s6  }
0x8: {  	s9 =	ssub.s32 $0x2, s6;
	s10 =	sshll.u32 s6, $0x4;
	s15 =	smul.u32 $0x4E20, s6  }
0x9: {  	s6 =	sadd.s32 $0x1B200, s7;
	s5 =	sshrl.u32 s4, $0x3;
	s11 =	sshrl.u32 s9, $0x1  }
0xa: {  	s10 =	sor.u32 s0, s10;
	s13 =	sadd.s32 s4, s2;
	s5 =	sadd.s32 s5, s7  }
0xb: {  	s11 =	ssub.s32 s9, s11;
	s28 =	smul.u32 $0x2710, s10;
	s10 =	sshrl.u32 s30, $0x3  }
0xc: {  	s31 =	sadd.s32 s12, s15;
	s12 =	simm.s32 $0x2;
	s15 =	simm.s32 $0x2710  }
0xd: {  	s4 =	sadd.s32 $0x16400, s5;
	s5 =	sor.u32 $0x1C02, s29;
	s9 =	sshrl.u32 s28, $0x3  }
0xe: {  	s10 =	sadd.s32 s8, s10;
	s8 =	sadd.s32 s8, s31;
	s7 =	sadd.s32 s7, s9  }
0xf: {  	s9 =	sadd.s32 $0x4E00, s10;
	s10 =	smax.u32 s11, $0x1;
	s11 =	sshrl.u32 s13, $0x3  }
0x10: {  	v0 =	vimm.f32 $1.000000000e+00;
	s13 =	sshrl.u32 @!p0 s14, $0x3;
	s14 =	simm.s32 $0x50;
	s7 =	sadd.s32 $0xC640, s7  }
.LBB2_1:
0x11: {  	[spmem:s11], [sflag:s5] =	dma.local [hbm:s4], $0x4E0  }
0x12: {  	_ =	swait.ge [sflag:s12], $0x4E0  }
0x13: {  	[sflag:s12] =	ssyncset.done $0x0  }
0x14: {  	s18 =	simm.s32 @!p0 $0x2;
	[sflag:s12] =	ssyncadd.s32 $0xFFFFFB20  }
0x15: {  	[spmem:s13], [sflag:s5] =	dma.local @!p0 [hbm:s6], $0x20  }
0x16: {  	_ =	swait.ge @!p0 [sflag:s18], $0x20  }
0x17: {  	[sflag:s18] =	ssyncset.done @!p0 $0x0  }
0x18: {  	[sflag:s18] =	ssyncadd.s32 @!p0 $0xFFFFFFE0  }
0x19: {  	[tilespmem:s3], [sflag:$0x2] =	stream.linear.gather [hbm4b:s7+s3], $0x2710, $0x38;
	[tilespmem:$0x5320] =	vst v63  }
0x1a: {  	_ =	swait.ge [sflag:s12], $0x2710  }
0x1b: {  	[sflag:s12] =	ssyncset.done $0x0  }
0x1c: {  	s19 =	simm.s32 $0x0;
	s18 =	simm.s32 $0x40;
	[sflag:s12] =	ssyncadd.s32 $0xFFFFD8F0  }
.LBB2_2:
0x1d: {  	p1 =	sne.s32 s18, $0x13C0;
	[tilespmem:s19+$0x2710] =	vst v0;
	s19 =	smov.u32 s18;
	s18 =	sadd.s32 $0x40, s18  }
.Ltmp0:
0x1e: {  	(pc) =	sbr.rel @p1 .LBB2_2-.Ltmp0, $2  }
0x1f: {  	_ =	sdelay $0x2  }
0x20: {  	s19 =	sshra.s32 s19, $0x2  }
0x21: {  	[tilespmem:s19+$0x2710] =	vst v0  }
0x22: {  	s18 =	simm.s32 $0x0;
	[bflag:$0x0] =	sbarrier.arrive $0xFFFF  }
.LBB2_4:
0x23: {  	p1 =	sne.s32 s18, $0x9B00  }
.Ltmp1:
0x24: {  	_ = 	snop;
	(pc) =	sbr.rel @p1 .LBB2_4-.Ltmp1, $3  }
0x25: {  	_ =	sdelay $0x1  }
0x26: {  	s19 =	sshra.s32 s18, $0x2;
	s18 =	sadd.s32 $0x140, s18  }
0x27: {  	[spmem:s2] =	stream.indirect.scatter.add.f32 [tilespmem:s15], [sflag:$0x1], $0x10, s19, s14, $0xb8;
	[tilespmem:$0x5320] =	vst v63  }
0x28: {  	_ =	swait.ge [sflag:s16], $0x500  }
0x29: {  	s18 =	simm.s32 $0x7C;
	[sflag:s16] =	ssyncset.done $0x0  }
.LBB2_6:
0x2a: {  	p1 =	sne.s32 s18, $0x1;
	s18 =	sadd.s32 $0xFFFFFFFF, s18;
	[sflag:s16] =	ssyncadd.s32 $0xFFFFFB00  }
.Ltmp2:
0x2b: {  	(pc) =	sbr.rel @p1 .LBB2_6-.Ltmp2, $3  }
0x2c: {  	_ =	sdelay $0x1  }
0x2d: {  	_ =	swait.ge [sflag:s16], $0x500  }
0x2e: {  	[sflag:s16] =	ssyncset.done $0x0  }
0x2f: {  	[sflag:s16] =	ssyncadd.s32 $0xFFFFFB00  }
0x30: {  	[bflag:$0x0] =	sbarrier.arrive $0xFFFF  }
0x31: {  	[hbm:s8], [sflag:s5] =	dma.local [spmem:s11], $0x4E0  }
0x32: {  	s17 =	sadd.s32 $0x1, s17;
	_ =	swait.ge [sflag:s12], $0x4E0  }
0x33: {  	p1 =	sne.s32 s17, s10;
	[sflag:s12] =	ssyncset.done $0x0  }
.Ltmp3:
0x34: {  	s18 =	simm.s32 @!p0 $0x2;
	[sflag:s12] =	ssyncadd.s32 $0xFFFFFB20;
	(pc) =	sbr.rel @p1 .LBB2_1-.Ltmp3, $4  }
0x35: {  	[hbm:s9], [sflag:s5] =	dma.local @!p0 [spmem:s13], $0x20  }
0x36: {  	_ =	swait.ge @!p0 [sflag:s18], $0x20  }
0x37: {  	[sflag:s18] =	ssyncset.done @!p0 $0x0  }
0x38: {  	[sflag:s18] =	ssyncadd.s32 @!p0 $0xFFFFFFE0  }
0x39: {  	_ =	sfence.sel $0x180000  }
0x3a: {  	[bflag:$0x0] =	sbarrier.arrive $0xFFFF  }
0x3b: {  	p0 =	sne.s32 s0, $0x0;
	_ =	strace $0x90000047  }
0x3c: {  	s0 =	sadd.s32 @!p0 $0x100000, s1;
	[bflag:$0x2] =	sbarrier.arrive $0xFFFF  }
0x3d: {  	[sflag:s0] =	ssyncadd.tile.s32 @!p0 $0x1;
	_ =	shalt  }
.Lfunc_end2:
_tile_overlayer_lowered:
.L_overlay_start_2:
0x3e: {  	(tag) =	ssettag $0x2  }
0x3f: {  	s0 =	rddreg [dreg:$0x0];
	s2 =	stileid.u32  }
0x40: {  	s1 =	rddreg [dreg:$0x1];
	p0 =	sne.s32 s2, $0x0  }
0x41: {  	s3 =	rddreg [dreg:$0x2];
	[bflag:$0x3] =	sbarrier.arrive $0xFFFF;
	s2 =	simm.s32 @!p0 $0x1C02  }
0x42: {  	[timem:s3], [sflag:s2] =	dma.local @!p0 [hbm:s0], s1  }
0x43: {  	s0 =	simm.s32 @!p0 $0x2  }
0x44: {  	_ =	swait.ge @!p0 [sflag:s0], s1  }
0x45: {  	s1 =	ssub.s32 @!p0 $0x0, s1;
	[sflag:s0] =	ssyncset.done @!p0 $0x0  }
0x46: {  	[sflag:s0] =	ssyncadd.s32 @!p0 s1  }
0x47: {  	[bflag:$0x3] =	sbarrier.arrive $0xFFFF  }
0x48: {  	_ =	shalt  }

</sc_bundles>
